<compile_context>
chip_gen: v7x
topology: tpu7x:2x2x1
jax: 0.10.2.dev20260603
libtpu: 0.0.44.dev20260713+nightly
codegen_flags: <defaults>
</compile_context>

<pallas_src>
import functools

import jax
import jax.numpy as jnp
import numpy as np
from jax import lax
from jax.experimental import pallas as pl
from jax.experimental.pallas import tpu as pltpu
from jax.experimental.pallas import tpu_sc as plsc

N = 10000
E = 320000
DIN = 128
DH = 64
DOUT = 10
G = 64

NC, NS = 2, 16
NW = NC * NS
CHUNK = 128
CPT = 80
NCHUNKP = NW * CPT
EPAD = NCHUNKP * CHUNK - E
NPAD = 10240
DSLICE = NPAD // NS
RSLICE = NPAD // NS
NB = 10

_mesh = plsc.VectorSubcoreMesh(core_axis_name="c", subcore_axis_name="s")
_sc_params = pltpu.CompilerParams(use_tc_tiling_on_sc=False)


def _wid(cid, sid):
  return sid * NC + cid


@functools.partial(
    pl.kernel,
    out_type=jax.ShapeDtypeStruct((NC * NPAD,), jnp.float32),
    mesh=_mesh,
    scratch_types=[
        pltpu.VMEM((CPT, CHUNK), jnp.int32),
        pltpu.VMEM((CHUNK,), jnp.float32),
        pltpu.VMEM((DSLICE,), jnp.float32),
        pltpu.VMEM_SHARED((NPAD,), jnp.float32),
        pltpu.SemaphoreType.DMA,
    ],
    compiler_params=_sc_params,
)
def _deg(dst_hbm, out_hbm, didx_v, ones_v, zbuf_v, acc_sh, sem):
  cid = lax.axis_index("c")
  sid = lax.axis_index("s")
  wid = _wid(cid, sid)
  pltpu.sync_copy(dst_hbm.at[pl.ds(wid * CPT, CPT)], didx_v)
  for j in range(CHUNK // 16):
    ones_v[pl.ds(j * 16, 16)] = jnp.ones((16,), jnp.float32)
  for j in range(DSLICE // 16):
    zbuf_v[pl.ds(j * 16, 16)] = jnp.zeros((16,), jnp.float32)
  pltpu.sync_copy(zbuf_v, acc_sh.at[pl.ds(sid * DSLICE, DSLICE)])
  plsc.subcore_barrier()

  K = 20
  def group(g, carry):
    def fire(j, c):
      pltpu.async_copy(ones_v, acc_sh.at[didx_v.at[g * K + j]], sem, add=True)
      return c

    lax.fori_loop(0, K, fire, 0)

    def drain(j, c):
      pltpu.make_async_copy(ones_v, acc_sh.at[didx_v.at[g * K + j]],
                            sem).wait()
      return c

    lax.fori_loop(0, K, drain, 0)
    return carry

  lax.fori_loop(0, CPT // K, group, 0)
  plsc.subcore_barrier()
  pltpu.sync_copy(
      acc_sh.at[pl.ds(sid * DSLICE, DSLICE)],
      out_hbm.at[pl.ds(cid * NPAD + sid * DSLICE, DSLICE)],
  )


@functools.partial(
    pl.kernel,
    out_type=jax.ShapeDtypeStruct((NC * NPAD, DH), jnp.float32),
    mesh=_mesh,
    scratch_types=[
    ] + [pltpu.VMEM((CHUNK,), jnp.int32)] * (2 * NB)
      + [pltpu.VMEM((CHUNK, DH), jnp.float32)] * NB + [
        pltpu.VMEM_SHARED((NPAD, DH), jnp.float32),
    ] + [pltpu.SemaphoreType.DMA] * (3 * NB),
    compiler_params=_sc_params,
)
def _agg(h_hbm, src_hbm, dst_hbm, zero_hbm, out_hbm, *rest):
  sidx = rest[:NB]
  didx = rest[NB:2 * NB]
  rows = rest[2 * NB:3 * NB]
  acc_sh = rest[3 * NB]
  isem = rest[3 * NB + 1:3 * NB + 1 + NB]
  gsem = rest[3 * NB + 1 + NB:3 * NB + 1 + 2 * NB]
  ssem = rest[3 * NB + 1 + 2 * NB:]
  cid = lax.axis_index("c")
  sid = lax.axis_index("s")
  wid = _wid(cid, sid)
  base = wid * CPT
  pltpu.sync_copy(zero_hbm.at[pl.ds(sid * RSLICE, RSLICE)],
                  acc_sh.at[pl.ds(sid * RSLICE, RSLICE)])
  plsc.subcore_barrier()

  def i_fire(j, b):
    c = wid + j * NW
    pltpu.async_copy(src_hbm.at[c], sidx[b], isem[b])
    pltpu.async_copy(dst_hbm.at[c], didx[b], isem[b])

  def i_wait(j, b):
    c = wid + j * NW
    pltpu.make_async_copy(src_hbm.at[c], sidx[b], isem[b]).wait()
    pltpu.make_async_copy(dst_hbm.at[c], didx[b], isem[b]).wait()

  def g_fire(b):
    pltpu.async_copy(h_hbm.at[sidx[b]], rows[b], gsem[b])

  def g_wait(b):
    pltpu.make_async_copy(h_hbm.at[sidx[b]], rows[b], gsem[b]).wait()

  def s_fire(b):
    pltpu.async_copy(rows[b], acc_sh.at[didx[b]], ssem[b], add=True)

  def s_wait(b):
    pltpu.make_async_copy(rows[b], acc_sh.at[didx[b]], ssem[b]).wait()

  for j0 in range(6):
    i_fire(j0, j0)
  for j0 in range(3):
    i_wait(j0, j0)
    g_fire(j0)

  def group(g, carry):
    for b in range(NB):
      j = g * NB + b
      b3 = (b + 3) % NB
      b6 = (b + 6) % NB
      g_wait(b)
      s_fire(b)
      j6 = j + 6

      @pl.when(j6 < CPT)
      def _():
        @pl.when(j6 >= NB)
        def _():
          s_wait(b6)
        i_fire(j6, b6)

      j3 = j + 3

      @pl.when(j3 < CPT)
      def _():
        i_wait(j3, b3)
        g_fire(b3)

    return carry

  lax.fori_loop(0, CPT // NB, group, 0)
  for b in range(NB):
    s_wait(b)
  plsc.subcore_barrier()
  pltpu.sync_copy(acc_sh.at[pl.ds(sid * RSLICE, RSLICE)],
                  out_hbm.at[pl.ds(cid * NPAD + sid * RSLICE, RSLICE)])


_R = 1024
_GRID = NPAD // _R

_HI = lax.Precision.HIGHEST


def _col(row3):
  return jnp.swapaxes(row3.reshape(1, _R), 0, 1)


def _tc1_body(x_ref, w1_ref, degA_ref, degB_ref, ht_ref, dinv_ref):
  deg = degA_ref[...] + degB_ref[...] + 1.0
  dinv = lax.rsqrt(deg)
  dinv_ref[...] = dinv
  h = jnp.dot(x_ref[...], w1_ref[...], precision=_HI,
              preferred_element_type=jnp.float32)
  ht_ref[...] = h * _col(dinv)


def _tc1(x, w1, degv):
  return pl.pallas_call(
      _tc1_body,
      grid=(_GRID,),
      in_specs=[
          pl.BlockSpec((_R, DIN), lambda i: (i, 0)),
          pl.BlockSpec((DIN, DH), lambda i: (0, 0)),
          pl.BlockSpec((1, 1, _R), lambda i: (i, 0, 0)),
          pl.BlockSpec((1, 1, _R), lambda i: (i + _GRID, 0, 0)),
      ],
      out_specs=[
          pl.BlockSpec((_R, DH), lambda i: (i, 0)),
          pl.BlockSpec((1, 1, _R), lambda i: (i, 0, 0)),
      ],
      out_shape=[
          jax.ShapeDtypeStruct((NPAD, DH), jnp.float32),
          jax.ShapeDtypeStruct((_GRID, 1, _R), jnp.float32),
      ],
  )(x, w1, degv, degv)


def _tc2_body(aggA_ref, aggB_ref, ht1_ref, dinv_ref, w2_ref, b1_ref, ht2_ref):
  dinv = _col(dinv_ref[...])
  agg = aggA_ref[...] + aggB_ref[...] + ht1_ref[...]
  out1 = dinv * agg + b1_ref[...]
  h2 = jnp.dot(out1, w2_ref[...], precision=_HI,
               preferred_element_type=jnp.float32)
  ht2_ref[...] = dinv * h2


def _tc2(agg, ht1, dinv, w2, b1):
  return pl.pallas_call(
      _tc2_body,
      grid=(_GRID,),
      in_specs=[
          pl.BlockSpec((_R, DH), lambda i: (i, 0)),
          pl.BlockSpec((_R, DH), lambda i: (i + _GRID, 0)),
          pl.BlockSpec((_R, DH), lambda i: (i, 0)),
          pl.BlockSpec((1, 1, _R), lambda i: (i, 0, 0)),
          pl.BlockSpec((DH, DH), lambda i: (0, 0)),
          pl.BlockSpec((1, DH), lambda i: (0, 0)),
      ],
      out_specs=pl.BlockSpec((_R, DH), lambda i: (i, 0)),
      out_shape=jax.ShapeDtypeStruct((NPAD, DH), jnp.float32),
  )(agg, agg, ht1, dinv, w2, b1)


def _tc3_body(aggA_ref, aggB_ref, ht2_ref, dinv_ref, bidx_ref, b2_ref,
              wl_ref, bl_ref, out_ref, psum_s):
  i = pl.program_id(0)

  @pl.when(i == 0)
  def _():
    psum_s[...] = jnp.zeros_like(psum_s)

  agg = aggA_ref[...] + aggB_ref[...] + ht2_ref[...]
  out2 = _col(dinv_ref[...]) * agg + b2_ref[...]
  bidx = _col(bidx_ref[...])
  out2 = jnp.where(bidx >= 0, out2, 0.0)
  onehot = (bidx == lax.broadcasted_iota(jnp.int32, (_R, G), 1))
  onehot = onehot.astype(jnp.float32)
  aug = jnp.concatenate([out2, jnp.ones((_R, 1), jnp.float32)], axis=1)
  psum_s[...] += lax.dot_general(onehot, aug, (((0,), (0,)), ((), ())),
                                 precision=_HI,
                                 preferred_element_type=jnp.float32)

  @pl.when(i == _GRID - 1)
  def _():
    acc = psum_s[...]
    pooled = acc[:, :DH] / jnp.maximum(acc[:, DH:], 1.0)
    out_ref[...] = jnp.dot(pooled, wl_ref[...], precision=_HI,
                           preferred_element_type=jnp.float32) + bl_ref[...]


def _tc3(agg, ht2, dinv, bidxv, b2, wl, bl):
  return pl.pallas_call(
      _tc3_body,
      grid=(_GRID,),
      in_specs=[
          pl.BlockSpec((_R, DH), lambda i: (i, 0)),
          pl.BlockSpec((_R, DH), lambda i: (i + _GRID, 0)),
          pl.BlockSpec((_R, DH), lambda i: (i, 0)),
          pl.BlockSpec((1, 1, _R), lambda i: (i, 0, 0)),
          pl.BlockSpec((1, 1, _R), lambda i: (i, 0, 0)),
          pl.BlockSpec((1, DH), lambda i: (0, 0)),
          pl.BlockSpec((DH, DOUT), lambda i: (0, 0)),
          pl.BlockSpec((1, DOUT), lambda i: (0, 0)),
      ],
      out_specs=pl.BlockSpec((G, DOUT), lambda i: (0, 0)),
      out_shape=jax.ShapeDtypeStruct((G, DOUT), jnp.float32),
      scratch_shapes=[pltpu.VMEM((G, DH + 1), jnp.float32)],
  )(agg, agg, ht2, dinv, bidxv, b2, wl, bl)


def kernel(inputs, edge_index, batch_indexes, W1, b1, W2, b2, W_lin, b_lin):
  src_pad = jnp.asarray((np.arange(EPAD) * 137) % N, jnp.int32)
  dst_pad = jnp.asarray(N + (np.arange(EPAD) % (NPAD - N)), jnp.int32)
  src2d = jnp.concatenate([edge_index[0], src_pad]).reshape(NCHUNKP, CHUNK)
  dst2d = jnp.concatenate([edge_index[1], dst_pad]).reshape(NCHUNKP, CHUNK)
  zeros = jnp.asarray(np.zeros((NPAD, DH), np.float32))
  bidxv = jnp.concatenate(
      [batch_indexes, jnp.asarray(np.full((NPAD - N,), -1, np.int32))]
  ).reshape(_GRID, 1, _R)

  degv = _deg(dst2d).reshape(2 * _GRID, 1, _R)
  ht1, dinv = _tc1(inputs, W1, degv)
  agg1 = _agg(ht1, src2d, dst2d, zeros)
  ht2 = _tc2(agg1, ht1, dinv, W2, b1.reshape(1, DH))
  agg2 = _agg(ht2, src2d, dst2d, zeros)
  return _tc3(agg2, ht2, dinv, bidxv, b2.reshape(1, DH), W_lin,
              b_lin.reshape(1, DOUT))

# --- scband reference (transcript-rebuilt; emitter-appended) ---
"""Pipeline reference for scband-gcn-91311004713379 (READ-ONLY COPY).

The authoritative reference and input builder live on the scoring server;
editing this copy changes nothing except your own understanding.
"""

import jax, jax.numpy as jnp
import numpy as np

N_NODES = 10000
N_EDGES = 320000
D_IN = 128
D_HID = 64
D_OUT = 10
NUM_GRAPHS = 64


def setup_inputs(seed: int = 0) -> dict:
    key = jax.random.key(seed)
    ks = jax.random.split(key, 10)
    inputs = jax.random.normal(ks[0], (N_NODES, D_IN), dtype=jnp.float32)
    edge_index = jax.random.randint(ks[1], (2, N_EDGES), 0, N_NODES, dtype=jnp.int64 if jax.config.jax_enable_x64 else jnp.int32).astype(jnp.int32)
    batch_indexes = jnp.sort(jax.random.randint(ks[2], (N_NODES,), 0, NUM_GRAPHS)).astype(jnp.int32)
    # GCNConv layer 1: input_size -> 64 (glorot init, like PyG)
    W1 = jax.random.normal(ks[3], (D_IN, D_HID), dtype=jnp.float32) * (2.0 / (D_IN + D_HID)) ** 0.5
    b1 = jnp.zeros((D_HID,), dtype=jnp.float32)
    # GCNConv layer 2: 64 -> 64
    W2 = jax.random.normal(ks[4], (D_HID, D_HID), dtype=jnp.float32) * (2.0 / (D_HID + D_HID)) ** 0.5
    b2 = jnp.zeros((D_HID,), dtype=jnp.float32)
    # final Linear: 64 -> output_size
    W_lin = jax.random.normal(ks[5], (D_HID, D_OUT), dtype=jnp.float32) * (1.0 / D_HID) ** 0.5
    b_lin = jnp.zeros((D_OUT,), dtype=jnp.float32)
    return {
        "inputs": inputs,
        "edge_index": edge_index,
        "batch_indexes": batch_indexes,
        "W1": W1,
        "b1": b1,
        "W2": W2,
        "b2": b2,
        "W_lin": W_lin,
        "b_lin": b_lin,
    }


def _gcn_conv(x, edge_index, W, b):
    """PyG-style GCNConv: x' = D^{-1/2} (A + I) D^{-1/2} X W + b."""
    n = x.shape[0]
    loop = jnp.arange(n, dtype=edge_index.dtype)
    src = jnp.concatenate([edge_index[0], loop])
    dst = jnp.concatenate([edge_index[1], loop])
    deg = jnp.zeros((n,), x.dtype).at[dst].add(1.0)
    dinv = jnp.where(deg > 0, deg ** -0.5, 0.0)
    norm = dinv[src] * dinv[dst]
    h = x @ W
    msg = jnp.take(h, src, axis=0) * norm[:, None]
    out = jnp.zeros((n, W.shape[1]), x.dtype).at[dst].add(msg)
    return out + b


def reference(inputs, edge_index, batch_indexes, W1, b1, W2, b2, W_lin, b_lin):
    # self.gnn: stacked GCNConv layers (bayesian_mode='none' -> no dropout, no nonlinearity in Sequential)
    h = _gcn_conv(inputs, edge_index, W1, b1)
    h = _gcn_conv(h, edge_index, W2, b2)
    # global_mean_pool over batch_indexes
    sums = jax.ops.segment_sum(h, batch_indexes, num_segments=NUM_GRAPHS)
    counts = jax.ops.segment_sum(jnp.ones((h.shape[0],), h.dtype), batch_indexes, num_segments=NUM_GRAPHS)
    pooled = sums / jnp.maximum(counts, 1.0)[:, None]
    # self.lin
    return pooled @ W_lin + b_lin

if __name__ == "__main__":
    import jax
    _d = setup_inputs()
    print(jax.jit(kernel)(*tuple(_d.values())))

</pallas_src>

<mosaic_0001>
#map = affine_map<(d0, d1) -> (0, 0)>
#map1 = affine_map<(d0, d1) -> (0)>
module attributes {stable_mosaic.version = 14 : i64} {
  func.func @_deg(%arg0: i32, %arg1: i32, %arg2: memref<2560x128xi32, #tpu.memory_space<hbm>>, %arg3: memref<20480xf32, #tpu.memory_space<hbm>>, %arg4: memref<80x128xi32, #tpu.memory_space<vmem>>, %arg5: memref<128xf32, #tpu.memory_space<vmem>>, %arg6: memref<640xf32, #tpu.memory_space<vmem>>, %arg7: memref<10240xf32, #tpu.memory_space<vmem_shared>>, %arg8: memref<!tpu.dma_semaphore, #tpu.memory_space<semaphore_mem>>) attributes {dimension_semantics = [#tpu.dimension_semantics<core_parallel>, #tpu.dimension_semantics<subcore_parallel>], iteration_bounds = array<i64: 2, 16>, scalar_prefetch = 0 : i64, scratch_operands = 5 : i64, tpu.core_type = #tpu.core_type<sc_vector_subcore>, window_params = [{transform_indices = #map}, {transform_indices = #map1}]} {
    %mul3A = arith.constant 2 : i32
    %mul3A_0 = arith.muli %arg1, %mul3A : i32
    %add3A = arith.addi %mul3A_0, %arg0 : i32
    %mul3A_1 = arith.constant 80 : i32
    %mul3A_2 = arith.muli %add3A, %mul3A_1 : i32
    "tpu.region"() ({
      %run_scoped3A = tpu.sem_alloc : memref<!tpu.dma_semaphore, #tpu.memory_space<semaphore_mem>>
      %dma_start3A = arith.constant 0 : i32
      %dma_start3A_304 = tpu.memref_slice %arg2[%mul3A_2, %dma_start3A] : memref<2560x128xi32, #tpu.memory_space<hbm>> -> memref<80x128xi32, #tpu.memory_space<hbm>>
      %dma_start3A_305 = arith.constant 0 : i32
      %dma_start3A_306 = tpu.memref_slice %arg2[%mul3A_2, %dma_start3A_305] : memref<2560x128xi32, #tpu.memory_space<hbm>> -> memref<80x128xi32, #tpu.memory_space<hbm>>
      tpu.enqueue_dma source(%dma_start3A_306 : memref<80x128xi32, #tpu.memory_space<hbm>>) target(%arg4 : memref<80x128xi32, #tpu.memory_space<vmem>>) target_semaphore(%run_scoped3A : memref<!tpu.dma_semaphore, #tpu.memory_space<semaphore_mem>>)
      %dma_wait3A = arith.constant 0 : i32
      %dma_wait3A_307 = tpu.memref_slice %arg2[%mul3A_2, %dma_wait3A] : memref<2560x128xi32, #tpu.memory_space<hbm>> -> memref<80x128xi32, #tpu.memory_space<hbm>>
      %dma_wait3A_308 = arith.constant 0 : i32
      %dma_wait3A_309 = tpu.memref_slice %arg2[%mul3A_2, %dma_wait3A_308] : memref<2560x128xi32, #tpu.memory_space<hbm>> -> memref<80x128xi32, #tpu.memory_space<hbm>>
      tpu.wait_dma2 semaphore(%run_scoped3A : memref<!tpu.dma_semaphore, #tpu.memory_space<semaphore_mem>>) src(%dma_wait3A_309 : memref<80x128xi32, #tpu.memory_space<hbm>>) dst(%arg4 : memref<80x128xi32, #tpu.memory_space<vmem>>)
      tpu.yield
    }) : () -> ()
    %broadcast_in_dim3A = arith.constant 1.000000e+00 : f32
    %broadcast_in_dim3A_3 = vector.broadcast %broadcast_in_dim3A : f32 to vector<16xf32>
    %swap3A = arith.constant 0 : index
    %swap3A_4 = tpu.vector_load %arg5[%swap3A] {strides = array<i32>} : memref<128xf32, #tpu.memory_space<vmem>>, vector<16xf32>,
    %swap3A_5 = vector.shape_cast %swap3A_4 : vector<16xf32> to vector<16xf32>
    %swap3A_6 = vector.shape_cast %broadcast_in_dim3A_3 : vector<16xf32> to vector<16xf32>
    tpu.vector_store %arg5[%swap3A], %swap3A_6 {strides = array<i32>} : memref<128xf32, #tpu.memory_space<vmem>>, vector<16xf32>,
    %broadcast_in_dim3A_7 = arith.constant 1.000000e+00 : f32
    %broadcast_in_dim3A_8 = vector.broadcast %broadcast_in_dim3A_7 : f32 to vector<16xf32>
    %swap3A_9 = arith.constant 16 : index
    %swap3A_10 = tpu.vector_load %arg5[%swap3A_9] {strides = array<i32>} : memref<128xf32, #tpu.memory_space<vmem>>, vector<16xf32>,
    %swap3A_11 = vector.shape_cast %swap3A_10 : vector<16xf32> to vector<16xf32>
    %swap3A_12 = vector.shape_cast %broadcast_in_dim3A_8 : vector<16xf32> to vector<16xf32>
    tpu.vector_store %arg5[%swap3A_9], %swap3A_12 {strides = array<i32>} : memref<128xf32, #tpu.memory_space<vmem>>, vector<16xf32>,
    %broadcast_in_dim3A_13 = arith.constant 1.000000e+00 : f32
    %broadcast_in_dim3A_14 = vector.broadcast %broadcast_in_dim3A_13 : f32 to vector<16xf32>
    %swap3A_15 = arith.constant 32 : index
    %swap3A_16 = tpu.vector_load %arg5[%swap3A_15] {strides = array<i32>} : memref<128xf32, #tpu.memory_space<vmem>>, vector<16xf32>,
    %swap3A_17 = vector.shape_cast %swap3A_16 : vector<16xf32> to vector<16xf32>
    %swap3A_18 = vector.shape_cast %broadcast_in_dim3A_14 : vector<16xf32> to vector<16xf32>
    tpu.vector_store %arg5[%swap3A_15], %swap3A_18 {strides = array<i32>} : memref<128xf32, #tpu.memory_space<vmem>>, vector<16xf32>,
    %broadcast_in_dim3A_19 = arith.constant 1.000000e+00 : f32
    %broadcast_in_dim3A_20 = vector.broadcast %broadcast_in_dim3A_19 : f32 to vector<16xf32>
    %swap3A_21 = arith.constant 48 : index
    %swap3A_22 = tpu.vector_load %arg5[%swap3A_21] {strides = array<i32>} : memref<128xf32, #tpu.memory_space<vmem>>, vector<16xf32>,
    %swap3A_23 = vector.shape_cast %swap3A_22 : vector<16xf32> to vector<16xf32>
    %swap3A_24 = vector.shape_cast %broadcast_in_dim3A_20 : vector<16xf32> to vector<16xf32>
    tpu.vector_store %arg5[%swap3A_21], %swap3A_24 {strides = array<i32>} : memref<128xf32, #tpu.memory_space<vmem>>, vector<16xf32>,
    %broadcast_in_dim3A_25 = arith.constant 1.000000e+00 : f32
    %broadcast_in_dim3A_26 = vector.broadcast %broadcast_in_dim3A_25 : f32 to vector<16xf32>
    %swap3A_27 = arith.constant 64 : index
    %swap3A_28 = tpu.vector_load %arg5[%swap3A_27] {strides = array<i32>} : memref<128xf32, #tpu.memory_space<vmem>>, vector<16xf32>,
    %swap3A_29 = vector.shape_cast %swap3A_28 : vector<16xf32> to vector<16xf32>
    %swap3A_30 = vector.shape_cast %broadcast_in_dim3A_26 : vector<16xf32> to vector<16xf32>
    tpu.vector_store %arg5[%swap3A_27], %swap3A_30 {strides = array<i32>} : memref<128xf32, #tpu.memory_space<vmem>>, vector<16xf32>,
    %broadcast_in_dim3A_31 = arith.constant 1.000000e+00 : f32
    %broadcast_in_dim3A_32 = vector.broadcast %broadcast_in_dim3A_31 : f32 to vector<16xf32>
    %swap3A_33 = arith.constant 80 : index
    %swap3A_34 = tpu.vector_load %arg5[%swap3A_33] {strides = array<i32>} : memref<128xf32, #tpu.memory_space<vmem>>, vector<16xf32>,
    %swap3A_35 = vector.shape_cast %swap3A_34 : vector<16xf32> to vector<16xf32>
    %swap3A_36 = vector.shape_cast %broadcast_in_dim3A_32 : vector<16xf32> to vector<16xf32>
    tpu.vector_store %arg5[%swap3A_33], %swap3A_36 {strides = array<i32>} : memref<128xf32, #tpu.memory_space<vmem>>, vector<16xf32>,
    %broadcast_in_dim3A_37 = arith.constant 1.000000e+00 : f32
    %broadcast_in_dim3A_38 = vector.broadcast %broadcast_in_dim3A_37 : f32 to vector<16xf32>
    %swap3A_39 = arith.constant 96 : index
    %swap3A_40 = tpu.vector_load %arg5[%swap3A_39] {strides = array<i32>} : memref<128xf32, #tpu.memory_space<vmem>>, vector<16xf32>,
    %swap3A_41 = vector.shape_cast %swap3A_40 : vector<16xf32> to vector<16xf32>
    %swap3A_42 = vector.shape_cast %broadcast_in_dim3A_38 : vector<16xf32> to vector<16xf32>
    tpu.vector_store %arg5[%swap3A_39], %swap3A_42 {strides = array<i32>} : memref<128xf32, #tpu.memory_space<vmem>>, vector<16xf32>,
    %broadcast_in_dim3A_43 = arith.constant 1.000000e+00 : f32
    %broadcast_in_dim3A_44 = vector.broadcast %broadcast_in_dim3A_43 : f32 to vector<16xf32>
    %swap3A_45 = arith.constant 112 : index
    %swap3A_46 = tpu.vector_load %arg5[%swap3A_45] {strides = array<i32>} : memref<128xf32, #tpu.memory_space<vmem>>, vector<16xf32>,
    %swap3A_47 = vector.shape_cast %swap3A_46 : vector<16xf32> to vector<16xf32>
    %swap3A_48 = vector.shape_cast %broadcast_in_dim3A_44 : vector<16xf32> to vector<16xf32>
    tpu.vector_store %arg5[%swap3A_45], %swap3A_48 {strides = array<i32>} : memref<128xf32, #tpu.memory_space<vmem>>, vector<16xf32>,
    %broadcast_in_dim3A_49 = arith.constant 0.000000e+00 : f32
    %broadcast_in_dim3A_50 = vector.broadcast %broadcast_in_dim3A_49 : f32 to vector<16xf32>
    %swap3A_51 = arith.constant 0 : index
    %swap3A_52 = tpu.vector_load %arg6[%swap3A_51] {strides = array<i32>} : memref<640xf32, #tpu.memory_space<vmem>>, vector<16xf32>,
    %swap3A_53 = vector.shape_cast %swap3A_52 : vector<16xf32> to vector<16xf32>
    %swap3A_54 = vector.shape_cast %broadcast_in_dim3A_50 : vector<16xf32> to vector<16xf32>
    tpu.vector_store %arg6[%swap3A_51], %swap3A_54 {strides = array<i32>} : memref<640xf32, #tpu.memory_space<vmem>>, vector<16xf32>,
    %broadcast_in_dim3A_55 = arith.constant 0.000000e+00 : f32
    %broadcast_in_dim3A_56 = vector.broadcast %broadcast_in_dim3A_55 : f32 to vector<16xf32>
    %swap3A_57 = arith.constant 16 : index
    %swap3A_58 = tpu.vector_load %arg6[%swap3A_57] {strides = array<i32>} : memref<640xf32, #tpu.memory_space<vmem>>, vector<16xf32>,
    %swap3A_59 = vector.shape_cast %swap3A_58 : vector<16xf32> to vector<16xf32>
    %swap3A_60 = vector.shape_cast %broadcast_in_dim3A_56 : vector<16xf32> to vector<16xf32>
    tpu.vector_store %arg6[%swap3A_57], %swap3A_60 {strides = array<i32>} : memref<640xf32, #tpu.memory_space<vmem>>, vector<16xf32>,
    %broadcast_in_dim3A_61 = arith.constant 0.000000e+00 : f32
    %broadcast_in_dim3A_62 = vector.broadcast %broadcast_in_dim3A_61 : f32 to vector<16xf32>
    %swap3A_63 = arith.constant 32 : index
    %swap3A_64 = tpu.vector_load %arg6[%swap3A_63] {strides = array<i32>} : memref<640xf32, #tpu.memory_space<vmem>>, vector<16xf32>,
    %swap3A_65 = vector.shape_cast %swap3A_64 : vector<16xf32> to vector<16xf32>
    %swap3A_66 = vector.shape_cast %broadcast_in_dim3A_62 : vector<16xf32> to vector<16xf32>
    tpu.vector_store %arg6[%swap3A_63], %swap3A_66 {strides = array<i32>} : memref<640xf32, #tpu.memory_space<vmem>>, vector<16xf32>,
    %broadcast_in_dim3A_67 = arith.constant 0.000000e+00 : f32
    %broadcast_in_dim3A_68 = vector.broadcast %broadcast_in_dim3A_67 : f32 to vector<16xf32>
    %swap3A_69 = arith.constant 48 : index
    %swap3A_70 = tpu.vector_load %arg6[%swap3A_69] {strides = array<i32>} : memref<640xf32, #tpu.memory_space<vmem>>, vector<16xf32>,
    %swap3A_71 = vector.shape_cast %swap3A_70 : vector<16xf32> to vector<16xf32>
    %swap3A_72 = vector.shape_cast %broadcast_in_dim3A_68 : vector<16xf32> to vector<16xf32>
    tpu.vector_store %arg6[%swap3A_69], %swap3A_72 {strides = array<i32>} : memref<640xf32, #tpu.memory_space<vmem>>, vector<16xf32>,
    %broadcast_in_dim3A_73 = arith.constant 0.000000e+00 : f32
    %broadcast_in_dim3A_74 = vector.broadcast %broadcast_in_dim3A_73 : f32 to vector<16xf32>
    %swap3A_75 = arith.constant 64 : index
    %swap3A_76 = tpu.vector_load %arg6[%swap3A_75] {strides = array<i32>} : memref<640xf32, #tpu.memory_space<vmem>>, vector<16xf32>,
    %swap3A_77 = vector.shape_cast %swap3A_76 : vector<16xf32> to vector<16xf32>
    %swap3A_78 = vector.shape_cast %broadcast_in_dim3A_74 : vector<16xf32> to vector<16xf32>
    tpu.vector_store %arg6[%swap3A_75], %swap3A_78 {strides = array<i32>} : memref<640xf32, #tpu.memory_space<vmem>>, vector<16xf32>,
    %broadcast_in_dim3A_79 = arith.constant 0.000000e+00 : f32
    %broadcast_in_dim3A_80 = vector.broadcast %broadcast_in_dim3A_79 : f32 to vector<16xf32>
    %swap3A_81 = arith.constant 80 : index
    %swap3A_82 = tpu.vector_load %arg6[%swap3A_81] {strides = array<i32>} : memref<640xf32, #tpu.memory_space<vmem>>, vector<16xf32>,
    %swap3A_83 = vector.shape_cast %swap3A_82 : vector<16xf32> to vector<16xf32>
    %swap3A_84 = vector.shape_cast %broadcast_in_dim3A_80 : vector<16xf32> to vector<16xf32>
    tpu.vector_store %arg6[%swap3A_81], %swap3A_84 {strides = array<i32>} : memref<640xf32, #tpu.memory_space<vmem>>, vector<16xf32>,
    %broadcast_in_dim3A_85 = arith.constant 0.000000e+00 : f32
    %broadcast_in_dim3A_86 = vector.broadcast %broadcast_in_dim3A_85 : f32 to vector<16xf32>
    %swap3A_87 = arith.constant 96 : index
    %swap3A_88 = tpu.vector_load %arg6[%swap3A_87] {strides = array<i32>} : memref<640xf32, #tpu.memory_space<vmem>>, vector<16xf32>,
    %swap3A_89 = vector.shape_cast %swap3A_88 : vector<16xf32> to vector<16xf32>
    %swap3A_90 = vector.shape_cast %broadcast_in_dim3A_86 : vector<16xf32> to vector<16xf32>
    tpu.vector_store %arg6[%swap3A_87], %swap3A_90 {strides = array<i32>} : memref<640xf32, #tpu.memory_space<vmem>>, vector<16xf32>,
    %broadcast_in_dim3A_91 = arith.constant 0.000000e+00 : f32
    %broadcast_in_dim3A_92 = vector.broadcast %broadcast_in_dim3A_91 : f32 to vector<16xf32>
    %swap3A_93 = arith.constant 112 : index
    %swap3A_94 = tpu.vector_load %arg6[%swap3A_93] {strides = array<i32>} : memref<640xf32, #tpu.memory_space<vmem>>, vector<16xf32>,
    %swap3A_95 = vector.shape_cast %swap3A_94 : vector<16xf32> to vector<16xf32>
    %swap3A_96 = vector.shape_cast %broadcast_in_dim3A_92 : vector<16xf32> to vector<16xf32>
    tpu.vector_store %arg6[%swap3A_93], %swap3A_96 {strides = array<i32>} : memref<640xf32, #tpu.memory_space<vmem>>, vector<16xf32>,
    %broadcast_in_dim3A_97 = arith.constant 0.000000e+00 : f32
    %broadcast_in_dim3A_98 = vector.broadcast %broadcast_in_dim3A_97 : f32 to vector<16xf32>
    %swap3A_99 = arith.constant 128 : index
    %swap3A_100 = tpu.vector_load %arg6[%swap3A_99] {strides = array<i32>} : memref<640xf32, #tpu.memory_space<vmem>>, vector<16xf32>,
    %swap3A_101 = vector.shape_cast %swap3A_100 : vector<16xf32> to vector<16xf32>
    %swap3A_102 = vector.shape_cast %broadcast_in_dim3A_98 : vector<16xf32> to vector<16xf32>
    tpu.vector_store %arg6[%swap3A_99], %swap3A_102 {strides = array<i32>} : memref<640xf32, #tpu.memory_space<vmem>>, vector<16xf32>,
    %broadcast_in_dim3A_103 = arith.constant 0.000000e+00 : f32
    %broadcast_in_dim3A_104 = vector.broadcast %broadcast_in_dim3A_103 : f32 to vector<16xf32>
    %swap3A_105 = arith.constant 144 : index
    %swap3A_106 = tpu.vector_load %arg6[%swap3A_105] {strides = array<i32>} : memref<640xf32, #tpu.memory_space<vmem>>, vector<16xf32>,
    %swap3A_107 = vector.shape_cast %swap3A_106 : vector<16xf32> to vector<16xf32>
    %swap3A_108 = vector.shape_cast %broadcast_in_dim3A_104 : vector<16xf32> to vector<16xf32>
    tpu.vector_store %arg6[%swap3A_105], %swap3A_108 {strides = array<i32>} : memref<640xf32, #tpu.memory_space<vmem>>, vector<16xf32>,
    %broadcast_in_dim3A_109 = arith.constant 0.000000e+00 : f32
    %broadcast_in_dim3A_110 = vector.broadcast %broadcast_in_dim3A_109 : f32 to vector<16xf32>
    %swap3A_111 = arith.constant 160 : index
    %swap3A_112 = tpu.vector_load %arg6[%swap3A_111] {strides = array<i32>} : memref<640xf32, #tpu.memory_space<vmem>>, vector<16xf32>,
    %swap3A_113 = vector.shape_cast %swap3A_112 : vector<16xf32> to vector<16xf32>
    %swap3A_114 = vector.shape_cast %broadcast_in_dim3A_110 : vector<16xf32> to vector<16xf32>
    tpu.vector_store %arg6[%swap3A_111], %swap3A_114 {strides = array<i32>} : memref<640xf32, #tpu.memory_space<vmem>>, vector<16xf32>,
    %broadcast_in_dim3A_115 = arith.constant 0.000000e+00 : f32
    %broadcast_in_dim3A_116 = vector.broadcast %broadcast_in_dim3A_115 : f32 to vector<16xf32>
    %swap3A_117 = arith.constant 176 : index
    %swap3A_118 = tpu.vector_load %arg6[%swap3A_117] {strides = array<i32>} : memref<640xf32, #tpu.memory_space<vmem>>, vector<16xf32>,
    %swap3A_119 = vector.shape_cast %swap3A_118 : vector<16xf32> to vector<16xf32>
    %swap3A_120 = vector.shape_cast %broadcast_in_dim3A_116 : vector<16xf32> to vector<16xf32>
    tpu.vector_store %arg6[%swap3A_117], %swap3A_120 {strides = array<i32>} : memref<640xf32, #tpu.memory_space<vmem>>, vector<16xf32>,
    %broadcast_in_dim3A_121 = arith.constant 0.000000e+00 : f32
    %broadcast_in_dim3A_122 = vector.broadcast %broadcast_in_dim3A_121 : f32 to vector<16xf32>
    %swap3A_123 = arith.constant 192 : index
    %swap3A_124 = tpu.vector_load %arg6[%swap3A_123] {strides = array<i32>} : memref<640xf32, #tpu.memory_space<vmem>>, vector<16xf32>,
    %swap3A_125 = vector.shape_cast %swap3A_124 : vector<16xf32> to vector<16xf32>
    %swap3A_126 = vector.shape_cast %broadcast_in_dim3A_122 : vector<16xf32> to vector<16xf32>
    tpu.vector_store %arg6[%swap3A_123], %swap3A_126 {strides = array<i32>} : memref<640xf32, #tpu.memory_space<vmem>>, vector<16xf32>,
    %broadcast_in_dim3A_127 = arith.constant 0.000000e+00 : f32
    %broadcast_in_dim3A_128 = vector.broadcast %broadcast_in_dim3A_127 : f32 to vector<16xf32>
    %swap3A_129 = arith.constant 208 : index
    %swap3A_130 = tpu.vector_load %arg6[%swap3A_129] {strides = array<i32>} : memref<640xf32, #tpu.memory_space<vmem>>, vector<16xf32>,
    %swap3A_131 = vector.shape_cast %swap3A_130 : vector<16xf32> to vector<16xf32>
    %swap3A_132 = vector.shape_cast %broadcast_in_dim3A_128 : vector<16xf32> to vector<16xf32>
    tpu.vector_store %arg6[%swap3A_129], %swap3A_132 {strides = array<i32>} : memref<640xf32, #tpu.memory_space<vmem>>, vector<16xf32>,
    %broadcast_in_dim3A_133 = arith.constant 0.000000e+00 : f32
    %broadcast_in_dim3A_134 = vector.broadcast %broadcast_in_dim3A_133 : f32 to vector<16xf32>
    %swap3A_135 = arith.constant 224 : index
    %swap3A_136 = tpu.vector_load %arg6[%swap3A_135] {strides = array<i32>} : memref<640xf32, #tpu.memory_space<vmem>>, vector<16xf32>,
    %swap3A_137 = vector.shape_cast %swap3A_136 : vector<16xf32> to vector<16xf32>
    %swap3A_138 = vector.shape_cast %broadcast_in_dim3A_134 : vector<16xf32> to vector<16xf32>
    tpu.vector_store %arg6[%swap3A_135], %swap3A_138 {strides = array<i32>} : memref<640xf32, #tpu.memory_space<vmem>>, vector<16xf32>,
    %broadcast_in_dim3A_139 = arith.constant 0.000000e+00 : f32
    %broadcast_in_dim3A_140 = vector.broadcast %broadcast_in_dim3A_139 : f32 to vector<16xf32>
    %swap3A_141 = arith.constant 240 : index
    %swap3A_142 = tpu.vector_load %arg6[%swap3A_141] {strides = array<i32>} : memref<640xf32, #tpu.memory_space<vmem>>, vector<16xf32>,
    %swap3A_143 = vector.shape_cast %swap3A_142 : vector<16xf32> to vector<16xf32>
    %swap3A_144 = vector.shape_cast %broadcast_in_dim3A_140 : vector<16xf32> to vector<16xf32>
    tpu.vector_store %arg6[%swap3A_141], %swap3A_144 {strides = array<i32>} : memref<640xf32, #tpu.memory_space<vmem>>, vector<16xf32>,
    %broadcast_in_dim3A_145 = arith.constant 0.000000e+00 : f32
    %broadcast_in_dim3A_146 = vector.broadcast %broadcast_in_dim3A_145 : f32 to vector<16xf32>
    %swap3A_147 = arith.constant 256 : index
    %swap3A_148 = tpu.vector_load %arg6[%swap3A_147] {strides = array<i32>} : memref<640xf32, #tpu.memory_space<vmem>>, vector<16xf32>,
    %swap3A_149 = vector.shape_cast %swap3A_148 : vector<16xf32> to vector<16xf32>
    %swap3A_150 = vector.shape_cast %broadcast_in_dim3A_146 : vector<16xf32> to vector<16xf32>
    tpu.vector_store %arg6[%swap3A_147], %swap3A_150 {strides = array<i32>} : memref<640xf32, #tpu.memory_space<vmem>>, vector<16xf32>,
    %broadcast_in_dim3A_151 = arith.constant 0.000000e+00 : f32
    %broadcast_in_dim3A_152 = vector.broadcast %broadcast_in_dim3A_151 : f32 to vector<16xf32>
    %swap3A_153 = arith.constant 272 : index
    %swap3A_154 = tpu.vector_load %arg6[%swap3A_153] {strides = array<i32>} : memref<640xf32, #tpu.memory_space<vmem>>, vector<16xf32>,
    %swap3A_155 = vector.shape_cast %swap3A_154 : vector<16xf32> to vector<16xf32>
    %swap3A_156 = vector.shape_cast %broadcast_in_dim3A_152 : vector<16xf32> to vector<16xf32>
    tpu.vector_store %arg6[%swap3A_153], %swap3A_156 {strides = array<i32>} : memref<640xf32, #tpu.memory_space<vmem>>, vector<16xf32>,
    %broadcast_in_dim3A_157 = arith.constant 0.000000e+00 : f32
    %broadcast_in_dim3A_158 = vector.broadcast %broadcast_in_dim3A_157 : f32 to vector<16xf32>
    %swap3A_159 = arith.constant 288 : index
    %swap3A_160 = tpu.vector_load %arg6[%swap3A_159] {strides = array<i32>} : memref<640xf32, #tpu.memory_space<vmem>>, vector<16xf32>,
    %swap3A_161 = vector.shape_cast %swap3A_160 : vector<16xf32> to vector<16xf32>
    %swap3A_162 = vector.shape_cast %broadcast_in_dim3A_158 : vector<16xf32> to vector<16xf32>
    tpu.vector_store %arg6[%swap3A_159], %swap3A_162 {strides = array<i32>} : memref<640xf32, #tpu.memory_space<vmem>>, vector<16xf32>,
    %broadcast_in_dim3A_163 = arith.constant 0.000000e+00 : f32
    %broadcast_in_dim3A_164 = vector.broadcast %broadcast_in_dim3A_163 : f32 to vector<16xf32>
    %swap3A_165 = arith.constant 304 : index
    %swap3A_166 = tpu.vector_load %arg6[%swap3A_165] {strides = array<i32>} : memref<640xf32, #tpu.memory_space<vmem>>, vector<16xf32>,
    %swap3A_167 = vector.shape_cast %swap3A_166 : vector<16xf32> to vector<16xf32>
    %swap3A_168 = vector.shape_cast %broadcast_in_dim3A_164 : vector<16xf32> to vector<16xf32>
    tpu.vector_store %arg6[%swap3A_165], %swap3A_168 {strides = array<i32>} : memref<640xf32, #tpu.memory_space<vmem>>, vector<16xf32>,
    %broadcast_in_dim3A_169 = arith.constant 0.000000e+00 : f32
    %broadcast_in_dim3A_170 = vector.broadcast %broadcast_in_dim3A_169 : f32 to vector<16xf32>
    %swap3A_171 = arith.constant 320 : index
    %swap3A_172 = tpu.vector_load %arg6[%swap3A_171] {strides = array<i32>} : memref<640xf32, #tpu.memory_space<vmem>>, vector<16xf32>,
    %swap3A_173 = vector.shape_cast %swap3A_172 : vector<16xf32> to vector<16xf32>
    %swap3A_174 = vector.shape_cast %broadcast_in_dim3A_170 : vector<16xf32> to vector<16xf32>
    tpu.vector_store %arg6[%swap3A_171], %swap3A_174 {strides = array<i32>} : memref<640xf32, #tpu.memory_space<vmem>>, vector<16xf32>,
    %broadcast_in_dim3A_175 = arith.constant 0.000000e+00 : f32
    %broadcast_in_dim3A_176 = vector.broadcast %broadcast_in_dim3A_175 : f32 to vector<16xf32>
    %swap3A_177 = arith.constant 336 : index
    %swap3A_178 = tpu.vector_load %arg6[%swap3A_177] {strides = array<i32>} : memref<640xf32, #tpu.memory_space<vmem>>, vector<16xf32>,
    %swap3A_179 = vector.shape_cast %swap3A_178 : vector<16xf32> to vector<16xf32>
    %swap3A_180 = vector.shape_cast %broadcast_in_dim3A_176 : vector<16xf32> to vector<16xf32>
    tpu.vector_store %arg6[%swap3A_177], %swap3A_180 {strides = array<i32>} : memref<640xf32, #tpu.memory_space<vmem>>, vector<16xf32>,
    %broadcast_in_dim3A_181 = arith.constant 0.000000e+00 : f32
    %broadcast_in_dim3A_182 = vector.broadcast %broadcast_in_dim3A_181 : f32 to vector<16xf32>
    %swap3A_183 = arith.constant 352 : index
    %swap3A_184 = tpu.vector_load %arg6[%swap3A_183] {strides = array<i32>} : memref<640xf32, #tpu.memory_space<vmem>>, vector<16xf32>,
    %swap3A_185 = vector.shape_cast %swap3A_184 : vector<16xf32> to vector<16xf32>
    %swap3A_186 = vector.shape_cast %broadcast_in_dim3A_182 : vector<16xf32> to vector<16xf32>
    tpu.vector_store %arg6[%swap3A_183], %swap3A_186 {strides = array<i32>} : memref<640xf32, #tpu.memory_space<vmem>>, vector<16xf32>,
    %broadcast_in_dim3A_187 = arith.constant 0.000000e+00 : f32
    %broadcast_in_dim3A_188 = vector.broadcast %broadcast_in_dim3A_187 : f32 to vector<16xf32>
    %swap3A_189 = arith.constant 368 : index
    %swap3A_190 = tpu.vector_load %arg6[%swap3A_189] {strides = array<i32>} : memref<640xf32, #tpu.memory_space<vmem>>, vector<16xf32>,
    %swap3A_191 = vector.shape_cast %swap3A_190 : vector<16xf32> to vector<16xf32>
    %swap3A_192 = vector.shape_cast %broadcast_in_dim3A_188 : vector<16xf32> to vector<16xf32>
    tpu.vector_store %arg6[%swap3A_189], %swap3A_192 {strides = array<i32>} : memref<640xf32, #tpu.memory_space<vmem>>, vector<16xf32>,
    %broadcast_in_dim3A_193 = arith.constant 0.000000e+00 : f32
    %broadcast_in_dim3A_194 = vector.broadcast %broadcast_in_dim3A_193 : f32 to vector<16xf32>
    %swap3A_195 = arith.constant 384 : index
    %swap3A_196 = tpu.vector_load %arg6[%swap3A_195] {strides = array<i32>} : memref<640xf32, #tpu.memory_space<vmem>>, vector<16xf32>,
    %swap3A_197 = vector.shape_cast %swap3A_196 : vector<16xf32> to vector<16xf32>
    %swap3A_198 = vector.shape_cast %broadcast_in_dim3A_194 : vector<16xf32> to vector<16xf32>
    tpu.vector_store %arg6[%swap3A_195], %swap3A_198 {strides = array<i32>} : memref<640xf32, #tpu.memory_space<vmem>>, vector<16xf32>,
    %broadcast_in_dim3A_199 = arith.constant 0.000000e+00 : f32
    %broadcast_in_dim3A_200 = vector.broadcast %broadcast_in_dim3A_199 : f32 to vector<16xf32>
    %swap3A_201 = arith.constant 400 : index
    %swap3A_202 = tpu.vector_load %arg6[%swap3A_201] {strides = array<i32>} : memref<640xf32, #tpu.memory_space<vmem>>, vector<16xf32>,
    %swap3A_203 = vector.shape_cast %swap3A_202 : vector<16xf32> to vector<16xf32>
    %swap3A_204 = vector.shape_cast %broadcast_in_dim3A_200 : vector<16xf32> to vector<16xf32>
    tpu.vector_store %arg6[%swap3A_201], %swap3A_204 {strides = array<i32>} : memref<640xf32, #tpu.memory_space<vmem>>, vector<16xf32>,
    %broadcast_in_dim3A_205 = arith.constant 0.000000e+00 : f32
    %broadcast_in_dim3A_206 = vector.broadcast %broadcast_in_dim3A_205 : f32 to vector<16xf32>
    %swap3A_207 = arith.constant 416 : index
    %swap3A_208 = tpu.vector_load %arg6[%swap3A_207] {strides = array<i32>} : memref<640xf32, #tpu.memory_space<vmem>>, vector<16xf32>,
    %swap3A_209 = vector.shape_cast %swap3A_208 : vector<16xf32> to vector<16xf32>
    %swap3A_210 = vector.shape_cast %broadcast_in_dim3A_206 : vector<16xf32> to vector<16xf32>
    tpu.vector_store %arg6[%swap3A_207], %swap3A_210 {strides = array<i32>} : memref<640xf32, #tpu.memory_space<vmem>>, vector<16xf32>,
    %broadcast_in_dim3A_211 = arith.constant 0.000000e+00 : f32
    %broadcast_in_dim3A_212 = vector.broadcast %broadcast_in_dim3A_211 : f32 to vector<16xf32>
    %swap3A_213 = arith.constant 432 : index
    %swap3A_214 = tpu.vector_load %arg6[%swap3A_213] {strides = array<i32>} : memref<640xf32, #tpu.memory_space<vmem>>, vector<16xf32>,
    %swap3A_215 = vector.shape_cast %swap3A_214 : vector<16xf32> to vector<16xf32>
    %swap3A_216 = vector.shape_cast %broadcast_in_dim3A_212 : vector<16xf32> to vector<16xf32>
    tpu.vector_store %arg6[%swap3A_213], %swap3A_216 {strides = array<i32>} : memref<640xf32, #tpu.memory_space<vmem>>, vector<16xf32>,
    %broadcast_in_dim3A_217 = arith.constant 0.000000e+00 : f32
    %broadcast_in_dim3A_218 = vector.broadcast %broadcast_in_dim3A_217 : f32 to vector<16xf32>
    %swap3A_219 = arith.constant 448 : index
    %swap3A_220 = tpu.vector_load %arg6[%swap3A_219] {strides = array<i32>} : memref<640xf32, #tpu.memory_space<vmem>>, vector<16xf32>,
    %swap3A_221 = vector.shape_cast %swap3A_220 : vector<16xf32> to vector<16xf32>
    %swap3A_222 = vector.shape_cast %broadcast_in_dim3A_218 : vector<16xf32> to vector<16xf32>
    tpu.vector_store %arg6[%swap3A_219], %swap3A_222 {strides = array<i32>} : memref<640xf32, #tpu.memory_space<vmem>>, vector<16xf32>,
    %broadcast_in_dim3A_223 = arith.constant 0.000000e+00 : f32
    %broadcast_in_dim3A_224 = vector.broadcast %broadcast_in_dim3A_223 : f32 to vector<16xf32>
    %swap3A_225 = arith.constant 464 : index
    %swap3A_226 = tpu.vector_load %arg6[%swap3A_225] {strides = array<i32>} : memref<640xf32, #tpu.memory_space<vmem>>, vector<16xf32>,
    %swap3A_227 = vector.shape_cast %swap3A_226 : vector<16xf32> to vector<16xf32>
    %swap3A_228 = vector.shape_cast %broadcast_in_dim3A_224 : vector<16xf32> to vector<16xf32>
    tpu.vector_store %arg6[%swap3A_225], %swap3A_228 {strides = array<i32>} : memref<640xf32, #tpu.memory_space<vmem>>, vector<16xf32>,
    %broadcast_in_dim3A_229 = arith.constant 0.000000e+00 : f32
    %broadcast_in_dim3A_230 = vector.broadcast %broadcast_in_dim3A_229 : f32 to vector<16xf32>
    %swap3A_231 = arith.constant 480 : index
    %swap3A_232 = tpu.vector_load %arg6[%swap3A_231] {strides = array<i32>} : memref<640xf32, #tpu.memory_space<vmem>>, vector<16xf32>,
    %swap3A_233 = vector.shape_cast %swap3A_232 : vector<16xf32> to vector<16xf32>
    %swap3A_234 = vector.shape_cast %broadcast_in_dim3A_230 : vector<16xf32> to vector<16xf32>
    tpu.vector_store %arg6[%swap3A_231], %swap3A_234 {strides = array<i32>} : memref<640xf32, #tpu.memory_space<vmem>>, vector<16xf32>,
    %broadcast_in_dim3A_235 = arith.constant 0.000000e+00 : f32
    %broadcast_in_dim3A_236 = vector.broadcast %broadcast_in_dim3A_235 : f32 to vector<16xf32>
    %swap3A_237 = arith.constant 496 : index
    %swap3A_238 = tpu.vector_load %arg6[%swap3A_237] {strides = array<i32>} : memref<640xf32, #tpu.memory_space<vmem>>, vector<16xf32>,
    %swap3A_239 = vector.shape_cast %swap3A_238 : vector<16xf32> to vector<16xf32>
    %swap3A_240 = vector.shape_cast %broadcast_in_dim3A_236 : vector<16xf32> to vector<16xf32>
    tpu.vector_store %arg6[%swap3A_237], %swap3A_240 {strides = array<i32>} : memref<640xf32, #tpu.memory_space<vmem>>, vector<16xf32>,
    %broadcast_in_dim3A_241 = arith.constant 0.000000e+00 : f32
    %broadcast_in_dim3A_242 = vector.broadcast %broadcast_in_dim3A_241 : f32 to vector<16xf32>
    %swap3A_243 = arith.constant 512 : index
    %swap3A_244 = tpu.vector_load %arg6[%swap3A_243] {strides = array<i32>} : memref<640xf32, #tpu.memory_space<vmem>>, vector<16xf32>,
    %swap3A_245 = vector.shape_cast %swap3A_244 : vector<16xf32> to vector<16xf32>
    %swap3A_246 = vector.shape_cast %broadcast_in_dim3A_242 : vector<16xf32> to vector<16xf32>
    tpu.vector_store %arg6[%swap3A_243], %swap3A_246 {strides = array<i32>} : memref<640xf32, #tpu.memory_space<vmem>>, vector<16xf32>,
    %broadcast_in_dim3A_247 = arith.constant 0.000000e+00 : f32
    %broadcast_in_dim3A_248 = vector.broadcast %broadcast_in_dim3A_247 : f32 to vector<16xf32>
    %swap3A_249 = arith.constant 528 : index
    %swap3A_250 = tpu.vector_load %arg6[%swap3A_249] {strides = array<i32>} : memref<640xf32, #tpu.memory_space<vmem>>, vector<16xf32>,
    %swap3A_251 = vector.shape_cast %swap3A_250 : vector<16xf32> to vector<16xf32>
    %swap3A_252 = vector.shape_cast %broadcast_in_dim3A_248 : vector<16xf32> to vector<16xf32>
    tpu.vector_store %arg6[%swap3A_249], %swap3A_252 {strides = array<i32>} : memref<640xf32, #tpu.memory_space<vmem>>, vector<16xf32>,
    %broadcast_in_dim3A_253 = arith.constant 0.000000e+00 : f32
    %broadcast_in_dim3A_254 = vector.broadcast %broadcast_in_dim3A_253 : f32 to vector<16xf32>
    %swap3A_255 = arith.constant 544 : index
    %swap3A_256 = tpu.vector_load %arg6[%swap3A_255] {strides = array<i32>} : memref<640xf32, #tpu.memory_space<vmem>>, vector<16xf32>,
    %swap3A_257 = vector.shape_cast %swap3A_256 : vector<16xf32> to vector<16xf32>
    %swap3A_258 = vector.shape_cast %broadcast_in_dim3A_254 : vector<16xf32> to vector<16xf32>
    tpu.vector_store %arg6[%swap3A_255], %swap3A_258 {strides = array<i32>} : memref<640xf32, #tpu.memory_space<vmem>>, vector<16xf32>,
    %broadcast_in_dim3A_259 = arith.constant 0.000000e+00 : f32
    %broadcast_in_dim3A_260 = vector.broadcast %broadcast_in_dim3A_259 : f32 to vector<16xf32>
    %swap3A_261 = arith.constant 560 : index
    %swap3A_262 = tpu.vector_load %arg6[%swap3A_261] {strides = array<i32>} : memref<640xf32, #tpu.memory_space<vmem>>, vector<16xf32>,
    %swap3A_263 = vector.shape_cast %swap3A_262 : vector<16xf32> to vector<16xf32>
    %swap3A_264 = vector.shape_cast %broadcast_in_dim3A_260 : vector<16xf32> to vector<16xf32>
    tpu.vector_store %arg6[%swap3A_261], %swap3A_264 {strides = array<i32>} : memref<640xf32, #tpu.memory_space<vmem>>, vector<16xf32>,
    %broadcast_in_dim3A_265 = arith.constant 0.000000e+00 : f32
    %broadcast_in_dim3A_266 = vector.broadcast %broadcast_in_dim3A_265 : f32 to vector<16xf32>
    %swap3A_267 = arith.constant 576 : index
    %swap3A_268 = tpu.vector_load %arg6[%swap3A_267] {strides = array<i32>} : memref<640xf32, #tpu.memory_space<vmem>>, vector<16xf32>,
    %swap3A_269 = vector.shape_cast %swap3A_268 : vector<16xf32> to vector<16xf32>
    %swap3A_270 = vector.shape_cast %broadcast_in_dim3A_266 : vector<16xf32> to vector<16xf32>
    tpu.vector_store %arg6[%swap3A_267], %swap3A_270 {strides = array<i32>} : memref<640xf32, #tpu.memory_space<vmem>>, vector<16xf32>,
    %broadcast_in_dim3A_271 = arith.constant 0.000000e+00 : f32
    %broadcast_in_dim3A_272 = vector.broadcast %broadcast_in_dim3A_271 : f32 to vector<16xf32>
    %swap3A_273 = arith.constant 592 : index
    %swap3A_274 = tpu.vector_load %arg6[%swap3A_273] {strides = array<i32>} : memref<640xf32, #tpu.memory_space<vmem>>, vector<16xf32>,
    %swap3A_275 = vector.shape_cast %swap3A_274 : vector<16xf32> to vector<16xf32>
    %swap3A_276 = vector.shape_cast %broadcast_in_dim3A_272 : vector<16xf32> to vector<16xf32>
    tpu.vector_store %arg6[%swap3A_273], %swap3A_276 {strides = array<i32>} : memref<640xf32, #tpu.memory_space<vmem>>, vector<16xf32>,
    %broadcast_in_dim3A_277 = arith.constant 0.000000e+00 : f32
    %broadcast_in_dim3A_278 = vector.broadcast %broadcast_in_dim3A_277 : f32 to vector<16xf32>
    %swap3A_279 = arith.constant 608 : index
    %swap3A_280 = tpu.vector_load %arg6[%swap3A_279] {strides = array<i32>} : memref<640xf32, #tpu.memory_space<vmem>>, vector<16xf32>,
    %swap3A_281 = vector.shape_cast %swap3A_280 : vector<16xf32> to vector<16xf32>
    %swap3A_282 = vector.shape_cast %broadcast_in_dim3A_278 : vector<16xf32> to vector<16xf32>
    tpu.vector_store %arg6[%swap3A_279], %swap3A_282 {strides = array<i32>} : memref<640xf32, #tpu.memory_space<vmem>>, vector<16xf32>,
    %broadcast_in_dim3A_283 = arith.constant 0.000000e+00 : f32
    %broadcast_in_dim3A_284 = vector.broadcast %broadcast_in_dim3A_283 : f32 to vector<16xf32>
    %swap3A_285 = arith.constant 624 : index
    %swap3A_286 = tpu.vector_load %arg6[%swap3A_285] {strides = array<i32>} : memref<640xf32, #tpu.memory_space<vmem>>, vector<16xf32>,
    %swap3A_287 = vector.shape_cast %swap3A_286 : vector<16xf32> to vector<16xf32>
    %swap3A_288 = vector.shape_cast %broadcast_in_dim3A_284 : vector<16xf32> to vector<16xf32>
    tpu.vector_store %arg6[%swap3A_285], %swap3A_288 {strides = array<i32>} : memref<640xf32, #tpu.memory_space<vmem>>, vector<16xf32>,
    %mul3A_289 = arith.constant 640 : i32
    %mul3A_290 = arith.muli %arg1, %mul3A_289 : i32
    "tpu.region"() ({
      %run_scoped3A = tpu.sem_alloc : memref<!tpu.dma_semaphore, #tpu.memory_space<semaphore_mem>>
      %dma_start3A = tpu.memref_slice %arg7[%mul3A_290] : memref<10240xf32, #tpu.memory_space<vmem_shared>> -> memref<640xf32, #tpu.memory_space<vmem_shared>>
      %dma_start3A_304 = tpu.memref_slice %arg7[%mul3A_290] : memref<10240xf32, #tpu.memory_space<vmem_shared>> -> memref<640xf32, #tpu.memory_space<vmem_shared>>
      tpu.enqueue_dma source(%arg6 : memref<640xf32, #tpu.memory_space<vmem>>) target(%dma_start3A_304 : memref<640xf32, #tpu.memory_space<vmem_shared>>) target_semaphore(%run_scoped3A : memref<!tpu.dma_semaphore, #tpu.memory_space<semaphore_mem>>)
      %dma_wait3A = tpu.memref_slice %arg7[%mul3A_290] : memref<10240xf32, #tpu.memory_space<vmem_shared>> -> memref<640xf32, #tpu.memory_space<vmem_shared>>
      %dma_wait3A_305 = tpu.memref_slice %arg7[%mul3A_290] : memref<10240xf32, #tpu.memory_space<vmem_shared>> -> memref<640xf32, #tpu.memory_space<vmem_shared>>
      tpu.wait_dma2 semaphore(%run_scoped3A : memref<!tpu.dma_semaphore, #tpu.memory_space<semaphore_mem>>) src(%arg6 : memref<640xf32, #tpu.memory_space<vmem>>) dst(%dma_wait3A_305 : memref<640xf32, #tpu.memory_space<vmem_shared>>)
      tpu.yield
    }) : () -> ()
    %barrier3A = arith.constant 0 : index
    tpu.barrier barrier_id(%barrier3A)
    %scan3A = arith.constant 0 : i32
    %scan3A_291 = arith.constant 0 : i32
    %scan3A_292 = arith.constant 4 : i32
    %scan3A_293 = arith.addi %scan3A_291, %scan3A_292 : i32
    %scan3A_294 = arith.constant 1 : i32
    scf.for %scan3A_304 = %scan3A_291 to %scan3A_293 step %scan3A_294  : i32 {
      %scan3A_305 = arith.constant 0 : i32
      %scan3A_306 = arith.constant 0 : i32
      %scan3A_307 = arith.constant 20 : i32
      %scan3A_308 = arith.addi %scan3A_306, %scan3A_307 : i32
      %scan3A_309 = arith.constant 1 : i32
      scf.for %scan3A_317 = %scan3A_306 to %scan3A_308 step %scan3A_309  : i32 {
        %mul3A_318 = arith.constant 20 : i32
        %mul3A_319 = arith.muli %scan3A_304, %mul3A_318 : i32
        %add3A_320 = arith.addi %mul3A_319, %scan3A_317 : i32
        %dma_start3A = arith.constant 0 : i32
        %dma_start3A_321 = tpu.memref_slice %arg4[%add3A_320, %dma_start3A] : memref<80x128xi32, #tpu.memory_space<vmem>> -> memref<1x128xi32, #tpu.memory_space<vmem>>
        %dma_start3A_322 = tpu.memref_squeeze %dma_start3A_321 : memref<1x128xi32, #tpu.memory_space<vmem>> -> memref<128xi32, #tpu.memory_space<vmem>>
        %dma_start3A_323 = arith.constant 0 : i32
        %dma_start3A_324 = tpu.memref_slice %arg7[%dma_start3A_323] : memref<10240xf32, #tpu.memory_space<vmem_shared>> -> memref<10240xf32, #tpu.memory_space<vmem_shared>>
        tpu.enqueue_indirect_dma source(%arg5 : memref<128xf32, #tpu.memory_space<vmem>>) target(%dma_start3A_324 : memref<10240xf32, #tpu.memory_space<vmem_shared>>) offsets(%dma_start3A_322 : memref<128xi32, #tpu.memory_space<vmem>>) semaphore(%arg8 : memref<!tpu.dma_semaphore, #tpu.memory_space<semaphore_mem>>) {add = true}
      }
      %scan3A_310 = arith.constant 20 : i32
      %scan3A_311 = arith.constant 0 : i32
      %scan3A_312 = arith.constant 0 : i32
      %scan3A_313 = arith.constant 20 : i32
      %scan3A_314 = arith.addi %scan3A_312, %scan3A_313 : i32
      %scan3A_315 = arith.constant 1 : i32
      scf.for %scan3A_317 = %scan3A_312 to %scan3A_314 step %scan3A_315  : i32 {
        %mul3A_318 = arith.constant 20 : i32
        %mul3A_319 = arith.muli %scan3A_304, %mul3A_318 : i32
        %add3A_320 = arith.addi %mul3A_319, %scan3A_317 : i32
        %dma_wait3A = arith.constant 0 : i32
        %dma_wait3A_321 = tpu.memref_slice %arg4[%add3A_320, %dma_wait3A] : memref<80x128xi32, #tpu.memory_space<vmem>> -> memref<1x128xi32, #tpu.memory_space<vmem>>
        %dma_wait3A_322 = tpu.memref_squeeze %dma_wait3A_321 : memref<1x128xi32, #tpu.memory_space<vmem>> -> memref<128xi32, #tpu.memory_space<vmem>>
        %dma_wait3A_323 = arith.constant 0 : i32
        %dma_wait3A_324 = tpu.memref_slice %arg7[%dma_wait3A_323] : memref<10240xf32, #tpu.memory_space<vmem_shared>> -> memref<10240xf32, #tpu.memory_space<vmem_shared>>
        tpu.wait_indirect_dma semaphore(%arg8 : memref<!tpu.dma_semaphore, #tpu.memory_space<semaphore_mem>>) src(%arg5 : memref<128xf32, #tpu.memory_space<vmem>>) dst(%dma_wait3A_324 : memref<10240xf32, #tpu.memory_space<vmem_shared>>)
      }
      %scan3A_316 = arith.constant 20 : i32
    }
    %scan3A_295 = arith.constant 4 : i32
    %barrier3A_296 = arith.constant 0 : index
    tpu.barrier barrier_id(%barrier3A_296)
    %mul3A_297 = arith.constant 640 : i32
    %mul3A_298 = arith.muli %arg1, %mul3A_297 : i32
    %mul3A_299 = arith.constant 10240 : i32
    %mul3A_300 = arith.muli %arg0, %mul3A_299 : i32
    %mul3A_301 = arith.constant 640 : i32
    %mul3A_302 = arith.muli %arg1, %mul3A_301 : i32
    %add3A_303 = arith.addi %mul3A_300, %mul3A_302 : i32
    "tpu.region"() ({
      %run_scoped3A = tpu.sem_alloc : memref<!tpu.dma_semaphore, #tpu.memory_space<semaphore_mem>>
      %dma_start3A = tpu.memref_slice %arg3[%add3A_303] : memref<20480xf32, #tpu.memory_space<hbm>> -> memref<640xf32, #tpu.memory_space<hbm>>
      %dma_start3A_304 = tpu.memref_slice %arg7[%mul3A_298] : memref<10240xf32, #tpu.memory_space<vmem_shared>> -> memref<640xf32, #tpu.memory_space<vmem_shared>>
      tpu.enqueue_dma source(%dma_start3A_304 : memref<640xf32, #tpu.memory_space<vmem_shared>>) target(%dma_start3A : memref<640xf32, #tpu.memory_space<hbm>>) target_semaphore(%run_scoped3A : memref<!tpu.dma_semaphore, #tpu.memory_space<semaphore_mem>>)
      %dma_wait3A = tpu.memref_slice %arg3[%add3A_303] : memref<20480xf32, #tpu.memory_space<hbm>> -> memref<640xf32, #tpu.memory_space<hbm>>
      %dma_wait3A_305 = tpu.memref_slice %arg7[%mul3A_298] : memref<10240xf32, #tpu.memory_space<vmem_shared>> -> memref<640xf32, #tpu.memory_space<vmem_shared>>
      tpu.wait_dma2 semaphore(%run_scoped3A : memref<!tpu.dma_semaphore, #tpu.memory_space<semaphore_mem>>) src(%dma_wait3A_305 : memref<640xf32, #tpu.memory_space<vmem_shared>>) dst(%dma_wait3A : memref<640xf32, #tpu.memory_space<hbm>>)
      tpu.yield
    }) : () -> ()
    return
  }
}

#map = affine_map<(d0, d1) -> (0, 0)>
module attributes {stable_mosaic.version = 14 : i64} {
  func.func @_agg(%arg0: i32, %arg1: i32, %arg2: memref<10240x64xf32, #tpu.memory_space<hbm>>, %arg3: memref<2560x128xi32, #tpu.memory_space<hbm>>, %arg4: memref<2560x128xi32, #tpu.memory_space<hbm>>, %arg5: memref<10240x64xf32, #tpu.memory_space<hbm>>, %arg6: memref<20480x64xf32, #tpu.memory_space<hbm>>, %arg7: memref<128xi32, #tpu.memory_space<vmem>>, %arg8: memref<128xi32, #tpu.memory_space<vmem>>, %arg9: memref<128xi32, #tpu.memory_space<vmem>>, %arg10: memref<128xi32, #tpu.memory_space<vmem>>, %arg11: memref<128xi32, #tpu.memory_space<vmem>>, %arg12: memref<128xi32, #tpu.memory_space<vmem>>, %arg13: memref<128xi32, #tpu.memory_space<vmem>>, %arg14: memref<128xi32, #tpu.memory_space<vmem>>, %arg15: memref<128xi32, #tpu.memory_space<vmem>>, %arg16: memref<128xi32, #tpu.memory_space<vmem>>, %arg17: memref<128xi32, #tpu.memory_space<vmem>>, %arg18: memref<128xi32, #tpu.memory_space<vmem>>, %arg19: memref<128xi32, #tpu.memory_space<vmem>>, %arg20: memref<128xi32, #tpu.memory_space<vmem>>, %arg21: memref<128xi32, #tpu.memory_space<vmem>>, %arg22: memref<128xi32, #tpu.memory_space<vmem>>, %arg23: memref<128xi32, #tpu.memory_space<vmem>>, %arg24: memref<128xi32, #tpu.memory_space<vmem>>, %arg25: memref<128xi32, #tpu.memory_space<vmem>>, %arg26: memref<128xi32, #tpu.memory_space<vmem>>, %arg27: memref<128x64xf32, #tpu.memory_space<vmem>>, %arg28: memref<128x64xf32, #tpu.memory_space<vmem>>, %arg29: memref<128x64xf32, #tpu.memory_space<vmem>>, %arg30: memref<128x64xf32, #tpu.memory_space<vmem>>, %arg31: memref<128x64xf32, #tpu.memory_space<vmem>>, %arg32: memref<128x64xf32, #tpu.memory_space<vmem>>, %arg33: memref<128x64xf32, #tpu.memory_space<vmem>>, %arg34: memref<128x64xf32, #tpu.memory_space<vmem>>, %arg35: memref<128x64xf32, #tpu.memory_space<vmem>>, %arg36: memref<128x64xf32, #tpu.memory_space<vmem>>, %arg37: memref<10240x64xf32, #tpu.memory_space<vmem_shared>>, %arg38: memref<!tpu.dma_semaphore, #tpu.memory_space<semaphore_mem>>, %arg39: memref<!tpu.dma_semaphore, #tpu.memory_space<semaphore_mem>>, %arg40: memref<!tpu.dma_semaphore, #tpu.memory_space<semaphore_mem>>, %arg41: memref<!tpu.dma_semaphore, #tpu.memory_space<semaphore_mem>>, %arg42: memref<!tpu.dma_semaphore, #tpu.memory_space<semaphore_mem>>, %arg43: memref<!tpu.dma_semaphore, #tpu.memory_space<semaphore_mem>>, %arg44: memref<!tpu.dma_semaphore, #tpu.memory_space<semaphore_mem>>, %arg45: memref<!tpu.dma_semaphore, #tpu.memory_space<semaphore_mem>>, %arg46: memref<!tpu.dma_semaphore, #tpu.memory_space<semaphore_mem>>, %arg47: memref<!tpu.dma_semaphore, #tpu.memory_space<semaphore_mem>>, %arg48: memref<!tpu.dma_semaphore, #tpu.memory_space<semaphore_mem>>, %arg49: memref<!tpu.dma_semaphore, #tpu.memory_space<semaphore_mem>>, %arg50: memref<!tpu.dma_semaphore, #tpu.memory_space<semaphore_mem>>, %arg51: memref<!tpu.dma_semaphore, #tpu.memory_space<semaphore_mem>>, %arg52: memref<!tpu.dma_semaphore, #tpu.memory_space<semaphore_mem>>, %arg53: memref<!tpu.dma_semaphore, #tpu.memory_space<semaphore_mem>>, %arg54: memref<!tpu.dma_semaphore, #tpu.memory_space<semaphore_mem>>, %arg55: memref<!tpu.dma_semaphore, #tpu.memory_space<semaphore_mem>>, %arg56: memref<!tpu.dma_semaphore, #tpu.memory_space<semaphore_mem>>, %arg57: memref<!tpu.dma_semaphore, #tpu.memory_space<semaphore_mem>>, %arg58: memref<!tpu.dma_semaphore, #tpu.memory_space<semaphore_mem>>, %arg59: memref<!tpu.dma_semaphore, #tpu.memory_space<semaphore_mem>>, %arg60: memref<!tpu.dma_semaphore, #tpu.memory_space<semaphore_mem>>, %arg61: memref<!tpu.dma_semaphore, #tpu.memory_space<semaphore_mem>>, %arg62: memref<!tpu.dma_semaphore, #tpu.memory_space<semaphore_mem>>, %arg63: memref<!tpu.dma_semaphore, #tpu.memory_space<semaphore_mem>>, %arg64: memref<!tpu.dma_semaphore, #tpu.memory_space<semaphore_mem>>, %arg65: memref<!tpu.dma_semaphore, #tpu.memory_space<semaphore_mem>>, %arg66: memref<!tpu.dma_semaphore, #tpu.memory_space<semaphore_mem>>, %arg67: memref<!tpu.dma_semaphore, #tpu.memory_space<semaphore_mem>>) attributes {dimension_semantics = [#tpu.dimension_semantics<core_parallel>, #tpu.dimension_semantics<subcore_parallel>], iteration_bounds = array<i64: 2, 16>, scalar_prefetch = 0 : i64, scratch_operands = 61 : i64, tpu.core_type = #tpu.core_type<sc_vector_subcore>, window_params = [{transform_indices = #map}, {transform_indices = #map}, {transform_indices = #map}, {transform_indices = #map}, {transform_indices = #map}]} {
    %mul3A = arith.constant 2 : i32
    %mul3A_0 = arith.muli %arg1, %mul3A : i32
    %add3A = arith.addi %mul3A_0, %arg0 : i32
    %mul3A_1 = arith.constant 80 : i32
    %mul3A_2 = arith.muli %add3A, %mul3A_1 : i32
    %mul3A_3 = arith.constant 640 : i32
    %mul3A_4 = arith.muli %arg1, %mul3A_3 : i32
    %mul3A_5 = arith.constant 640 : i32
    %mul3A_6 = arith.muli %arg1, %mul3A_5 : i32
    "tpu.region"() ({
      %run_scoped3A = tpu.sem_alloc : memref<!tpu.dma_semaphore, #tpu.memory_space<semaphore_mem>>
      %dma_start3A_183 = arith.constant 0 : i32
      %dma_start3A_184 = tpu.memref_slice %arg37[%mul3A_6, %dma_start3A_183] : memref<10240x64xf32, #tpu.memory_space<vmem_shared>> -> memref<640x64xf32, #tpu.memory_space<vmem_shared>>
      %dma_start3A_185 = arith.constant 0 : i32
      %dma_start3A_186 = tpu.memref_slice %arg5[%mul3A_4, %dma_start3A_185] : memref<10240x64xf32, #tpu.memory_space<hbm>> -> memref<640x64xf32, #tpu.memory_space<hbm>>
      tpu.enqueue_dma source(%dma_start3A_186 : memref<640x64xf32, #tpu.memory_space<hbm>>) target(%dma_start3A_184 : memref<640x64xf32, #tpu.memory_space<vmem_shared>>) target_semaphore(%run_scoped3A : memref<!tpu.dma_semaphore, #tpu.memory_space<semaphore_mem>>)
      %dma_wait3A_187 = arith.constant 0 : i32
      %dma_wait3A_188 = tpu.memref_slice %arg37[%mul3A_6, %dma_wait3A_187] : memref<10240x64xf32, #tpu.memory_space<vmem_shared>> -> memref<640x64xf32, #tpu.memory_space<vmem_shared>>
      %dma_wait3A_189 = arith.constant 0 : i32
      %dma_wait3A_190 = tpu.memref_slice %arg5[%mul3A_4, %dma_wait3A_189] : memref<10240x64xf32, #tpu.memory_space<hbm>> -> memref<640x64xf32, #tpu.memory_space<hbm>>
      tpu.wait_dma2 semaphore(%run_scoped3A : memref<!tpu.dma_semaphore, #tpu.memory_space<semaphore_mem>>) src(%dma_wait3A_190 : memref<640x64xf32, #tpu.memory_space<hbm>>) dst(%dma_wait3A_188 : memref<640x64xf32, #tpu.memory_space<vmem_shared>>)
      tpu.yield
    }) : () -> ()
    %barrier3A = arith.constant 0 : index
    tpu.barrier barrier_id(%barrier3A)
    %add3A_7 = arith.constant 0 : i32
    %add3A_8 = arith.addi %add3A, %add3A_7 : i32
    %dma_start3A = arith.constant 0 : i32
    %dma_start3A_9 = tpu.memref_slice %arg3[%add3A_8, %dma_start3A] : memref<2560x128xi32, #tpu.memory_space<hbm>> -> memref<1x128xi32, #tpu.memory_space<hbm>>
    %dma_start3A_10 = tpu.memref_squeeze %dma_start3A_9 : memref<1x128xi32, #tpu.memory_space<hbm>> -> memref<128xi32, #tpu.memory_space<hbm>>
    %dma_start3A_11 = arith.constant 0 : i32
    %dma_start3A_12 = tpu.memref_slice %arg3[%add3A_8, %dma_start3A_11] : memref<2560x128xi32, #tpu.memory_space<hbm>> -> memref<1x128xi32, #tpu.memory_space<hbm>>
    %dma_start3A_13 = tpu.memref_squeeze %dma_start3A_12 : memref<1x128xi32, #tpu.memory_space<hbm>> -> memref<128xi32, #tpu.memory_space<hbm>>
    tpu.enqueue_dma source(%dma_start3A_13 : memref<128xi32, #tpu.memory_space<hbm>>) target(%arg7 : memref<128xi32, #tpu.memory_space<vmem>>) target_semaphore(%arg38 : memref<!tpu.dma_semaphore, #tpu.memory_space<semaphore_mem>>)
    %dma_start3A_14 = arith.constant 0 : i32
    %dma_start3A_15 = tpu.memref_slice %arg4[%add3A_8, %dma_start3A_14] : memref<2560x128xi32, #tpu.memory_space<hbm>> -> memref<1x128xi32, #tpu.memory_space<hbm>>
    %dma_start3A_16 = tpu.memref_squeeze %dma_start3A_15 : memref<1x128xi32, #tpu.memory_space<hbm>> -> memref<128xi32, #tpu.memory_space<hbm>>
    %dma_start3A_17 = arith.constant 0 : i32
    %dma_start3A_18 = tpu.memref_slice %arg4[%add3A_8, %dma_start3A_17] : memref<2560x128xi32, #tpu.memory_space<hbm>> -> memref<1x128xi32, #tpu.memory_space<hbm>>
    %dma_start3A_19 = tpu.memref_squeeze %dma_start3A_18 : memref<1x128xi32, #tpu.memory_space<hbm>> -> memref<128xi32, #tpu.memory_space<hbm>>
    tpu.enqueue_dma source(%dma_start3A_19 : memref<128xi32, #tpu.memory_space<hbm>>) target(%arg17 : memref<128xi32, #tpu.memory_space<vmem>>) target_semaphore(%arg38 : memref<!tpu.dma_semaphore, #tpu.memory_space<semaphore_mem>>)
    %add3A_20 = arith.constant 32 : i32
    %add3A_21 = arith.addi %add3A, %add3A_20 : i32
    %dma_start3A_22 = arith.constant 0 : i32
    %dma_start3A_23 = tpu.memref_slice %arg3[%add3A_21, %dma_start3A_22] : memref<2560x128xi32, #tpu.memory_space<hbm>> -> memref<1x128xi32, #tpu.memory_space<hbm>>
    %dma_start3A_24 = tpu.memref_squeeze %dma_start3A_23 : memref<1x128xi32, #tpu.memory_space<hbm>> -> memref<128xi32, #tpu.memory_space<hbm>>
    %dma_start3A_25 = arith.constant 0 : i32
    %dma_start3A_26 = tpu.memref_slice %arg3[%add3A_21, %dma_start3A_25] : memref<2560x128xi32, #tpu.memory_space<hbm>> -> memref<1x128xi32, #tpu.memory_space<hbm>>
    %dma_start3A_27 = tpu.memref_squeeze %dma_start3A_26 : memref<1x128xi32, #tpu.memory_space<hbm>> -> memref<128xi32, #tpu.memory_space<hbm>>
    tpu.enqueue_dma source(%dma_start3A_27 : memref<128xi32, #tpu.memory_space<hbm>>) target(%arg8 : memref<128xi32, #tpu.memory_space<vmem>>) target_semaphore(%arg39 : memref<!tpu.dma_semaphore, #tpu.memory_space<semaphore_mem>>)
    %dma_start3A_28 = arith.constant 0 : i32
    %dma_start3A_29 = tpu.memref_slice %arg4[%add3A_21, %dma_start3A_28] : memref<2560x128xi32, #tpu.memory_space<hbm>> -> memref<1x128xi32, #tpu.memory_space<hbm>>
    %dma_start3A_30 = tpu.memref_squeeze %dma_start3A_29 : memref<1x128xi32, #tpu.memory_space<hbm>> -> memref<128xi32, #tpu.memory_space<hbm>>
    %dma_start3A_31 = arith.constant 0 : i32
    %dma_start3A_32 = tpu.memref_slice %arg4[%add3A_21, %dma_start3A_31] : memref<2560x128xi32, #tpu.memory_space<hbm>> -> memref<1x128xi32, #tpu.memory_space<hbm>>
    %dma_start3A_33 = tpu.memref_squeeze %dma_start3A_32 : memref<1x128xi32, #tpu.memory_space<hbm>> -> memref<128xi32, #tpu.memory_space<hbm>>
    tpu.enqueue_dma source(%dma_start3A_33 : memref<128xi32, #tpu.memory_space<hbm>>) target(%arg18 : memref<128xi32, #tpu.memory_space<vmem>>) target_semaphore(%arg39 : memref<!tpu.dma_semaphore, #tpu.memory_space<semaphore_mem>>)
    %add3A_34 = arith.constant 64 : i32
    %add3A_35 = arith.addi %add3A, %add3A_34 : i32
    %dma_start3A_36 = arith.constant 0 : i32
    %dma_start3A_37 = tpu.memref_slice %arg3[%add3A_35, %dma_start3A_36] : memref<2560x128xi32, #tpu.memory_space<hbm>> -> memref<1x128xi32, #tpu.memory_space<hbm>>
    %dma_start3A_38 = tpu.memref_squeeze %dma_start3A_37 : memref<1x128xi32, #tpu.memory_space<hbm>> -> memref<128xi32, #tpu.memory_space<hbm>>
    %dma_start3A_39 = arith.constant 0 : i32
    %dma_start3A_40 = tpu.memref_slice %arg3[%add3A_35, %dma_start3A_39] : memref<2560x128xi32, #tpu.memory_space<hbm>> -> memref<1x128xi32, #tpu.memory_space<hbm>>
    %dma_start3A_41 = tpu.memref_squeeze %dma_start3A_40 : memref<1x128xi32, #tpu.memory_space<hbm>> -> memref<128xi32, #tpu.memory_space<hbm>>
    tpu.enqueue_dma source(%dma_start3A_41 : memref<128xi32, #tpu.memory_space<hbm>>) target(%arg9 : memref<128xi32, #tpu.memory_space<vmem>>) target_semaphore(%arg40 : memref<!tpu.dma_semaphore, #tpu.memory_space<semaphore_mem>>)
    %dma_start3A_42 = arith.constant 0 : i32
    %dma_start3A_43 = tpu.memref_slice %arg4[%add3A_35, %dma_start3A_42] : memref<2560x128xi32, #tpu.memory_space<hbm>> -> memref<1x128xi32, #tpu.memory_space<hbm>>
    %dma_start3A_44 = tpu.memref_squeeze %dma_start3A_43 : memref<1x128xi32, #tpu.memory_space<hbm>> -> memref<128xi32, #tpu.memory_space<hbm>>
    %dma_start3A_45 = arith.constant 0 : i32
    %dma_start3A_46 = tpu.memref_slice %arg4[%add3A_35, %dma_start3A_45] : memref<2560x128xi32, #tpu.memory_space<hbm>> -> memref<1x128xi32, #tpu.memory_space<hbm>>
    %dma_start3A_47 = tpu.memref_squeeze %dma_start3A_46 : memref<1x128xi32, #tpu.memory_space<hbm>> -> memref<128xi32, #tpu.memory_space<hbm>>
    tpu.enqueue_dma source(%dma_start3A_47 : memref<128xi32, #tpu.memory_space<hbm>>) target(%arg19 : memref<128xi32, #tpu.memory_space<vmem>>) target_semaphore(%arg40 : memref<!tpu.dma_semaphore, #tpu.memory_space<semaphore_mem>>)
    %add3A_48 = arith.constant 96 : i32
    %add3A_49 = arith.addi %add3A, %add3A_48 : i32
    %dma_start3A_50 = arith.constant 0 : i32
    %dma_start3A_51 = tpu.memref_slice %arg3[%add3A_49, %dma_start3A_50] : memref<2560x128xi32, #tpu.memory_space<hbm>> -> memref<1x128xi32, #tpu.memory_space<hbm>>
    %dma_start3A_52 = tpu.memref_squeeze %dma_start3A_51 : memref<1x128xi32, #tpu.memory_space<hbm>> -> memref<128xi32, #tpu.memory_space<hbm>>
    %dma_start3A_53 = arith.constant 0 : i32
    %dma_start3A_54 = tpu.memref_slice %arg3[%add3A_49, %dma_start3A_53] : memref<2560x128xi32, #tpu.memory_space<hbm>> -> memref<1x128xi32, #tpu.memory_space<hbm>>
    %dma_start3A_55 = tpu.memref_squeeze %dma_start3A_54 : memref<1x128xi32, #tpu.memory_space<hbm>> -> memref<128xi32, #tpu.memory_space<hbm>>
    tpu.enqueue_dma source(%dma_start3A_55 : memref<128xi32, #tpu.memory_space<hbm>>) target(%arg10 : memref<128xi32, #tpu.memory_space<vmem>>) target_semaphore(%arg41 : memref<!tpu.dma_semaphore, #tpu.memory_space<semaphore_mem>>)
    %dma_start3A_56 = arith.constant 0 : i32
    %dma_start3A_57 = tpu.memref_slice %arg4[%add3A_49, %dma_start3A_56] : memref<2560x128xi32, #tpu.memory_space<hbm>> -> memref<1x128xi32, #tpu.memory_space<hbm>>
    %dma_start3A_58 = tpu.memref_squeeze %dma_start3A_57 : memref<1x128xi32, #tpu.memory_space<hbm>> -> memref<128xi32, #tpu.memory_space<hbm>>
    %dma_start3A_59 = arith.constant 0 : i32
    %dma_start3A_60 = tpu.memref_slice %arg4[%add3A_49, %dma_start3A_59] : memref<2560x128xi32, #tpu.memory_space<hbm>> -> memref<1x128xi32, #tpu.memory_space<hbm>>
    %dma_start3A_61 = tpu.memref_squeeze %dma_start3A_60 : memref<1x128xi32, #tpu.memory_space<hbm>> -> memref<128xi32, #tpu.memory_space<hbm>>
    tpu.enqueue_dma source(%dma_start3A_61 : memref<128xi32, #tpu.memory_space<hbm>>) target(%arg20 : memref<128xi32, #tpu.memory_space<vmem>>) target_semaphore(%arg41 : memref<!tpu.dma_semaphore, #tpu.memory_space<semaphore_mem>>)
    %add3A_62 = arith.constant 128 : i32
    %add3A_63 = arith.addi %add3A, %add3A_62 : i32
    %dma_start3A_64 = arith.constant 0 : i32
    %dma_start3A_65 = tpu.memref_slice %arg3[%add3A_63, %dma_start3A_64] : memref<2560x128xi32, #tpu.memory_space<hbm>> -> memref<1x128xi32, #tpu.memory_space<hbm>>
    %dma_start3A_66 = tpu.memref_squeeze %dma_start3A_65 : memref<1x128xi32, #tpu.memory_space<hbm>> -> memref<128xi32, #tpu.memory_space<hbm>>
    %dma_start3A_67 = arith.constant 0 : i32
    %dma_start3A_68 = tpu.memref_slice %arg3[%add3A_63, %dma_start3A_67] : memref<2560x128xi32, #tpu.memory_space<hbm>> -> memref<1x128xi32, #tpu.memory_space<hbm>>
    %dma_start3A_69 = tpu.memref_squeeze %dma_start3A_68 : memref<1x128xi32, #tpu.memory_space<hbm>> -> memref<128xi32, #tpu.memory_space<hbm>>
    tpu.enqueue_dma source(%dma_start3A_69 : memref<128xi32, #tpu.memory_space<hbm>>) target(%arg11 : memref<128xi32, #tpu.memory_space<vmem>>) target_semaphore(%arg42 : memref<!tpu.dma_semaphore, #tpu.memory_space<semaphore_mem>>)
    %dma_start3A_70 = arith.constant 0 : i32
    %dma_start3A_71 = tpu.memref_slice %arg4[%add3A_63, %dma_start3A_70] : memref<2560x128xi32, #tpu.memory_space<hbm>> -> memref<1x128xi32, #tpu.memory_space<hbm>>
    %dma_start3A_72 = tpu.memref_squeeze %dma_start3A_71 : memref<1x128xi32, #tpu.memory_space<hbm>> -> memref<128xi32, #tpu.memory_space<hbm>>
    %dma_start3A_73 = arith.constant 0 : i32
    %dma_start3A_74 = tpu.memref_slice %arg4[%add3A_63, %dma_start3A_73] : memref<2560x128xi32, #tpu.memory_space<hbm>> -> memref<1x128xi32, #tpu.memory_space<hbm>>
    %dma_start3A_75 = tpu.memref_squeeze %dma_start3A_74 : memref<1x128xi32, #tpu.memory_space<hbm>> -> memref<128xi32, #tpu.memory_space<hbm>>
    tpu.enqueue_dma source(%dma_start3A_75 : memref<128xi32, #tpu.memory_space<hbm>>) target(%arg21 : memref<128xi32, #tpu.memory_space<vmem>>) target_semaphore(%arg42 : memref<!tpu.dma_semaphore, #tpu.memory_space<semaphore_mem>>)
    %add3A_76 = arith.constant 160 : i32
    %add3A_77 = arith.addi %add3A, %add3A_76 : i32
    %dma_start3A_78 = arith.constant 0 : i32
    %dma_start3A_79 = tpu.memref_slice %arg3[%add3A_77, %dma_start3A_78] : memref<2560x128xi32, #tpu.memory_space<hbm>> -> memref<1x128xi32, #tpu.memory_space<hbm>>
    %dma_start3A_80 = tpu.memref_squeeze %dma_start3A_79 : memref<1x128xi32, #tpu.memory_space<hbm>> -> memref<128xi32, #tpu.memory_space<hbm>>
    %dma_start3A_81 = arith.constant 0 : i32
    %dma_start3A_82 = tpu.memref_slice %arg3[%add3A_77, %dma_start3A_81] : memref<2560x128xi32, #tpu.memory_space<hbm>> -> memref<1x128xi32, #tpu.memory_space<hbm>>
    %dma_start3A_83 = tpu.memref_squeeze %dma_start3A_82 : memref<1x128xi32, #tpu.memory_space<hbm>> -> memref<128xi32, #tpu.memory_space<hbm>>
    tpu.enqueue_dma source(%dma_start3A_83 : memref<128xi32, #tpu.memory_space<hbm>>) target(%arg12 : memref<128xi32, #tpu.memory_space<vmem>>) target_semaphore(%arg43 : memref<!tpu.dma_semaphore, #tpu.memory_space<semaphore_mem>>)
    %dma_start3A_84 = arith.constant 0 : i32
    %dma_start3A_85 = tpu.memref_slice %arg4[%add3A_77, %dma_start3A_84] : memref<2560x128xi32, #tpu.memory_space<hbm>> -> memref<1x128xi32, #tpu.memory_space<hbm>>
    %dma_start3A_86 = tpu.memref_squeeze %dma_start3A_85 : memref<1x128xi32, #tpu.memory_space<hbm>> -> memref<128xi32, #tpu.memory_space<hbm>>
    %dma_start3A_87 = arith.constant 0 : i32
    %dma_start3A_88 = tpu.memref_slice %arg4[%add3A_77, %dma_start3A_87] : memref<2560x128xi32, #tpu.memory_space<hbm>> -> memref<1x128xi32, #tpu.memory_space<hbm>>
    %dma_start3A_89 = tpu.memref_squeeze %dma_start3A_88 : memref<1x128xi32, #tpu.memory_space<hbm>> -> memref<128xi32, #tpu.memory_space<hbm>>
    tpu.enqueue_dma source(%dma_start3A_89 : memref<128xi32, #tpu.memory_space<hbm>>) target(%arg22 : memref<128xi32, #tpu.memory_space<vmem>>) target_semaphore(%arg43 : memref<!tpu.dma_semaphore, #tpu.memory_space<semaphore_mem>>)
    %add3A_90 = arith.constant 0 : i32
    %add3A_91 = arith.addi %add3A, %add3A_90 : i32
    %dma_wait3A = arith.constant 0 : i32
    %dma_wait3A_92 = tpu.memref_slice %arg3[%add3A_91, %dma_wait3A] : memref<2560x128xi32, #tpu.memory_space<hbm>> -> memref<1x128xi32, #tpu.memory_space<hbm>>
    %dma_wait3A_93 = tpu.memref_squeeze %dma_wait3A_92 : memref<1x128xi32, #tpu.memory_space<hbm>> -> memref<128xi32, #tpu.memory_space<hbm>>
    %dma_wait3A_94 = arith.constant 0 : i32
    %dma_wait3A_95 = tpu.memref_slice %arg3[%add3A_91, %dma_wait3A_94] : memref<2560x128xi32, #tpu.memory_space<hbm>> -> memref<1x128xi32, #tpu.memory_space<hbm>>
    %dma_wait3A_96 = tpu.memref_squeeze %dma_wait3A_95 : memref<1x128xi32, #tpu.memory_space<hbm>> -> memref<128xi32, #tpu.memory_space<hbm>>
    tpu.wait_dma2 semaphore(%arg38 : memref<!tpu.dma_semaphore, #tpu.memory_space<semaphore_mem>>) src(%dma_wait3A_96 : memref<128xi32, #tpu.memory_space<hbm>>) dst(%arg7 : memref<128xi32, #tpu.memory_space<vmem>>)
    %dma_wait3A_97 = arith.constant 0 : i32
    %dma_wait3A_98 = tpu.memref_slice %arg4[%add3A_91, %dma_wait3A_97] : memref<2560x128xi32, #tpu.memory_space<hbm>> -> memref<1x128xi32, #tpu.memory_space<hbm>>
    %dma_wait3A_99 = tpu.memref_squeeze %dma_wait3A_98 : memref<1x128xi32, #tpu.memory_space<hbm>> -> memref<128xi32, #tpu.memory_space<hbm>>
    %dma_wait3A_100 = arith.constant 0 : i32
    %dma_wait3A_101 = tpu.memref_slice %arg4[%add3A_91, %dma_wait3A_100] : memref<2560x128xi32, #tpu.memory_space<hbm>> -> memref<1x128xi32, #tpu.memory_space<hbm>>
    %dma_wait3A_102 = tpu.memref_squeeze %dma_wait3A_101 : memref<1x128xi32, #tpu.memory_space<hbm>> -> memref<128xi32, #tpu.memory_space<hbm>>
    tpu.wait_dma2 semaphore(%arg38 : memref<!tpu.dma_semaphore, #tpu.memory_space<semaphore_mem>>) src(%dma_wait3A_102 : memref<128xi32, #tpu.memory_space<hbm>>) dst(%arg17 : memref<128xi32, #tpu.memory_space<vmem>>)
    %dma_start3A_103 = arith.constant 0 : i32
    %dma_start3A_104 = arith.constant 0 : i32
    %dma_start3A_105 = tpu.memref_slice %arg2[%dma_start3A_103, %dma_start3A_104] : memref<10240x64xf32, #tpu.memory_space<hbm>> -> memref<10240x64xf32, #tpu.memory_space<hbm>>
    tpu.enqueue_indirect_dma source(%dma_start3A_105 : memref<10240x64xf32, #tpu.memory_space<hbm>>) target(%arg27 : memref<128x64xf32, #tpu.memory_space<vmem>>) offsets(%arg7 : memref<128xi32, #tpu.memory_space<vmem>>) semaphore(%arg48 : memref<!tpu.dma_semaphore, #tpu.memory_space<semaphore_mem>>)
    %add3A_106 = arith.constant 32 : i32
    %add3A_107 = arith.addi %add3A, %add3A_106 : i32
    %dma_wait3A_108 = arith.constant 0 : i32
    %dma_wait3A_109 = tpu.memref_slice %arg3[%add3A_107, %dma_wait3A_108] : memref<2560x128xi32, #tpu.memory_space<hbm>> -> memref<1x128xi32, #tpu.memory_space<hbm>>
    %dma_wait3A_110 = tpu.memref_squeeze %dma_wait3A_109 : memref<1x128xi32, #tpu.memory_space<hbm>> -> memref<128xi32, #tpu.memory_space<hbm>>
    %dma_wait3A_111 = arith.constant 0 : i32
    %dma_wait3A_112 = tpu.memref_slice %arg3[%add3A_107, %dma_wait3A_111] : memref<2560x128xi32, #tpu.memory_space<hbm>> -> memref<1x128xi32, #tpu.memory_space<hbm>>
    %dma_wait3A_113 = tpu.memref_squeeze %dma_wait3A_112 : memref<1x128xi32, #tpu.memory_space<hbm>> -> memref<128xi32, #tpu.memory_space<hbm>>
    tpu.wait_dma2 semaphore(%arg39 : memref<!tpu.dma_semaphore, #tpu.memory_space<semaphore_mem>>) src(%dma_wait3A_113 : memref<128xi32, #tpu.memory_space<hbm>>) dst(%arg8 : memref<128xi32, #tpu.memory_space<vmem>>)
    %dma_wait3A_114 = arith.constant 0 : i32
    %dma_wait3A_115 = tpu.memref_slice %arg4[%add3A_107, %dma_wait3A_114] : memref<2560x128xi32, #tpu.memory_space<hbm>> -> memref<1x128xi32, #tpu.memory_space<hbm>>
    %dma_wait3A_116 = tpu.memref_squeeze %dma_wait3A_115 : memref<1x128xi32, #tpu.memory_space<hbm>> -> memref<128xi32, #tpu.memory_space<hbm>>
    %dma_wait3A_117 = arith.constant 0 : i32
    %dma_wait3A_118 = tpu.memref_slice %arg4[%add3A_107, %dma_wait3A_117] : memref<2560x128xi32, #tpu.memory_space<hbm>> -> memref<1x128xi32, #tpu.memory_space<hbm>>
    %dma_wait3A_119 = tpu.memref_squeeze %dma_wait3A_118 : memref<1x128xi32, #tpu.memory_space<hbm>> -> memref<128xi32, #tpu.memory_space<hbm>>
    tpu.wait_dma2 semaphore(%arg39 : memref<!tpu.dma_semaphore, #tpu.memory_space<semaphore_mem>>) src(%dma_wait3A_119 : memref<128xi32, #tpu.memory_space<hbm>>) dst(%arg18 : memref<128xi32, #tpu.memory_space<vmem>>)
    %dma_start3A_120 = arith.constant 0 : i32
    %dma_start3A_121 = arith.constant 0 : i32
    %dma_start3A_122 = tpu.memref_slice %arg2[%dma_start3A_120, %dma_start3A_121] : memref<10240x64xf32, #tpu.memory_space<hbm>> -> memref<10240x64xf32, #tpu.memory_space<hbm>>
    tpu.enqueue_indirect_dma source(%dma_start3A_122 : memref<10240x64xf32, #tpu.memory_space<hbm>>) target(%arg28 : memref<128x64xf32, #tpu.memory_space<vmem>>) offsets(%arg8 : memref<128xi32, #tpu.memory_space<vmem>>) semaphore(%arg49 : memref<!tpu.dma_semaphore, #tpu.memory_space<semaphore_mem>>)
    %add3A_123 = arith.constant 64 : i32
    %add3A_124 = arith.addi %add3A, %add3A_123 : i32
    %dma_wait3A_125 = arith.constant 0 : i32
    %dma_wait3A_126 = tpu.memref_slice %arg3[%add3A_124, %dma_wait3A_125] : memref<2560x128xi32, #tpu.memory_space<hbm>> -> memref<1x128xi32, #tpu.memory_space<hbm>>
    %dma_wait3A_127 = tpu.memref_squeeze %dma_wait3A_126 : memref<1x128xi32, #tpu.memory_space<hbm>> -> memref<128xi32, #tpu.memory_space<hbm>>
    %dma_wait3A_128 = arith.constant 0 : i32
    %dma_wait3A_129 = tpu.memref_slice %arg3[%add3A_124, %dma_wait3A_128] : memref<2560x128xi32, #tpu.memory_space<hbm>> -> memref<1x128xi32, #tpu.memory_space<hbm>>
    %dma_wait3A_130 = tpu.memref_squeeze %dma_wait3A_129 : memref<1x128xi32, #tpu.memory_space<hbm>> -> memref<128xi32, #tpu.memory_space<hbm>>
    tpu.wait_dma2 semaphore(%arg40 : memref<!tpu.dma_semaphore, #tpu.memory_space<semaphore_mem>>) src(%dma_wait3A_130 : memref<128xi32, #tpu.memory_space<hbm>>) dst(%arg9 : memref<128xi32, #tpu.memory_space<vmem>>)
    %dma_wait3A_131 = arith.constant 0 : i32
    %dma_wait3A_132 = tpu.memref_slice %arg4[%add3A_124, %dma_wait3A_131] : memref<2560x128xi32, #tpu.memory_space<hbm>> -> memref<1x128xi32, #tpu.memory_space<hbm>>
    %dma_wait3A_133 = tpu.memref_squeeze %dma_wait3A_132 : memref<1x128xi32, #tpu.memory_space<hbm>> -> memref<128xi32, #tpu.memory_space<hbm>>
    %dma_wait3A_134 = arith.constant 0 : i32
    %dma_wait3A_135 = tpu.memref_slice %arg4[%add3A_124, %dma_wait3A_134] : memref<2560x128xi32, #tpu.memory_space<hbm>> -> memref<1x128xi32, #tpu.memory_space<hbm>>
    %dma_wait3A_136 = tpu.memref_squeeze %dma_wait3A_135 : memref<1x128xi32, #tpu.memory_space<hbm>> -> memref<128xi32, #tpu.memory_space<hbm>>
    tpu.wait_dma2 semaphore(%arg40 : memref<!tpu.dma_semaphore, #tpu.memory_space<semaphore_mem>>) src(%dma_wait3A_136 : memref<128xi32, #tpu.memory_space<hbm>>) dst(%arg19 : memref<128xi32, #tpu.memory_space<vmem>>)
    %dma_start3A_137 = arith.constant 0 : i32
    %dma_start3A_138 = arith.constant 0 : i32
    %dma_start3A_139 = tpu.memref_slice %arg2[%dma_start3A_137, %dma_start3A_138] : memref<10240x64xf32, #tpu.memory_space<hbm>> -> memref<10240x64xf32, #tpu.memory_space<hbm>>
    tpu.enqueue_indirect_dma source(%dma_start3A_139 : memref<10240x64xf32, #tpu.memory_space<hbm>>) target(%arg29 : memref<128x64xf32, #tpu.memory_space<vmem>>) offsets(%arg9 : memref<128xi32, #tpu.memory_space<vmem>>) semaphore(%arg50 : memref<!tpu.dma_semaphore, #tpu.memory_space<semaphore_mem>>)
    %scan3A = arith.constant 0 : i32
    %scan3A_140 = arith.constant 0 : i32
    %scan3A_141 = arith.constant 8 : i32
    %scan3A_142 = arith.addi %scan3A_140, %scan3A_141 : i32
    %scan3A_143 = arith.constant 1 : i32
    scf.for %scan3A_183 = %scan3A_140 to %scan3A_142 step %scan3A_143  : i32 {
      %mul3A_184 = arith.constant 10 : i32
      %mul3A_185 = arith.muli %scan3A_183, %mul3A_184 : i32
      %add3A_186 = arith.constant 0 : i32
      %add3A_187 = arith.addi %mul3A_185, %add3A_186 : i32
      %dma_wait3A_188 = arith.constant 0 : i32
      %dma_wait3A_189 = arith.constant 0 : i32
      %dma_wait3A_190 = tpu.memref_slice %arg2[%dma_wait3A_188, %dma_wait3A_189] : memref<10240x64xf32, #tpu.memory_space<hbm>> -> memref<10240x64xf32, #tpu.memory_space<hbm>>
      tpu.wait_indirect_dma semaphore(%arg48 : memref<!tpu.dma_semaphore, #tpu.memory_space<semaphore_mem>>) src(%dma_wait3A_190 : memref<10240x64xf32, #tpu.memory_space<hbm>>) dst(%arg27 : memref<128x64xf32, #tpu.memory_space<vmem>>)
      %dma_start3A_191 = arith.constant 0 : i32
      %dma_start3A_192 = arith.constant 0 : i32
      %dma_start3A_193 = tpu.memref_slice %arg37[%dma_start3A_191, %dma_start3A_192] : memref<10240x64xf32, #tpu.memory_space<vmem_shared>> -> memref<10240x64xf32, #tpu.memory_space<vmem_shared>>
      tpu.enqueue_indirect_dma source(%arg27 : memref<128x64xf32, #tpu.memory_space<vmem>>) target(%dma_start3A_193 : memref<10240x64xf32, #tpu.memory_space<vmem_shared>>) offsets(%arg17 : memref<128xi32, #tpu.memory_space<vmem>>) semaphore(%arg58 : memref<!tpu.dma_semaphore, #tpu.memory_space<semaphore_mem>>) {add = true}
      %add3A_194 = arith.constant 6 : i32
      %add3A_195 = arith.addi %add3A_187, %add3A_194 : i32
      %lt3A = arith.constant 80 : i32
      %lt3A_196 = arith.cmpi slt, %add3A_195, %lt3A : i32
      %convert_element_type3A = arith.extui %lt3A_196 : i1 to i32
      %cond3A = arith.constant 0 : i32
      %cond3A_197 = arith.cmpi ne, %convert_element_type3A, %cond3A : i32
      scf.if %cond3A_197 {
        %ge3A = arith.constant 10 : i32
        %ge3A_421 = arith.cmpi sge, %add3A_195, %ge3A : i32
        %convert_element_type3A_422 = arith.extui %ge3A_421 : i1 to i32
        %cond3A_423 = arith.constant 0 : i32
        %cond3A_424 = arith.cmpi ne, %convert_element_type3A_422, %cond3A_423 : i32
        scf.if %cond3A_424 {
          %dma_wait3A_440 = arith.constant 0 : i32
          %dma_wait3A_441 = arith.constant 0 : i32
          %dma_wait3A_442 = tpu.memref_slice %arg37[%dma_wait3A_440, %dma_wait3A_441] : memref<10240x64xf32, #tpu.memory_space<vmem_shared>> -> memref<10240x64xf32, #tpu.memory_space<vmem_shared>>
          tpu.wait_indirect_dma semaphore(%arg64 : memref<!tpu.dma_semaphore, #tpu.memory_space<semaphore_mem>>) src(%arg33 : memref<128x64xf32, #tpu.memory_space<vmem>>) dst(%dma_wait3A_442 : memref<10240x64xf32, #tpu.memory_space<vmem_shared>>)
        } else {
        }
        %mul3A_425 = arith.constant 32 : i32
        %mul3A_426 = arith.muli %add3A_195, %mul3A_425 : i32
        %add3A_427 = arith.addi %add3A, %mul3A_426 : i32
        %dma_start3A_428 = arith.constant 0 : i32
        %dma_start3A_429 = tpu.memref_slice %arg3[%add3A_427, %dma_start3A_428] : memref<2560x128xi32, #tpu.memory_space<hbm>> -> memref<1x128xi32, #tpu.memory_space<hbm>>
        %dma_start3A_430 = tpu.memref_squeeze %dma_start3A_429 : memref<1x128xi32, #tpu.memory_space<hbm>> -> memref<128xi32, #tpu.memory_space<hbm>>
        %dma_start3A_431 = arith.constant 0 : i32
        %dma_start3A_432 = tpu.memref_slice %arg3[%add3A_427, %dma_start3A_431] : memref<2560x128xi32, #tpu.memory_space<hbm>> -> memref<1x128xi32, #tpu.memory_space<hbm>>
        %dma_start3A_433 = tpu.memref_squeeze %dma_start3A_432 : memref<1x128xi32, #tpu.memory_space<hbm>> -> memref<128xi32, #tpu.memory_space<hbm>>
        tpu.enqueue_dma source(%dma_start3A_433 : memref<128xi32, #tpu.memory_space<hbm>>) target(%arg13 : memref<128xi32, #tpu.memory_space<vmem>>) target_semaphore(%arg44 : memref<!tpu.dma_semaphore, #tpu.memory_space<semaphore_mem>>)
        %dma_start3A_434 = arith.constant 0 : i32
        %dma_start3A_435 = tpu.memref_slice %arg4[%add3A_427, %dma_start3A_434] : memref<2560x128xi32, #tpu.memory_space<hbm>> -> memref<1x128xi32, #tpu.memory_space<hbm>>
        %dma_start3A_436 = tpu.memref_squeeze %dma_start3A_435 : memref<1x128xi32, #tpu.memory_space<hbm>> -> memref<128xi32, #tpu.memory_space<hbm>>
        %dma_start3A_437 = arith.constant 0 : i32
        %dma_start3A_438 = tpu.memref_slice %arg4[%add3A_427, %dma_start3A_437] : memref<2560x128xi32, #tpu.memory_space<hbm>> -> memref<1x128xi32, #tpu.memory_space<hbm>>
        %dma_start3A_439 = tpu.memref_squeeze %dma_start3A_438 : memref<1x128xi32, #tpu.memory_space<hbm>> -> memref<128xi32, #tpu.memory_space<hbm>>
        tpu.enqueue_dma source(%dma_start3A_439 : memref<128xi32, #tpu.memory_space<hbm>>) target(%arg23 : memref<128xi32, #tpu.memory_space<vmem>>) target_semaphore(%arg44 : memref<!tpu.dma_semaphore, #tpu.memory_space<semaphore_mem>>)
      } else {
      }
      %add3A_198 = arith.constant 3 : i32
      %add3A_199 = arith.addi %add3A_187, %add3A_198 : i32
      %lt3A_200 = arith.constant 80 : i32
      %lt3A_201 = arith.cmpi slt, %add3A_199, %lt3A_200 : i32
      %convert_element_type3A_202 = arith.extui %lt3A_201 : i1 to i32
      %cond3A_203 = arith.constant 0 : i32
      %cond3A_204 = arith.cmpi ne, %convert_element_type3A_202, %cond3A_203 : i32
      scf.if %cond3A_204 {
        %mul3A_421 = arith.constant 32 : i32
        %mul3A_422 = arith.muli %add3A_199, %mul3A_421 : i32
        %add3A_423 = arith.addi %add3A, %mul3A_422 : i32
        %dma_wait3A_424 = arith.constant 0 : i32
        %dma_wait3A_425 = tpu.memref_slice %arg3[%add3A_423, %dma_wait3A_424] : memref<2560x128xi32, #tpu.memory_space<hbm>> -> memref<1x128xi32, #tpu.memory_space<hbm>>
        %dma_wait3A_426 = tpu.memref_squeeze %dma_wait3A_425 : memref<1x128xi32, #tpu.memory_space<hbm>> -> memref<128xi32, #tpu.memory_space<hbm>>
        %dma_wait3A_427 = arith.constant 0 : i32
        %dma_wait3A_428 = tpu.memref_slice %arg3[%add3A_423, %dma_wait3A_427] : memref<2560x128xi32, #tpu.memory_space<hbm>> -> memref<1x128xi32, #tpu.memory_space<hbm>>
        %dma_wait3A_429 = tpu.memref_squeeze %dma_wait3A_428 : memref<1x128xi32, #tpu.memory_space<hbm>> -> memref<128xi32, #tpu.memory_space<hbm>>
        tpu.wait_dma2 semaphore(%arg41 : memref<!tpu.dma_semaphore, #tpu.memory_space<semaphore_mem>>) src(%dma_wait3A_429 : memref<128xi32, #tpu.memory_space<hbm>>) dst(%arg10 : memref<128xi32, #tpu.memory_space<vmem>>)
        %dma_wait3A_430 = arith.constant 0 : i32
        %dma_wait3A_431 = tpu.memref_slice %arg4[%add3A_423, %dma_wait3A_430] : memref<2560x128xi32, #tpu.memory_space<hbm>> -> memref<1x128xi32, #tpu.memory_space<hbm>>
        %dma_wait3A_432 = tpu.memref_squeeze %dma_wait3A_431 : memref<1x128xi32, #tpu.memory_space<hbm>> -> memref<128xi32, #tpu.memory_space<hbm>>
        %dma_wait3A_433 = arith.constant 0 : i32
        %dma_wait3A_434 = tpu.memref_slice %arg4[%add3A_423, %dma_wait3A_433] : memref<2560x128xi32, #tpu.memory_space<hbm>> -> memref<1x128xi32, #tpu.memory_space<hbm>>
        %dma_wait3A_435 = tpu.memref_squeeze %dma_wait3A_434 : memref<1x128xi32, #tpu.memory_space<hbm>> -> memref<128xi32, #tpu.memory_space<hbm>>
        tpu.wait_dma2 semaphore(%arg41 : memref<!tpu.dma_semaphore, #tpu.memory_space<semaphore_mem>>) src(%dma_wait3A_435 : memref<128xi32, #tpu.memory_space<hbm>>) dst(%arg20 : memref<128xi32, #tpu.memory_space<vmem>>)
        %dma_start3A_436 = arith.constant 0 : i32
        %dma_start3A_437 = arith.constant 0 : i32
        %dma_start3A_438 = tpu.memref_slice %arg2[%dma_start3A_436, %dma_start3A_437] : memref<10240x64xf32, #tpu.memory_space<hbm>> -> memref<10240x64xf32, #tpu.memory_space<hbm>>
        tpu.enqueue_indirect_dma source(%dma_start3A_438 : memref<10240x64xf32, #tpu.memory_space<hbm>>) target(%arg30 : memref<128x64xf32, #tpu.memory_space<vmem>>) offsets(%arg10 : memref<128xi32, #tpu.memory_space<vmem>>) semaphore(%arg51 : memref<!tpu.dma_semaphore, #tpu.memory_space<semaphore_mem>>)
      } else {
      }
      %mul3A_205 = arith.constant 10 : i32
      %mul3A_206 = arith.muli %scan3A_183, %mul3A_205 : i32
      %add3A_207 = arith.constant 1 : i32
      %add3A_208 = arith.addi %mul3A_206, %add3A_207 : i32
      %dma_wait3A_209 = arith.constant 0 : i32
      %dma_wait3A_210 = arith.constant 0 : i32
      %dma_wait3A_211 = tpu.memref_slice %arg2[%dma_wait3A_209, %dma_wait3A_210] : memref<10240x64xf32, #tpu.memory_space<hbm>> -> memref<10240x64xf32, #tpu.memory_space<hbm>>
      tpu.wait_indirect_dma semaphore(%arg49 : memref<!tpu.dma_semaphore, #tpu.memory_space<semaphore_mem>>) src(%dma_wait3A_211 : memref<10240x64xf32, #tpu.memory_space<hbm>>) dst(%arg28 : memref<128x64xf32, #tpu.memory_space<vmem>>)
      %dma_start3A_212 = arith.constant 0 : i32
      %dma_start3A_213 = arith.constant 0 : i32
      %dma_start3A_214 = tpu.memref_slice %arg37[%dma_start3A_212, %dma_start3A_213] : memref<10240x64xf32, #tpu.memory_space<vmem_shared>> -> memref<10240x64xf32, #tpu.memory_space<vmem_shared>>
      tpu.enqueue_indirect_dma source(%arg28 : memref<128x64xf32, #tpu.memory_space<vmem>>) target(%dma_start3A_214 : memref<10240x64xf32, #tpu.memory_space<vmem_shared>>) offsets(%arg18 : memref<128xi32, #tpu.memory_space<vmem>>) semaphore(%arg59 : memref<!tpu.dma_semaphore, #tpu.memory_space<semaphore_mem>>) {add = true}
      %add3A_215 = arith.constant 6 : i32
      %add3A_216 = arith.addi %add3A_208, %add3A_215 : i32
      %lt3A_217 = arith.constant 80 : i32
      %lt3A_218 = arith.cmpi slt, %add3A_216, %lt3A_217 : i32
      %convert_element_type3A_219 = arith.extui %lt3A_218 : i1 to i32
      %cond3A_220 = arith.constant 0 : i32
      %cond3A_221 = arith.cmpi ne, %convert_element_type3A_219, %cond3A_220 : i32
      scf.if %cond3A_221 {
        %ge3A = arith.constant 10 : i32
        %ge3A_421 = arith.cmpi sge, %add3A_216, %ge3A : i32
        %convert_element_type3A_422 = arith.extui %ge3A_421 : i1 to i32
        %cond3A_423 = arith.constant 0 : i32
        %cond3A_424 = arith.cmpi ne, %convert_element_type3A_422, %cond3A_423 : i32
        scf.if %cond3A_424 {
          %dma_wait3A_440 = arith.constant 0 : i32
          %dma_wait3A_441 = arith.constant 0 : i32
          %dma_wait3A_442 = tpu.memref_slice %arg37[%dma_wait3A_440, %dma_wait3A_441] : memref<10240x64xf32, #tpu.memory_space<vmem_shared>> -> memref<10240x64xf32, #tpu.memory_space<vmem_shared>>
          tpu.wait_indirect_dma semaphore(%arg65 : memref<!tpu.dma_semaphore, #tpu.memory_space<semaphore_mem>>) src(%arg34 : memref<128x64xf32, #tpu.memory_space<vmem>>) dst(%dma_wait3A_442 : memref<10240x64xf32, #tpu.memory_space<vmem_shared>>)
        } else {
        }
        %mul3A_425 = arith.constant 32 : i32
        %mul3A_426 = arith.muli %add3A_216, %mul3A_425 : i32
        %add3A_427 = arith.addi %add3A, %mul3A_426 : i32
        %dma_start3A_428 = arith.constant 0 : i32
        %dma_start3A_429 = tpu.memref_slice %arg3[%add3A_427, %dma_start3A_428] : memref<2560x128xi32, #tpu.memory_space<hbm>> -> memref<1x128xi32, #tpu.memory_space<hbm>>
        %dma_start3A_430 = tpu.memref_squeeze %dma_start3A_429 : memref<1x128xi32, #tpu.memory_space<hbm>> -> memref<128xi32, #tpu.memory_space<hbm>>
        %dma_start3A_431 = arith.constant 0 : i32
        %dma_start3A_432 = tpu.memref_slice %arg3[%add3A_427, %dma_start3A_431] : memref<2560x128xi32, #tpu.memory_space<hbm>> -> memref<1x128xi32, #tpu.memory_space<hbm>>
        %dma_start3A_433 = tpu.memref_squeeze %dma_start3A_432 : memref<1x128xi32, #tpu.memory_space<hbm>> -> memref<128xi32, #tpu.memory_space<hbm>>
        tpu.enqueue_dma source(%dma_start3A_433 : memref<128xi32, #tpu.memory_space<hbm>>) target(%arg14 : memref<128xi32, #tpu.memory_space<vmem>>) target_semaphore(%arg45 : memref<!tpu.dma_semaphore, #tpu.memory_space<semaphore_mem>>)
        %dma_start3A_434 = arith.constant 0 : i32
        %dma_start3A_435 = tpu.memref_slice %arg4[%add3A_427, %dma_start3A_434] : memref<2560x128xi32, #tpu.memory_space<hbm>> -> memref<1x128xi32, #tpu.memory_space<hbm>>
        %dma_start3A_436 = tpu.memref_squeeze %dma_start3A_435 : memref<1x128xi32, #tpu.memory_space<hbm>> -> memref<128xi32, #tpu.memory_space<hbm>>
        %dma_start3A_437 = arith.constant 0 : i32
        %dma_start3A_438 = tpu.memref_slice %arg4[%add3A_427, %dma_start3A_437] : memref<2560x128xi32, #tpu.memory_space<hbm>> -> memref<1x128xi32, #tpu.memory_space<hbm>>
        %dma_start3A_439 = tpu.memref_squeeze %dma_start3A_438 : memref<1x128xi32, #tpu.memory_space<hbm>> -> memref<128xi32, #tpu.memory_space<hbm>>
        tpu.enqueue_dma source(%dma_start3A_439 : memref<128xi32, #tpu.memory_space<hbm>>) target(%arg24 : memref<128xi32, #tpu.memory_space<vmem>>) target_semaphore(%arg45 : memref<!tpu.dma_semaphore, #tpu.memory_space<semaphore_mem>>)
      } else {
      }
      %add3A_222 = arith.constant 3 : i32
      %add3A_223 = arith.addi %add3A_208, %add3A_222 : i32
      %lt3A_224 = arith.constant 80 : i32
      %lt3A_225 = arith.cmpi slt, %add3A_223, %lt3A_224 : i32
      %convert_element_type3A_226 = arith.extui %lt3A_225 : i1 to i32
      %cond3A_227 = arith.constant 0 : i32
      %cond3A_228 = arith.cmpi ne, %convert_element_type3A_226, %cond3A_227 : i32
      scf.if %cond3A_228 {
        %mul3A_421 = arith.constant 32 : i32
        %mul3A_422 = arith.muli %add3A_223, %mul3A_421 : i32
        %add3A_423 = arith.addi %add3A, %mul3A_422 : i32
        %dma_wait3A_424 = arith.constant 0 : i32
        %dma_wait3A_425 = tpu.memref_slice %arg3[%add3A_423, %dma_wait3A_424] : memref<2560x128xi32, #tpu.memory_space<hbm>> -> memref<1x128xi32, #tpu.memory_space<hbm>>
        %dma_wait3A_426 = tpu.memref_squeeze %dma_wait3A_425 : memref<1x128xi32, #tpu.memory_space<hbm>> -> memref<128xi32, #tpu.memory_space<hbm>>
        %dma_wait3A_427 = arith.constant 0 : i32
        %dma_wait3A_428 = tpu.memref_slice %arg3[%add3A_423, %dma_wait3A_427] : memref<2560x128xi32, #tpu.memory_space<hbm>> -> memref<1x128xi32, #tpu.memory_space<hbm>>
        %dma_wait3A_429 = tpu.memref_squeeze %dma_wait3A_428 : memref<1x128xi32, #tpu.memory_space<hbm>> -> memref<128xi32, #tpu.memory_space<hbm>>
        tpu.wait_dma2 semaphore(%arg42 : memref<!tpu.dma_semaphore, #tpu.memory_space<semaphore_mem>>) src(%dma_wait3A_429 : memref<128xi32, #tpu.memory_space<hbm>>) dst(%arg11 : memref<128xi32, #tpu.memory_space<vmem>>)
        %dma_wait3A_430 = arith.constant 0 : i32
        %dma_wait3A_431 = tpu.memref_slice %arg4[%add3A_423, %dma_wait3A_430] : memref<2560x128xi32, #tpu.memory_space<hbm>> -> memref<1x128xi32, #tpu.memory_space<hbm>>
        %dma_wait3A_432 = tpu.memref_squeeze %dma_wait3A_431 : memref<1x128xi32, #tpu.memory_space<hbm>> -> memref<128xi32, #tpu.memory_space<hbm>>
        %dma_wait3A_433 = arith.constant 0 : i32
        %dma_wait3A_434 = tpu.memref_slice %arg4[%add3A_423, %dma_wait3A_433] : memref<2560x128xi32, #tpu.memory_space<hbm>> -> memref<1x128xi32, #tpu.memory_space<hbm>>
        %dma_wait3A_435 = tpu.memref_squeeze %dma_wait3A_434 : memref<1x128xi32, #tpu.memory_space<hbm>> -> memref<128xi32, #tpu.memory_space<hbm>>
        tpu.wait_dma2 semaphore(%arg42 : memref<!tpu.dma_semaphore, #tpu.memory_space<semaphore_mem>>) src(%dma_wait3A_435 : memref<128xi32, #tpu.memory_space<hbm>>) dst(%arg21 : memref<128xi32, #tpu.memory_space<vmem>>)
        %dma_start3A_436 = arith.constant 0 : i32
        %dma_start3A_437 = arith.constant 0 : i32
        %dma_start3A_438 = tpu.memref_slice %arg2[%dma_start3A_436, %dma_start3A_437] : memref<10240x64xf32, #tpu.memory_space<hbm>> -> memref<10240x64xf32, #tpu.memory_space<hbm>>
        tpu.enqueue_indirect_dma source(%dma_start3A_438 : memref<10240x64xf32, #tpu.memory_space<hbm>>) target(%arg31 : memref<128x64xf32, #tpu.memory_space<vmem>>) offsets(%arg11 : memref<128xi32, #tpu.memory_space<vmem>>) semaphore(%arg52 : memref<!tpu.dma_semaphore, #tpu.memory_space<semaphore_mem>>)
      } else {
      }
      %mul3A_229 = arith.constant 10 : i32
      %mul3A_230 = arith.muli %scan3A_183, %mul3A_229 : i32
      %add3A_231 = arith.constant 2 : i32
      %add3A_232 = arith.addi %mul3A_230, %add3A_231 : i32
      %dma_wait3A_233 = arith.constant 0 : i32
      %dma_wait3A_234 = arith.constant 0 : i32
      %dma_wait3A_235 = tpu.memref_slice %arg2[%dma_wait3A_233, %dma_wait3A_234] : memref<10240x64xf32, #tpu.memory_space<hbm>> -> memref<10240x64xf32, #tpu.memory_space<hbm>>
      tpu.wait_indirect_dma semaphore(%arg50 : memref<!tpu.dma_semaphore, #tpu.memory_space<semaphore_mem>>) src(%dma_wait3A_235 : memref<10240x64xf32, #tpu.memory_space<hbm>>) dst(%arg29 : memref<128x64xf32, #tpu.memory_space<vmem>>)
      %dma_start3A_236 = arith.constant 0 : i32
      %dma_start3A_237 = arith.constant 0 : i32
      %dma_start3A_238 = tpu.memref_slice %arg37[%dma_start3A_236, %dma_start3A_237] : memref<10240x64xf32, #tpu.memory_space<vmem_shared>> -> memref<10240x64xf32, #tpu.memory_space<vmem_shared>>
      tpu.enqueue_indirect_dma source(%arg29 : memref<128x64xf32, #tpu.memory_space<vmem>>) target(%dma_start3A_238 : memref<10240x64xf32, #tpu.memory_space<vmem_shared>>) offsets(%arg19 : memref<128xi32, #tpu.memory_space<vmem>>) semaphore(%arg60 : memref<!tpu.dma_semaphore, #tpu.memory_space<semaphore_mem>>) {add = true}
      %add3A_239 = arith.constant 6 : i32
      %add3A_240 = arith.addi %add3A_232, %add3A_239 : i32
      %lt3A_241 = arith.constant 80 : i32
      %lt3A_242 = arith.cmpi slt, %add3A_240, %lt3A_241 : i32
      %convert_element_type3A_243 = arith.extui %lt3A_242 : i1 to i32
      %cond3A_244 = arith.constant 0 : i32
      %cond3A_245 = arith.cmpi ne, %convert_element_type3A_243, %cond3A_244 : i32
      scf.if %cond3A_245 {
        %ge3A = arith.constant 10 : i32
        %ge3A_421 = arith.cmpi sge, %add3A_240, %ge3A : i32
        %convert_element_type3A_422 = arith.extui %ge3A_421 : i1 to i32
        %cond3A_423 = arith.constant 0 : i32
        %cond3A_424 = arith.cmpi ne, %convert_element_type3A_422, %cond3A_423 : i32
        scf.if %cond3A_424 {
          %dma_wait3A_440 = arith.constant 0 : i32
          %dma_wait3A_441 = arith.constant 0 : i32
          %dma_wait3A_442 = tpu.memref_slice %arg37[%dma_wait3A_440, %dma_wait3A_441] : memref<10240x64xf32, #tpu.memory_space<vmem_shared>> -> memref<10240x64xf32, #tpu.memory_space<vmem_shared>>
          tpu.wait_indirect_dma semaphore(%arg66 : memref<!tpu.dma_semaphore, #tpu.memory_space<semaphore_mem>>) src(%arg35 : memref<128x64xf32, #tpu.memory_space<vmem>>) dst(%dma_wait3A_442 : memref<10240x64xf32, #tpu.memory_space<vmem_shared>>)
        } else {
        }
        %mul3A_425 = arith.constant 32 : i32
        %mul3A_426 = arith.muli %add3A_240, %mul3A_425 : i32
        %add3A_427 = arith.addi %add3A, %mul3A_426 : i32
        %dma_start3A_428 = arith.constant 0 : i32
        %dma_start3A_429 = tpu.memref_slice %arg3[%add3A_427, %dma_start3A_428] : memref<2560x128xi32, #tpu.memory_space<hbm>> -> memref<1x128xi32, #tpu.memory_space<hbm>>
        %dma_start3A_430 = tpu.memref_squeeze %dma_start3A_429 : memref<1x128xi32, #tpu.memory_space<hbm>> -> memref<128xi32, #tpu.memory_space<hbm>>
        %dma_start3A_431 = arith.constant 0 : i32
        %dma_start3A_432 = tpu.memref_slice %arg3[%add3A_427, %dma_start3A_431] : memref<2560x128xi32, #tpu.memory_space<hbm>> -> memref<1x128xi32, #tpu.memory_space<hbm>>
        %dma_start3A_433 = tpu.memref_squeeze %dma_start3A_432 : memref<1x128xi32, #tpu.memory_space<hbm>> -> memref<128xi32, #tpu.memory_space<hbm>>
        tpu.enqueue_dma source(%dma_start3A_433 : memref<128xi32, #tpu.memory_space<hbm>>) target(%arg15 : memref<128xi32, #tpu.memory_space<vmem>>) target_semaphore(%arg46 : memref<!tpu.dma_semaphore, #tpu.memory_space<semaphore_mem>>)
        %dma_start3A_434 = arith.constant 0 : i32
        %dma_start3A_435 = tpu.memref_slice %arg4[%add3A_427, %dma_start3A_434] : memref<2560x128xi32, #tpu.memory_space<hbm>> -> memref<1x128xi32, #tpu.memory_space<hbm>>
        %dma_start3A_436 = tpu.memref_squeeze %dma_start3A_435 : memref<1x128xi32, #tpu.memory_space<hbm>> -> memref<128xi32, #tpu.memory_space<hbm>>
        %dma_start3A_437 = arith.constant 0 : i32
        %dma_start3A_438 = tpu.memref_slice %arg4[%add3A_427, %dma_start3A_437] : memref<2560x128xi32, #tpu.memory_space<hbm>> -> memref<1x128xi32, #tpu.memory_space<hbm>>
        %dma_start3A_439 = tpu.memref_squeeze %dma_start3A_438 : memref<1x128xi32, #tpu.memory_space<hbm>> -> memref<128xi32, #tpu.memory_space<hbm>>
        tpu.enqueue_dma source(%dma_start3A_439 : memref<128xi32, #tpu.memory_space<hbm>>) target(%arg25 : memref<128xi32, #tpu.memory_space<vmem>>) target_semaphore(%arg46 : memref<!tpu.dma_semaphore, #tpu.memory_space<semaphore_mem>>)
      } else {
      }
      %add3A_246 = arith.constant 3 : i32
      %add3A_247 = arith.addi %add3A_232, %add3A_246 : i32
      %lt3A_248 = arith.constant 80 : i32
      %lt3A_249 = arith.cmpi slt, %add3A_247, %lt3A_248 : i32
      %convert_element_type3A_250 = arith.extui %lt3A_249 : i1 to i32
      %cond3A_251 = arith.constant 0 : i32
      %cond3A_252 = arith.cmpi ne, %convert_element_type3A_250, %cond3A_251 : i32
      scf.if %cond3A_252 {
        %mul3A_421 = arith.constant 32 : i32
        %mul3A_422 = arith.muli %add3A_247, %mul3A_421 : i32
        %add3A_423 = arith.addi %add3A, %mul3A_422 : i32
        %dma_wait3A_424 = arith.constant 0 : i32
        %dma_wait3A_425 = tpu.memref_slice %arg3[%add3A_423, %dma_wait3A_424] : memref<2560x128xi32, #tpu.memory_space<hbm>> -> memref<1x128xi32, #tpu.memory_space<hbm>>
        %dma_wait3A_426 = tpu.memref_squeeze %dma_wait3A_425 : memref<1x128xi32, #tpu.memory_space<hbm>> -> memref<128xi32, #tpu.memory_space<hbm>>
        %dma_wait3A_427 = arith.constant 0 : i32
        %dma_wait3A_428 = tpu.memref_slice %arg3[%add3A_423, %dma_wait3A_427] : memref<2560x128xi32, #tpu.memory_space<hbm>> -> memref<1x128xi32, #tpu.memory_space<hbm>>
        %dma_wait3A_429 = tpu.memref_squeeze %dma_wait3A_428 : memref<1x128xi32, #tpu.memory_space<hbm>> -> memref<128xi32, #tpu.memory_space<hbm>>
        tpu.wait_dma2 semaphore(%arg43 : memref<!tpu.dma_semaphore, #tpu.memory_space<semaphore_mem>>) src(%dma_wait3A_429 : memref<128xi32, #tpu.memory_space<hbm>>) dst(%arg12 : memref<128xi32, #tpu.memory_space<vmem>>)
        %dma_wait3A_430 = arith.constant 0 : i32
        %dma_wait3A_431 = tpu.memref_slice %arg4[%add3A_423, %dma_wait3A_430] : memref<2560x128xi32, #tpu.memory_space<hbm>> -> memref<1x128xi32, #tpu.memory_space<hbm>>
        %dma_wait3A_432 = tpu.memref_squeeze %dma_wait3A_431 : memref<1x128xi32, #tpu.memory_space<hbm>> -> memref<128xi32, #tpu.memory_space<hbm>>
        %dma_wait3A_433 = arith.constant 0 : i32
        %dma_wait3A_434 = tpu.memref_slice %arg4[%add3A_423, %dma_wait3A_433] : memref<2560x128xi32, #tpu.memory_space<hbm>> -> memref<1x128xi32, #tpu.memory_space<hbm>>
        %dma_wait3A_435 = tpu.memref_squeeze %dma_wait3A_434 : memref<1x128xi32, #tpu.memory_space<hbm>> -> memref<128xi32, #tpu.memory_space<hbm>>
        tpu.wait_dma2 semaphore(%arg43 : memref<!tpu.dma_semaphore, #tpu.memory_space<semaphore_mem>>) src(%dma_wait3A_435 : memref<128xi32, #tpu.memory_space<hbm>>) dst(%arg22 : memref<128xi32, #tpu.memory_space<vmem>>)
        %dma_start3A_436 = arith.constant 0 : i32
        %dma_start3A_437 = arith.constant 0 : i32
        %dma_start3A_438 = tpu.memref_slice %arg2[%dma_start3A_436, %dma_start3A_437] : memref<10240x64xf32, #tpu.memory_space<hbm>> -> memref<10240x64xf32, #tpu.memory_space<hbm>>
        tpu.enqueue_indirect_dma source(%dma_start3A_438 : memref<10240x64xf32, #tpu.memory_space<hbm>>) target(%arg32 : memref<128x64xf32, #tpu.memory_space<vmem>>) offsets(%arg12 : memref<128xi32, #tpu.memory_space<vmem>>) semaphore(%arg53 : memref<!tpu.dma_semaphore, #tpu.memory_space<semaphore_mem>>)
      } else {
      }
      %mul3A_253 = arith.constant 10 : i32
      %mul3A_254 = arith.muli %scan3A_183, %mul3A_253 : i32
      %add3A_255 = arith.constant 3 : i32
      %add3A_256 = arith.addi %mul3A_254, %add3A_255 : i32
      %dma_wait3A_257 = arith.constant 0 : i32
      %dma_wait3A_258 = arith.constant 0 : i32
      %dma_wait3A_259 = tpu.memref_slice %arg2[%dma_wait3A_257, %dma_wait3A_258] : memref<10240x64xf32, #tpu.memory_space<hbm>> -> memref<10240x64xf32, #tpu.memory_space<hbm>>
      tpu.wait_indirect_dma semaphore(%arg51 : memref<!tpu.dma_semaphore, #tpu.memory_space<semaphore_mem>>) src(%dma_wait3A_259 : memref<10240x64xf32, #tpu.memory_space<hbm>>) dst(%arg30 : memref<128x64xf32, #tpu.memory_space<vmem>>)
      %dma_start3A_260 = arith.constant 0 : i32
      %dma_start3A_261 = arith.constant 0 : i32
      %dma_start3A_262 = tpu.memref_slice %arg37[%dma_start3A_260, %dma_start3A_261] : memref<10240x64xf32, #tpu.memory_space<vmem_shared>> -> memref<10240x64xf32, #tpu.memory_space<vmem_shared>>
      tpu.enqueue_indirect_dma source(%arg30 : memref<128x64xf32, #tpu.memory_space<vmem>>) target(%dma_start3A_262 : memref<10240x64xf32, #tpu.memory_space<vmem_shared>>) offsets(%arg20 : memref<128xi32, #tpu.memory_space<vmem>>) semaphore(%arg61 : memref<!tpu.dma_semaphore, #tpu.memory_space<semaphore_mem>>) {add = true}
      %add3A_263 = arith.constant 6 : i32
      %add3A_264 = arith.addi %add3A_256, %add3A_263 : i32
      %lt3A_265 = arith.constant 80 : i32
      %lt3A_266 = arith.cmpi slt, %add3A_264, %lt3A_265 : i32
      %convert_element_type3A_267 = arith.extui %lt3A_266 : i1 to i32
      %cond3A_268 = arith.constant 0 : i32
      %cond3A_269 = arith.cmpi ne, %convert_element_type3A_267, %cond3A_268 : i32
      scf.if %cond3A_269 {
        %ge3A = arith.constant 10 : i32
        %ge3A_421 = arith.cmpi sge, %add3A_264, %ge3A : i32
        %convert_element_type3A_422 = arith.extui %ge3A_421 : i1 to i32
        %cond3A_423 = arith.constant 0 : i32
        %cond3A_424 = arith.cmpi ne, %convert_element_type3A_422, %cond3A_423 : i32
        scf.if %cond3A_424 {
          %dma_wait3A_440 = arith.constant 0 : i32
          %dma_wait3A_441 = arith.constant 0 : i32
          %dma_wait3A_442 = tpu.memref_slice %arg37[%dma_wait3A_440, %dma_wait3A_441] : memref<10240x64xf32, #tpu.memory_space<vmem_shared>> -> memref<10240x64xf32, #tpu.memory_space<vmem_shared>>
          tpu.wait_indirect_dma semaphore(%arg67 : memref<!tpu.dma_semaphore, #tpu.memory_space<semaphore_mem>>) src(%arg36 : memref<128x64xf32, #tpu.memory_space<vmem>>) dst(%dma_wait3A_442 : memref<10240x64xf32, #tpu.memory_space<vmem_shared>>)
        } else {
        }
        %mul3A_425 = arith.constant 32 : i32
        %mul3A_426 = arith.muli %add3A_264, %mul3A_425 : i32
        %add3A_427 = arith.addi %add3A, %mul3A_426 : i32
        %dma_start3A_428 = arith.constant 0 : i32
        %dma_start3A_429 = tpu.memref_slice %arg3[%add3A_427, %dma_start3A_428] : memref<2560x128xi32, #tpu.memory_space<hbm>> -> memref<1x128xi32, #tpu.memory_space<hbm>>
        %dma_start3A_430 = tpu.memref_squeeze %dma_start3A_429 : memref<1x128xi32, #tpu.memory_space<hbm>> -> memref<128xi32, #tpu.memory_space<hbm>>
        %dma_start3A_431 = arith.constant 0 : i32
        %dma_start3A_432 = tpu.memref_slice %arg3[%add3A_427, %dma_start3A_431] : memref<2560x128xi32, #tpu.memory_space<hbm>> -> memref<1x128xi32, #tpu.memory_space<hbm>>
        %dma_start3A_433 = tpu.memref_squeeze %dma_start3A_432 : memref<1x128xi32, #tpu.memory_space<hbm>> -> memref<128xi32, #tpu.memory_space<hbm>>
        tpu.enqueue_dma source(%dma_start3A_433 : memref<128xi32, #tpu.memory_space<hbm>>) target(%arg16 : memref<128xi32, #tpu.memory_space<vmem>>) target_semaphore(%arg47 : memref<!tpu.dma_semaphore, #tpu.memory_space<semaphore_mem>>)
        %dma_start3A_434 = arith.constant 0 : i32
        %dma_start3A_435 = tpu.memref_slice %arg4[%add3A_427, %dma_start3A_434] : memref<2560x128xi32, #tpu.memory_space<hbm>> -> memref<1x128xi32, #tpu.memory_space<hbm>>
        %dma_start3A_436 = tpu.memref_squeeze %dma_start3A_435 : memref<1x128xi32, #tpu.memory_space<hbm>> -> memref<128xi32, #tpu.memory_space<hbm>>
        %dma_start3A_437 = arith.constant 0 : i32
        %dma_start3A_438 = tpu.memref_slice %arg4[%add3A_427, %dma_start3A_437] : memref<2560x128xi32, #tpu.memory_space<hbm>> -> memref<1x128xi32, #tpu.memory_space<hbm>>
        %dma_start3A_439 = tpu.memref_squeeze %dma_start3A_438 : memref<1x128xi32, #tpu.memory_space<hbm>> -> memref<128xi32, #tpu.memory_space<hbm>>
        tpu.enqueue_dma source(%dma_start3A_439 : memref<128xi32, #tpu.memory_space<hbm>>) target(%arg26 : memref<128xi32, #tpu.memory_space<vmem>>) target_semaphore(%arg47 : memref<!tpu.dma_semaphore, #tpu.memory_space<semaphore_mem>>)
      } else {
      }
      %add3A_270 = arith.constant 3 : i32
      %add3A_271 = arith.addi %add3A_256, %add3A_270 : i32
      %lt3A_272 = arith.constant 80 : i32
      %lt3A_273 = arith.cmpi slt, %add3A_271, %lt3A_272 : i32
      %convert_element_type3A_274 = arith.extui %lt3A_273 : i1 to i32
      %cond3A_275 = arith.constant 0 : i32
      %cond3A_276 = arith.cmpi ne, %convert_element_type3A_274, %cond3A_275 : i32
      scf.if %cond3A_276 {
        %mul3A_421 = arith.constant 32 : i32
        %mul3A_422 = arith.muli %add3A_271, %mul3A_421 : i32
        %add3A_423 = arith.addi %add3A, %mul3A_422 : i32
        %dma_wait3A_424 = arith.constant 0 : i32
        %dma_wait3A_425 = tpu.memref_slice %arg3[%add3A_423, %dma_wait3A_424] : memref<2560x128xi32, #tpu.memory_space<hbm>> -> memref<1x128xi32, #tpu.memory_space<hbm>>
        %dma_wait3A_426 = tpu.memref_squeeze %dma_wait3A_425 : memref<1x128xi32, #tpu.memory_space<hbm>> -> memref<128xi32, #tpu.memory_space<hbm>>
        %dma_wait3A_427 = arith.constant 0 : i32
        %dma_wait3A_428 = tpu.memref_slice %arg3[%add3A_423, %dma_wait3A_427] : memref<2560x128xi32, #tpu.memory_space<hbm>> -> memref<1x128xi32, #tpu.memory_space<hbm>>
        %dma_wait3A_429 = tpu.memref_squeeze %dma_wait3A_428 : memref<1x128xi32, #tpu.memory_space<hbm>> -> memref<128xi32, #tpu.memory_space<hbm>>
        tpu.wait_dma2 semaphore(%arg44 : memref<!tpu.dma_semaphore, #tpu.memory_space<semaphore_mem>>) src(%dma_wait3A_429 : memref<128xi32, #tpu.memory_space<hbm>>) dst(%arg13 : memref<128xi32, #tpu.memory_space<vmem>>)
        %dma_wait3A_430 = arith.constant 0 : i32
        %dma_wait3A_431 = tpu.memref_slice %arg4[%add3A_423, %dma_wait3A_430] : memref<2560x128xi32, #tpu.memory_space<hbm>> -> memref<1x128xi32, #tpu.memory_space<hbm>>
        %dma_wait3A_432 = tpu.memref_squeeze %dma_wait3A_431 : memref<1x128xi32, #tpu.memory_space<hbm>> -> memref<128xi32, #tpu.memory_space<hbm>>
        %dma_wait3A_433 = arith.constant 0 : i32
        %dma_wait3A_434 = tpu.memref_slice %arg4[%add3A_423, %dma_wait3A_433] : memref<2560x128xi32, #tpu.memory_space<hbm>> -> memref<1x128xi32, #tpu.memory_space<hbm>>
        %dma_wait3A_435 = tpu.memref_squeeze %dma_wait3A_434 : memref<1x128xi32, #tpu.memory_space<hbm>> -> memref<128xi32, #tpu.memory_space<hbm>>
        tpu.wait_dma2 semaphore(%arg44 : memref<!tpu.dma_semaphore, #tpu.memory_space<semaphore_mem>>) src(%dma_wait3A_435 : memref<128xi32, #tpu.memory_space<hbm>>) dst(%arg23 : memref<128xi32, #tpu.memory_space<vmem>>)
        %dma_start3A_436 = arith.constant 0 : i32
        %dma_start3A_437 = arith.constant 0 : i32
        %dma_start3A_438 = tpu.memref_slice %arg2[%dma_start3A_436, %dma_start3A_437] : memref<10240x64xf32, #tpu.memory_space<hbm>> -> memref<10240x64xf32, #tpu.memory_space<hbm>>
        tpu.enqueue_indirect_dma source(%dma_start3A_438 : memref<10240x64xf32, #tpu.memory_space<hbm>>) target(%arg33 : memref<128x64xf32, #tpu.memory_space<vmem>>) offsets(%arg13 : memref<128xi32, #tpu.memory_space<vmem>>) semaphore(%arg54 : memref<!tpu.dma_semaphore, #tpu.memory_space<semaphore_mem>>)
      } else {
      }
      %mul3A_277 = arith.constant 10 : i32
      %mul3A_278 = arith.muli %scan3A_183, %mul3A_277 : i32
      %add3A_279 = arith.constant 4 : i32
      %add3A_280 = arith.addi %mul3A_278, %add3A_279 : i32
      %dma_wait3A_281 = arith.constant 0 : i32
      %dma_wait3A_282 = arith.constant 0 : i32
      %dma_wait3A_283 = tpu.memref_slice %arg2[%dma_wait3A_281, %dma_wait3A_282] : memref<10240x64xf32, #tpu.memory_space<hbm>> -> memref<10240x64xf32, #tpu.memory_space<hbm>>
      tpu.wait_indirect_dma semaphore(%arg52 : memref<!tpu.dma_semaphore, #tpu.memory_space<semaphore_mem>>) src(%dma_wait3A_283 : memref<10240x64xf32, #tpu.memory_space<hbm>>) dst(%arg31 : memref<128x64xf32, #tpu.memory_space<vmem>>)
      %dma_start3A_284 = arith.constant 0 : i32
      %dma_start3A_285 = arith.constant 0 : i32
      %dma_start3A_286 = tpu.memref_slice %arg37[%dma_start3A_284, %dma_start3A_285] : memref<10240x64xf32, #tpu.memory_space<vmem_shared>> -> memref<10240x64xf32, #tpu.memory_space<vmem_shared>>
      tpu.enqueue_indirect_dma source(%arg31 : memref<128x64xf32, #tpu.memory_space<vmem>>) target(%dma_start3A_286 : memref<10240x64xf32, #tpu.memory_space<vmem_shared>>) offsets(%arg21 : memref<128xi32, #tpu.memory_space<vmem>>) semaphore(%arg62 : memref<!tpu.dma_semaphore, #tpu.memory_space<semaphore_mem>>) {add = true}
      %add3A_287 = arith.constant 6 : i32
      %add3A_288 = arith.addi %add3A_280, %add3A_287 : i32
      %lt3A_289 = arith.constant 80 : i32
      %lt3A_290 = arith.cmpi slt, %add3A_288, %lt3A_289 : i32
      %convert_element_type3A_291 = arith.extui %lt3A_290 : i1 to i32
      %cond3A_292 = arith.constant 0 : i32
      %cond3A_293 = arith.cmpi ne, %convert_element_type3A_291, %cond3A_292 : i32
      scf.if %cond3A_293 {
        %ge3A = arith.constant 10 : i32
        %ge3A_421 = arith.cmpi sge, %add3A_288, %ge3A : i32
        %convert_element_type3A_422 = arith.extui %ge3A_421 : i1 to i32
        %cond3A_423 = arith.constant 0 : i32
        %cond3A_424 = arith.cmpi ne, %convert_element_type3A_422, %cond3A_423 : i32
        scf.if %cond3A_424 {
          %dma_wait3A_440 = arith.constant 0 : i32
          %dma_wait3A_441 = arith.constant 0 : i32
          %dma_wait3A_442 = tpu.memref_slice %arg37[%dma_wait3A_440, %dma_wait3A_441] : memref<10240x64xf32, #tpu.memory_space<vmem_shared>> -> memref<10240x64xf32, #tpu.memory_space<vmem_shared>>
          tpu.wait_indirect_dma semaphore(%arg58 : memref<!tpu.dma_semaphore, #tpu.memory_space<semaphore_mem>>) src(%arg27 : memref<128x64xf32, #tpu.memory_space<vmem>>) dst(%dma_wait3A_442 : memref<10240x64xf32, #tpu.memory_space<vmem_shared>>)
        } else {
        }
        %mul3A_425 = arith.constant 32 : i32
        %mul3A_426 = arith.muli %add3A_288, %mul3A_425 : i32
        %add3A_427 = arith.addi %add3A, %mul3A_426 : i32
        %dma_start3A_428 = arith.constant 0 : i32
        %dma_start3A_429 = tpu.memref_slice %arg3[%add3A_427, %dma_start3A_428] : memref<2560x128xi32, #tpu.memory_space<hbm>> -> memref<1x128xi32, #tpu.memory_space<hbm>>
        %dma_start3A_430 = tpu.memref_squeeze %dma_start3A_429 : memref<1x128xi32, #tpu.memory_space<hbm>> -> memref<128xi32, #tpu.memory_space<hbm>>
        %dma_start3A_431 = arith.constant 0 : i32
        %dma_start3A_432 = tpu.memref_slice %arg3[%add3A_427, %dma_start3A_431] : memref<2560x128xi32, #tpu.memory_space<hbm>> -> memref<1x128xi32, #tpu.memory_space<hbm>>
        %dma_start3A_433 = tpu.memref_squeeze %dma_start3A_432 : memref<1x128xi32, #tpu.memory_space<hbm>> -> memref<128xi32, #tpu.memory_space<hbm>>
        tpu.enqueue_dma source(%dma_start3A_433 : memref<128xi32, #tpu.memory_space<hbm>>) target(%arg7 : memref<128xi32, #tpu.memory_space<vmem>>) target_semaphore(%arg38 : memref<!tpu.dma_semaphore, #tpu.memory_space<semaphore_mem>>)
        %dma_start3A_434 = arith.constant 0 : i32
        %dma_start3A_435 = tpu.memref_slice %arg4[%add3A_427, %dma_start3A_434] : memref<2560x128xi32, #tpu.memory_space<hbm>> -> memref<1x128xi32, #tpu.memory_space<hbm>>
        %dma_start3A_436 = tpu.memref_squeeze %dma_start3A_435 : memref<1x128xi32, #tpu.memory_space<hbm>> -> memref<128xi32, #tpu.memory_space<hbm>>
        %dma_start3A_437 = arith.constant 0 : i32
        %dma_start3A_438 = tpu.memref_slice %arg4[%add3A_427, %dma_start3A_437] : memref<2560x128xi32, #tpu.memory_space<hbm>> -> memref<1x128xi32, #tpu.memory_space<hbm>>
        %dma_start3A_439 = tpu.memref_squeeze %dma_start3A_438 : memref<1x128xi32, #tpu.memory_space<hbm>> -> memref<128xi32, #tpu.memory_space<hbm>>
        tpu.enqueue_dma source(%dma_start3A_439 : memref<128xi32, #tpu.memory_space<hbm>>) target(%arg17 : memref<128xi32, #tpu.memory_space<vmem>>) target_semaphore(%arg38 : memref<!tpu.dma_semaphore, #tpu.memory_space<semaphore_mem>>)
      } else {
      }
      %add3A_294 = arith.constant 3 : i32
      %add3A_295 = arith.addi %add3A_280, %add3A_294 : i32
      %lt3A_296 = arith.constant 80 : i32
      %lt3A_297 = arith.cmpi slt, %add3A_295, %lt3A_296 : i32
      %convert_element_type3A_298 = arith.extui %lt3A_297 : i1 to i32
      %cond3A_299 = arith.constant 0 : i32
      %cond3A_300 = arith.cmpi ne, %convert_element_type3A_298, %cond3A_299 : i32
      scf.if %cond3A_300 {
        %mul3A_421 = arith.constant 32 : i32
        %mul3A_422 = arith.muli %add3A_295, %mul3A_421 : i32
        %add3A_423 = arith.addi %add3A, %mul3A_422 : i32
        %dma_wait3A_424 = arith.constant 0 : i32
        %dma_wait3A_425 = tpu.memref_slice %arg3[%add3A_423, %dma_wait3A_424] : memref<2560x128xi32, #tpu.memory_space<hbm>> -> memref<1x128xi32, #tpu.memory_space<hbm>>
        %dma_wait3A_426 = tpu.memref_squeeze %dma_wait3A_425 : memref<1x128xi32, #tpu.memory_space<hbm>> -> memref<128xi32, #tpu.memory_space<hbm>>
        %dma_wait3A_427 = arith.constant 0 : i32
        %dma_wait3A_428 = tpu.memref_slice %arg3[%add3A_423, %dma_wait3A_427] : memref<2560x128xi32, #tpu.memory_space<hbm>> -> memref<1x128xi32, #tpu.memory_space<hbm>>
        %dma_wait3A_429 = tpu.memref_squeeze %dma_wait3A_428 : memref<1x128xi32, #tpu.memory_space<hbm>> -> memref<128xi32, #tpu.memory_space<hbm>>
        tpu.wait_dma2 semaphore(%arg45 : memref<!tpu.dma_semaphore, #tpu.memory_space<semaphore_mem>>) src(%dma_wait3A_429 : memref<128xi32, #tpu.memory_space<hbm>>) dst(%arg14 : memref<128xi32, #tpu.memory_space<vmem>>)
        %dma_wait3A_430 = arith.constant 0 : i32
        %dma_wait3A_431 = tpu.memref_slice %arg4[%add3A_423, %dma_wait3A_430] : memref<2560x128xi32, #tpu.memory_space<hbm>> -> memref<1x128xi32, #tpu.memory_space<hbm>>
        %dma_wait3A_432 = tpu.memref_squeeze %dma_wait3A_431 : memref<1x128xi32, #tpu.memory_space<hbm>> -> memref<128xi32, #tpu.memory_space<hbm>>
        %dma_wait3A_433 = arith.constant 0 : i32
        %dma_wait3A_434 = tpu.memref_slice %arg4[%add3A_423, %dma_wait3A_433] : memref<2560x128xi32, #tpu.memory_space<hbm>> -> memref<1x128xi32, #tpu.memory_space<hbm>>
        %dma_wait3A_435 = tpu.memref_squeeze %dma_wait3A_434 : memref<1x128xi32, #tpu.memory_space<hbm>> -> memref<128xi32, #tpu.memory_space<hbm>>
        tpu.wait_dma2 semaphore(%arg45 : memref<!tpu.dma_semaphore, #tpu.memory_space<semaphore_mem>>) src(%dma_wait3A_435 : memref<128xi32, #tpu.memory_space<hbm>>) dst(%arg24 : memref<128xi32, #tpu.memory_space<vmem>>)
        %dma_start3A_436 = arith.constant 0 : i32
        %dma_start3A_437 = arith.constant 0 : i32
        %dma_start3A_438 = tpu.memref_slice %arg2[%dma_start3A_436, %dma_start3A_437] : memref<10240x64xf32, #tpu.memory_space<hbm>> -> memref<10240x64xf32, #tpu.memory_space<hbm>>
        tpu.enqueue_indirect_dma source(%dma_start3A_438 : memref<10240x64xf32, #tpu.memory_space<hbm>>) target(%arg34 : memref<128x64xf32, #tpu.memory_space<vmem>>) offsets(%arg14 : memref<128xi32, #tpu.memory_space<vmem>>) semaphore(%arg55 : memref<!tpu.dma_semaphore, #tpu.memory_space<semaphore_mem>>)
      } else {
      }
      %mul3A_301 = arith.constant 10 : i32
      %mul3A_302 = arith.muli %scan3A_183, %mul3A_301 : i32
      %add3A_303 = arith.constant 5 : i32
      %add3A_304 = arith.addi %mul3A_302, %add3A_303 : i32
      %dma_wait3A_305 = arith.constant 0 : i32
      %dma_wait3A_306 = arith.constant 0 : i32
      %dma_wait3A_307 = tpu.memref_slice %arg2[%dma_wait3A_305, %dma_wait3A_306] : memref<10240x64xf32, #tpu.memory_space<hbm>> -> memref<10240x64xf32, #tpu.memory_space<hbm>>
      tpu.wait_indirect_dma semaphore(%arg53 : memref<!tpu.dma_semaphore, #tpu.memory_space<semaphore_mem>>) src(%dma_wait3A_307 : memref<10240x64xf32, #tpu.memory_space<hbm>>) dst(%arg32 : memref<128x64xf32, #tpu.memory_space<vmem>>)
      %dma_start3A_308 = arith.constant 0 : i32
      %dma_start3A_309 = arith.constant 0 : i32
      %dma_start3A_310 = tpu.memref_slice %arg37[%dma_start3A_308, %dma_start3A_309] : memref<10240x64xf32, #tpu.memory_space<vmem_shared>> -> memref<10240x64xf32, #tpu.memory_space<vmem_shared>>
      tpu.enqueue_indirect_dma source(%arg32 : memref<128x64xf32, #tpu.memory_space<vmem>>) target(%dma_start3A_310 : memref<10240x64xf32, #tpu.memory_space<vmem_shared>>) offsets(%arg22 : memref<128xi32, #tpu.memory_space<vmem>>) semaphore(%arg63 : memref<!tpu.dma_semaphore, #tpu.memory_space<semaphore_mem>>) {add = true}
      %add3A_311 = arith.constant 6 : i32
      %add3A_312 = arith.addi %add3A_304, %add3A_311 : i32
      %lt3A_313 = arith.constant 80 : i32
      %lt3A_314 = arith.cmpi slt, %add3A_312, %lt3A_313 : i32
      %convert_element_type3A_315 = arith.extui %lt3A_314 : i1 to i32
      %cond3A_316 = arith.constant 0 : i32
      %cond3A_317 = arith.cmpi ne, %convert_element_type3A_315, %cond3A_316 : i32
      scf.if %cond3A_317 {
        %ge3A = arith.constant 10 : i32
        %ge3A_421 = arith.cmpi sge, %add3A_312, %ge3A : i32
        %convert_element_type3A_422 = arith.extui %ge3A_421 : i1 to i32
        %cond3A_423 = arith.constant 0 : i32
        %cond3A_424 = arith.cmpi ne, %convert_element_type3A_422, %cond3A_423 : i32
        scf.if %cond3A_424 {
          %dma_wait3A_440 = arith.constant 0 : i32
          %dma_wait3A_441 = arith.constant 0 : i32
          %dma_wait3A_442 = tpu.memref_slice %arg37[%dma_wait3A_440, %dma_wait3A_441] : memref<10240x64xf32, #tpu.memory_space<vmem_shared>> -> memref<10240x64xf32, #tpu.memory_space<vmem_shared>>
          tpu.wait_indirect_dma semaphore(%arg59 : memref<!tpu.dma_semaphore, #tpu.memory_space<semaphore_mem>>) src(%arg28 : memref<128x64xf32, #tpu.memory_space<vmem>>) dst(%dma_wait3A_442 : memref<10240x64xf32, #tpu.memory_space<vmem_shared>>)
        } else {
        }
        %mul3A_425 = arith.constant 32 : i32
        %mul3A_426 = arith.muli %add3A_312, %mul3A_425 : i32
        %add3A_427 = arith.addi %add3A, %mul3A_426 : i32
        %dma_start3A_428 = arith.constant 0 : i32
        %dma_start3A_429 = tpu.memref_slice %arg3[%add3A_427, %dma_start3A_428] : memref<2560x128xi32, #tpu.memory_space<hbm>> -> memref<1x128xi32, #tpu.memory_space<hbm>>
        %dma_start3A_430 = tpu.memref_squeeze %dma_start3A_429 : memref<1x128xi32, #tpu.memory_space<hbm>> -> memref<128xi32, #tpu.memory_space<hbm>>
        %dma_start3A_431 = arith.constant 0 : i32
        %dma_start3A_432 = tpu.memref_slice %arg3[%add3A_427, %dma_start3A_431] : memref<2560x128xi32, #tpu.memory_space<hbm>> -> memref<1x128xi32, #tpu.memory_space<hbm>>
        %dma_start3A_433 = tpu.memref_squeeze %dma_start3A_432 : memref<1x128xi32, #tpu.memory_space<hbm>> -> memref<128xi32, #tpu.memory_space<hbm>>
        tpu.enqueue_dma source(%dma_start3A_433 : memref<128xi32, #tpu.memory_space<hbm>>) target(%arg8 : memref<128xi32, #tpu.memory_space<vmem>>) target_semaphore(%arg39 : memref<!tpu.dma_semaphore, #tpu.memory_space<semaphore_mem>>)
        %dma_start3A_434 = arith.constant 0 : i32
        %dma_start3A_435 = tpu.memref_slice %arg4[%add3A_427, %dma_start3A_434] : memref<2560x128xi32, #tpu.memory_space<hbm>> -> memref<1x128xi32, #tpu.memory_space<hbm>>
        %dma_start3A_436 = tpu.memref_squeeze %dma_start3A_435 : memref<1x128xi32, #tpu.memory_space<hbm>> -> memref<128xi32, #tpu.memory_space<hbm>>
        %dma_start3A_437 = arith.constant 0 : i32
        %dma_start3A_438 = tpu.memref_slice %arg4[%add3A_427, %dma_start3A_437] : memref<2560x128xi32, #tpu.memory_space<hbm>> -> memref<1x128xi32, #tpu.memory_space<hbm>>
        %dma_start3A_439 = tpu.memref_squeeze %dma_start3A_438 : memref<1x128xi32, #tpu.memory_space<hbm>> -> memref<128xi32, #tpu.memory_space<hbm>>
        tpu.enqueue_dma source(%dma_start3A_439 : memref<128xi32, #tpu.memory_space<hbm>>) target(%arg18 : memref<128xi32, #tpu.memory_space<vmem>>) target_semaphore(%arg39 : memref<!tpu.dma_semaphore, #tpu.memory_space<semaphore_mem>>)
      } else {
      }
      %add3A_318 = arith.constant 3 : i32
      %add3A_319 = arith.addi %add3A_304, %add3A_318 : i32
      %lt3A_320 = arith.constant 80 : i32
      %lt3A_321 = arith.cmpi slt, %add3A_319, %lt3A_320 : i32
      %convert_element_type3A_322 = arith.extui %lt3A_321 : i1 to i32
      %cond3A_323 = arith.constant 0 : i32
      %cond3A_324 = arith.cmpi ne, %convert_element_type3A_322, %cond3A_323 : i32
      scf.if %cond3A_324 {
        %mul3A_421 = arith.constant 32 : i32
        %mul3A_422 = arith.muli %add3A_319, %mul3A_421 : i32
        %add3A_423 = arith.addi %add3A, %mul3A_422 : i32
        %dma_wait3A_424 = arith.constant 0 : i32
        %dma_wait3A_425 = tpu.memref_slice %arg3[%add3A_423, %dma_wait3A_424] : memref<2560x128xi32, #tpu.memory_space<hbm>> -> memref<1x128xi32, #tpu.memory_space<hbm>>
        %dma_wait3A_426 = tpu.memref_squeeze %dma_wait3A_425 : memref<1x128xi32, #tpu.memory_space<hbm>> -> memref<128xi32, #tpu.memory_space<hbm>>
        %dma_wait3A_427 = arith.constant 0 : i32
        %dma_wait3A_428 = tpu.memref_slice %arg3[%add3A_423, %dma_wait3A_427] : memref<2560x128xi32, #tpu.memory_space<hbm>> -> memref<1x128xi32, #tpu.memory_space<hbm>>
        %dma_wait3A_429 = tpu.memref_squeeze %dma_wait3A_428 : memref<1x128xi32, #tpu.memory_space<hbm>> -> memref<128xi32, #tpu.memory_space<hbm>>
        tpu.wait_dma2 semaphore(%arg46 : memref<!tpu.dma_semaphore, #tpu.memory_space<semaphore_mem>>) src(%dma_wait3A_429 : memref<128xi32, #tpu.memory_space<hbm>>) dst(%arg15 : memref<128xi32, #tpu.memory_space<vmem>>)
        %dma_wait3A_430 = arith.constant 0 : i32
        %dma_wait3A_431 = tpu.memref_slice %arg4[%add3A_423, %dma_wait3A_430] : memref<2560x128xi32, #tpu.memory_space<hbm>> -> memref<1x128xi32, #tpu.memory_space<hbm>>
        %dma_wait3A_432 = tpu.memref_squeeze %dma_wait3A_431 : memref<1x128xi32, #tpu.memory_space<hbm>> -> memref<128xi32, #tpu.memory_space<hbm>>
        %dma_wait3A_433 = arith.constant 0 : i32
        %dma_wait3A_434 = tpu.memref_slice %arg4[%add3A_423, %dma_wait3A_433] : memref<2560x128xi32, #tpu.memory_space<hbm>> -> memref<1x128xi32, #tpu.memory_space<hbm>>
        %dma_wait3A_435 = tpu.memref_squeeze %dma_wait3A_434 : memref<1x128xi32, #tpu.memory_space<hbm>> -> memref<128xi32, #tpu.memory_space<hbm>>
        tpu.wait_dma2 semaphore(%arg46 : memref<!tpu.dma_semaphore, #tpu.memory_space<semaphore_mem>>) src(%dma_wait3A_435 : memref<128xi32, #tpu.memory_space<hbm>>) dst(%arg25 : memref<128xi32, #tpu.memory_space<vmem>>)
        %dma_start3A_436 = arith.constant 0 : i32
        %dma_start3A_437 = arith.constant 0 : i32
        %dma_start3A_438 = tpu.memref_slice %arg2[%dma_start3A_436, %dma_start3A_437] : memref<10240x64xf32, #tpu.memory_space<hbm>> -> memref<10240x64xf32, #tpu.memory_space<hbm>>
        tpu.enqueue_indirect_dma source(%dma_start3A_438 : memref<10240x64xf32, #tpu.memory_space<hbm>>) target(%arg35 : memref<128x64xf32, #tpu.memory_space<vmem>>) offsets(%arg15 : memref<128xi32, #tpu.memory_space<vmem>>) semaphore(%arg56 : memref<!tpu.dma_semaphore, #tpu.memory_space<semaphore_mem>>)
      } else {
      }
      %mul3A_325 = arith.constant 10 : i32
      %mul3A_326 = arith.muli %scan3A_183, %mul3A_325 : i32
      %add3A_327 = arith.constant 6 : i32
      %add3A_328 = arith.addi %mul3A_326, %add3A_327 : i32
      %dma_wait3A_329 = arith.constant 0 : i32
      %dma_wait3A_330 = arith.constant 0 : i32
      %dma_wait3A_331 = tpu.memref_slice %arg2[%dma_wait3A_329, %dma_wait3A_330] : memref<10240x64xf32, #tpu.memory_space<hbm>> -> memref<10240x64xf32, #tpu.memory_space<hbm>>
      tpu.wait_indirect_dma semaphore(%arg54 : memref<!tpu.dma_semaphore, #tpu.memory_space<semaphore_mem>>) src(%dma_wait3A_331 : memref<10240x64xf32, #tpu.memory_space<hbm>>) dst(%arg33 : memref<128x64xf32, #tpu.memory_space<vmem>>)
      %dma_start3A_332 = arith.constant 0 : i32
      %dma_start3A_333 = arith.constant 0 : i32
      %dma_start3A_334 = tpu.memref_slice %arg37[%dma_start3A_332, %dma_start3A_333] : memref<10240x64xf32, #tpu.memory_space<vmem_shared>> -> memref<10240x64xf32, #tpu.memory_space<vmem_shared>>
      tpu.enqueue_indirect_dma source(%arg33 : memref<128x64xf32, #tpu.memory_space<vmem>>) target(%dma_start3A_334 : memref<10240x64xf32, #tpu.memory_space<vmem_shared>>) offsets(%arg23 : memref<128xi32, #tpu.memory_space<vmem>>) semaphore(%arg64 : memref<!tpu.dma_semaphore, #tpu.memory_space<semaphore_mem>>) {add = true}
      %add3A_335 = arith.constant 6 : i32
      %add3A_336 = arith.addi %add3A_328, %add3A_335 : i32
      %lt3A_337 = arith.constant 80 : i32
      %lt3A_338 = arith.cmpi slt, %add3A_336, %lt3A_337 : i32
      %convert_element_type3A_339 = arith.extui %lt3A_338 : i1 to i32
      %cond3A_340 = arith.constant 0 : i32
      %cond3A_341 = arith.cmpi ne, %convert_element_type3A_339, %cond3A_340 : i32
      scf.if %cond3A_341 {
        %ge3A = arith.constant 10 : i32
        %ge3A_421 = arith.cmpi sge, %add3A_336, %ge3A : i32
        %convert_element_type3A_422 = arith.extui %ge3A_421 : i1 to i32
        %cond3A_423 = arith.constant 0 : i32
        %cond3A_424 = arith.cmpi ne, %convert_element_type3A_422, %cond3A_423 : i32
        scf.if %cond3A_424 {
          %dma_wait3A_440 = arith.constant 0 : i32
          %dma_wait3A_441 = arith.constant 0 : i32
          %dma_wait3A_442 = tpu.memref_slice %arg37[%dma_wait3A_440, %dma_wait3A_441] : memref<10240x64xf32, #tpu.memory_space<vmem_shared>> -> memref<10240x64xf32, #tpu.memory_space<vmem_shared>>
          tpu.wait_indirect_dma semaphore(%arg60 : memref<!tpu.dma_semaphore, #tpu.memory_space<semaphore_mem>>) src(%arg29 : memref<128x64xf32, #tpu.memory_space<vmem>>) dst(%dma_wait3A_442 : memref<10240x64xf32, #tpu.memory_space<vmem_shared>>)
        } else {
        }
        %mul3A_425 = arith.constant 32 : i32
        %mul3A_426 = arith.muli %add3A_336, %mul3A_425 : i32
        %add3A_427 = arith.addi %add3A, %mul3A_426 : i32
        %dma_start3A_428 = arith.constant 0 : i32
        %dma_start3A_429 = tpu.memref_slice %arg3[%add3A_427, %dma_start3A_428] : memref<2560x128xi32, #tpu.memory_space<hbm>> -> memref<1x128xi32, #tpu.memory_space<hbm>>
        %dma_start3A_430 = tpu.memref_squeeze %dma_start3A_429 : memref<1x128xi32, #tpu.memory_space<hbm>> -> memref<128xi32, #tpu.memory_space<hbm>>
        %dma_start3A_431 = arith.constant 0 : i32
        %dma_start3A_432 = tpu.memref_slice %arg3[%add3A_427, %dma_start3A_431] : memref<2560x128xi32, #tpu.memory_space<hbm>> -> memref<1x128xi32, #tpu.memory_space<hbm>>
        %dma_start3A_433 = tpu.memref_squeeze %dma_start3A_432 : memref<1x128xi32, #tpu.memory_space<hbm>> -> memref<128xi32, #tpu.memory_space<hbm>>
        tpu.enqueue_dma source(%dma_start3A_433 : memref<128xi32, #tpu.memory_space<hbm>>) target(%arg9 : memref<128xi32, #tpu.memory_space<vmem>>) target_semaphore(%arg40 : memref<!tpu.dma_semaphore, #tpu.memory_space<semaphore_mem>>)
        %dma_start3A_434 = arith.constant 0 : i32
        %dma_start3A_435 = tpu.memref_slice %arg4[%add3A_427, %dma_start3A_434] : memref<2560x128xi32, #tpu.memory_space<hbm>> -> memref<1x128xi32, #tpu.memory_space<hbm>>
        %dma_start3A_436 = tpu.memref_squeeze %dma_start3A_435 : memref<1x128xi32, #tpu.memory_space<hbm>> -> memref<128xi32, #tpu.memory_space<hbm>>
        %dma_start3A_437 = arith.constant 0 : i32
        %dma_start3A_438 = tpu.memref_slice %arg4[%add3A_427, %dma_start3A_437] : memref<2560x128xi32, #tpu.memory_space<hbm>> -> memref<1x128xi32, #tpu.memory_space<hbm>>
        %dma_start3A_439 = tpu.memref_squeeze %dma_start3A_438 : memref<1x128xi32, #tpu.memory_space<hbm>> -> memref<128xi32, #tpu.memory_space<hbm>>
        tpu.enqueue_dma source(%dma_start3A_439 : memref<128xi32, #tpu.memory_space<hbm>>) target(%arg19 : memref<128xi32, #tpu.memory_space<vmem>>) target_semaphore(%arg40 : memref<!tpu.dma_semaphore, #tpu.memory_space<semaphore_mem>>)
      } else {
      }
      %add3A_342 = arith.constant 3 : i32
      %add3A_343 = arith.addi %add3A_328, %add3A_342 : i32
      %lt3A_344 = arith.constant 80 : i32
      %lt3A_345 = arith.cmpi slt, %add3A_343, %lt3A_344 : i32
      %convert_element_type3A_346 = arith.extui %lt3A_345 : i1 to i32
      %cond3A_347 = arith.constant 0 : i32
      %cond3A_348 = arith.cmpi ne, %convert_element_type3A_346, %cond3A_347 : i32
      scf.if %cond3A_348 {
        %mul3A_421 = arith.constant 32 : i32
        %mul3A_422 = arith.muli %add3A_343, %mul3A_421 : i32
        %add3A_423 = arith.addi %add3A, %mul3A_422 : i32
        %dma_wait3A_424 = arith.constant 0 : i32
        %dma_wait3A_425 = tpu.memref_slice %arg3[%add3A_423, %dma_wait3A_424] : memref<2560x128xi32, #tpu.memory_space<hbm>> -> memref<1x128xi32, #tpu.memory_space<hbm>>
        %dma_wait3A_426 = tpu.memref_squeeze %dma_wait3A_425 : memref<1x128xi32, #tpu.memory_space<hbm>> -> memref<128xi32, #tpu.memory_space<hbm>>
        %dma_wait3A_427 = arith.constant 0 : i32
        %dma_wait3A_428 = tpu.memref_slice %arg3[%add3A_423, %dma_wait3A_427] : memref<2560x128xi32, #tpu.memory_space<hbm>> -> memref<1x128xi32, #tpu.memory_space<hbm>>
        %dma_wait3A_429 = tpu.memref_squeeze %dma_wait3A_428 : memref<1x128xi32, #tpu.memory_space<hbm>> -> memref<128xi32, #tpu.memory_space<hbm>>
        tpu.wait_dma2 semaphore(%arg47 : memref<!tpu.dma_semaphore, #tpu.memory_space<semaphore_mem>>) src(%dma_wait3A_429 : memref<128xi32, #tpu.memory_space<hbm>>) dst(%arg16 : memref<128xi32, #tpu.memory_space<vmem>>)
        %dma_wait3A_430 = arith.constant 0 : i32
        %dma_wait3A_431 = tpu.memref_slice %arg4[%add3A_423, %dma_wait3A_430] : memref<2560x128xi32, #tpu.memory_space<hbm>> -> memref<1x128xi32, #tpu.memory_space<hbm>>
        %dma_wait3A_432 = tpu.memref_squeeze %dma_wait3A_431 : memref<1x128xi32, #tpu.memory_space<hbm>> -> memref<128xi32, #tpu.memory_space<hbm>>
        %dma_wait3A_433 = arith.constant 0 : i32
        %dma_wait3A_434 = tpu.memref_slice %arg4[%add3A_423, %dma_wait3A_433] : memref<2560x128xi32, #tpu.memory_space<hbm>> -> memref<1x128xi32, #tpu.memory_space<hbm>>
        %dma_wait3A_435 = tpu.memref_squeeze %dma_wait3A_434 : memref<1x128xi32, #tpu.memory_space<hbm>> -> memref<128xi32, #tpu.memory_space<hbm>>
        tpu.wait_dma2 semaphore(%arg47 : memref<!tpu.dma_semaphore, #tpu.memory_space<semaphore_mem>>) src(%dma_wait3A_435 : memref<128xi32, #tpu.memory_space<hbm>>) dst(%arg26 : memref<128xi32, #tpu.memory_space<vmem>>)
        %dma_start3A_436 = arith.constant 0 : i32
        %dma_start3A_437 = arith.constant 0 : i32
        %dma_start3A_438 = tpu.memref_slice %arg2[%dma_start3A_436, %dma_start3A_437] : memref<10240x64xf32, #tpu.memory_space<hbm>> -> memref<10240x64xf32, #tpu.memory_space<hbm>>
        tpu.enqueue_indirect_dma source(%dma_start3A_438 : memref<10240x64xf32, #tpu.memory_space<hbm>>) target(%arg36 : memref<128x64xf32, #tpu.memory_space<vmem>>) offsets(%arg16 : memref<128xi32, #tpu.memory_space<vmem>>) semaphore(%arg57 : memref<!tpu.dma_semaphore, #tpu.memory_space<semaphore_mem>>)
      } else {
      }
      %mul3A_349 = arith.constant 10 : i32
      %mul3A_350 = arith.muli %scan3A_183, %mul3A_349 : i32
      %add3A_351 = arith.constant 7 : i32
      %add3A_352 = arith.addi %mul3A_350, %add3A_351 : i32
      %dma_wait3A_353 = arith.constant 0 : i32
      %dma_wait3A_354 = arith.constant 0 : i32
      %dma_wait3A_355 = tpu.memref_slice %arg2[%dma_wait3A_353, %dma_wait3A_354] : memref<10240x64xf32, #tpu.memory_space<hbm>> -> memref<10240x64xf32, #tpu.memory_space<hbm>>
      tpu.wait_indirect_dma semaphore(%arg55 : memref<!tpu.dma_semaphore, #tpu.memory_space<semaphore_mem>>) src(%dma_wait3A_355 : memref<10240x64xf32, #tpu.memory_space<hbm>>) dst(%arg34 : memref<128x64xf32, #tpu.memory_space<vmem>>)
      %dma_start3A_356 = arith.constant 0 : i32
      %dma_start3A_357 = arith.constant 0 : i32
      %dma_start3A_358 = tpu.memref_slice %arg37[%dma_start3A_356, %dma_start3A_357] : memref<10240x64xf32, #tpu.memory_space<vmem_shared>> -> memref<10240x64xf32, #tpu.memory_space<vmem_shared>>
      tpu.enqueue_indirect_dma source(%arg34 : memref<128x64xf32, #tpu.memory_space<vmem>>) target(%dma_start3A_358 : memref<10240x64xf32, #tpu.memory_space<vmem_shared>>) offsets(%arg24 : memref<128xi32, #tpu.memory_space<vmem>>) semaphore(%arg65 : memref<!tpu.dma_semaphore, #tpu.memory_space<semaphore_mem>>) {add = true}
      %add3A_359 = arith.constant 6 : i32
      %add3A_360 = arith.addi %add3A_352, %add3A_359 : i32
      %lt3A_361 = arith.constant 80 : i32
      %lt3A_362 = arith.cmpi slt, %add3A_360, %lt3A_361 : i32
      %convert_element_type3A_363 = arith.extui %lt3A_362 : i1 to i32
      %cond3A_364 = arith.constant 0 : i32
      %cond3A_365 = arith.cmpi ne, %convert_element_type3A_363, %cond3A_364 : i32
      scf.if %cond3A_365 {
        %ge3A = arith.constant 10 : i32
        %ge3A_421 = arith.cmpi sge, %add3A_360, %ge3A : i32
        %convert_element_type3A_422 = arith.extui %ge3A_421 : i1 to i32
        %cond3A_423 = arith.constant 0 : i32
        %cond3A_424 = arith.cmpi ne, %convert_element_type3A_422, %cond3A_423 : i32
        scf.if %cond3A_424 {
          %dma_wait3A_440 = arith.constant 0 : i32
          %dma_wait3A_441 = arith.constant 0 : i32
          %dma_wait3A_442 = tpu.memref_slice %arg37[%dma_wait3A_440, %dma_wait3A_441] : memref<10240x64xf32, #tpu.memory_space<vmem_shared>> -> memref<10240x64xf32, #tpu.memory_space<vmem_shared>>
          tpu.wait_indirect_dma semaphore(%arg61 : memref<!tpu.dma_semaphore, #tpu.memory_space<semaphore_mem>>) src(%arg30 : memref<128x64xf32, #tpu.memory_space<vmem>>) dst(%dma_wait3A_442 : memref<10240x64xf32, #tpu.memory_space<vmem_shared>>)
        } else {
        }
        %mul3A_425 = arith.constant 32 : i32
        %mul3A_426 = arith.muli %add3A_360, %mul3A_425 : i32
        %add3A_427 = arith.addi %add3A, %mul3A_426 : i32
        %dma_start3A_428 = arith.constant 0 : i32
        %dma_start3A_429 = tpu.memref_slice %arg3[%add3A_427, %dma_start3A_428] : memref<2560x128xi32, #tpu.memory_space<hbm>> -> memref<1x128xi32, #tpu.memory_space<hbm>>
        %dma_start3A_430 = tpu.memref_squeeze %dma_start3A_429 : memref<1x128xi32, #tpu.memory_space<hbm>> -> memref<128xi32, #tpu.memory_space<hbm>>
        %dma_start3A_431 = arith.constant 0 : i32
        %dma_start3A_432 = tpu.memref_slice %arg3[%add3A_427, %dma_start3A_431] : memref<2560x128xi32, #tpu.memory_space<hbm>> -> memref<1x128xi32, #tpu.memory_space<hbm>>
        %dma_start3A_433 = tpu.memref_squeeze %dma_start3A_432 : memref<1x128xi32, #tpu.memory_space<hbm>> -> memref<128xi32, #tpu.memory_space<hbm>>
        tpu.enqueue_dma source(%dma_start3A_433 : memref<128xi32, #tpu.memory_space<hbm>>) target(%arg10 : memref<128xi32, #tpu.memory_space<vmem>>) target_semaphore(%arg41 : memref<!tpu.dma_semaphore, #tpu.memory_space<semaphore_mem>>)
        %dma_start3A_434 = arith.constant 0 : i32
        %dma_start3A_435 = tpu.memref_slice %arg4[%add3A_427, %dma_start3A_434] : memref<2560x128xi32, #tpu.memory_space<hbm>> -> memref<1x128xi32, #tpu.memory_space<hbm>>
        %dma_start3A_436 = tpu.memref_squeeze %dma_start3A_435 : memref<1x128xi32, #tpu.memory_space<hbm>> -> memref<128xi32, #tpu.memory_space<hbm>>
        %dma_start3A_437 = arith.constant 0 : i32
        %dma_start3A_438 = tpu.memref_slice %arg4[%add3A_427, %dma_start3A_437] : memref<2560x128xi32, #tpu.memory_space<hbm>> -> memref<1x128xi32, #tpu.memory_space<hbm>>
        %dma_start3A_439 = tpu.memref_squeeze %dma_start3A_438 : memref<1x128xi32, #tpu.memory_space<hbm>> -> memref<128xi32, #tpu.memory_space<hbm>>
        tpu.enqueue_dma source(%dma_start3A_439 : memref<128xi32, #tpu.memory_space<hbm>>) target(%arg20 : memref<128xi32, #tpu.memory_space<vmem>>) target_semaphore(%arg41 : memref<!tpu.dma_semaphore, #tpu.memory_space<semaphore_mem>>)
      } else {
      }
      %add3A_366 = arith.constant 3 : i32
      %add3A_367 = arith.addi %add3A_352, %add3A_366 : i32
      %lt3A_368 = arith.constant 80 : i32
      %lt3A_369 = arith.cmpi slt, %add3A_367, %lt3A_368 : i32
      %convert_element_type3A_370 = arith.extui %lt3A_369 : i1 to i32
      %cond3A_371 = arith.constant 0 : i32
      %cond3A_372 = arith.cmpi ne, %convert_element_type3A_370, %cond3A_371 : i32
      scf.if %cond3A_372 {
        %mul3A_421 = arith.constant 32 : i32
        %mul3A_422 = arith.muli %add3A_367, %mul3A_421 : i32
        %add3A_423 = arith.addi %add3A, %mul3A_422 : i32
        %dma_wait3A_424 = arith.constant 0 : i32
        %dma_wait3A_425 = tpu.memref_slice %arg3[%add3A_423, %dma_wait3A_424] : memref<2560x128xi32, #tpu.memory_space<hbm>> -> memref<1x128xi32, #tpu.memory_space<hbm>>
        %dma_wait3A_426 = tpu.memref_squeeze %dma_wait3A_425 : memref<1x128xi32, #tpu.memory_space<hbm>> -> memref<128xi32, #tpu.memory_space<hbm>>
        %dma_wait3A_427 = arith.constant 0 : i32
        %dma_wait3A_428 = tpu.memref_slice %arg3[%add3A_423, %dma_wait3A_427] : memref<2560x128xi32, #tpu.memory_space<hbm>> -> memref<1x128xi32, #tpu.memory_space<hbm>>
        %dma_wait3A_429 = tpu.memref_squeeze %dma_wait3A_428 : memref<1x128xi32, #tpu.memory_space<hbm>> -> memref<128xi32, #tpu.memory_space<hbm>>
        tpu.wait_dma2 semaphore(%arg38 : memref<!tpu.dma_semaphore, #tpu.memory_space<semaphore_mem>>) src(%dma_wait3A_429 : memref<128xi32, #tpu.memory_space<hbm>>) dst(%arg7 : memref<128xi32, #tpu.memory_space<vmem>>)
        %dma_wait3A_430 = arith.constant 0 : i32
        %dma_wait3A_431 = tpu.memref_slice %arg4[%add3A_423, %dma_wait3A_430] : memref<2560x128xi32, #tpu.memory_space<hbm>> -> memref<1x128xi32, #tpu.memory_space<hbm>>
        %dma_wait3A_432 = tpu.memref_squeeze %dma_wait3A_431 : memref<1x128xi32, #tpu.memory_space<hbm>> -> memref<128xi32, #tpu.memory_space<hbm>>
        %dma_wait3A_433 = arith.constant 0 : i32
        %dma_wait3A_434 = tpu.memref_slice %arg4[%add3A_423, %dma_wait3A_433] : memref<2560x128xi32, #tpu.memory_space<hbm>> -> memref<1x128xi32, #tpu.memory_space<hbm>>
        %dma_wait3A_435 = tpu.memref_squeeze %dma_wait3A_434 : memref<1x128xi32, #tpu.memory_space<hbm>> -> memref<128xi32, #tpu.memory_space<hbm>>
        tpu.wait_dma2 semaphore(%arg38 : memref<!tpu.dma_semaphore, #tpu.memory_space<semaphore_mem>>) src(%dma_wait3A_435 : memref<128xi32, #tpu.memory_space<hbm>>) dst(%arg17 : memref<128xi32, #tpu.memory_space<vmem>>)
        %dma_start3A_436 = arith.constant 0 : i32
        %dma_start3A_437 = arith.constant 0 : i32
        %dma_start3A_438 = tpu.memref_slice %arg2[%dma_start3A_436, %dma_start3A_437] : memref<10240x64xf32, #tpu.memory_space<hbm>> -> memref<10240x64xf32, #tpu.memory_space<hbm>>
        tpu.enqueue_indirect_dma source(%dma_start3A_438 : memref<10240x64xf32, #tpu.memory_space<hbm>>) target(%arg27 : memref<128x64xf32, #tpu.memory_space<vmem>>) offsets(%arg7 : memref<128xi32, #tpu.memory_space<vmem>>) semaphore(%arg48 : memref<!tpu.dma_semaphore, #tpu.memory_space<semaphore_mem>>)
      } else {
      }
      %mul3A_373 = arith.constant 10 : i32
      %mul3A_374 = arith.muli %scan3A_183, %mul3A_373 : i32
      %add3A_375 = arith.constant 8 : i32
      %add3A_376 = arith.addi %mul3A_374, %add3A_375 : i32
      %dma_wait3A_377 = arith.constant 0 : i32
      %dma_wait3A_378 = arith.constant 0 : i32
      %dma_wait3A_379 = tpu.memref_slice %arg2[%dma_wait3A_377, %dma_wait3A_378] : memref<10240x64xf32, #tpu.memory_space<hbm>> -> memref<10240x64xf32, #tpu.memory_space<hbm>>
      tpu.wait_indirect_dma semaphore(%arg56 : memref<!tpu.dma_semaphore, #tpu.memory_space<semaphore_mem>>) src(%dma_wait3A_379 : memref<10240x64xf32, #tpu.memory_space<hbm>>) dst(%arg35 : memref<128x64xf32, #tpu.memory_space<vmem>>)
      %dma_start3A_380 = arith.constant 0 : i32
      %dma_start3A_381 = arith.constant 0 : i32
      %dma_start3A_382 = tpu.memref_slice %arg37[%dma_start3A_380, %dma_start3A_381] : memref<10240x64xf32, #tpu.memory_space<vmem_shared>> -> memref<10240x64xf32, #tpu.memory_space<vmem_shared>>
      tpu.enqueue_indirect_dma source(%arg35 : memref<128x64xf32, #tpu.memory_space<vmem>>) target(%dma_start3A_382 : memref<10240x64xf32, #tpu.memory_space<vmem_shared>>) offsets(%arg25 : memref<128xi32, #tpu.memory_space<vmem>>) semaphore(%arg66 : memref<!tpu.dma_semaphore, #tpu.memory_space<semaphore_mem>>) {add = true}
      %add3A_383 = arith.constant 6 : i32
      %add3A_384 = arith.addi %add3A_376, %add3A_383 : i32
      %lt3A_385 = arith.constant 80 : i32
      %lt3A_386 = arith.cmpi slt, %add3A_384, %lt3A_385 : i32
      %convert_element_type3A_387 = arith.extui %lt3A_386 : i1 to i32
      %cond3A_388 = arith.constant 0 : i32
      %cond3A_389 = arith.cmpi ne, %convert_element_type3A_387, %cond3A_388 : i32
      scf.if %cond3A_389 {
        %ge3A = arith.constant 10 : i32
        %ge3A_421 = arith.cmpi sge, %add3A_384, %ge3A : i32
        %convert_element_type3A_422 = arith.extui %ge3A_421 : i1 to i32
        %cond3A_423 = arith.constant 0 : i32
        %cond3A_424 = arith.cmpi ne, %convert_element_type3A_422, %cond3A_423 : i32
        scf.if %cond3A_424 {
          %dma_wait3A_440 = arith.constant 0 : i32
          %dma_wait3A_441 = arith.constant 0 : i32
          %dma_wait3A_442 = tpu.memref_slice %arg37[%dma_wait3A_440, %dma_wait3A_441] : memref<10240x64xf32, #tpu.memory_space<vmem_shared>> -> memref<10240x64xf32, #tpu.memory_space<vmem_shared>>
          tpu.wait_indirect_dma semaphore(%arg62 : memref<!tpu.dma_semaphore, #tpu.memory_space<semaphore_mem>>) src(%arg31 : memref<128x64xf32, #tpu.memory_space<vmem>>) dst(%dma_wait3A_442 : memref<10240x64xf32, #tpu.memory_space<vmem_shared>>)
        } else {
        }
        %mul3A_425 = arith.constant 32 : i32
        %mul3A_426 = arith.muli %add3A_384, %mul3A_425 : i32
        %add3A_427 = arith.addi %add3A, %mul3A_426 : i32
        %dma_start3A_428 = arith.constant 0 : i32
        %dma_start3A_429 = tpu.memref_slice %arg3[%add3A_427, %dma_start3A_428] : memref<2560x128xi32, #tpu.memory_space<hbm>> -> memref<1x128xi32, #tpu.memory_space<hbm>>
        %dma_start3A_430 = tpu.memref_squeeze %dma_start3A_429 : memref<1x128xi32, #tpu.memory_space<hbm>> -> memref<128xi32, #tpu.memory_space<hbm>>
        %dma_start3A_431 = arith.constant 0 : i32
        %dma_start3A_432 = tpu.memref_slice %arg3[%add3A_427, %dma_start3A_431] : memref<2560x128xi32, #tpu.memory_space<hbm>> -> memref<1x128xi32, #tpu.memory_space<hbm>>
        %dma_start3A_433 = tpu.memref_squeeze %dma_start3A_432 : memref<1x128xi32, #tpu.memory_space<hbm>> -> memref<128xi32, #tpu.memory_space<hbm>>
        tpu.enqueue_dma source(%dma_start3A_433 : memref<128xi32, #tpu.memory_space<hbm>>) target(%arg11 : memref<128xi32, #tpu.memory_space<vmem>>) target_semaphore(%arg42 : memref<!tpu.dma_semaphore, #tpu.memory_space<semaphore_mem>>)
        %dma_start3A_434 = arith.constant 0 : i32
        %dma_start3A_435 = tpu.memref_slice %arg4[%add3A_427, %dma_start3A_434] : memref<2560x128xi32, #tpu.memory_space<hbm>> -> memref<1x128xi32, #tpu.memory_space<hbm>>
        %dma_start3A_436 = tpu.memref_squeeze %dma_start3A_435 : memref<1x128xi32, #tpu.memory_space<hbm>> -> memref<128xi32, #tpu.memory_space<hbm>>
        %dma_start3A_437 = arith.constant 0 : i32
        %dma_start3A_438 = tpu.memref_slice %arg4[%add3A_427, %dma_start3A_437] : memref<2560x128xi32, #tpu.memory_space<hbm>> -> memref<1x128xi32, #tpu.memory_space<hbm>>
        %dma_start3A_439 = tpu.memref_squeeze %dma_start3A_438 : memref<1x128xi32, #tpu.memory_space<hbm>> -> memref<128xi32, #tpu.memory_space<hbm>>
        tpu.enqueue_dma source(%dma_start3A_439 : memref<128xi32, #tpu.memory_space<hbm>>) target(%arg21 : memref<128xi32, #tpu.memory_space<vmem>>) target_semaphore(%arg42 : memref<!tpu.dma_semaphore, #tpu.memory_space<semaphore_mem>>)
      } else {
      }
      %add3A_390 = arith.constant 3 : i32
      %add3A_391 = arith.addi %add3A_376, %add3A_390 : i32
      %lt3A_392 = arith.constant 80 : i32
      %lt3A_393 = arith.cmpi slt, %add3A_391, %lt3A_392 : i32
      %convert_element_type3A_394 = arith.extui %lt3A_393 : i1 to i32
      %cond3A_395 = arith.constant 0 : i32
      %cond3A_396 = arith.cmpi ne, %convert_element_type3A_394, %cond3A_395 : i32
      scf.if %cond3A_396 {
        %mul3A_421 = arith.constant 32 : i32
        %mul3A_422 = arith.muli %add3A_391, %mul3A_421 : i32
        %add3A_423 = arith.addi %add3A, %mul3A_422 : i32
        %dma_wait3A_424 = arith.constant 0 : i32
        %dma_wait3A_425 = tpu.memref_slice %arg3[%add3A_423, %dma_wait3A_424] : memref<2560x128xi32, #tpu.memory_space<hbm>> -> memref<1x128xi32, #tpu.memory_space<hbm>>
        %dma_wait3A_426 = tpu.memref_squeeze %dma_wait3A_425 : memref<1x128xi32, #tpu.memory_space<hbm>> -> memref<128xi32, #tpu.memory_space<hbm>>
        %dma_wait3A_427 = arith.constant 0 : i32
        %dma_wait3A_428 = tpu.memref_slice %arg3[%add3A_423, %dma_wait3A_427] : memref<2560x128xi32, #tpu.memory_space<hbm>> -> memref<1x128xi32, #tpu.memory_space<hbm>>
        %dma_wait3A_429 = tpu.memref_squeeze %dma_wait3A_428 : memref<1x128xi32, #tpu.memory_space<hbm>> -> memref<128xi32, #tpu.memory_space<hbm>>
        tpu.wait_dma2 semaphore(%arg39 : memref<!tpu.dma_semaphore, #tpu.memory_space<semaphore_mem>>) src(%dma_wait3A_429 : memref<128xi32, #tpu.memory_space<hbm>>) dst(%arg8 : memref<128xi32, #tpu.memory_space<vmem>>)
        %dma_wait3A_430 = arith.constant 0 : i32
        %dma_wait3A_431 = tpu.memref_slice %arg4[%add3A_423, %dma_wait3A_430] : memref<2560x128xi32, #tpu.memory_space<hbm>> -> memref<1x128xi32, #tpu.memory_space<hbm>>
        %dma_wait3A_432 = tpu.memref_squeeze %dma_wait3A_431 : memref<1x128xi32, #tpu.memory_space<hbm>> -> memref<128xi32, #tpu.memory_space<hbm>>
        %dma_wait3A_433 = arith.constant 0 : i32
        %dma_wait3A_434 = tpu.memref_slice %arg4[%add3A_423, %dma_wait3A_433] : memref<2560x128xi32, #tpu.memory_space<hbm>> -> memref<1x128xi32, #tpu.memory_space<hbm>>
        %dma_wait3A_435 = tpu.memref_squeeze %dma_wait3A_434 : memref<1x128xi32, #tpu.memory_space<hbm>> -> memref<128xi32, #tpu.memory_space<hbm>>
        tpu.wait_dma2 semaphore(%arg39 : memref<!tpu.dma_semaphore, #tpu.memory_space<semaphore_mem>>) src(%dma_wait3A_435 : memref<128xi32, #tpu.memory_space<hbm>>) dst(%arg18 : memref<128xi32, #tpu.memory_space<vmem>>)
        %dma_start3A_436 = arith.constant 0 : i32
        %dma_start3A_437 = arith.constant 0 : i32
        %dma_start3A_438 = tpu.memref_slice %arg2[%dma_start3A_436, %dma_start3A_437] : memref<10240x64xf32, #tpu.memory_space<hbm>> -> memref<10240x64xf32, #tpu.memory_space<hbm>>
        tpu.enqueue_indirect_dma source(%dma_start3A_438 : memref<10240x64xf32, #tpu.memory_space<hbm>>) target(%arg28 : memref<128x64xf32, #tpu.memory_space<vmem>>) offsets(%arg8 : memref<128xi32, #tpu.memory_space<vmem>>) semaphore(%arg49 : memref<!tpu.dma_semaphore, #tpu.memory_space<semaphore_mem>>)
      } else {
      }
      %mul3A_397 = arith.constant 10 : i32
      %mul3A_398 = arith.muli %scan3A_183, %mul3A_397 : i32
      %add3A_399 = arith.constant 9 : i32
      %add3A_400 = arith.addi %mul3A_398, %add3A_399 : i32
      %dma_wait3A_401 = arith.constant 0 : i32
      %dma_wait3A_402 = arith.constant 0 : i32
      %dma_wait3A_403 = tpu.memref_slice %arg2[%dma_wait3A_401, %dma_wait3A_402] : memref<10240x64xf32, #tpu.memory_space<hbm>> -> memref<10240x64xf32, #tpu.memory_space<hbm>>
      tpu.wait_indirect_dma semaphore(%arg57 : memref<!tpu.dma_semaphore, #tpu.memory_space<semaphore_mem>>) src(%dma_wait3A_403 : memref<10240x64xf32, #tpu.memory_space<hbm>>) dst(%arg36 : memref<128x64xf32, #tpu.memory_space<vmem>>)
      %dma_start3A_404 = arith.constant 0 : i32
      %dma_start3A_405 = arith.constant 0 : i32
      %dma_start3A_406 = tpu.memref_slice %arg37[%dma_start3A_404, %dma_start3A_405] : memref<10240x64xf32, #tpu.memory_space<vmem_shared>> -> memref<10240x64xf32, #tpu.memory_space<vmem_shared>>
      tpu.enqueue_indirect_dma source(%arg36 : memref<128x64xf32, #tpu.memory_space<vmem>>) target(%dma_start3A_406 : memref<10240x64xf32, #tpu.memory_space<vmem_shared>>) offsets(%arg26 : memref<128xi32, #tpu.memory_space<vmem>>) semaphore(%arg67 : memref<!tpu.dma_semaphore, #tpu.memory_space<semaphore_mem>>) {add = true}
      %add3A_407 = arith.constant 6 : i32
      %add3A_408 = arith.addi %add3A_400, %add3A_407 : i32
      %lt3A_409 = arith.constant 80 : i32
      %lt3A_410 = arith.cmpi slt, %add3A_408, %lt3A_409 : i32
      %convert_element_type3A_411 = arith.extui %lt3A_410 : i1 to i32
      %cond3A_412 = arith.constant 0 : i32
      %cond3A_413 = arith.cmpi ne, %convert_element_type3A_411, %cond3A_412 : i32
      scf.if %cond3A_413 {
        %ge3A = arith.constant 10 : i32
        %ge3A_421 = arith.cmpi sge, %add3A_408, %ge3A : i32
        %convert_element_type3A_422 = arith.extui %ge3A_421 : i1 to i32
        %cond3A_423 = arith.constant 0 : i32
        %cond3A_424 = arith.cmpi ne, %convert_element_type3A_422, %cond3A_423 : i32
        scf.if %cond3A_424 {
          %dma_wait3A_440 = arith.constant 0 : i32
          %dma_wait3A_441 = arith.constant 0 : i32
          %dma_wait3A_442 = tpu.memref_slice %arg37[%dma_wait3A_440, %dma_wait3A_441] : memref<10240x64xf32, #tpu.memory_space<vmem_shared>> -> memref<10240x64xf32, #tpu.memory_space<vmem_shared>>
          tpu.wait_indirect_dma semaphore(%arg63 : memref<!tpu.dma_semaphore, #tpu.memory_space<semaphore_mem>>) src(%arg32 : memref<128x64xf32, #tpu.memory_space<vmem>>) dst(%dma_wait3A_442 : memref<10240x64xf32, #tpu.memory_space<vmem_shared>>)
        } else {
        }
        %mul3A_425 = arith.constant 32 : i32
        %mul3A_426 = arith.muli %add3A_408, %mul3A_425 : i32
        %add3A_427 = arith.addi %add3A, %mul3A_426 : i32
        %dma_start3A_428 = arith.constant 0 : i32
        %dma_start3A_429 = tpu.memref_slice %arg3[%add3A_427, %dma_start3A_428] : memref<2560x128xi32, #tpu.memory_space<hbm>> -> memref<1x128xi32, #tpu.memory_space<hbm>>
        %dma_start3A_430 = tpu.memref_squeeze %dma_start3A_429 : memref<1x128xi32, #tpu.memory_space<hbm>> -> memref<128xi32, #tpu.memory_space<hbm>>
        %dma_start3A_431 = arith.constant 0 : i32
        %dma_start3A_432 = tpu.memref_slice %arg3[%add3A_427, %dma_start3A_431] : memref<2560x128xi32, #tpu.memory_space<hbm>> -> memref<1x128xi32, #tpu.memory_space<hbm>>
        %dma_start3A_433 = tpu.memref_squeeze %dma_start3A_432 : memref<1x128xi32, #tpu.memory_space<hbm>> -> memref<128xi32, #tpu.memory_space<hbm>>
        tpu.enqueue_dma source(%dma_start3A_433 : memref<128xi32, #tpu.memory_space<hbm>>) target(%arg12 : memref<128xi32, #tpu.memory_space<vmem>>) target_semaphore(%arg43 : memref<!tpu.dma_semaphore, #tpu.memory_space<semaphore_mem>>)
        %dma_start3A_434 = arith.constant 0 : i32
        %dma_start3A_435 = tpu.memref_slice %arg4[%add3A_427, %dma_start3A_434] : memref<2560x128xi32, #tpu.memory_space<hbm>> -> memref<1x128xi32, #tpu.memory_space<hbm>>
        %dma_start3A_436 = tpu.memref_squeeze %dma_start3A_435 : memref<1x128xi32, #tpu.memory_space<hbm>> -> memref<128xi32, #tpu.memory_space<hbm>>
        %dma_start3A_437 = arith.constant 0 : i32
        %dma_start3A_438 = tpu.memref_slice %arg4[%add3A_427, %dma_start3A_437] : memref<2560x128xi32, #tpu.memory_space<hbm>> -> memref<1x128xi32, #tpu.memory_space<hbm>>
        %dma_start3A_439 = tpu.memref_squeeze %dma_start3A_438 : memref<1x128xi32, #tpu.memory_space<hbm>> -> memref<128xi32, #tpu.memory_space<hbm>>
        tpu.enqueue_dma source(%dma_start3A_439 : memref<128xi32, #tpu.memory_space<hbm>>) target(%arg22 : memref<128xi32, #tpu.memory_space<vmem>>) target_semaphore(%arg43 : memref<!tpu.dma_semaphore, #tpu.memory_space<semaphore_mem>>)
      } else {
      }
      %add3A_414 = arith.constant 3 : i32
      %add3A_415 = arith.addi %add3A_400, %add3A_414 : i32
      %lt3A_416 = arith.constant 80 : i32
      %lt3A_417 = arith.cmpi slt, %add3A_415, %lt3A_416 : i32
      %convert_element_type3A_418 = arith.extui %lt3A_417 : i1 to i32
      %cond3A_419 = arith.constant 0 : i32
      %cond3A_420 = arith.cmpi ne, %convert_element_type3A_418, %cond3A_419 : i32
      scf.if %cond3A_420 {
        %mul3A_421 = arith.constant 32 : i32
        %mul3A_422 = arith.muli %add3A_415, %mul3A_421 : i32
        %add3A_423 = arith.addi %add3A, %mul3A_422 : i32
        %dma_wait3A_424 = arith.constant 0 : i32
        %dma_wait3A_425 = tpu.memref_slice %arg3[%add3A_423, %dma_wait3A_424] : memref<2560x128xi32, #tpu.memory_space<hbm>> -> memref<1x128xi32, #tpu.memory_space<hbm>>
        %dma_wait3A_426 = tpu.memref_squeeze %dma_wait3A_425 : memref<1x128xi32, #tpu.memory_space<hbm>> -> memref<128xi32, #tpu.memory_space<hbm>>
        %dma_wait3A_427 = arith.constant 0 : i32
        %dma_wait3A_428 = tpu.memref_slice %arg3[%add3A_423, %dma_wait3A_427] : memref<2560x128xi32, #tpu.memory_space<hbm>> -> memref<1x128xi32, #tpu.memory_space<hbm>>
        %dma_wait3A_429 = tpu.memref_squeeze %dma_wait3A_428 : memref<1x128xi32, #tpu.memory_space<hbm>> -> memref<128xi32, #tpu.memory_space<hbm>>
        tpu.wait_dma2 semaphore(%arg40 : memref<!tpu.dma_semaphore, #tpu.memory_space<semaphore_mem>>) src(%dma_wait3A_429 : memref<128xi32, #tpu.memory_space<hbm>>) dst(%arg9 : memref<128xi32, #tpu.memory_space<vmem>>)
        %dma_wait3A_430 = arith.constant 0 : i32
        %dma_wait3A_431 = tpu.memref_slice %arg4[%add3A_423, %dma_wait3A_430] : memref<2560x128xi32, #tpu.memory_space<hbm>> -> memref<1x128xi32, #tpu.memory_space<hbm>>
        %dma_wait3A_432 = tpu.memref_squeeze %dma_wait3A_431 : memref<1x128xi32, #tpu.memory_space<hbm>> -> memref<128xi32, #tpu.memory_space<hbm>>
        %dma_wait3A_433 = arith.constant 0 : i32
        %dma_wait3A_434 = tpu.memref_slice %arg4[%add3A_423, %dma_wait3A_433] : memref<2560x128xi32, #tpu.memory_space<hbm>> -> memref<1x128xi32, #tpu.memory_space<hbm>>
        %dma_wait3A_435 = tpu.memref_squeeze %dma_wait3A_434 : memref<1x128xi32, #tpu.memory_space<hbm>> -> memref<128xi32, #tpu.memory_space<hbm>>
        tpu.wait_dma2 semaphore(%arg40 : memref<!tpu.dma_semaphore, #tpu.memory_space<semaphore_mem>>) src(%dma_wait3A_435 : memref<128xi32, #tpu.memory_space<hbm>>) dst(%arg19 : memref<128xi32, #tpu.memory_space<vmem>>)
        %dma_start3A_436 = arith.constant 0 : i32
        %dma_start3A_437 = arith.constant 0 : i32
        %dma_start3A_438 = tpu.memref_slice %arg2[%dma_start3A_436, %dma_start3A_437] : memref<10240x64xf32, #tpu.memory_space<hbm>> -> memref<10240x64xf32, #tpu.memory_space<hbm>>
        tpu.enqueue_indirect_dma source(%dma_start3A_438 : memref<10240x64xf32, #tpu.memory_space<hbm>>) target(%arg29 : memref<128x64xf32, #tpu.memory_space<vmem>>) offsets(%arg9 : memref<128xi32, #tpu.memory_space<vmem>>) semaphore(%arg50 : memref<!tpu.dma_semaphore, #tpu.memory_space<semaphore_mem>>)
      } else {
      }
    }
    %scan3A_144 = arith.constant 8 : i32
    %dma_wait3A_145 = arith.constant 0 : i32
    %dma_wait3A_146 = arith.constant 0 : i32
    %dma_wait3A_147 = tpu.memref_slice %arg37[%dma_wait3A_145, %dma_wait3A_146] : memref<10240x64xf32, #tpu.memory_space<vmem_shared>> -> memref<10240x64xf32, #tpu.memory_space<vmem_shared>>
    tpu.wait_indirect_dma semaphore(%arg58 : memref<!tpu.dma_semaphore, #tpu.memory_space<semaphore_mem>>) src(%arg27 : memref<128x64xf32, #tpu.memory_space<vmem>>) dst(%dma_wait3A_147 : memref<10240x64xf32, #tpu.memory_space<vmem_shared>>)
    %dma_wait3A_148 = arith.constant 0 : i32
    %dma_wait3A_149 = arith.constant 0 : i32
    %dma_wait3A_150 = tpu.memref_slice %arg37[%dma_wait3A_148, %dma_wait3A_149] : memref<10240x64xf32, #tpu.memory_space<vmem_shared>> -> memref<10240x64xf32, #tpu.memory_space<vmem_shared>>
    tpu.wait_indirect_dma semaphore(%arg59 : memref<!tpu.dma_semaphore, #tpu.memory_space<semaphore_mem>>) src(%arg28 : memref<128x64xf32, #tpu.memory_space<vmem>>) dst(%dma_wait3A_150 : memref<10240x64xf32, #tpu.memory_space<vmem_shared>>)
    %dma_wait3A_151 = arith.constant 0 : i32
    %dma_wait3A_152 = arith.constant 0 : i32
    %dma_wait3A_153 = tpu.memref_slice %arg37[%dma_wait3A_151, %dma_wait3A_152] : memref<10240x64xf32, #tpu.memory_space<vmem_shared>> -> memref<10240x64xf32, #tpu.memory_space<vmem_shared>>
    tpu.wait_indirect_dma semaphore(%arg60 : memref<!tpu.dma_semaphore, #tpu.memory_space<semaphore_mem>>) src(%arg29 : memref<128x64xf32, #tpu.memory_space<vmem>>) dst(%dma_wait3A_153 : memref<10240x64xf32, #tpu.memory_space<vmem_shared>>)
    %dma_wait3A_154 = arith.constant 0 : i32
    %dma_wait3A_155 = arith.constant 0 : i32
    %dma_wait3A_156 = tpu.memref_slice %arg37[%dma_wait3A_154, %dma_wait3A_155] : memref<10240x64xf32, #tpu.memory_space<vmem_shared>> -> memref<10240x64xf32, #tpu.memory_space<vmem_shared>>
    tpu.wait_indirect_dma semaphore(%arg61 : memref<!tpu.dma_semaphore, #tpu.memory_space<semaphore_mem>>) src(%arg30 : memref<128x64xf32, #tpu.memory_space<vmem>>) dst(%dma_wait3A_156 : memref<10240x64xf32, #tpu.memory_space<vmem_shared>>)
    %dma_wait3A_157 = arith.constant 0 : i32
    %dma_wait3A_158 = arith.constant 0 : i32
    %dma_wait3A_159 = tpu.memref_slice %arg37[%dma_wait3A_157, %dma_wait3A_158] : memref<10240x64xf32, #tpu.memory_space<vmem_shared>> -> memref<10240x64xf32, #tpu.memory_space<vmem_shared>>
    tpu.wait_indirect_dma semaphore(%arg62 : memref<!tpu.dma_semaphore, #tpu.memory_space<semaphore_mem>>) src(%arg31 : memref<128x64xf32, #tpu.memory_space<vmem>>) dst(%dma_wait3A_159 : memref<10240x64xf32, #tpu.memory_space<vmem_shared>>)
    %dma_wait3A_160 = arith.constant 0 : i32
    %dma_wait3A_161 = arith.constant 0 : i32
    %dma_wait3A_162 = tpu.memref_slice %arg37[%dma_wait3A_160, %dma_wait3A_161] : memref<10240x64xf32, #tpu.memory_space<vmem_shared>> -> memref<10240x64xf32, #tpu.memory_space<vmem_shared>>
    tpu.wait_indirect_dma semaphore(%arg63 : memref<!tpu.dma_semaphore, #tpu.memory_space<semaphore_mem>>) src(%arg32 : memref<128x64xf32, #tpu.memory_space<vmem>>) dst(%dma_wait3A_162 : memref<10240x64xf32, #tpu.memory_space<vmem_shared>>)
    %dma_wait3A_163 = arith.constant 0 : i32
    %dma_wait3A_164 = arith.constant 0 : i32
    %dma_wait3A_165 = tpu.memref_slice %arg37[%dma_wait3A_163, %dma_wait3A_164] : memref<10240x64xf32, #tpu.memory_space<vmem_shared>> -> memref<10240x64xf32, #tpu.memory_space<vmem_shared>>
    tpu.wait_indirect_dma semaphore(%arg64 : memref<!tpu.dma_semaphore, #tpu.memory_space<semaphore_mem>>) src(%arg33 : memref<128x64xf32, #tpu.memory_space<vmem>>) dst(%dma_wait3A_165 : memref<10240x64xf32, #tpu.memory_space<vmem_shared>>)
    %dma_wait3A_166 = arith.constant 0 : i32
    %dma_wait3A_167 = arith.constant 0 : i32
    %dma_wait3A_168 = tpu.memref_slice %arg37[%dma_wait3A_166, %dma_wait3A_167] : memref<10240x64xf32, #tpu.memory_space<vmem_shared>> -> memref<10240x64xf32, #tpu.memory_space<vmem_shared>>
    tpu.wait_indirect_dma semaphore(%arg65 : memref<!tpu.dma_semaphore, #tpu.memory_space<semaphore_mem>>) src(%arg34 : memref<128x64xf32, #tpu.memory_space<vmem>>) dst(%dma_wait3A_168 : memref<10240x64xf32, #tpu.memory_space<vmem_shared>>)
    %dma_wait3A_169 = arith.constant 0 : i32
    %dma_wait3A_170 = arith.constant 0 : i32
    %dma_wait3A_171 = tpu.memref_slice %arg37[%dma_wait3A_169, %dma_wait3A_170] : memref<10240x64xf32, #tpu.memory_space<vmem_shared>> -> memref<10240x64xf32, #tpu.memory_space<vmem_shared>>
    tpu.wait_indirect_dma semaphore(%arg66 : memref<!tpu.dma_semaphore, #tpu.memory_space<semaphore_mem>>) src(%arg35 : memref<128x64xf32, #tpu.memory_space<vmem>>) dst(%dma_wait3A_171 : memref<10240x64xf32, #tpu.memory_space<vmem_shared>>)
    %dma_wait3A_172 = arith.constant 0 : i32
    %dma_wait3A_173 = arith.constant 0 : i32
    %dma_wait3A_174 = tpu.memref_slice %arg37[%dma_wait3A_172, %dma_wait3A_173] : memref<10240x64xf32, #tpu.memory_space<vmem_shared>> -> memref<10240x64xf32, #tpu.memory_space<vmem_shared>>
    tpu.wait_indirect_dma semaphore(%arg67 : memref<!tpu.dma_semaphore, #tpu.memory_space<semaphore_mem>>) src(%arg36 : memref<128x64xf32, #tpu.memory_space<vmem>>) dst(%dma_wait3A_174 : memref<10240x64xf32, #tpu.memory_space<vmem_shared>>)
    %barrier3A_175 = arith.constant 0 : index
    tpu.barrier barrier_id(%barrier3A_175)
    %mul3A_176 = arith.constant 640 : i32
    %mul3A_177 = arith.muli %arg1, %mul3A_176 : i32
    %mul3A_178 = arith.constant 10240 : i32
    %mul3A_179 = arith.muli %arg0, %mul3A_178 : i32
    %mul3A_180 = arith.constant 640 : i32
    %mul3A_181 = arith.muli %arg1, %mul3A_180 : i32
    %add3A_182 = arith.addi %mul3A_179, %mul3A_181 : i32
    "tpu.region"() ({
      %run_scoped3A = tpu.sem_alloc : memref<!tpu.dma_semaphore, #tpu.memory_space<semaphore_mem>>
      %dma_start3A_183 = arith.constant 0 : i32
      %dma_start3A_184 = tpu.memref_slice %arg6[%add3A_182, %dma_start3A_183] : memref<20480x64xf32, #tpu.memory_space<hbm>> -> memref<640x64xf32, #tpu.memory_space<hbm>>
      %dma_start3A_185 = arith.constant 0 : i32
      %dma_start3A_186 = tpu.memref_slice %arg37[%mul3A_177, %dma_start3A_185] : memref<10240x64xf32, #tpu.memory_space<vmem_shared>> -> memref<640x64xf32, #tpu.memory_space<vmem_shared>>
      tpu.enqueue_dma source(%dma_start3A_186 : memref<640x64xf32, #tpu.memory_space<vmem_shared>>) target(%dma_start3A_184 : memref<640x64xf32, #tpu.memory_space<hbm>>) target_semaphore(%run_scoped3A : memref<!tpu.dma_semaphore, #tpu.memory_space<semaphore_mem>>)
      %dma_wait3A_187 = arith.constant 0 : i32
      %dma_wait3A_188 = tpu.memref_slice %arg6[%add3A_182, %dma_wait3A_187] : memref<20480x64xf32, #tpu.memory_space<hbm>> -> memref<640x64xf32, #tpu.memory_space<hbm>>
      %dma_wait3A_189 = arith.constant 0 : i32
      %dma_wait3A_190 = tpu.memref_slice %arg37[%mul3A_177, %dma_wait3A_189] : memref<10240x64xf32, #tpu.memory_space<vmem_shared>> -> memref<640x64xf32, #tpu.memory_space<vmem_shared>>
      tpu.wait_dma2 semaphore(%run_scoped3A : memref<!tpu.dma_semaphore, #tpu.memory_space<semaphore_mem>>) src(%dma_wait3A_190 : memref<640x64xf32, #tpu.memory_space<vmem_shared>>) dst(%dma_wait3A_188 : memref<640x64xf32, #tpu.memory_space<hbm>>)
      tpu.yield
    }) : () -> ()
    return
  }
}

#map = affine_map<(d0, d1) -> (0, 0)>
module attributes {stable_mosaic.version = 14 : i64} {
  func.func @_agg(%arg0: i32, %arg1: i32, %arg2: memref<10240x64xf32, #tpu.memory_space<hbm>>, %arg3: memref<2560x128xi32, #tpu.memory_space<hbm>>, %arg4: memref<2560x128xi32, #tpu.memory_space<hbm>>, %arg5: memref<10240x64xf32, #tpu.memory_space<hbm>>, %arg6: memref<20480x64xf32, #tpu.memory_space<hbm>>, %arg7: memref<128xi32, #tpu.memory_space<vmem>>, %arg8: memref<128xi32, #tpu.memory_space<vmem>>, %arg9: memref<128xi32, #tpu.memory_space<vmem>>, %arg10: memref<128xi32, #tpu.memory_space<vmem>>, %arg11: memref<128xi32, #tpu.memory_space<vmem>>, %arg12: memref<128xi32, #tpu.memory_space<vmem>>, %arg13: memref<128xi32, #tpu.memory_space<vmem>>, %arg14: memref<128xi32, #tpu.memory_space<vmem>>, %arg15: memref<128xi32, #tpu.memory_space<vmem>>, %arg16: memref<128xi32, #tpu.memory_space<vmem>>, %arg17: memref<128xi32, #tpu.memory_space<vmem>>, %arg18: memref<128xi32, #tpu.memory_space<vmem>>, %arg19: memref<128xi32, #tpu.memory_space<vmem>>, %arg20: memref<128xi32, #tpu.memory_space<vmem>>, %arg21: memref<128xi32, #tpu.memory_space<vmem>>, %arg22: memref<128xi32, #tpu.memory_space<vmem>>, %arg23: memref<128xi32, #tpu.memory_space<vmem>>, %arg24: memref<128xi32, #tpu.memory_space<vmem>>, %arg25: memref<128xi32, #tpu.memory_space<vmem>>, %arg26: memref<128xi32, #tpu.memory_space<vmem>>, %arg27: memref<128x64xf32, #tpu.memory_space<vmem>>, %arg28: memref<128x64xf32, #tpu.memory_space<vmem>>, %arg29: memref<128x64xf32, #tpu.memory_space<vmem>>, %arg30: memref<128x64xf32, #tpu.memory_space<vmem>>, %arg31: memref<128x64xf32, #tpu.memory_space<vmem>>, %arg32: memref<128x64xf32, #tpu.memory_space<vmem>>, %arg33: memref<128x64xf32, #tpu.memory_space<vmem>>, %arg34: memref<128x64xf32, #tpu.memory_space<vmem>>, %arg35: memref<128x64xf32, #tpu.memory_space<vmem>>, %arg36: memref<128x64xf32, #tpu.memory_space<vmem>>, %arg37: memref<10240x64xf32, #tpu.memory_space<vmem_shared>>, %arg38: memref<!tpu.dma_semaphore, #tpu.memory_space<semaphore_mem>>, %arg39: memref<!tpu.dma_semaphore, #tpu.memory_space<semaphore_mem>>, %arg40: memref<!tpu.dma_semaphore, #tpu.memory_space<semaphore_mem>>, %arg41: memref<!tpu.dma_semaphore, #tpu.memory_space<semaphore_mem>>, %arg42: memref<!tpu.dma_semaphore, #tpu.memory_space<semaphore_mem>>, %arg43: memref<!tpu.dma_semaphore, #tpu.memory_space<semaphore_mem>>, %arg44: memref<!tpu.dma_semaphore, #tpu.memory_space<semaphore_mem>>, %arg45: memref<!tpu.dma_semaphore, #tpu.memory_space<semaphore_mem>>, %arg46: memref<!tpu.dma_semaphore, #tpu.memory_space<semaphore_mem>>, %arg47: memref<!tpu.dma_semaphore, #tpu.memory_space<semaphore_mem>>, %arg48: memref<!tpu.dma_semaphore, #tpu.memory_space<semaphore_mem>>, %arg49: memref<!tpu.dma_semaphore, #tpu.memory_space<semaphore_mem>>, %arg50: memref<!tpu.dma_semaphore, #tpu.memory_space<semaphore_mem>>, %arg51: memref<!tpu.dma_semaphore, #tpu.memory_space<semaphore_mem>>, %arg52: memref<!tpu.dma_semaphore, #tpu.memory_space<semaphore_mem>>, %arg53: memref<!tpu.dma_semaphore, #tpu.memory_space<semaphore_mem>>, %arg54: memref<!tpu.dma_semaphore, #tpu.memory_space<semaphore_mem>>, %arg55: memref<!tpu.dma_semaphore, #tpu.memory_space<semaphore_mem>>, %arg56: memref<!tpu.dma_semaphore, #tpu.memory_space<semaphore_mem>>, %arg57: memref<!tpu.dma_semaphore, #tpu.memory_space<semaphore_mem>>, %arg58: memref<!tpu.dma_semaphore, #tpu.memory_space<semaphore_mem>>, %arg59: memref<!tpu.dma_semaphore, #tpu.memory_space<semaphore_mem>>, %arg60: memref<!tpu.dma_semaphore, #tpu.memory_space<semaphore_mem>>, %arg61: memref<!tpu.dma_semaphore, #tpu.memory_space<semaphore_mem>>, %arg62: memref<!tpu.dma_semaphore, #tpu.memory_space<semaphore_mem>>, %arg63: memref<!tpu.dma_semaphore, #tpu.memory_space<semaphore_mem>>, %arg64: memref<!tpu.dma_semaphore, #tpu.memory_space<semaphore_mem>>, %arg65: memref<!tpu.dma_semaphore, #tpu.memory_space<semaphore_mem>>, %arg66: memref<!tpu.dma_semaphore, #tpu.memory_space<semaphore_mem>>, %arg67: memref<!tpu.dma_semaphore, #tpu.memory_space<semaphore_mem>>) attributes {dimension_semantics = [#tpu.dimension_semantics<core_parallel>, #tpu.dimension_semantics<subcore_parallel>], iteration_bounds = array<i64: 2, 16>, scalar_prefetch = 0 : i64, scratch_operands = 61 : i64, tpu.core_type = #tpu.core_type<sc_vector_subcore>, window_params = [{transform_indices = #map}, {transform_indices = #map}, {transform_indices = #map}, {transform_indices = #map}, {transform_indices = #map}]} {
    %mul3A = arith.constant 2 : i32
    %mul3A_0 = arith.muli %arg1, %mul3A : i32
    %add3A = arith.addi %mul3A_0, %arg0 : i32
    %mul3A_1 = arith.constant 80 : i32
    %mul3A_2 = arith.muli %add3A, %mul3A_1 : i32
    %mul3A_3 = arith.constant 640 : i32
    %mul3A_4 = arith.muli %arg1, %mul3A_3 : i32
    %mul3A_5 = arith.constant 640 : i32
    %mul3A_6 = arith.muli %arg1, %mul3A_5 : i32
    "tpu.region"() ({
      %run_scoped3A = tpu.sem_alloc : memref<!tpu.dma_semaphore, #tpu.memory_space<semaphore_mem>>
      %dma_start3A_183 = arith.constant 0 : i32
      %dma_start3A_184 = tpu.memref_slice %arg37[%mul3A_6, %dma_start3A_183] : memref<10240x64xf32, #tpu.memory_space<vmem_shared>> -> memref<640x64xf32, #tpu.memory_space<vmem_shared>>
      %dma_start3A_185 = arith.constant 0 : i32
      %dma_start3A_186 = tpu.memref_slice %arg5[%mul3A_4, %dma_start3A_185] : memref<10240x64xf32, #tpu.memory_space<hbm>> -> memref<640x64xf32, #tpu.memory_space<hbm>>
      tpu.enqueue_dma source(%dma_start3A_186 : memref<640x64xf32, #tpu.memory_space<hbm>>) target(%dma_start3A_184 : memref<640x64xf32, #tpu.memory_space<vmem_shared>>) target_semaphore(%run_scoped3A : memref<!tpu.dma_semaphore, #tpu.memory_space<semaphore_mem>>)
      %dma_wait3A_187 = arith.constant 0 : i32
      %dma_wait3A_188 = tpu.memref_slice %arg37[%mul3A_6, %dma_wait3A_187] : memref<10240x64xf32, #tpu.memory_space<vmem_shared>> -> memref<640x64xf32, #tpu.memory_space<vmem_shared>>
      %dma_wait3A_189 = arith.constant 0 : i32
      %dma_wait3A_190 = tpu.memref_slice %arg5[%mul3A_4, %dma_wait3A_189] : memref<10240x64xf32, #tpu.memory_space<hbm>> -> memref<640x64xf32, #tpu.memory_space<hbm>>
      tpu.wait_dma2 semaphore(%run_scoped3A : memref<!tpu.dma_semaphore, #tpu.memory_space<semaphore_mem>>) src(%dma_wait3A_190 : memref<640x64xf32, #tpu.memory_space<hbm>>) dst(%dma_wait3A_188 : memref<640x64xf32, #tpu.memory_space<vmem_shared>>)
      tpu.yield
    }) : () -> ()
    %barrier3A = arith.constant 0 : index
    tpu.barrier barrier_id(%barrier3A)
    %add3A_7 = arith.constant 0 : i32
    %add3A_8 = arith.addi %add3A, %add3A_7 : i32
    %dma_start3A = arith.constant 0 : i32
    %dma_start3A_9 = tpu.memref_slice %arg3[%add3A_8, %dma_start3A] : memref<2560x128xi32, #tpu.memory_space<hbm>> -> memref<1x128xi32, #tpu.memory_space<hbm>>
    %dma_start3A_10 = tpu.memref_squeeze %dma_start3A_9 : memref<1x128xi32, #tpu.memory_space<hbm>> -> memref<128xi32, #tpu.memory_space<hbm>>
    %dma_start3A_11 = arith.constant 0 : i32
    %dma_start3A_12 = tpu.memref_slice %arg3[%add3A_8, %dma_start3A_11] : memref<2560x128xi32, #tpu.memory_space<hbm>> -> memref<1x128xi32, #tpu.memory_space<hbm>>
    %dma_start3A_13 = tpu.memref_squeeze %dma_start3A_12 : memref<1x128xi32, #tpu.memory_space<hbm>> -> memref<128xi32, #tpu.memory_space<hbm>>
    tpu.enqueue_dma source(%dma_start3A_13 : memref<128xi32, #tpu.memory_space<hbm>>) target(%arg7 : memref<128xi32, #tpu.memory_space<vmem>>) target_semaphore(%arg38 : memref<!tpu.dma_semaphore, #tpu.memory_space<semaphore_mem>>)
    %dma_start3A_14 = arith.constant 0 : i32
    %dma_start3A_15 = tpu.memref_slice %arg4[%add3A_8, %dma_start3A_14] : memref<2560x128xi32, #tpu.memory_space<hbm>> -> memref<1x128xi32, #tpu.memory_space<hbm>>
    %dma_start3A_16 = tpu.memref_squeeze %dma_start3A_15 : memref<1x128xi32, #tpu.memory_space<hbm>> -> memref<128xi32, #tpu.memory_space<hbm>>
    %dma_start3A_17 = arith.constant 0 : i32
    %dma_start3A_18 = tpu.memref_slice %arg4[%add3A_8, %dma_start3A_17] : memref<2560x128xi32, #tpu.memory_space<hbm>> -> memref<1x128xi32, #tpu.memory_space<hbm>>
    %dma_start3A_19 = tpu.memref_squeeze %dma_start3A_18 : memref<1x128xi32, #tpu.memory_space<hbm>> -> memref<128xi32, #tpu.memory_space<hbm>>
    tpu.enqueue_dma source(%dma_start3A_19 : memref<128xi32, #tpu.memory_space<hbm>>) target(%arg17 : memref<128xi32, #tpu.memory_space<vmem>>) target_semaphore(%arg38 : memref<!tpu.dma_semaphore, #tpu.memory_space<semaphore_mem>>)
    %add3A_20 = arith.constant 32 : i32
    %add3A_21 = arith.addi %add3A, %add3A_20 : i32
    %dma_start3A_22 = arith.constant 0 : i32
    %dma_start3A_23 = tpu.memref_slice %arg3[%add3A_21, %dma_start3A_22] : memref<2560x128xi32, #tpu.memory_space<hbm>> -> memref<1x128xi32, #tpu.memory_space<hbm>>
    %dma_start3A_24 = tpu.memref_squeeze %dma_start3A_23 : memref<1x128xi32, #tpu.memory_space<hbm>> -> memref<128xi32, #tpu.memory_space<hbm>>
    %dma_start3A_25 = arith.constant 0 : i32
    %dma_start3A_26 = tpu.memref_slice %arg3[%add3A_21, %dma_start3A_25] : memref<2560x128xi32, #tpu.memory_space<hbm>> -> memref<1x128xi32, #tpu.memory_space<hbm>>
    %dma_start3A_27 = tpu.memref_squeeze %dma_start3A_26 : memref<1x128xi32, #tpu.memory_space<hbm>> -> memref<128xi32, #tpu.memory_space<hbm>>
    tpu.enqueue_dma source(%dma_start3A_27 : memref<128xi32, #tpu.memory_space<hbm>>) target(%arg8 : memref<128xi32, #tpu.memory_space<vmem>>) target_semaphore(%arg39 : memref<!tpu.dma_semaphore, #tpu.memory_space<semaphore_mem>>)
    %dma_start3A_28 = arith.constant 0 : i32
    %dma_start3A_29 = tpu.memref_slice %arg4[%add3A_21, %dma_start3A_28] : memref<2560x128xi32, #tpu.memory_space<hbm>> -> memref<1x128xi32, #tpu.memory_space<hbm>>
    %dma_start3A_30 = tpu.memref_squeeze %dma_start3A_29 : memref<1x128xi32, #tpu.memory_space<hbm>> -> memref<128xi32, #tpu.memory_space<hbm>>
    %dma_start3A_31 = arith.constant 0 : i32
    %dma_start3A_32 = tpu.memref_slice %arg4[%add3A_21, %dma_start3A_31] : memref<2560x128xi32, #tpu.memory_space<hbm>> -> memref<1x128xi32, #tpu.memory_space<hbm>>
    %dma_start3A_33 = tpu.memref_squeeze %dma_start3A_32 : memref<1x128xi32, #tpu.memory_space<hbm>> -> memref<128xi32, #tpu.memory_space<hbm>>
    tpu.enqueue_dma source(%dma_start3A_33 : memref<128xi32, #tpu.memory_space<hbm>>) target(%arg18 : memref<128xi32, #tpu.memory_space<vmem>>) target_semaphore(%arg39 : memref<!tpu.dma_semaphore, #tpu.memory_space<semaphore_mem>>)
    %add3A_34 = arith.constant 64 : i32
    %add3A_35 = arith.addi %add3A, %add3A_34 : i32
    %dma_start3A_36 = arith.constant 0 : i32
    %dma_start3A_37 = tpu.memref_slice %arg3[%add3A_35, %dma_start3A_36] : memref<2560x128xi32, #tpu.memory_space<hbm>> -> memref<1x128xi32, #tpu.memory_space<hbm>>
    %dma_start3A_38 = tpu.memref_squeeze %dma_start3A_37 : memref<1x128xi32, #tpu.memory_space<hbm>> -> memref<128xi32, #tpu.memory_space<hbm>>
    %dma_start3A_39 = arith.constant 0 : i32
    %dma_start3A_40 = tpu.memref_slice %arg3[%add3A_35, %dma_start3A_39] : memref<2560x128xi32, #tpu.memory_space<hbm>> -> memref<1x128xi32, #tpu.memory_space<hbm>>
    %dma_start3A_41 = tpu.memref_squeeze %dma_start3A_40 : memref<1x128xi32, #tpu.memory_space<hbm>> -> memref<128xi32, #tpu.memory_space<hbm>>
    tpu.enqueue_dma source(%dma_start3A_41 : memref<128xi32, #tpu.memory_space<hbm>>) target(%arg9 : memref<128xi32, #tpu.memory_space<vmem>>) target_semaphore(%arg40 : memref<!tpu.dma_semaphore, #tpu.memory_space<semaphore_mem>>)
    %dma_start3A_42 = arith.constant 0 : i32
    %dma_start3A_43 = tpu.memref_slice %arg4[%add3A_35, %dma_start3A_42] : memref<2560x128xi32, #tpu.memory_space<hbm>> -> memref<1x128xi32, #tpu.memory_space<hbm>>
    %dma_start3A_44 = tpu.memref_squeeze %dma_start3A_43 : memref<1x128xi32, #tpu.memory_space<hbm>> -> memref<128xi32, #tpu.memory_space<hbm>>
    %dma_start3A_45 = arith.constant 0 : i32
    %dma_start3A_46 = tpu.memref_slice %arg4[%add3A_35, %dma_start3A_45] : memref<2560x128xi32, #tpu.memory_space<hbm>> -> memref<1x128xi32, #tpu.memory_space<hbm>>
    %dma_start3A_47 = tpu.memref_squeeze %dma_start3A_46 : memref<1x128xi32, #tpu.memory_space<hbm>> -> memref<128xi32, #tpu.memory_space<hbm>>
    tpu.enqueue_dma source(%dma_start3A_47 : memref<128xi32, #tpu.memory_space<hbm>>) target(%arg19 : memref<128xi32, #tpu.memory_space<vmem>>) target_semaphore(%arg40 : memref<!tpu.dma_semaphore, #tpu.memory_space<semaphore_mem>>)
    %add3A_48 = arith.constant 96 : i32
    %add3A_49 = arith.addi %add3A, %add3A_48 : i32
    %dma_start3A_50 = arith.constant 0 : i32
    %dma_start3A_51 = tpu.memref_slice %arg3[%add3A_49, %dma_start3A_50] : memref<2560x128xi32, #tpu.memory_space<hbm>> -> memref<1x128xi32, #tpu.memory_space<hbm>>
    %dma_start3A_52 = tpu.memref_squeeze %dma_start3A_51 : memref<1x128xi32, #tpu.memory_space<hbm>> -> memref<128xi32, #tpu.memory_space<hbm>>
    %dma_start3A_53 = arith.constant 0 : i32
    %dma_start3A_54 = tpu.memref_slice %arg3[%add3A_49, %dma_start3A_53] : memref<2560x128xi32, #tpu.memory_space<hbm>> -> memref<1x128xi32, #tpu.memory_space<hbm>>
    %dma_start3A_55 = tpu.memref_squeeze %dma_start3A_54 : memref<1x128xi32, #tpu.memory_space<hbm>> -> memref<128xi32, #tpu.memory_space<hbm>>
    tpu.enqueue_dma source(%dma_start3A_55 : memref<128xi32, #tpu.memory_space<hbm>>) target(%arg10 : memref<128xi32, #tpu.memory_space<vmem>>) target_semaphore(%arg41 : memref<!tpu.dma_semaphore, #tpu.memory_space<semaphore_mem>>)
    %dma_start3A_56 = arith.constant 0 : i32
    %dma_start3A_57 = tpu.memref_slice %arg4[%add3A_49, %dma_start3A_56] : memref<2560x128xi32, #tpu.memory_space<hbm>> -> memref<1x128xi32, #tpu.memory_space<hbm>>
    %dma_start3A_58 = tpu.memref_squeeze %dma_start3A_57 : memref<1x128xi32, #tpu.memory_space<hbm>> -> memref<128xi32, #tpu.memory_space<hbm>>
    %dma_start3A_59 = arith.constant 0 : i32
    %dma_start3A_60 = tpu.memref_slice %arg4[%add3A_49, %dma_start3A_59] : memref<2560x128xi32, #tpu.memory_space<hbm>> -> memref<1x128xi32, #tpu.memory_space<hbm>>
    %dma_start3A_61 = tpu.memref_squeeze %dma_start3A_60 : memref<1x128xi32, #tpu.memory_space<hbm>> -> memref<128xi32, #tpu.memory_space<hbm>>
    tpu.enqueue_dma source(%dma_start3A_61 : memref<128xi32, #tpu.memory_space<hbm>>) target(%arg20 : memref<128xi32, #tpu.memory_space<vmem>>) target_semaphore(%arg41 : memref<!tpu.dma_semaphore, #tpu.memory_space<semaphore_mem>>)
    %add3A_62 = arith.constant 128 : i32
    %add3A_63 = arith.addi %add3A, %add3A_62 : i32
    %dma_start3A_64 = arith.constant 0 : i32
    %dma_start3A_65 = tpu.memref_slice %arg3[%add3A_63, %dma_start3A_64] : memref<2560x128xi32, #tpu.memory_space<hbm>> -> memref<1x128xi32, #tpu.memory_space<hbm>>
    %dma_start3A_66 = tpu.memref_squeeze %dma_start3A_65 : memref<1x128xi32, #tpu.memory_space<hbm>> -> memref<128xi32, #tpu.memory_space<hbm>>
    %dma_start3A_67 = arith.constant 0 : i32
    %dma_start3A_68 = tpu.memref_slice %arg3[%add3A_63, %dma_start3A_67] : memref<2560x128xi32, #tpu.memory_space<hbm>> -> memref<1x128xi32, #tpu.memory_space<hbm>>
    %dma_start3A_69 = tpu.memref_squeeze %dma_start3A_68 : memref<1x128xi32, #tpu.memory_space<hbm>> -> memref<128xi32, #tpu.memory_space<hbm>>
    tpu.enqueue_dma source(%dma_start3A_69 : memref<128xi32, #tpu.memory_space<hbm>>) target(%arg11 : memref<128xi32, #tpu.memory_space<vmem>>) target_semaphore(%arg42 : memref<!tpu.dma_semaphore, #tpu.memory_space<semaphore_mem>>)
    %dma_start3A_70 = arith.constant 0 : i32
    %dma_start3A_71 = tpu.memref_slice %arg4[%add3A_63, %dma_start3A_70] : memref<2560x128xi32, #tpu.memory_space<hbm>> -> memref<1x128xi32, #tpu.memory_space<hbm>>
    %dma_start3A_72 = tpu.memref_squeeze %dma_start3A_71 : memref<1x128xi32, #tpu.memory_space<hbm>> -> memref<128xi32, #tpu.memory_space<hbm>>
    %dma_start3A_73 = arith.constant 0 : i32
    %dma_start3A_74 = tpu.memref_slice %arg4[%add3A_63, %dma_start3A_73] : memref<2560x128xi32, #tpu.memory_space<hbm>> -> memref<1x128xi32, #tpu.memory_space<hbm>>
    %dma_start3A_75 = tpu.memref_squeeze %dma_start3A_74 : memref<1x128xi32, #tpu.memory_space<hbm>> -> memref<128xi32, #tpu.memory_space<hbm>>
    tpu.enqueue_dma source(%dma_start3A_75 : memref<128xi32, #tpu.memory_space<hbm>>) target(%arg21 : memref<128xi32, #tpu.memory_space<vmem>>) target_semaphore(%arg42 : memref<!tpu.dma_semaphore, #tpu.memory_space<semaphore_mem>>)
    %add3A_76 = arith.constant 160 : i32
    %add3A_77 = arith.addi %add3A, %add3A_76 : i32
    %dma_start3A_78 = arith.constant 0 : i32
    %dma_start3A_79 = tpu.memref_slice %arg3[%add3A_77, %dma_start3A_78] : memref<2560x128xi32, #tpu.memory_space<hbm>> -> memref<1x128xi32, #tpu.memory_space<hbm>>
    %dma_start3A_80 = tpu.memref_squeeze %dma_start3A_79 : memref<1x128xi32, #tpu.memory_space<hbm>> -> memref<128xi32, #tpu.memory_space<hbm>>
    %dma_start3A_81 = arith.constant 0 : i32
    %dma_start3A_82 = tpu.memref_slice %arg3[%add3A_77, %dma_start3A_81] : memref<2560x128xi32, #tpu.memory_space<hbm>> -> memref<1x128xi32, #tpu.memory_space<hbm>>
    %dma_start3A_83 = tpu.memref_squeeze %dma_start3A_82 : memref<1x128xi32, #tpu.memory_space<hbm>> -> memref<128xi32, #tpu.memory_space<hbm>>
    tpu.enqueue_dma source(%dma_start3A_83 : memref<128xi32, #tpu.memory_space<hbm>>) target(%arg12 : memref<128xi32, #tpu.memory_space<vmem>>) target_semaphore(%arg43 : memref<!tpu.dma_semaphore, #tpu.memory_space<semaphore_mem>>)
    %dma_start3A_84 = arith.constant 0 : i32
    %dma_start3A_85 = tpu.memref_slice %arg4[%add3A_77, %dma_start3A_84] : memref<2560x128xi32, #tpu.memory_space<hbm>> -> memref<1x128xi32, #tpu.memory_space<hbm>>
    %dma_start3A_86 = tpu.memref_squeeze %dma_start3A_85 : memref<1x128xi32, #tpu.memory_space<hbm>> -> memref<128xi32, #tpu.memory_space<hbm>>
    %dma_start3A_87 = arith.constant 0 : i32
    %dma_start3A_88 = tpu.memref_slice %arg4[%add3A_77, %dma_start3A_87] : memref<2560x128xi32, #tpu.memory_space<hbm>> -> memref<1x128xi32, #tpu.memory_space<hbm>>
    %dma_start3A_89 = tpu.memref_squeeze %dma_start3A_88 : memref<1x128xi32, #tpu.memory_space<hbm>> -> memref<128xi32, #tpu.memory_space<hbm>>
    tpu.enqueue_dma source(%dma_start3A_89 : memref<128xi32, #tpu.memory_space<hbm>>) target(%arg22 : memref<128xi32, #tpu.memory_space<vmem>>) target_semaphore(%arg43 : memref<!tpu.dma_semaphore, #tpu.memory_space<semaphore_mem>>)
    %add3A_90 = arith.constant 0 : i32
    %add3A_91 = arith.addi %add3A, %add3A_90 : i32
    %dma_wait3A = arith.constant 0 : i32
    %dma_wait3A_92 = tpu.memref_slice %arg3[%add3A_91, %dma_wait3A] : memref<2560x128xi32, #tpu.memory_space<hbm>> -> memref<1x128xi32, #tpu.memory_space<hbm>>
    %dma_wait3A_93 = tpu.memref_squeeze %dma_wait3A_92 : memref<1x128xi32, #tpu.memory_space<hbm>> -> memref<128xi32, #tpu.memory_space<hbm>>
    %dma_wait3A_94 = arith.constant 0 : i32
    %dma_wait3A_95 = tpu.memref_slice %arg3[%add3A_91, %dma_wait3A_94] : memref<2560x128xi32, #tpu.memory_space<hbm>> -> memref<1x128xi32, #tpu.memory_space<hbm>>
    %dma_wait3A_96 = tpu.memref_squeeze %dma_wait3A_95 : memref<1x128xi32, #tpu.memory_space<hbm>> -> memref<128xi32, #tpu.memory_space<hbm>>
    tpu.wait_dma2 semaphore(%arg38 : memref<!tpu.dma_semaphore, #tpu.memory_space<semaphore_mem>>) src(%dma_wait3A_96 : memref<128xi32, #tpu.memory_space<hbm>>) dst(%arg7 : memref<128xi32, #tpu.memory_space<vmem>>)
    %dma_wait3A_97 = arith.constant 0 : i32
    %dma_wait3A_98 = tpu.memref_slice %arg4[%add3A_91, %dma_wait3A_97] : memref<2560x128xi32, #tpu.memory_space<hbm>> -> memref<1x128xi32, #tpu.memory_space<hbm>>
    %dma_wait3A_99 = tpu.memref_squeeze %dma_wait3A_98 : memref<1x128xi32, #tpu.memory_space<hbm>> -> memref<128xi32, #tpu.memory_space<hbm>>
    %dma_wait3A_100 = arith.constant 0 : i32
    %dma_wait3A_101 = tpu.memref_slice %arg4[%add3A_91, %dma_wait3A_100] : memref<2560x128xi32, #tpu.memory_space<hbm>> -> memref<1x128xi32, #tpu.memory_space<hbm>>
    %dma_wait3A_102 = tpu.memref_squeeze %dma_wait3A_101 : memref<1x128xi32, #tpu.memory_space<hbm>> -> memref<128xi32, #tpu.memory_space<hbm>>
    tpu.wait_dma2 semaphore(%arg38 : memref<!tpu.dma_semaphore, #tpu.memory_space<semaphore_mem>>) src(%dma_wait3A_102 : memref<128xi32, #tpu.memory_space<hbm>>) dst(%arg17 : memref<128xi32, #tpu.memory_space<vmem>>)
    %dma_start3A_103 = arith.constant 0 : i32
    %dma_start3A_104 = arith.constant 0 : i32
    %dma_start3A_105 = tpu.memref_slice %arg2[%dma_start3A_103, %dma_start3A_104] : memref<10240x64xf32, #tpu.memory_space<hbm>> -> memref<10240x64xf32, #tpu.memory_space<hbm>>
    tpu.enqueue_indirect_dma source(%dma_start3A_105 : memref<10240x64xf32, #tpu.memory_space<hbm>>) target(%arg27 : memref<128x64xf32, #tpu.memory_space<vmem>>) offsets(%arg7 : memref<128xi32, #tpu.memory_space<vmem>>) semaphore(%arg48 : memref<!tpu.dma_semaphore, #tpu.memory_space<semaphore_mem>>)
    %add3A_106 = arith.constant 32 : i32
    %add3A_107 = arith.addi %add3A, %add3A_106 : i32
    %dma_wait3A_108 = arith.constant 0 : i32
    %dma_wait3A_109 = tpu.memref_slice %arg3[%add3A_107, %dma_wait3A_108] : memref<2560x128xi32, #tpu.memory_space<hbm>> -> memref<1x128xi32, #tpu.memory_space<hbm>>
    %dma_wait3A_110 = tpu.memref_squeeze %dma_wait3A_109 : memref<1x128xi32, #tpu.memory_space<hbm>> -> memref<128xi32, #tpu.memory_space<hbm>>
    %dma_wait3A_111 = arith.constant 0 : i32
    %dma_wait3A_112 = tpu.memref_slice %arg3[%add3A_107, %dma_wait3A_111] : memref<2560x128xi32, #tpu.memory_space<hbm>> -> memref<1x128xi32, #tpu.memory_space<hbm>>
    %dma_wait3A_113 = tpu.memref_squeeze %dma_wait3A_112 : memref<1x128xi32, #tpu.memory_space<hbm>> -> memref<128xi32, #tpu.memory_space<hbm>>
    tpu.wait_dma2 semaphore(%arg39 : memref<!tpu.dma_semaphore, #tpu.memory_space<semaphore_mem>>) src(%dma_wait3A_113 : memref<128xi32, #tpu.memory_space<hbm>>) dst(%arg8 : memref<128xi32, #tpu.memory_space<vmem>>)
    %dma_wait3A_114 = arith.constant 0 : i32
    %dma_wait3A_115 = tpu.memref_slice %arg4[%add3A_107, %dma_wait3A_114] : memref<2560x128xi32, #tpu.memory_space<hbm>> -> memref<1x128xi32, #tpu.memory_space<hbm>>
    %dma_wait3A_116 = tpu.memref_squeeze %dma_wait3A_115 : memref<1x128xi32, #tpu.memory_space<hbm>> -> memref<128xi32, #tpu.memory_space<hbm>>
    %dma_wait3A_117 = arith.constant 0 : i32
    %dma_wait3A_118 = tpu.memref_slice %arg4[%add3A_107, %dma_wait3A_117] : memref<2560x128xi32, #tpu.memory_space<hbm>> -> memref<1x128xi32, #tpu.memory_space<hbm>>
    %dma_wait3A_119 = tpu.memref_squeeze %dma_wait3A_118 : memref<1x128xi32, #tpu.memory_space<hbm>> -> memref<128xi32, #tpu.memory_space<hbm>>
    tpu.wait_dma2 semaphore(%arg39 : memref<!tpu.dma_semaphore, #tpu.memory_space<semaphore_mem>>) src(%dma_wait3A_119 : memref<128xi32, #tpu.memory_space<hbm>>) dst(%arg18 : memref<128xi32, #tpu.memory_space<vmem>>)
    %dma_start3A_120 = arith.constant 0 : i32
    %dma_start3A_121 = arith.constant 0 : i32
    %dma_start3A_122 = tpu.memref_slice %arg2[%dma_start3A_120, %dma_start3A_121] : memref<10240x64xf32, #tpu.memory_space<hbm>> -> memref<10240x64xf32, #tpu.memory_space<hbm>>
    tpu.enqueue_indirect_dma source(%dma_start3A_122 : memref<10240x64xf32, #tpu.memory_space<hbm>>) target(%arg28 : memref<128x64xf32, #tpu.memory_space<vmem>>) offsets(%arg8 : memref<128xi32, #tpu.memory_space<vmem>>) semaphore(%arg49 : memref<!tpu.dma_semaphore, #tpu.memory_space<semaphore_mem>>)
    %add3A_123 = arith.constant 64 : i32
    %add3A_124 = arith.addi %add3A, %add3A_123 : i32
    %dma_wait3A_125 = arith.constant 0 : i32
    %dma_wait3A_126 = tpu.memref_slice %arg3[%add3A_124, %dma_wait3A_125] : memref<2560x128xi32, #tpu.memory_space<hbm>> -> memref<1x128xi32, #tpu.memory_space<hbm>>
    %dma_wait3A_127 = tpu.memref_squeeze %dma_wait3A_126 : memref<1x128xi32, #tpu.memory_space<hbm>> -> memref<128xi32, #tpu.memory_space<hbm>>
    %dma_wait3A_128 = arith.constant 0 : i32
    %dma_wait3A_129 = tpu.memref_slice %arg3[%add3A_124, %dma_wait3A_128] : memref<2560x128xi32, #tpu.memory_space<hbm>> -> memref<1x128xi32, #tpu.memory_space<hbm>>
    %dma_wait3A_130 = tpu.memref_squeeze %dma_wait3A_129 : memref<1x128xi32, #tpu.memory_space<hbm>> -> memref<128xi32, #tpu.memory_space<hbm>>
    tpu.wait_dma2 semaphore(%arg40 : memref<!tpu.dma_semaphore, #tpu.memory_space<semaphore_mem>>) src(%dma_wait3A_130 : memref<128xi32, #tpu.memory_space<hbm>>) dst(%arg9 : memref<128xi32, #tpu.memory_space<vmem>>)
    %dma_wait3A_131 = arith.constant 0 : i32
    %dma_wait3A_132 = tpu.memref_slice %arg4[%add3A_124, %dma_wait3A_131] : memref<2560x128xi32, #tpu.memory_space<hbm>> -> memref<1x128xi32, #tpu.memory_space<hbm>>
    %dma_wait3A_133 = tpu.memref_squeeze %dma_wait3A_132 : memref<1x128xi32, #tpu.memory_space<hbm>> -> memref<128xi32, #tpu.memory_space<hbm>>
    %dma_wait3A_134 = arith.constant 0 : i32
    %dma_wait3A_135 = tpu.memref_slice %arg4[%add3A_124, %dma_wait3A_134] : memref<2560x128xi32, #tpu.memory_space<hbm>> -> memref<1x128xi32, #tpu.memory_space<hbm>>
    %dma_wait3A_136 = tpu.memref_squeeze %dma_wait3A_135 : memref<1x128xi32, #tpu.memory_space<hbm>> -> memref<128xi32, #tpu.memory_space<hbm>>
    tpu.wait_dma2 semaphore(%arg40 : memref<!tpu.dma_semaphore, #tpu.memory_space<semaphore_mem>>) src(%dma_wait3A_136 : memref<128xi32, #tpu.memory_space<hbm>>) dst(%arg19 : memref<128xi32, #tpu.memory_space<vmem>>)
    %dma_start3A_137 = arith.constant 0 : i32
    %dma_start3A_138 = arith.constant 0 : i32
    %dma_start3A_139 = tpu.memref_slice %arg2[%dma_start3A_137, %dma_start3A_138] : memref<10240x64xf32, #tpu.memory_space<hbm>> -> memref<10240x64xf32, #tpu.memory_space<hbm>>
    tpu.enqueue_indirect_dma source(%dma_start3A_139 : memref<10240x64xf32, #tpu.memory_space<hbm>>) target(%arg29 : memref<128x64xf32, #tpu.memory_space<vmem>>) offsets(%arg9 : memref<128xi32, #tpu.memory_space<vmem>>) semaphore(%arg50 : memref<!tpu.dma_semaphore, #tpu.memory_space<semaphore_mem>>)
    %scan3A = arith.constant 0 : i32
    %scan3A_140 = arith.constant 0 : i32
    %scan3A_141 = arith.constant 8 : i32
    %scan3A_142 = arith.addi %scan3A_140, %scan3A_141 : i32
    %scan3A_143 = arith.constant 1 : i32
    scf.for %scan3A_183 = %scan3A_140 to %scan3A_142 step %scan3A_143  : i32 {
      %mul3A_184 = arith.constant 10 : i32
      %mul3A_185 = arith.muli %scan3A_183, %mul3A_184 : i32
      %add3A_186 = arith.constant 0 : i32
      %add3A_187 = arith.addi %mul3A_185, %add3A_186 : i32
      %dma_wait3A_188 = arith.constant 0 : i32
      %dma_wait3A_189 = arith.constant 0 : i32
      %dma_wait3A_190 = tpu.memref_slice %arg2[%dma_wait3A_188, %dma_wait3A_189] : memref<10240x64xf32, #tpu.memory_space<hbm>> -> memref<10240x64xf32, #tpu.memory_space<hbm>>
      tpu.wait_indirect_dma semaphore(%arg48 : memref<!tpu.dma_semaphore, #tpu.memory_space<semaphore_mem>>) src(%dma_wait3A_190 : memref<10240x64xf32, #tpu.memory_space<hbm>>) dst(%arg27 : memref<128x64xf32, #tpu.memory_space<vmem>>)
      %dma_start3A_191 = arith.constant 0 : i32
      %dma_start3A_192 = arith.constant 0 : i32
      %dma_start3A_193 = tpu.memref_slice %arg37[%dma_start3A_191, %dma_start3A_192] : memref<10240x64xf32, #tpu.memory_space<vmem_shared>> -> memref<10240x64xf32, #tpu.memory_space<vmem_shared>>
      tpu.enqueue_indirect_dma source(%arg27 : memref<128x64xf32, #tpu.memory_space<vmem>>) target(%dma_start3A_193 : memref<10240x64xf32, #tpu.memory_space<vmem_shared>>) offsets(%arg17 : memref<128xi32, #tpu.memory_space<vmem>>) semaphore(%arg58 : memref<!tpu.dma_semaphore, #tpu.memory_space<semaphore_mem>>) {add = true}
      %add3A_194 = arith.constant 6 : i32
      %add3A_195 = arith.addi %add3A_187, %add3A_194 : i32
      %lt3A = arith.constant 80 : i32
      %lt3A_196 = arith.cmpi slt, %add3A_195, %lt3A : i32
      %convert_element_type3A = arith.extui %lt3A_196 : i1 to i32
      %cond3A = arith.constant 0 : i32
      %cond3A_197 = arith.cmpi ne, %convert_element_type3A, %cond3A : i32
      scf.if %cond3A_197 {
        %ge3A = arith.constant 10 : i32
        %ge3A_421 = arith.cmpi sge, %add3A_195, %ge3A : i32
        %convert_element_type3A_422 = arith.extui %ge3A_421 : i1 to i32
        %cond3A_423 = arith.constant 0 : i32
        %cond3A_424 = arith.cmpi ne, %convert_element_type3A_422, %cond3A_423 : i32
        scf.if %cond3A_424 {
          %dma_wait3A_440 = arith.constant 0 : i32
          %dma_wait3A_441 = arith.constant 0 : i32
          %dma_wait3A_442 = tpu.memref_slice %arg37[%dma_wait3A_440, %dma_wait3A_441] : memref<10240x64xf32, #tpu.memory_space<vmem_shared>> -> memref<10240x64xf32, #tpu.memory_space<vmem_shared>>
          tpu.wait_indirect_dma semaphore(%arg64 : memref<!tpu.dma_semaphore, #tpu.memory_space<semaphore_mem>>) src(%arg33 : memref<128x64xf32, #tpu.memory_space<vmem>>) dst(%dma_wait3A_442 : memref<10240x64xf32, #tpu.memory_space<vmem_shared>>)
        } else {
        }
        %mul3A_425 = arith.constant 32 : i32
        %mul3A_426 = arith.muli %add3A_195, %mul3A_425 : i32
        %add3A_427 = arith.addi %add3A, %mul3A_426 : i32
        %dma_start3A_428 = arith.constant 0 : i32
        %dma_start3A_429 = tpu.memref_slice %arg3[%add3A_427, %dma_start3A_428] : memref<2560x128xi32, #tpu.memory_space<hbm>> -> memref<1x128xi32, #tpu.memory_space<hbm>>
        %dma_start3A_430 = tpu.memref_squeeze %dma_start3A_429 : memref<1x128xi32, #tpu.memory_space<hbm>> -> memref<128xi32, #tpu.memory_space<hbm>>
        %dma_start3A_431 = arith.constant 0 : i32
        %dma_start3A_432 = tpu.memref_slice %arg3[%add3A_427, %dma_start3A_431] : memref<2560x128xi32, #tpu.memory_space<hbm>> -> memref<1x128xi32, #tpu.memory_space<hbm>>
        %dma_start3A_433 = tpu.memref_squeeze %dma_start3A_432 : memref<1x128xi32, #tpu.memory_space<hbm>> -> memref<128xi32, #tpu.memory_space<hbm>>
        tpu.enqueue_dma source(%dma_start3A_433 : memref<128xi32, #tpu.memory_space<hbm>>) target(%arg13 : memref<128xi32, #tpu.memory_space<vmem>>) target_semaphore(%arg44 : memref<!tpu.dma_semaphore, #tpu.memory_space<semaphore_mem>>)
        %dma_start3A_434 = arith.constant 0 : i32
        %dma_start3A_435 = tpu.memref_slice %arg4[%add3A_427, %dma_start3A_434] : memref<2560x128xi32, #tpu.memory_space<hbm>> -> memref<1x128xi32, #tpu.memory_space<hbm>>
        %dma_start3A_436 = tpu.memref_squeeze %dma_start3A_435 : memref<1x128xi32, #tpu.memory_space<hbm>> -> memref<128xi32, #tpu.memory_space<hbm>>
        %dma_start3A_437 = arith.constant 0 : i32
        %dma_start3A_438 = tpu.memref_slice %arg4[%add3A_427, %dma_start3A_437] : memref<2560x128xi32, #tpu.memory_space<hbm>> -> memref<1x128xi32, #tpu.memory_space<hbm>>
        %dma_start3A_439 = tpu.memref_squeeze %dma_start3A_438 : memref<1x128xi32, #tpu.memory_space<hbm>> -> memref<128xi32, #tpu.memory_space<hbm>>
        tpu.enqueue_dma source(%dma_start3A_439 : memref<128xi32, #tpu.memory_space<hbm>>) target(%arg23 : memref<128xi32, #tpu.memory_space<vmem>>) target_semaphore(%arg44 : memref<!tpu.dma_semaphore, #tpu.memory_space<semaphore_mem>>)
      } else {
      }
      %add3A_198 = arith.constant 3 : i32
      %add3A_199 = arith.addi %add3A_187, %add3A_198 : i32
      %lt3A_200 = arith.constant 80 : i32
      %lt3A_201 = arith.cmpi slt, %add3A_199, %lt3A_200 : i32
      %convert_element_type3A_202 = arith.extui %lt3A_201 : i1 to i32
      %cond3A_203 = arith.constant 0 : i32
      %cond3A_204 = arith.cmpi ne, %convert_element_type3A_202, %cond3A_203 : i32
      scf.if %cond3A_204 {
        %mul3A_421 = arith.constant 32 : i32
        %mul3A_422 = arith.muli %add3A_199, %mul3A_421 : i32
        %add3A_423 = arith.addi %add3A, %mul3A_422 : i32
        %dma_wait3A_424 = arith.constant 0 : i32
        %dma_wait3A_425 = tpu.memref_slice %arg3[%add3A_423, %dma_wait3A_424] : memref<2560x128xi32, #tpu.memory_space<hbm>> -> memref<1x128xi32, #tpu.memory_space<hbm>>
        %dma_wait3A_426 = tpu.memref_squeeze %dma_wait3A_425 : memref<1x128xi32, #tpu.memory_space<hbm>> -> memref<128xi32, #tpu.memory_space<hbm>>
        %dma_wait3A_427 = arith.constant 0 : i32
        %dma_wait3A_428 = tpu.memref_slice %arg3[%add3A_423, %dma_wait3A_427] : memref<2560x128xi32, #tpu.memory_space<hbm>> -> memref<1x128xi32, #tpu.memory_space<hbm>>
        %dma_wait3A_429 = tpu.memref_squeeze %dma_wait3A_428 : memref<1x128xi32, #tpu.memory_space<hbm>> -> memref<128xi32, #tpu.memory_space<hbm>>
        tpu.wait_dma2 semaphore(%arg41 : memref<!tpu.dma_semaphore, #tpu.memory_space<semaphore_mem>>) src(%dma_wait3A_429 : memref<128xi32, #tpu.memory_space<hbm>>) dst(%arg10 : memref<128xi32, #tpu.memory_space<vmem>>)
        %dma_wait3A_430 = arith.constant 0 : i32
        %dma_wait3A_431 = tpu.memref_slice %arg4[%add3A_423, %dma_wait3A_430] : memref<2560x128xi32, #tpu.memory_space<hbm>> -> memref<1x128xi32, #tpu.memory_space<hbm>>
        %dma_wait3A_432 = tpu.memref_squeeze %dma_wait3A_431 : memref<1x128xi32, #tpu.memory_space<hbm>> -> memref<128xi32, #tpu.memory_space<hbm>>
        %dma_wait3A_433 = arith.constant 0 : i32
        %dma_wait3A_434 = tpu.memref_slice %arg4[%add3A_423, %dma_wait3A_433] : memref<2560x128xi32, #tpu.memory_space<hbm>> -> memref<1x128xi32, #tpu.memory_space<hbm>>
        %dma_wait3A_435 = tpu.memref_squeeze %dma_wait3A_434 : memref<1x128xi32, #tpu.memory_space<hbm>> -> memref<128xi32, #tpu.memory_space<hbm>>
        tpu.wait_dma2 semaphore(%arg41 : memref<!tpu.dma_semaphore, #tpu.memory_space<semaphore_mem>>) src(%dma_wait3A_435 : memref<128xi32, #tpu.memory_space<hbm>>) dst(%arg20 : memref<128xi32, #tpu.memory_space<vmem>>)
        %dma_start3A_436 = arith.constant 0 : i32
        %dma_start3A_437 = arith.constant 0 : i32
        %dma_start3A_438 = tpu.memref_slice %arg2[%dma_start3A_436, %dma_start3A_437] : memref<10240x64xf32, #tpu.memory_space<hbm>> -> memref<10240x64xf32, #tpu.memory_space<hbm>>
        tpu.enqueue_indirect_dma source(%dma_start3A_438 : memref<10240x64xf32, #tpu.memory_space<hbm>>) target(%arg30 : memref<128x64xf32, #tpu.memory_space<vmem>>) offsets(%arg10 : memref<128xi32, #tpu.memory_space<vmem>>) semaphore(%arg51 : memref<!tpu.dma_semaphore, #tpu.memory_space<semaphore_mem>>)
      } else {
      }
      %mul3A_205 = arith.constant 10 : i32
      %mul3A_206 = arith.muli %scan3A_183, %mul3A_205 : i32
      %add3A_207 = arith.constant 1 : i32
      %add3A_208 = arith.addi %mul3A_206, %add3A_207 : i32
      %dma_wait3A_209 = arith.constant 0 : i32
      %dma_wait3A_210 = arith.constant 0 : i32
      %dma_wait3A_211 = tpu.memref_slice %arg2[%dma_wait3A_209, %dma_wait3A_210] : memref<10240x64xf32, #tpu.memory_space<hbm>> -> memref<10240x64xf32, #tpu.memory_space<hbm>>
      tpu.wait_indirect_dma semaphore(%arg49 : memref<!tpu.dma_semaphore, #tpu.memory_space<semaphore_mem>>) src(%dma_wait3A_211 : memref<10240x64xf32, #tpu.memory_space<hbm>>) dst(%arg28 : memref<128x64xf32, #tpu.memory_space<vmem>>)
      %dma_start3A_212 = arith.constant 0 : i32
      %dma_start3A_213 = arith.constant 0 : i32
      %dma_start3A_214 = tpu.memref_slice %arg37[%dma_start3A_212, %dma_start3A_213] : memref<10240x64xf32, #tpu.memory_space<vmem_shared>> -> memref<10240x64xf32, #tpu.memory_space<vmem_shared>>
      tpu.enqueue_indirect_dma source(%arg28 : memref<128x64xf32, #tpu.memory_space<vmem>>) target(%dma_start3A_214 : memref<10240x64xf32, #tpu.memory_space<vmem_shared>>) offsets(%arg18 : memref<128xi32, #tpu.memory_space<vmem>>) semaphore(%arg59 : memref<!tpu.dma_semaphore, #tpu.memory_space<semaphore_mem>>) {add = true}
      %add3A_215 = arith.constant 6 : i32
      %add3A_216 = arith.addi %add3A_208, %add3A_215 : i32
      %lt3A_217 = arith.constant 80 : i32
      %lt3A_218 = arith.cmpi slt, %add3A_216, %lt3A_217 : i32
      %convert_element_type3A_219 = arith.extui %lt3A_218 : i1 to i32
      %cond3A_220 = arith.constant 0 : i32
      %cond3A_221 = arith.cmpi ne, %convert_element_type3A_219, %cond3A_220 : i32
      scf.if %cond3A_221 {
        %ge3A = arith.constant 10 : i32
        %ge3A_421 = arith.cmpi sge, %add3A_216, %ge3A : i32
        %convert_element_type3A_422 = arith.extui %ge3A_421 : i1 to i32
        %cond3A_423 = arith.constant 0 : i32
        %cond3A_424 = arith.cmpi ne, %convert_element_type3A_422, %cond3A_423 : i32
        scf.if %cond3A_424 {
          %dma_wait3A_440 = arith.constant 0 : i32
          %dma_wait3A_441 = arith.constant 0 : i32
          %dma_wait3A_442 = tpu.memref_slice %arg37[%dma_wait3A_440, %dma_wait3A_441] : memref<10240x64xf32, #tpu.memory_space<vmem_shared>> -> memref<10240x64xf32, #tpu.memory_space<vmem_shared>>
          tpu.wait_indirect_dma semaphore(%arg65 : memref<!tpu.dma_semaphore, #tpu.memory_space<semaphore_mem>>) src(%arg34 : memref<128x64xf32, #tpu.memory_space<vmem>>) dst(%dma_wait3A_442 : memref<10240x64xf32, #tpu.memory_space<vmem_shared>>)
        } else {
        }
        %mul3A_425 = arith.constant 32 : i32
        %mul3A_426 = arith.muli %add3A_216, %mul3A_425 : i32
        %add3A_427 = arith.addi %add3A, %mul3A_426 : i32
        %dma_start3A_428 = arith.constant 0 : i32
        %dma_start3A_429 = tpu.memref_slice %arg3[%add3A_427, %dma_start3A_428] : memref<2560x128xi32, #tpu.memory_space<hbm>> -> memref<1x128xi32, #tpu.memory_space<hbm>>
        %dma_start3A_430 = tpu.memref_squeeze %dma_start3A_429 : memref<1x128xi32, #tpu.memory_space<hbm>> -> memref<128xi32, #tpu.memory_space<hbm>>
        %dma_start3A_431 = arith.constant 0 : i32
        %dma_start3A_432 = tpu.memref_slice %arg3[%add3A_427, %dma_start3A_431] : memref<2560x128xi32, #tpu.memory_space<hbm>> -> memref<1x128xi32, #tpu.memory_space<hbm>>
        %dma_start3A_433 = tpu.memref_squeeze %dma_start3A_432 : memref<1x128xi32, #tpu.memory_space<hbm>> -> memref<128xi32, #tpu.memory_space<hbm>>
        tpu.enqueue_dma source(%dma_start3A_433 : memref<128xi32, #tpu.memory_space<hbm>>) target(%arg14 : memref<128xi32, #tpu.memory_space<vmem>>) target_semaphore(%arg45 : memref<!tpu.dma_semaphore, #tpu.memory_space<semaphore_mem>>)
        %dma_start3A_434 = arith.constant 0 : i32
        %dma_start3A_435 = tpu.memref_slice %arg4[%add3A_427, %dma_start3A_434] : memref<2560x128xi32, #tpu.memory_space<hbm>> -> memref<1x128xi32, #tpu.memory_space<hbm>>
        %dma_start3A_436 = tpu.memref_squeeze %dma_start3A_435 : memref<1x128xi32, #tpu.memory_space<hbm>> -> memref<128xi32, #tpu.memory_space<hbm>>
        %dma_start3A_437 = arith.constant 0 : i32
        %dma_start3A_438 = tpu.memref_slice %arg4[%add3A_427, %dma_start3A_437] : memref<2560x128xi32, #tpu.memory_space<hbm>> -> memref<1x128xi32, #tpu.memory_space<hbm>>
        %dma_start3A_439 = tpu.memref_squeeze %dma_start3A_438 : memref<1x128xi32, #tpu.memory_space<hbm>> -> memref<128xi32, #tpu.memory_space<hbm>>
        tpu.enqueue_dma source(%dma_start3A_439 : memref<128xi32, #tpu.memory_space<hbm>>) target(%arg24 : memref<128xi32, #tpu.memory_space<vmem>>) target_semaphore(%arg45 : memref<!tpu.dma_semaphore, #tpu.memory_space<semaphore_mem>>)
      } else {
      }
      %add3A_222 = arith.constant 3 : i32
      %add3A_223 = arith.addi %add3A_208, %add3A_222 : i32
      %lt3A_224 = arith.constant 80 : i32
      %lt3A_225 = arith.cmpi slt, %add3A_223, %lt3A_224 : i32
      %convert_element_type3A_226 = arith.extui %lt3A_225 : i1 to i32
      %cond3A_227 = arith.constant 0 : i32
      %cond3A_228 = arith.cmpi ne, %convert_element_type3A_226, %cond3A_227 : i32
      scf.if %cond3A_228 {
        %mul3A_421 = arith.constant 32 : i32
        %mul3A_422 = arith.muli %add3A_223, %mul3A_421 : i32
        %add3A_423 = arith.addi %add3A, %mul3A_422 : i32
        %dma_wait3A_424 = arith.constant 0 : i32
        %dma_wait3A_425 = tpu.memref_slice %arg3[%add3A_423, %dma_wait3A_424] : memref<2560x128xi32, #tpu.memory_space<hbm>> -> memref<1x128xi32, #tpu.memory_space<hbm>>
        %dma_wait3A_426 = tpu.memref_squeeze %dma_wait3A_425 : memref<1x128xi32, #tpu.memory_space<hbm>> -> memref<128xi32, #tpu.memory_space<hbm>>
        %dma_wait3A_427 = arith.constant 0 : i32
        %dma_wait3A_428 = tpu.memref_slice %arg3[%add3A_423, %dma_wait3A_427] : memref<2560x128xi32, #tpu.memory_space<hbm>> -> memref<1x128xi32, #tpu.memory_space<hbm>>
        %dma_wait3A_429 = tpu.memref_squeeze %dma_wait3A_428 : memref<1x128xi32, #tpu.memory_space<hbm>> -> memref<128xi32, #tpu.memory_space<hbm>>
        tpu.wait_dma2 semaphore(%arg42 : memref<!tpu.dma_semaphore, #tpu.memory_space<semaphore_mem>>) src(%dma_wait3A_429 : memref<128xi32, #tpu.memory_space<hbm>>) dst(%arg11 : memref<128xi32, #tpu.memory_space<vmem>>)
        %dma_wait3A_430 = arith.constant 0 : i32
        %dma_wait3A_431 = tpu.memref_slice %arg4[%add3A_423, %dma_wait3A_430] : memref<2560x128xi32, #tpu.memory_space<hbm>> -> memref<1x128xi32, #tpu.memory_space<hbm>>
        %dma_wait3A_432 = tpu.memref_squeeze %dma_wait3A_431 : memref<1x128xi32, #tpu.memory_space<hbm>> -> memref<128xi32, #tpu.memory_space<hbm>>
        %dma_wait3A_433 = arith.constant 0 : i32
        %dma_wait3A_434 = tpu.memref_slice %arg4[%add3A_423, %dma_wait3A_433] : memref<2560x128xi32, #tpu.memory_space<hbm>> -> memref<1x128xi32, #tpu.memory_space<hbm>>
        %dma_wait3A_435 = tpu.memref_squeeze %dma_wait3A_434 : memref<1x128xi32, #tpu.memory_space<hbm>> -> memref<128xi32, #tpu.memory_space<hbm>>
        tpu.wait_dma2 semaphore(%arg42 : memref<!tpu.dma_semaphore, #tpu.memory_space<semaphore_mem>>) src(%dma_wait3A_435 : memref<128xi32, #tpu.memory_space<hbm>>) dst(%arg21 : memref<128xi32, #tpu.memory_space<vmem>>)
        %dma_start3A_436 = arith.constant 0 : i32
        %dma_start3A_437 = arith.constant 0 : i32
        %dma_start3A_438 = tpu.memref_slice %arg2[%dma_start3A_436, %dma_start3A_437] : memref<10240x64xf32, #tpu.memory_space<hbm>> -> memref<10240x64xf32, #tpu.memory_space<hbm>>
        tpu.enqueue_indirect_dma source(%dma_start3A_438 : memref<10240x64xf32, #tpu.memory_space<hbm>>) target(%arg31 : memref<128x64xf32, #tpu.memory_space<vmem>>) offsets(%arg11 : memref<128xi32, #tpu.memory_space<vmem>>) semaphore(%arg52 : memref<!tpu.dma_semaphore, #tpu.memory_space<semaphore_mem>>)
      } else {
      }
      %mul3A_229 = arith.constant 10 : i32
      %mul3A_230 = arith.muli %scan3A_183, %mul3A_229 : i32
      %add3A_231 = arith.constant 2 : i32
      %add3A_232 = arith.addi %mul3A_230, %add3A_231 : i32
      %dma_wait3A_233 = arith.constant 0 : i32
      %dma_wait3A_234 = arith.constant 0 : i32
      %dma_wait3A_235 = tpu.memref_slice %arg2[%dma_wait3A_233, %dma_wait3A_234] : memref<10240x64xf32, #tpu.memory_space<hbm>> -> memref<10240x64xf32, #tpu.memory_space<hbm>>
      tpu.wait_indirect_dma semaphore(%arg50 : memref<!tpu.dma_semaphore, #tpu.memory_space<semaphore_mem>>) src(%dma_wait3A_235 : memref<10240x64xf32, #tpu.memory_space<hbm>>) dst(%arg29 : memref<128x64xf32, #tpu.memory_space<vmem>>)
      %dma_start3A_236 = arith.constant 0 : i32
      %dma_start3A_237 = arith.constant 0 : i32
      %dma_start3A_238 = tpu.memref_slice %arg37[%dma_start3A_236, %dma_start3A_237] : memref<10240x64xf32, #tpu.memory_space<vmem_shared>> -> memref<10240x64xf32, #tpu.memory_space<vmem_shared>>
      tpu.enqueue_indirect_dma source(%arg29 : memref<128x64xf32, #tpu.memory_space<vmem>>) target(%dma_start3A_238 : memref<10240x64xf32, #tpu.memory_space<vmem_shared>>) offsets(%arg19 : memref<128xi32, #tpu.memory_space<vmem>>) semaphore(%arg60 : memref<!tpu.dma_semaphore, #tpu.memory_space<semaphore_mem>>) {add = true}
      %add3A_239 = arith.constant 6 : i32
      %add3A_240 = arith.addi %add3A_232, %add3A_239 : i32
      %lt3A_241 = arith.constant 80 : i32
      %lt3A_242 = arith.cmpi slt, %add3A_240, %lt3A_241 : i32
      %convert_element_type3A_243 = arith.extui %lt3A_242 : i1 to i32
      %cond3A_244 = arith.constant 0 : i32
      %cond3A_245 = arith.cmpi ne, %convert_element_type3A_243, %cond3A_244 : i32
      scf.if %cond3A_245 {
        %ge3A = arith.constant 10 : i32
        %ge3A_421 = arith.cmpi sge, %add3A_240, %ge3A : i32
        %convert_element_type3A_422 = arith.extui %ge3A_421 : i1 to i32
        %cond3A_423 = arith.constant 0 : i32
        %cond3A_424 = arith.cmpi ne, %convert_element_type3A_422, %cond3A_423 : i32
        scf.if %cond3A_424 {
          %dma_wait3A_440 = arith.constant 0 : i32
          %dma_wait3A_441 = arith.constant 0 : i32
          %dma_wait3A_442 = tpu.memref_slice %arg37[%dma_wait3A_440, %dma_wait3A_441] : memref<10240x64xf32, #tpu.memory_space<vmem_shared>> -> memref<10240x64xf32, #tpu.memory_space<vmem_shared>>
          tpu.wait_indirect_dma semaphore(%arg66 : memref<!tpu.dma_semaphore, #tpu.memory_space<semaphore_mem>>) src(%arg35 : memref<128x64xf32, #tpu.memory_space<vmem>>) dst(%dma_wait3A_442 : memref<10240x64xf32, #tpu.memory_space<vmem_shared>>)
        } else {
        }
        %mul3A_425 = arith.constant 32 : i32
        %mul3A_426 = arith.muli %add3A_240, %mul3A_425 : i32
        %add3A_427 = arith.addi %add3A, %mul3A_426 : i32
        %dma_start3A_428 = arith.constant 0 : i32
        %dma_start3A_429 = tpu.memref_slice %arg3[%add3A_427, %dma_start3A_428] : memref<2560x128xi32, #tpu.memory_space<hbm>> -> memref<1x128xi32, #tpu.memory_space<hbm>>
        %dma_start3A_430 = tpu.memref_squeeze %dma_start3A_429 : memref<1x128xi32, #tpu.memory_space<hbm>> -> memref<128xi32, #tpu.memory_space<hbm>>
        %dma_start3A_431 = arith.constant 0 : i32
        %dma_start3A_432 = tpu.memref_slice %arg3[%add3A_427, %dma_start3A_431] : memref<2560x128xi32, #tpu.memory_space<hbm>> -> memref<1x128xi32, #tpu.memory_space<hbm>>
        %dma_start3A_433 = tpu.memref_squeeze %dma_start3A_432 : memref<1x128xi32, #tpu.memory_space<hbm>> -> memref<128xi32, #tpu.memory_space<hbm>>
        tpu.enqueue_dma source(%dma_start3A_433 : memref<128xi32, #tpu.memory_space<hbm>>) target(%arg15 : memref<128xi32, #tpu.memory_space<vmem>>) target_semaphore(%arg46 : memref<!tpu.dma_semaphore, #tpu.memory_space<semaphore_mem>>)
        %dma_start3A_434 = arith.constant 0 : i32
        %dma_start3A_435 = tpu.memref_slice %arg4[%add3A_427, %dma_start3A_434] : memref<2560x128xi32, #tpu.memory_space<hbm>> -> memref<1x128xi32, #tpu.memory_space<hbm>>
        %dma_start3A_436 = tpu.memref_squeeze %dma_start3A_435 : memref<1x128xi32, #tpu.memory_space<hbm>> -> memref<128xi32, #tpu.memory_space<hbm>>
        %dma_start3A_437 = arith.constant 0 : i32
        %dma_start3A_438 = tpu.memref_slice %arg4[%add3A_427, %dma_start3A_437] : memref<2560x128xi32, #tpu.memory_space<hbm>> -> memref<1x128xi32, #tpu.memory_space<hbm>>
        %dma_start3A_439 = tpu.memref_squeeze %dma_start3A_438 : memref<1x128xi32, #tpu.memory_space<hbm>> -> memref<128xi32, #tpu.memory_space<hbm>>
        tpu.enqueue_dma source(%dma_start3A_439 : memref<128xi32, #tpu.memory_space<hbm>>) target(%arg25 : memref<128xi32, #tpu.memory_space<vmem>>) target_semaphore(%arg46 : memref<!tpu.dma_semaphore, #tpu.memory_space<semaphore_mem>>)
      } else {
      }
      %add3A_246 = arith.constant 3 : i32
      %add3A_247 = arith.addi %add3A_232, %add3A_246 : i32
      %lt3A_248 = arith.constant 80 : i32
      %lt3A_249 = arith.cmpi slt, %add3A_247, %lt3A_248 : i32
      %convert_element_type3A_250 = arith.extui %lt3A_249 : i1 to i32
      %cond3A_251 = arith.constant 0 : i32
      %cond3A_252 = arith.cmpi ne, %convert_element_type3A_250, %cond3A_251 : i32
      scf.if %cond3A_252 {
        %mul3A_421 = arith.constant 32 : i32
        %mul3A_422 = arith.muli %add3A_247, %mul3A_421 : i32
        %add3A_423 = arith.addi %add3A, %mul3A_422 : i32
        %dma_wait3A_424 = arith.constant 0 : i32
        %dma_wait3A_425 = tpu.memref_slice %arg3[%add3A_423, %dma_wait3A_424] : memref<2560x128xi32, #tpu.memory_space<hbm>> -> memref<1x128xi32, #tpu.memory_space<hbm>>
        %dma_wait3A_426 = tpu.memref_squeeze %dma_wait3A_425 : memref<1x128xi32, #tpu.memory_space<hbm>> -> memref<128xi32, #tpu.memory_space<hbm>>
        %dma_wait3A_427 = arith.constant 0 : i32
        %dma_wait3A_428 = tpu.memref_slice %arg3[%add3A_423, %dma_wait3A_427] : memref<2560x128xi32, #tpu.memory_space<hbm>> -> memref<1x128xi32, #tpu.memory_space<hbm>>
        %dma_wait3A_429 = tpu.memref_squeeze %dma_wait3A_428 : memref<1x128xi32, #tpu.memory_space<hbm>> -> memref<128xi32, #tpu.memory_space<hbm>>
        tpu.wait_dma2 semaphore(%arg43 : memref<!tpu.dma_semaphore, #tpu.memory_space<semaphore_mem>>) src(%dma_wait3A_429 : memref<128xi32, #tpu.memory_space<hbm>>) dst(%arg12 : memref<128xi32, #tpu.memory_space<vmem>>)
        %dma_wait3A_430 = arith.constant 0 : i32
        %dma_wait3A_431 = tpu.memref_slice %arg4[%add3A_423, %dma_wait3A_430] : memref<2560x128xi32, #tpu.memory_space<hbm>> -> memref<1x128xi32, #tpu.memory_space<hbm>>
        %dma_wait3A_432 = tpu.memref_squeeze %dma_wait3A_431 : memref<1x128xi32, #tpu.memory_space<hbm>> -> memref<128xi32, #tpu.memory_space<hbm>>
        %dma_wait3A_433 = arith.constant 0 : i32
        %dma_wait3A_434 = tpu.memref_slice %arg4[%add3A_423, %dma_wait3A_433] : memref<2560x128xi32, #tpu.memory_space<hbm>> -> memref<1x128xi32, #tpu.memory_space<hbm>>
        %dma_wait3A_435 = tpu.memref_squeeze %dma_wait3A_434 : memref<1x128xi32, #tpu.memory_space<hbm>> -> memref<128xi32, #tpu.memory_space<hbm>>
        tpu.wait_dma2 semaphore(%arg43 : memref<!tpu.dma_semaphore, #tpu.memory_space<semaphore_mem>>) src(%dma_wait3A_435 : memref<128xi32, #tpu.memory_space<hbm>>) dst(%arg22 : memref<128xi32, #tpu.memory_space<vmem>>)
        %dma_start3A_436 = arith.constant 0 : i32
        %dma_start3A_437 = arith.constant 0 : i32
        %dma_start3A_438 = tpu.memref_slice %arg2[%dma_start3A_436, %dma_start3A_437] : memref<10240x64xf32, #tpu.memory_space<hbm>> -> memref<10240x64xf32, #tpu.memory_space<hbm>>
        tpu.enqueue_indirect_dma source(%dma_start3A_438 : memref<10240x64xf32, #tpu.memory_space<hbm>>) target(%arg32 : memref<128x64xf32, #tpu.memory_space<vmem>>) offsets(%arg12 : memref<128xi32, #tpu.memory_space<vmem>>) semaphore(%arg53 : memref<!tpu.dma_semaphore, #tpu.memory_space<semaphore_mem>>)
      } else {
      }
      %mul3A_253 = arith.constant 10 : i32
      %mul3A_254 = arith.muli %scan3A_183, %mul3A_253 : i32
      %add3A_255 = arith.constant 3 : i32
      %add3A_256 = arith.addi %mul3A_254, %add3A_255 : i32
      %dma_wait3A_257 = arith.constant 0 : i32
      %dma_wait3A_258 = arith.constant 0 : i32
      %dma_wait3A_259 = tpu.memref_slice %arg2[%dma_wait3A_257, %dma_wait3A_258] : memref<10240x64xf32, #tpu.memory_space<hbm>> -> memref<10240x64xf32, #tpu.memory_space<hbm>>
      tpu.wait_indirect_dma semaphore(%arg51 : memref<!tpu.dma_semaphore, #tpu.memory_space<semaphore_mem>>) src(%dma_wait3A_259 : memref<10240x64xf32, #tpu.memory_space<hbm>>) dst(%arg30 : memref<128x64xf32, #tpu.memory_space<vmem>>)
      %dma_start3A_260 = arith.constant 0 : i32
      %dma_start3A_261 = arith.constant 0 : i32
      %dma_start3A_262 = tpu.memref_slice %arg37[%dma_start3A_260, %dma_start3A_261] : memref<10240x64xf32, #tpu.memory_space<vmem_shared>> -> memref<10240x64xf32, #tpu.memory_space<vmem_shared>>
      tpu.enqueue_indirect_dma source(%arg30 : memref<128x64xf32, #tpu.memory_space<vmem>>) target(%dma_start3A_262 : memref<10240x64xf32, #tpu.memory_space<vmem_shared>>) offsets(%arg20 : memref<128xi32, #tpu.memory_space<vmem>>) semaphore(%arg61 : memref<!tpu.dma_semaphore, #tpu.memory_space<semaphore_mem>>) {add = true}
      %add3A_263 = arith.constant 6 : i32
      %add3A_264 = arith.addi %add3A_256, %add3A_263 : i32
      %lt3A_265 = arith.constant 80 : i32
      %lt3A_266 = arith.cmpi slt, %add3A_264, %lt3A_265 : i32
      %convert_element_type3A_267 = arith.extui %lt3A_266 : i1 to i32
      %cond3A_268 = arith.constant 0 : i32
      %cond3A_269 = arith.cmpi ne, %convert_element_type3A_267, %cond3A_268 : i32
      scf.if %cond3A_269 {
        %ge3A = arith.constant 10 : i32
        %ge3A_421 = arith.cmpi sge, %add3A_264, %ge3A : i32
        %convert_element_type3A_422 = arith.extui %ge3A_421 : i1 to i32
        %cond3A_423 = arith.constant 0 : i32
        %cond3A_424 = arith.cmpi ne, %convert_element_type3A_422, %cond3A_423 : i32
        scf.if %cond3A_424 {
          %dma_wait3A_440 = arith.constant 0 : i32
          %dma_wait3A_441 = arith.constant 0 : i32
          %dma_wait3A_442 = tpu.memref_slice %arg37[%dma_wait3A_440, %dma_wait3A_441] : memref<10240x64xf32, #tpu.memory_space<vmem_shared>> -> memref<10240x64xf32, #tpu.memory_space<vmem_shared>>
          tpu.wait_indirect_dma semaphore(%arg67 : memref<!tpu.dma_semaphore, #tpu.memory_space<semaphore_mem>>) src(%arg36 : memref<128x64xf32, #tpu.memory_space<vmem>>) dst(%dma_wait3A_442 : memref<10240x64xf32, #tpu.memory_space<vmem_shared>>)
        } else {
        }
        %mul3A_425 = arith.constant 32 : i32
        %mul3A_426 = arith.muli %add3A_264, %mul3A_425 : i32
        %add3A_427 = arith.addi %add3A, %mul3A_426 : i32
        %dma_start3A_428 = arith.constant 0 : i32
        %dma_start3A_429 = tpu.memref_slice %arg3[%add3A_427, %dma_start3A_428] : memref<2560x128xi32, #tpu.memory_space<hbm>> -> memref<1x128xi32, #tpu.memory_space<hbm>>
        %dma_start3A_430 = tpu.memref_squeeze %dma_start3A_429 : memref<1x128xi32, #tpu.memory_space<hbm>> -> memref<128xi32, #tpu.memory_space<hbm>>
        %dma_start3A_431 = arith.constant 0 : i32
        %dma_start3A_432 = tpu.memref_slice %arg3[%add3A_427, %dma_start3A_431] : memref<2560x128xi32, #tpu.memory_space<hbm>> -> memref<1x128xi32, #tpu.memory_space<hbm>>
        %dma_start3A_433 = tpu.memref_squeeze %dma_start3A_432 : memref<1x128xi32, #tpu.memory_space<hbm>> -> memref<128xi32, #tpu.memory_space<hbm>>
        tpu.enqueue_dma source(%dma_start3A_433 : memref<128xi32, #tpu.memory_space<hbm>>) target(%arg16 : memref<128xi32, #tpu.memory_space<vmem>>) target_semaphore(%arg47 : memref<!tpu.dma_semaphore, #tpu.memory_space<semaphore_mem>>)
        %dma_start3A_434 = arith.constant 0 : i32
        %dma_start3A_435 = tpu.memref_slice %arg4[%add3A_427, %dma_start3A_434] : memref<2560x128xi32, #tpu.memory_space<hbm>> -> memref<1x128xi32, #tpu.memory_space<hbm>>
        %dma_start3A_436 = tpu.memref_squeeze %dma_start3A_435 : memref<1x128xi32, #tpu.memory_space<hbm>> -> memref<128xi32, #tpu.memory_space<hbm>>
        %dma_start3A_437 = arith.constant 0 : i32
        %dma_start3A_438 = tpu.memref_slice %arg4[%add3A_427, %dma_start3A_437] : memref<2560x128xi32, #tpu.memory_space<hbm>> -> memref<1x128xi32, #tpu.memory_space<hbm>>
        %dma_start3A_439 = tpu.memref_squeeze %dma_start3A_438 : memref<1x128xi32, #tpu.memory_space<hbm>> -> memref<128xi32, #tpu.memory_space<hbm>>
        tpu.enqueue_dma source(%dma_start3A_439 : memref<128xi32, #tpu.memory_space<hbm>>) target(%arg26 : memref<128xi32, #tpu.memory_space<vmem>>) target_semaphore(%arg47 : memref<!tpu.dma_semaphore, #tpu.memory_space<semaphore_mem>>)
      } else {
      }
      %add3A_270 = arith.constant 3 : i32
      %add3A_271 = arith.addi %add3A_256, %add3A_270 : i32
      %lt3A_272 = arith.constant 80 : i32
      %lt3A_273 = arith.cmpi slt, %add3A_271, %lt3A_272 : i32
      %convert_element_type3A_274 = arith.extui %lt3A_273 : i1 to i32
      %cond3A_275 = arith.constant 0 : i32
      %cond3A_276 = arith.cmpi ne, %convert_element_type3A_274, %cond3A_275 : i32
      scf.if %cond3A_276 {
        %mul3A_421 = arith.constant 32 : i32
        %mul3A_422 = arith.muli %add3A_271, %mul3A_421 : i32
        %add3A_423 = arith.addi %add3A, %mul3A_422 : i32
        %dma_wait3A_424 = arith.constant 0 : i32
        %dma_wait3A_425 = tpu.memref_slice %arg3[%add3A_423, %dma_wait3A_424] : memref<2560x128xi32, #tpu.memory_space<hbm>> -> memref<1x128xi32, #tpu.memory_space<hbm>>
        %dma_wait3A_426 = tpu.memref_squeeze %dma_wait3A_425 : memref<1x128xi32, #tpu.memory_space<hbm>> -> memref<128xi32, #tpu.memory_space<hbm>>
        %dma_wait3A_427 = arith.constant 0 : i32
        %dma_wait3A_428 = tpu.memref_slice %arg3[%add3A_423, %dma_wait3A_427] : memref<2560x128xi32, #tpu.memory_space<hbm>> -> memref<1x128xi32, #tpu.memory_space<hbm>>
        %dma_wait3A_429 = tpu.memref_squeeze %dma_wait3A_428 : memref<1x128xi32, #tpu.memory_space<hbm>> -> memref<128xi32, #tpu.memory_space<hbm>>
        tpu.wait_dma2 semaphore(%arg44 : memref<!tpu.dma_semaphore, #tpu.memory_space<semaphore_mem>>) src(%dma_wait3A_429 : memref<128xi32, #tpu.memory_space<hbm>>) dst(%arg13 : memref<128xi32, #tpu.memory_space<vmem>>)
        %dma_wait3A_430 = arith.constant 0 : i32
        %dma_wait3A_431 = tpu.memref_slice %arg4[%add3A_423, %dma_wait3A_430] : memref<2560x128xi32, #tpu.memory_space<hbm>> -> memref<1x128xi32, #tpu.memory_space<hbm>>
        %dma_wait3A_432 = tpu.memref_squeeze %dma_wait3A_431 : memref<1x128xi32, #tpu.memory_space<hbm>> -> memref<128xi32, #tpu.memory_space<hbm>>
        %dma_wait3A_433 = arith.constant 0 : i32
        %dma_wait3A_434 = tpu.memref_slice %arg4[%add3A_423, %dma_wait3A_433] : memref<2560x128xi32, #tpu.memory_space<hbm>> -> memref<1x128xi32, #tpu.memory_space<hbm>>
        %dma_wait3A_435 = tpu.memref_squeeze %dma_wait3A_434 : memref<1x128xi32, #tpu.memory_space<hbm>> -> memref<128xi32, #tpu.memory_space<hbm>>
        tpu.wait_dma2 semaphore(%arg44 : memref<!tpu.dma_semaphore, #tpu.memory_space<semaphore_mem>>) src(%dma_wait3A_435 : memref<128xi32, #tpu.memory_space<hbm>>) dst(%arg23 : memref<128xi32, #tpu.memory_space<vmem>>)
        %dma_start3A_436 = arith.constant 0 : i32
        %dma_start3A_437 = arith.constant 0 : i32
        %dma_start3A_438 = tpu.memref_slice %arg2[%dma_start3A_436, %dma_start3A_437] : memref<10240x64xf32, #tpu.memory_space<hbm>> -> memref<10240x64xf32, #tpu.memory_space<hbm>>
        tpu.enqueue_indirect_dma source(%dma_start3A_438 : memref<10240x64xf32, #tpu.memory_space<hbm>>) target(%arg33 : memref<128x64xf32, #tpu.memory_space<vmem>>) offsets(%arg13 : memref<128xi32, #tpu.memory_space<vmem>>) semaphore(%arg54 : memref<!tpu.dma_semaphore, #tpu.memory_space<semaphore_mem>>)
      } else {
      }
      %mul3A_277 = arith.constant 10 : i32
      %mul3A_278 = arith.muli %scan3A_183, %mul3A_277 : i32
      %add3A_279 = arith.constant 4 : i32
      %add3A_280 = arith.addi %mul3A_278, %add3A_279 : i32
      %dma_wait3A_281 = arith.constant 0 : i32
      %dma_wait3A_282 = arith.constant 0 : i32
      %dma_wait3A_283 = tpu.memref_slice %arg2[%dma_wait3A_281, %dma_wait3A_282] : memref<10240x64xf32, #tpu.memory_space<hbm>> -> memref<10240x64xf32, #tpu.memory_space<hbm>>
      tpu.wait_indirect_dma semaphore(%arg52 : memref<!tpu.dma_semaphore, #tpu.memory_space<semaphore_mem>>) src(%dma_wait3A_283 : memref<10240x64xf32, #tpu.memory_space<hbm>>) dst(%arg31 : memref<128x64xf32, #tpu.memory_space<vmem>>)
      %dma_start3A_284 = arith.constant 0 : i32
      %dma_start3A_285 = arith.constant 0 : i32
      %dma_start3A_286 = tpu.memref_slice %arg37[%dma_start3A_284, %dma_start3A_285] : memref<10240x64xf32, #tpu.memory_space<vmem_shared>> -> memref<10240x64xf32, #tpu.memory_space<vmem_shared>>
      tpu.enqueue_indirect_dma source(%arg31 : memref<128x64xf32, #tpu.memory_space<vmem>>) target(%dma_start3A_286 : memref<10240x64xf32, #tpu.memory_space<vmem_shared>>) offsets(%arg21 : memref<128xi32, #tpu.memory_space<vmem>>) semaphore(%arg62 : memref<!tpu.dma_semaphore, #tpu.memory_space<semaphore_mem>>) {add = true}
      %add3A_287 = arith.constant 6 : i32
      %add3A_288 = arith.addi %add3A_280, %add3A_287 : i32
      %lt3A_289 = arith.constant 80 : i32
      %lt3A_290 = arith.cmpi slt, %add3A_288, %lt3A_289 : i32
      %convert_element_type3A_291 = arith.extui %lt3A_290 : i1 to i32
      %cond3A_292 = arith.constant 0 : i32
      %cond3A_293 = arith.cmpi ne, %convert_element_type3A_291, %cond3A_292 : i32
      scf.if %cond3A_293 {
        %ge3A = arith.constant 10 : i32
        %ge3A_421 = arith.cmpi sge, %add3A_288, %ge3A : i32
        %convert_element_type3A_422 = arith.extui %ge3A_421 : i1 to i32
        %cond3A_423 = arith.constant 0 : i32
        %cond3A_424 = arith.cmpi ne, %convert_element_type3A_422, %cond3A_423 : i32
        scf.if %cond3A_424 {
          %dma_wait3A_440 = arith.constant 0 : i32
          %dma_wait3A_441 = arith.constant 0 : i32
          %dma_wait3A_442 = tpu.memref_slice %arg37[%dma_wait3A_440, %dma_wait3A_441] : memref<10240x64xf32, #tpu.memory_space<vmem_shared>> -> memref<10240x64xf32, #tpu.memory_space<vmem_shared>>
          tpu.wait_indirect_dma semaphore(%arg58 : memref<!tpu.dma_semaphore, #tpu.memory_space<semaphore_mem>>) src(%arg27 : memref<128x64xf32, #tpu.memory_space<vmem>>) dst(%dma_wait3A_442 : memref<10240x64xf32, #tpu.memory_space<vmem_shared>>)
        } else {
        }
        %mul3A_425 = arith.constant 32 : i32
        %mul3A_426 = arith.muli %add3A_288, %mul3A_425 : i32
        %add3A_427 = arith.addi %add3A, %mul3A_426 : i32
        %dma_start3A_428 = arith.constant 0 : i32
        %dma_start3A_429 = tpu.memref_slice %arg3[%add3A_427, %dma_start3A_428] : memref<2560x128xi32, #tpu.memory_space<hbm>> -> memref<1x128xi32, #tpu.memory_space<hbm>>
        %dma_start3A_430 = tpu.memref_squeeze %dma_start3A_429 : memref<1x128xi32, #tpu.memory_space<hbm>> -> memref<128xi32, #tpu.memory_space<hbm>>
        %dma_start3A_431 = arith.constant 0 : i32
        %dma_start3A_432 = tpu.memref_slice %arg3[%add3A_427, %dma_start3A_431] : memref<2560x128xi32, #tpu.memory_space<hbm>> -> memref<1x128xi32, #tpu.memory_space<hbm>>
        %dma_start3A_433 = tpu.memref_squeeze %dma_start3A_432 : memref<1x128xi32, #tpu.memory_space<hbm>> -> memref<128xi32, #tpu.memory_space<hbm>>
        tpu.enqueue_dma source(%dma_start3A_433 : memref<128xi32, #tpu.memory_space<hbm>>) target(%arg7 : memref<128xi32, #tpu.memory_space<vmem>>) target_semaphore(%arg38 : memref<!tpu.dma_semaphore, #tpu.memory_space<semaphore_mem>>)
        %dma_start3A_434 = arith.constant 0 : i32
        %dma_start3A_435 = tpu.memref_slice %arg4[%add3A_427, %dma_start3A_434] : memref<2560x128xi32, #tpu.memory_space<hbm>> -> memref<1x128xi32, #tpu.memory_space<hbm>>
        %dma_start3A_436 = tpu.memref_squeeze %dma_start3A_435 : memref<1x128xi32, #tpu.memory_space<hbm>> -> memref<128xi32, #tpu.memory_space<hbm>>
        %dma_start3A_437 = arith.constant 0 : i32
        %dma_start3A_438 = tpu.memref_slice %arg4[%add3A_427, %dma_start3A_437] : memref<2560x128xi32, #tpu.memory_space<hbm>> -> memref<1x128xi32, #tpu.memory_space<hbm>>
        %dma_start3A_439 = tpu.memref_squeeze %dma_start3A_438 : memref<1x128xi32, #tpu.memory_space<hbm>> -> memref<128xi32, #tpu.memory_space<hbm>>
        tpu.enqueue_dma source(%dma_start3A_439 : memref<128xi32, #tpu.memory_space<hbm>>) target(%arg17 : memref<128xi32, #tpu.memory_space<vmem>>) target_semaphore(%arg38 : memref<!tpu.dma_semaphore, #tpu.memory_space<semaphore_mem>>)
      } else {
      }
      %add3A_294 = arith.constant 3 : i32
      %add3A_295 = arith.addi %add3A_280, %add3A_294 : i32
      %lt3A_296 = arith.constant 80 : i32
      %lt3A_297 = arith.cmpi slt, %add3A_295, %lt3A_296 : i32
      %convert_element_type3A_298 = arith.extui %lt3A_297 : i1 to i32
      %cond3A_299 = arith.constant 0 : i32
      %cond3A_300 = arith.cmpi ne, %convert_element_type3A_298, %cond3A_299 : i32
      scf.if %cond3A_300 {
        %mul3A_421 = arith.constant 32 : i32
        %mul3A_422 = arith.muli %add3A_295, %mul3A_421 : i32
        %add3A_423 = arith.addi %add3A, %mul3A_422 : i32
        %dma_wait3A_424 = arith.constant 0 : i32
        %dma_wait3A_425 = tpu.memref_slice %arg3[%add3A_423, %dma_wait3A_424] : memref<2560x128xi32, #tpu.memory_space<hbm>> -> memref<1x128xi32, #tpu.memory_space<hbm>>
        %dma_wait3A_426 = tpu.memref_squeeze %dma_wait3A_425 : memref<1x128xi32, #tpu.memory_space<hbm>> -> memref<128xi32, #tpu.memory_space<hbm>>
        %dma_wait3A_427 = arith.constant 0 : i32
        %dma_wait3A_428 = tpu.memref_slice %arg3[%add3A_423, %dma_wait3A_427] : memref<2560x128xi32, #tpu.memory_space<hbm>> -> memref<1x128xi32, #tpu.memory_space<hbm>>
        %dma_wait3A_429 = tpu.memref_squeeze %dma_wait3A_428 : memref<1x128xi32, #tpu.memory_space<hbm>> -> memref<128xi32, #tpu.memory_space<hbm>>
        tpu.wait_dma2 semaphore(%arg45 : memref<!tpu.dma_semaphore, #tpu.memory_space<semaphore_mem>>) src(%dma_wait3A_429 : memref<128xi32, #tpu.memory_space<hbm>>) dst(%arg14 : memref<128xi32, #tpu.memory_space<vmem>>)
        %dma_wait3A_430 = arith.constant 0 : i32
        %dma_wait3A_431 = tpu.memref_slice %arg4[%add3A_423, %dma_wait3A_430] : memref<2560x128xi32, #tpu.memory_space<hbm>> -> memref<1x128xi32, #tpu.memory_space<hbm>>
        %dma_wait3A_432 = tpu.memref_squeeze %dma_wait3A_431 : memref<1x128xi32, #tpu.memory_space<hbm>> -> memref<128xi32, #tpu.memory_space<hbm>>
        %dma_wait3A_433 = arith.constant 0 : i32
        %dma_wait3A_434 = tpu.memref_slice %arg4[%add3A_423, %dma_wait3A_433] : memref<2560x128xi32, #tpu.memory_space<hbm>> -> memref<1x128xi32, #tpu.memory_space<hbm>>
        %dma_wait3A_435 = tpu.memref_squeeze %dma_wait3A_434 : memref<1x128xi32, #tpu.memory_space<hbm>> -> memref<128xi32, #tpu.memory_space<hbm>>
        tpu.wait_dma2 semaphore(%arg45 : memref<!tpu.dma_semaphore, #tpu.memory_space<semaphore_mem>>) src(%dma_wait3A_435 : memref<128xi32, #tpu.memory_space<hbm>>) dst(%arg24 : memref<128xi32, #tpu.memory_space<vmem>>)
        %dma_start3A_436 = arith.constant 0 : i32
        %dma_start3A_437 = arith.constant 0 : i32
        %dma_start3A_438 = tpu.memref_slice %arg2[%dma_start3A_436, %dma_start3A_437] : memref<10240x64xf32, #tpu.memory_space<hbm>> -> memref<10240x64xf32, #tpu.memory_space<hbm>>
        tpu.enqueue_indirect_dma source(%dma_start3A_438 : memref<10240x64xf32, #tpu.memory_space<hbm>>) target(%arg34 : memref<128x64xf32, #tpu.memory_space<vmem>>) offsets(%arg14 : memref<128xi32, #tpu.memory_space<vmem>>) semaphore(%arg55 : memref<!tpu.dma_semaphore, #tpu.memory_space<semaphore_mem>>)
      } else {
      }
      %mul3A_301 = arith.constant 10 : i32
      %mul3A_302 = arith.muli %scan3A_183, %mul3A_301 : i32
      %add3A_303 = arith.constant 5 : i32
      %add3A_304 = arith.addi %mul3A_302, %add3A_303 : i32
      %dma_wait3A_305 = arith.constant 0 : i32
      %dma_wait3A_306 = arith.constant 0 : i32
      %dma_wait3A_307 = tpu.memref_slice %arg2[%dma_wait3A_305, %dma_wait3A_306] : memref<10240x64xf32, #tpu.memory_space<hbm>> -> memref<10240x64xf32, #tpu.memory_space<hbm>>
      tpu.wait_indirect_dma semaphore(%arg53 : memref<!tpu.dma_semaphore, #tpu.memory_space<semaphore_mem>>) src(%dma_wait3A_307 : memref<10240x64xf32, #tpu.memory_space<hbm>>) dst(%arg32 : memref<128x64xf32, #tpu.memory_space<vmem>>)
      %dma_start3A_308 = arith.constant 0 : i32
      %dma_start3A_309 = arith.constant 0 : i32
      %dma_start3A_310 = tpu.memref_slice %arg37[%dma_start3A_308, %dma_start3A_309] : memref<10240x64xf32, #tpu.memory_space<vmem_shared>> -> memref<10240x64xf32, #tpu.memory_space<vmem_shared>>
      tpu.enqueue_indirect_dma source(%arg32 : memref<128x64xf32, #tpu.memory_space<vmem>>) target(%dma_start3A_310 : memref<10240x64xf32, #tpu.memory_space<vmem_shared>>) offsets(%arg22 : memref<128xi32, #tpu.memory_space<vmem>>) semaphore(%arg63 : memref<!tpu.dma_semaphore, #tpu.memory_space<semaphore_mem>>) {add = true}
      %add3A_311 = arith.constant 6 : i32
      %add3A_312 = arith.addi %add3A_304, %add3A_311 : i32
      %lt3A_313 = arith.constant 80 : i32
      %lt3A_314 = arith.cmpi slt, %add3A_312, %lt3A_313 : i32
      %convert_element_type3A_315 = arith.extui %lt3A_314 : i1 to i32
      %cond3A_316 = arith.constant 0 : i32
      %cond3A_317 = arith.cmpi ne, %convert_element_type3A_315, %cond3A_316 : i32
      scf.if %cond3A_317 {
        %ge3A = arith.constant 10 : i32
        %ge3A_421 = arith.cmpi sge, %add3A_312, %ge3A : i32
        %convert_element_type3A_422 = arith.extui %ge3A_421 : i1 to i32
        %cond3A_423 = arith.constant 0 : i32
        %cond3A_424 = arith.cmpi ne, %convert_element_type3A_422, %cond3A_423 : i32
        scf.if %cond3A_424 {
          %dma_wait3A_440 = arith.constant 0 : i32
          %dma_wait3A_441 = arith.constant 0 : i32
          %dma_wait3A_442 = tpu.memref_slice %arg37[%dma_wait3A_440, %dma_wait3A_441] : memref<10240x64xf32, #tpu.memory_space<vmem_shared>> -> memref<10240x64xf32, #tpu.memory_space<vmem_shared>>
          tpu.wait_indirect_dma semaphore(%arg59 : memref<!tpu.dma_semaphore, #tpu.memory_space<semaphore_mem>>) src(%arg28 : memref<128x64xf32, #tpu.memory_space<vmem>>) dst(%dma_wait3A_442 : memref<10240x64xf32, #tpu.memory_space<vmem_shared>>)
        } else {
        }
        %mul3A_425 = arith.constant 32 : i32
        %mul3A_426 = arith.muli %add3A_312, %mul3A_425 : i32
        %add3A_427 = arith.addi %add3A, %mul3A_426 : i32
        %dma_start3A_428 = arith.constant 0 : i32
        %dma_start3A_429 = tpu.memref_slice %arg3[%add3A_427, %dma_start3A_428] : memref<2560x128xi32, #tpu.memory_space<hbm>> -> memref<1x128xi32, #tpu.memory_space<hbm>>
        %dma_start3A_430 = tpu.memref_squeeze %dma_start3A_429 : memref<1x128xi32, #tpu.memory_space<hbm>> -> memref<128xi32, #tpu.memory_space<hbm>>
        %dma_start3A_431 = arith.constant 0 : i32
        %dma_start3A_432 = tpu.memref_slice %arg3[%add3A_427, %dma_start3A_431] : memref<2560x128xi32, #tpu.memory_space<hbm>> -> memref<1x128xi32, #tpu.memory_space<hbm>>
        %dma_start3A_433 = tpu.memref_squeeze %dma_start3A_432 : memref<1x128xi32, #tpu.memory_space<hbm>> -> memref<128xi32, #tpu.memory_space<hbm>>
        tpu.enqueue_dma source(%dma_start3A_433 : memref<128xi32, #tpu.memory_space<hbm>>) target(%arg8 : memref<128xi32, #tpu.memory_space<vmem>>) target_semaphore(%arg39 : memref<!tpu.dma_semaphore, #tpu.memory_space<semaphore_mem>>)
        %dma_start3A_434 = arith.constant 0 : i32
        %dma_start3A_435 = tpu.memref_slice %arg4[%add3A_427, %dma_start3A_434] : memref<2560x128xi32, #tpu.memory_space<hbm>> -> memref<1x128xi32, #tpu.memory_space<hbm>>
        %dma_start3A_436 = tpu.memref_squeeze %dma_start3A_435 : memref<1x128xi32, #tpu.memory_space<hbm>> -> memref<128xi32, #tpu.memory_space<hbm>>
        %dma_start3A_437 = arith.constant 0 : i32
        %dma_start3A_438 = tpu.memref_slice %arg4[%add3A_427, %dma_start3A_437] : memref<2560x128xi32, #tpu.memory_space<hbm>> -> memref<1x128xi32, #tpu.memory_space<hbm>>
        %dma_start3A_439 = tpu.memref_squeeze %dma_start3A_438 : memref<1x128xi32, #tpu.memory_space<hbm>> -> memref<128xi32, #tpu.memory_space<hbm>>
        tpu.enqueue_dma source(%dma_start3A_439 : memref<128xi32, #tpu.memory_space<hbm>>) target(%arg18 : memref<128xi32, #tpu.memory_space<vmem>>) target_semaphore(%arg39 : memref<!tpu.dma_semaphore, #tpu.memory_space<semaphore_mem>>)
      } else {
      }
      %add3A_318 = arith.constant 3 : i32
      %add3A_319 = arith.addi %add3A_304, %add3A_318 : i32
      %lt3A_320 = arith.constant 80 : i32
      %lt3A_321 = arith.cmpi slt, %add3A_319, %lt3A_320 : i32
      %convert_element_type3A_322 = arith.extui %lt3A_321 : i1 to i32
      %cond3A_323 = arith.constant 0 : i32
      %cond3A_324 = arith.cmpi ne, %convert_element_type3A_322, %cond3A_323 : i32
      scf.if %cond3A_324 {
        %mul3A_421 = arith.constant 32 : i32
        %mul3A_422 = arith.muli %add3A_319, %mul3A_421 : i32
        %add3A_423 = arith.addi %add3A, %mul3A_422 : i32
        %dma_wait3A_424 = arith.constant 0 : i32
        %dma_wait3A_425 = tpu.memref_slice %arg3[%add3A_423, %dma_wait3A_424] : memref<2560x128xi32, #tpu.memory_space<hbm>> -> memref<1x128xi32, #tpu.memory_space<hbm>>
        %dma_wait3A_426 = tpu.memref_squeeze %dma_wait3A_425 : memref<1x128xi32, #tpu.memory_space<hbm>> -> memref<128xi32, #tpu.memory_space<hbm>>
        %dma_wait3A_427 = arith.constant 0 : i32
        %dma_wait3A_428 = tpu.memref_slice %arg3[%add3A_423, %dma_wait3A_427] : memref<2560x128xi32, #tpu.memory_space<hbm>> -> memref<1x128xi32, #tpu.memory_space<hbm>>
        %dma_wait3A_429 = tpu.memref_squeeze %dma_wait3A_428 : memref<1x128xi32, #tpu.memory_space<hbm>> -> memref<128xi32, #tpu.memory_space<hbm>>
        tpu.wait_dma2 semaphore(%arg46 : memref<!tpu.dma_semaphore, #tpu.memory_space<semaphore_mem>>) src(%dma_wait3A_429 : memref<128xi32, #tpu.memory_space<hbm>>) dst(%arg15 : memref<128xi32, #tpu.memory_space<vmem>>)
        %dma_wait3A_430 = arith.constant 0 : i32
        %dma_wait3A_431 = tpu.memref_slice %arg4[%add3A_423, %dma_wait3A_430] : memref<2560x128xi32, #tpu.memory_space<hbm>> -> memref<1x128xi32, #tpu.memory_space<hbm>>
        %dma_wait3A_432 = tpu.memref_squeeze %dma_wait3A_431 : memref<1x128xi32, #tpu.memory_space<hbm>> -> memref<128xi32, #tpu.memory_space<hbm>>
        %dma_wait3A_433 = arith.constant 0 : i32
        %dma_wait3A_434 = tpu.memref_slice %arg4[%add3A_423, %dma_wait3A_433] : memref<2560x128xi32, #tpu.memory_space<hbm>> -> memref<1x128xi32, #tpu.memory_space<hbm>>
        %dma_wait3A_435 = tpu.memref_squeeze %dma_wait3A_434 : memref<1x128xi32, #tpu.memory_space<hbm>> -> memref<128xi32, #tpu.memory_space<hbm>>
        tpu.wait_dma2 semaphore(%arg46 : memref<!tpu.dma_semaphore, #tpu.memory_space<semaphore_mem>>) src(%dma_wait3A_435 : memref<128xi32, #tpu.memory_space<hbm>>) dst(%arg25 : memref<128xi32, #tpu.memory_space<vmem>>)
        %dma_start3A_436 = arith.constant 0 : i32
        %dma_start3A_437 = arith.constant 0 : i32
        %dma_start3A_438 = tpu.memref_slice %arg2[%dma_start3A_436, %dma_start3A_437] : memref<10240x64xf32, #tpu.memory_space<hbm>> -> memref<10240x64xf32, #tpu.memory_space<hbm>>
        tpu.enqueue_indirect_dma source(%dma_start3A_438 : memref<10240x64xf32, #tpu.memory_space<hbm>>) target(%arg35 : memref<128x64xf32, #tpu.memory_space<vmem>>) offsets(%arg15 : memref<128xi32, #tpu.memory_space<vmem>>) semaphore(%arg56 : memref<!tpu.dma_semaphore, #tpu.memory_space<semaphore_mem>>)
      } else {
      }
      %mul3A_325 = arith.constant 10 : i32
      %mul3A_326 = arith.muli %scan3A_183, %mul3A_325 : i32
      %add3A_327 = arith.constant 6 : i32
      %add3A_328 = arith.addi %mul3A_326, %add3A_327 : i32
      %dma_wait3A_329 = arith.constant 0 : i32
      %dma_wait3A_330 = arith.constant 0 : i32
      %dma_wait3A_331 = tpu.memref_slice %arg2[%dma_wait3A_329, %dma_wait3A_330] : memref<10240x64xf32, #tpu.memory_space<hbm>> -> memref<10240x64xf32, #tpu.memory_space<hbm>>
      tpu.wait_indirect_dma semaphore(%arg54 : memref<!tpu.dma_semaphore, #tpu.memory_space<semaphore_mem>>) src(%dma_wait3A_331 : memref<10240x64xf32, #tpu.memory_space<hbm>>) dst(%arg33 : memref<128x64xf32, #tpu.memory_space<vmem>>)
      %dma_start3A_332 = arith.constant 0 : i32
      %dma_start3A_333 = arith.constant 0 : i32
      %dma_start3A_334 = tpu.memref_slice %arg37[%dma_start3A_332, %dma_start3A_333] : memref<10240x64xf32, #tpu.memory_space<vmem_shared>> -> memref<10240x64xf32, #tpu.memory_space<vmem_shared>>
      tpu.enqueue_indirect_dma source(%arg33 : memref<128x64xf32, #tpu.memory_space<vmem>>) target(%dma_start3A_334 : memref<10240x64xf32, #tpu.memory_space<vmem_shared>>) offsets(%arg23 : memref<128xi32, #tpu.memory_space<vmem>>) semaphore(%arg64 : memref<!tpu.dma_semaphore, #tpu.memory_space<semaphore_mem>>) {add = true}
      %add3A_335 = arith.constant 6 : i32
      %add3A_336 = arith.addi %add3A_328, %add3A_335 : i32
      %lt3A_337 = arith.constant 80 : i32
      %lt3A_338 = arith.cmpi slt, %add3A_336, %lt3A_337 : i32
      %convert_element_type3A_339 = arith.extui %lt3A_338 : i1 to i32
      %cond3A_340 = arith.constant 0 : i32
      %cond3A_341 = arith.cmpi ne, %convert_element_type3A_339, %cond3A_340 : i32
      scf.if %cond3A_341 {
        %ge3A = arith.constant 10 : i32
        %ge3A_421 = arith.cmpi sge, %add3A_336, %ge3A : i32
        %convert_element_type3A_422 = arith.extui %ge3A_421 : i1 to i32
        %cond3A_423 = arith.constant 0 : i32
        %cond3A_424 = arith.cmpi ne, %convert_element_type3A_422, %cond3A_423 : i32
        scf.if %cond3A_424 {
          %dma_wait3A_440 = arith.constant 0 : i32
          %dma_wait3A_441 = arith.constant 0 : i32
          %dma_wait3A_442 = tpu.memref_slice %arg37[%dma_wait3A_440, %dma_wait3A_441] : memref<10240x64xf32, #tpu.memory_space<vmem_shared>> -> memref<10240x64xf32, #tpu.memory_space<vmem_shared>>
          tpu.wait_indirect_dma semaphore(%arg60 : memref<!tpu.dma_semaphore, #tpu.memory_space<semaphore_mem>>) src(%arg29 : memref<128x64xf32, #tpu.memory_space<vmem>>) dst(%dma_wait3A_442 : memref<10240x64xf32, #tpu.memory_space<vmem_shared>>)
        } else {
        }
        %mul3A_425 = arith.constant 32 : i32
        %mul3A_426 = arith.muli %add3A_336, %mul3A_425 : i32
        %add3A_427 = arith.addi %add3A, %mul3A_426 : i32
        %dma_start3A_428 = arith.constant 0 : i32
        %dma_start3A_429 = tpu.memref_slice %arg3[%add3A_427, %dma_start3A_428] : memref<2560x128xi32, #tpu.memory_space<hbm>> -> memref<1x128xi32, #tpu.memory_space<hbm>>
        %dma_start3A_430 = tpu.memref_squeeze %dma_start3A_429 : memref<1x128xi32, #tpu.memory_space<hbm>> -> memref<128xi32, #tpu.memory_space<hbm>>
        %dma_start3A_431 = arith.constant 0 : i32
        %dma_start3A_432 = tpu.memref_slice %arg3[%add3A_427, %dma_start3A_431] : memref<2560x128xi32, #tpu.memory_space<hbm>> -> memref<1x128xi32, #tpu.memory_space<hbm>>
        %dma_start3A_433 = tpu.memref_squeeze %dma_start3A_432 : memref<1x128xi32, #tpu.memory_space<hbm>> -> memref<128xi32, #tpu.memory_space<hbm>>
        tpu.enqueue_dma source(%dma_start3A_433 : memref<128xi32, #tpu.memory_space<hbm>>) target(%arg9 : memref<128xi32, #tpu.memory_space<vmem>>) target_semaphore(%arg40 : memref<!tpu.dma_semaphore, #tpu.memory_space<semaphore_mem>>)
        %dma_start3A_434 = arith.constant 0 : i32
        %dma_start3A_435 = tpu.memref_slice %arg4[%add3A_427, %dma_start3A_434] : memref<2560x128xi32, #tpu.memory_space<hbm>> -> memref<1x128xi32, #tpu.memory_space<hbm>>
        %dma_start3A_436 = tpu.memref_squeeze %dma_start3A_435 : memref<1x128xi32, #tpu.memory_space<hbm>> -> memref<128xi32, #tpu.memory_space<hbm>>
        %dma_start3A_437 = arith.constant 0 : i32
        %dma_start3A_438 = tpu.memref_slice %arg4[%add3A_427, %dma_start3A_437] : memref<2560x128xi32, #tpu.memory_space<hbm>> -> memref<1x128xi32, #tpu.memory_space<hbm>>
        %dma_start3A_439 = tpu.memref_squeeze %dma_start3A_438 : memref<1x128xi32, #tpu.memory_space<hbm>> -> memref<128xi32, #tpu.memory_space<hbm>>
        tpu.enqueue_dma source(%dma_start3A_439 : memref<128xi32, #tpu.memory_space<hbm>>) target(%arg19 : memref<128xi32, #tpu.memory_space<vmem>>) target_semaphore(%arg40 : memref<!tpu.dma_semaphore, #tpu.memory_space<semaphore_mem>>)
      } else {
      }
      %add3A_342 = arith.constant 3 : i32
      %add3A_343 = arith.addi %add3A_328, %add3A_342 : i32
      %lt3A_344 = arith.constant 80 : i32
      %lt3A_345 = arith.cmpi slt, %add3A_343, %lt3A_344 : i32
      %convert_element_type3A_346 = arith.extui %lt3A_345 : i1 to i32
      %cond3A_347 = arith.constant 0 : i32
      %cond3A_348 = arith.cmpi ne, %convert_element_type3A_346, %cond3A_347 : i32
      scf.if %cond3A_348 {
        %mul3A_421 = arith.constant 32 : i32
        %mul3A_422 = arith.muli %add3A_343, %mul3A_421 : i32
        %add3A_423 = arith.addi %add3A, %mul3A_422 : i32
        %dma_wait3A_424 = arith.constant 0 : i32
        %dma_wait3A_425 = tpu.memref_slice %arg3[%add3A_423, %dma_wait3A_424] : memref<2560x128xi32, #tpu.memory_space<hbm>> -> memref<1x128xi32, #tpu.memory_space<hbm>>
        %dma_wait3A_426 = tpu.memref_squeeze %dma_wait3A_425 : memref<1x128xi32, #tpu.memory_space<hbm>> -> memref<128xi32, #tpu.memory_space<hbm>>
        %dma_wait3A_427 = arith.constant 0 : i32
        %dma_wait3A_428 = tpu.memref_slice %arg3[%add3A_423, %dma_wait3A_427] : memref<2560x128xi32, #tpu.memory_space<hbm>> -> memref<1x128xi32, #tpu.memory_space<hbm>>
        %dma_wait3A_429 = tpu.memref_squeeze %dma_wait3A_428 : memref<1x128xi32, #tpu.memory_space<hbm>> -> memref<128xi32, #tpu.memory_space<hbm>>
        tpu.wait_dma2 semaphore(%arg47 : memref<!tpu.dma_semaphore, #tpu.memory_space<semaphore_mem>>) src(%dma_wait3A_429 : memref<128xi32, #tpu.memory_space<hbm>>) dst(%arg16 : memref<128xi32, #tpu.memory_space<vmem>>)
        %dma_wait3A_430 = arith.constant 0 : i32
        %dma_wait3A_431 = tpu.memref_slice %arg4[%add3A_423, %dma_wait3A_430] : memref<2560x128xi32, #tpu.memory_space<hbm>> -> memref<1x128xi32, #tpu.memory_space<hbm>>
        %dma_wait3A_432 = tpu.memref_squeeze %dma_wait3A_431 : memref<1x128xi32, #tpu.memory_space<hbm>> -> memref<128xi32, #tpu.memory_space<hbm>>
        %dma_wait3A_433 = arith.constant 0 : i32
        %dma_wait3A_434 = tpu.memref_slice %arg4[%add3A_423, %dma_wait3A_433] : memref<2560x128xi32, #tpu.memory_space<hbm>> -> memref<1x128xi32, #tpu.memory_space<hbm>>
        %dma_wait3A_435 = tpu.memref_squeeze %dma_wait3A_434 : memref<1x128xi32, #tpu.memory_space<hbm>> -> memref<128xi32, #tpu.memory_space<hbm>>
        tpu.wait_dma2 semaphore(%arg47 : memref<!tpu.dma_semaphore, #tpu.memory_space<semaphore_mem>>) src(%dma_wait3A_435 : memref<128xi32, #tpu.memory_space<hbm>>) dst(%arg26 : memref<128xi32, #tpu.memory_space<vmem>>)
        %dma_start3A_436 = arith.constant 0 : i32
        %dma_start3A_437 = arith.constant 0 : i32
        %dma_start3A_438 = tpu.memref_slice %arg2[%dma_start3A_436, %dma_start3A_437] : memref<10240x64xf32, #tpu.memory_space<hbm>> -> memref<10240x64xf32, #tpu.memory_space<hbm>>
        tpu.enqueue_indirect_dma source(%dma_start3A_438 : memref<10240x64xf32, #tpu.memory_space<hbm>>) target(%arg36 : memref<128x64xf32, #tpu.memory_space<vmem>>) offsets(%arg16 : memref<128xi32, #tpu.memory_space<vmem>>) semaphore(%arg57 : memref<!tpu.dma_semaphore, #tpu.memory_space<semaphore_mem>>)
      } else {
      }
      %mul3A_349 = arith.constant 10 : i32
      %mul3A_350 = arith.muli %scan3A_183, %mul3A_349 : i32
      %add3A_351 = arith.constant 7 : i32
      %add3A_352 = arith.addi %mul3A_350, %add3A_351 : i32
      %dma_wait3A_353 = arith.constant 0 : i32
      %dma_wait3A_354 = arith.constant 0 : i32
      %dma_wait3A_355 = tpu.memref_slice %arg2[%dma_wait3A_353, %dma_wait3A_354] : memref<10240x64xf32, #tpu.memory_space<hbm>> -> memref<10240x64xf32, #tpu.memory_space<hbm>>
      tpu.wait_indirect_dma semaphore(%arg55 : memref<!tpu.dma_semaphore, #tpu.memory_space<semaphore_mem>>) src(%dma_wait3A_355 : memref<10240x64xf32, #tpu.memory_space<hbm>>) dst(%arg34 : memref<128x64xf32, #tpu.memory_space<vmem>>)
      %dma_start3A_356 = arith.constant 0 : i32
      %dma_start3A_357 = arith.constant 0 : i32
      %dma_start3A_358 = tpu.memref_slice %arg37[%dma_start3A_356, %dma_start3A_357] : memref<10240x64xf32, #tpu.memory_space<vmem_shared>> -> memref<10240x64xf32, #tpu.memory_space<vmem_shared>>
      tpu.enqueue_indirect_dma source(%arg34 : memref<128x64xf32, #tpu.memory_space<vmem>>) target(%dma_start3A_358 : memref<10240x64xf32, #tpu.memory_space<vmem_shared>>) offsets(%arg24 : memref<128xi32, #tpu.memory_space<vmem>>) semaphore(%arg65 : memref<!tpu.dma_semaphore, #tpu.memory_space<semaphore_mem>>) {add = true}
      %add3A_359 = arith.constant 6 : i32
      %add3A_360 = arith.addi %add3A_352, %add3A_359 : i32
      %lt3A_361 = arith.constant 80 : i32
      %lt3A_362 = arith.cmpi slt, %add3A_360, %lt3A_361 : i32
      %convert_element_type3A_363 = arith.extui %lt3A_362 : i1 to i32
      %cond3A_364 = arith.constant 0 : i32
      %cond3A_365 = arith.cmpi ne, %convert_element_type3A_363, %cond3A_364 : i32
      scf.if %cond3A_365 {
        %ge3A = arith.constant 10 : i32
        %ge3A_421 = arith.cmpi sge, %add3A_360, %ge3A : i32
        %convert_element_type3A_422 = arith.extui %ge3A_421 : i1 to i32
        %cond3A_423 = arith.constant 0 : i32
        %cond3A_424 = arith.cmpi ne, %convert_element_type3A_422, %cond3A_423 : i32
        scf.if %cond3A_424 {
          %dma_wait3A_440 = arith.constant 0 : i32
          %dma_wait3A_441 = arith.constant 0 : i32
          %dma_wait3A_442 = tpu.memref_slice %arg37[%dma_wait3A_440, %dma_wait3A_441] : memref<10240x64xf32, #tpu.memory_space<vmem_shared>> -> memref<10240x64xf32, #tpu.memory_space<vmem_shared>>
          tpu.wait_indirect_dma semaphore(%arg61 : memref<!tpu.dma_semaphore, #tpu.memory_space<semaphore_mem>>) src(%arg30 : memref<128x64xf32, #tpu.memory_space<vmem>>) dst(%dma_wait3A_442 : memref<10240x64xf32, #tpu.memory_space<vmem_shared>>)
        } else {
        }
        %mul3A_425 = arith.constant 32 : i32
        %mul3A_426 = arith.muli %add3A_360, %mul3A_425 : i32
        %add3A_427 = arith.addi %add3A, %mul3A_426 : i32
        %dma_start3A_428 = arith.constant 0 : i32
        %dma_start3A_429 = tpu.memref_slice %arg3[%add3A_427, %dma_start3A_428] : memref<2560x128xi32, #tpu.memory_space<hbm>> -> memref<1x128xi32, #tpu.memory_space<hbm>>
        %dma_start3A_430 = tpu.memref_squeeze %dma_start3A_429 : memref<1x128xi32, #tpu.memory_space<hbm>> -> memref<128xi32, #tpu.memory_space<hbm>>
        %dma_start3A_431 = arith.constant 0 : i32
        %dma_start3A_432 = tpu.memref_slice %arg3[%add3A_427, %dma_start3A_431] : memref<2560x128xi32, #tpu.memory_space<hbm>> -> memref<1x128xi32, #tpu.memory_space<hbm>>
        %dma_start3A_433 = tpu.memref_squeeze %dma_start3A_432 : memref<1x128xi32, #tpu.memory_space<hbm>> -> memref<128xi32, #tpu.memory_space<hbm>>
        tpu.enqueue_dma source(%dma_start3A_433 : memref<128xi32, #tpu.memory_space<hbm>>) target(%arg10 : memref<128xi32, #tpu.memory_space<vmem>>) target_semaphore(%arg41 : memref<!tpu.dma_semaphore, #tpu.memory_space<semaphore_mem>>)
        %dma_start3A_434 = arith.constant 0 : i32
        %dma_start3A_435 = tpu.memref_slice %arg4[%add3A_427, %dma_start3A_434] : memref<2560x128xi32, #tpu.memory_space<hbm>> -> memref<1x128xi32, #tpu.memory_space<hbm>>
        %dma_start3A_436 = tpu.memref_squeeze %dma_start3A_435 : memref<1x128xi32, #tpu.memory_space<hbm>> -> memref<128xi32, #tpu.memory_space<hbm>>
        %dma_start3A_437 = arith.constant 0 : i32
        %dma_start3A_438 = tpu.memref_slice %arg4[%add3A_427, %dma_start3A_437] : memref<2560x128xi32, #tpu.memory_space<hbm>> -> memref<1x128xi32, #tpu.memory_space<hbm>>
        %dma_start3A_439 = tpu.memref_squeeze %dma_start3A_438 : memref<1x128xi32, #tpu.memory_space<hbm>> -> memref<128xi32, #tpu.memory_space<hbm>>
        tpu.enqueue_dma source(%dma_start3A_439 : memref<128xi32, #tpu.memory_space<hbm>>) target(%arg20 : memref<128xi32, #tpu.memory_space<vmem>>) target_semaphore(%arg41 : memref<!tpu.dma_semaphore, #tpu.memory_space<semaphore_mem>>)
      } else {
      }
      %add3A_366 = arith.constant 3 : i32
      %add3A_367 = arith.addi %add3A_352, %add3A_366 : i32
      %lt3A_368 = arith.constant 80 : i32
      %lt3A_369 = arith.cmpi slt, %add3A_367, %lt3A_368 : i32
      %convert_element_type3A_370 = arith.extui %lt3A_369 : i1 to i32
      %cond3A_371 = arith.constant 0 : i32
      %cond3A_372 = arith.cmpi ne, %convert_element_type3A_370, %cond3A_371 : i32
      scf.if %cond3A_372 {
        %mul3A_421 = arith.constant 32 : i32
        %mul3A_422 = arith.muli %add3A_367, %mul3A_421 : i32
        %add3A_423 = arith.addi %add3A, %mul3A_422 : i32
        %dma_wait3A_424 = arith.constant 0 : i32
        %dma_wait3A_425 = tpu.memref_slice %arg3[%add3A_423, %dma_wait3A_424] : memref<2560x128xi32, #tpu.memory_space<hbm>> -> memref<1x128xi32, #tpu.memory_space<hbm>>
        %dma_wait3A_426 = tpu.memref_squeeze %dma_wait3A_425 : memref<1x128xi32, #tpu.memory_space<hbm>> -> memref<128xi32, #tpu.memory_space<hbm>>
        %dma_wait3A_427 = arith.constant 0 : i32
        %dma_wait3A_428 = tpu.memref_slice %arg3[%add3A_423, %dma_wait3A_427] : memref<2560x128xi32, #tpu.memory_space<hbm>> -> memref<1x128xi32, #tpu.memory_space<hbm>>
        %dma_wait3A_429 = tpu.memref_squeeze %dma_wait3A_428 : memref<1x128xi32, #tpu.memory_space<hbm>> -> memref<128xi32, #tpu.memory_space<hbm>>
        tpu.wait_dma2 semaphore(%arg38 : memref<!tpu.dma_semaphore, #tpu.memory_space<semaphore_mem>>) src(%dma_wait3A_429 : memref<128xi32, #tpu.memory_space<hbm>>) dst(%arg7 : memref<128xi32, #tpu.memory_space<vmem>>)
        %dma_wait3A_430 = arith.constant 0 : i32
        %dma_wait3A_431 = tpu.memref_slice %arg4[%add3A_423, %dma_wait3A_430] : memref<2560x128xi32, #tpu.memory_space<hbm>> -> memref<1x128xi32, #tpu.memory_space<hbm>>
        %dma_wait3A_432 = tpu.memref_squeeze %dma_wait3A_431 : memref<1x128xi32, #tpu.memory_space<hbm>> -> memref<128xi32, #tpu.memory_space<hbm>>
        %dma_wait3A_433 = arith.constant 0 : i32
        %dma_wait3A_434 = tpu.memref_slice %arg4[%add3A_423, %dma_wait3A_433] : memref<2560x128xi32, #tpu.memory_space<hbm>> -> memref<1x128xi32, #tpu.memory_space<hbm>>
        %dma_wait3A_435 = tpu.memref_squeeze %dma_wait3A_434 : memref<1x128xi32, #tpu.memory_space<hbm>> -> memref<128xi32, #tpu.memory_space<hbm>>
        tpu.wait_dma2 semaphore(%arg38 : memref<!tpu.dma_semaphore, #tpu.memory_space<semaphore_mem>>) src(%dma_wait3A_435 : memref<128xi32, #tpu.memory_space<hbm>>) dst(%arg17 : memref<128xi32, #tpu.memory_space<vmem>>)
        %dma_start3A_436 = arith.constant 0 : i32
        %dma_start3A_437 = arith.constant 0 : i32
        %dma_start3A_438 = tpu.memref_slice %arg2[%dma_start3A_436, %dma_start3A_437] : memref<10240x64xf32, #tpu.memory_space<hbm>> -> memref<10240x64xf32, #tpu.memory_space<hbm>>
        tpu.enqueue_indirect_dma source(%dma_start3A_438 : memref<10240x64xf32, #tpu.memory_space<hbm>>) target(%arg27 : memref<128x64xf32, #tpu.memory_space<vmem>>) offsets(%arg7 : memref<128xi32, #tpu.memory_space<vmem>>) semaphore(%arg48 : memref<!tpu.dma_semaphore, #tpu.memory_space<semaphore_mem>>)
      } else {
      }
      %mul3A_373 = arith.constant 10 : i32
      %mul3A_374 = arith.muli %scan3A_183, %mul3A_373 : i32
      %add3A_375 = arith.constant 8 : i32
      %add3A_376 = arith.addi %mul3A_374, %add3A_375 : i32
      %dma_wait3A_377 = arith.constant 0 : i32
      %dma_wait3A_378 = arith.constant 0 : i32
      %dma_wait3A_379 = tpu.memref_slice %arg2[%dma_wait3A_377, %dma_wait3A_378] : memref<10240x64xf32, #tpu.memory_space<hbm>> -> memref<10240x64xf32, #tpu.memory_space<hbm>>
      tpu.wait_indirect_dma semaphore(%arg56 : memref<!tpu.dma_semaphore, #tpu.memory_space<semaphore_mem>>) src(%dma_wait3A_379 : memref<10240x64xf32, #tpu.memory_space<hbm>>) dst(%arg35 : memref<128x64xf32, #tpu.memory_space<vmem>>)
      %dma_start3A_380 = arith.constant 0 : i32
      %dma_start3A_381 = arith.constant 0 : i32
      %dma_start3A_382 = tpu.memref_slice %arg37[%dma_start3A_380, %dma_start3A_381] : memref<10240x64xf32, #tpu.memory_space<vmem_shared>> -> memref<10240x64xf32, #tpu.memory_space<vmem_shared>>
      tpu.enqueue_indirect_dma source(%arg35 : memref<128x64xf32, #tpu.memory_space<vmem>>) target(%dma_start3A_382 : memref<10240x64xf32, #tpu.memory_space<vmem_shared>>) offsets(%arg25 : memref<128xi32, #tpu.memory_space<vmem>>) semaphore(%arg66 : memref<!tpu.dma_semaphore, #tpu.memory_space<semaphore_mem>>) {add = true}
      %add3A_383 = arith.constant 6 : i32
      %add3A_384 = arith.addi %add3A_376, %add3A_383 : i32
      %lt3A_385 = arith.constant 80 : i32
      %lt3A_386 = arith.cmpi slt, %add3A_384, %lt3A_385 : i32
      %convert_element_type3A_387 = arith.extui %lt3A_386 : i1 to i32
      %cond3A_388 = arith.constant 0 : i32
      %cond3A_389 = arith.cmpi ne, %convert_element_type3A_387, %cond3A_388 : i32
      scf.if %cond3A_389 {
        %ge3A = arith.constant 10 : i32
        %ge3A_421 = arith.cmpi sge, %add3A_384, %ge3A : i32
        %convert_element_type3A_422 = arith.extui %ge3A_421 : i1 to i32
        %cond3A_423 = arith.constant 0 : i32
        %cond3A_424 = arith.cmpi ne, %convert_element_type3A_422, %cond3A_423 : i32
        scf.if %cond3A_424 {
          %dma_wait3A_440 = arith.constant 0 : i32
          %dma_wait3A_441 = arith.constant 0 : i32
          %dma_wait3A_442 = tpu.memref_slice %arg37[%dma_wait3A_440, %dma_wait3A_441] : memref<10240x64xf32, #tpu.memory_space<vmem_shared>> -> memref<10240x64xf32, #tpu.memory_space<vmem_shared>>
          tpu.wait_indirect_dma semaphore(%arg62 : memref<!tpu.dma_semaphore, #tpu.memory_space<semaphore_mem>>) src(%arg31 : memref<128x64xf32, #tpu.memory_space<vmem>>) dst(%dma_wait3A_442 : memref<10240x64xf32, #tpu.memory_space<vmem_shared>>)
        } else {
        }
        %mul3A_425 = arith.constant 32 : i32
        %mul3A_426 = arith.muli %add3A_384, %mul3A_425 : i32
        %add3A_427 = arith.addi %add3A, %mul3A_426 : i32
        %dma_start3A_428 = arith.constant 0 : i32
        %dma_start3A_429 = tpu.memref_slice %arg3[%add3A_427, %dma_start3A_428] : memref<2560x128xi32, #tpu.memory_space<hbm>> -> memref<1x128xi32, #tpu.memory_space<hbm>>
        %dma_start3A_430 = tpu.memref_squeeze %dma_start3A_429 : memref<1x128xi32, #tpu.memory_space<hbm>> -> memref<128xi32, #tpu.memory_space<hbm>>
        %dma_start3A_431 = arith.constant 0 : i32
        %dma_start3A_432 = tpu.memref_slice %arg3[%add3A_427, %dma_start3A_431] : memref<2560x128xi32, #tpu.memory_space<hbm>> -> memref<1x128xi32, #tpu.memory_space<hbm>>
        %dma_start3A_433 = tpu.memref_squeeze %dma_start3A_432 : memref<1x128xi32, #tpu.memory_space<hbm>> -> memref<128xi32, #tpu.memory_space<hbm>>
        tpu.enqueue_dma source(%dma_start3A_433 : memref<128xi32, #tpu.memory_space<hbm>>) target(%arg11 : memref<128xi32, #tpu.memory_space<vmem>>) target_semaphore(%arg42 : memref<!tpu.dma_semaphore, #tpu.memory_space<semaphore_mem>>)
        %dma_start3A_434 = arith.constant 0 : i32
        %dma_start3A_435 = tpu.memref_slice %arg4[%add3A_427, %dma_start3A_434] : memref<2560x128xi32, #tpu.memory_space<hbm>> -> memref<1x128xi32, #tpu.memory_space<hbm>>
        %dma_start3A_436 = tpu.memref_squeeze %dma_start3A_435 : memref<1x128xi32, #tpu.memory_space<hbm>> -> memref<128xi32, #tpu.memory_space<hbm>>
        %dma_start3A_437 = arith.constant 0 : i32
        %dma_start3A_438 = tpu.memref_slice %arg4[%add3A_427, %dma_start3A_437] : memref<2560x128xi32, #tpu.memory_space<hbm>> -> memref<1x128xi32, #tpu.memory_space<hbm>>
        %dma_start3A_439 = tpu.memref_squeeze %dma_start3A_438 : memref<1x128xi32, #tpu.memory_space<hbm>> -> memref<128xi32, #tpu.memory_space<hbm>>
        tpu.enqueue_dma source(%dma_start3A_439 : memref<128xi32, #tpu.memory_space<hbm>>) target(%arg21 : memref<128xi32, #tpu.memory_space<vmem>>) target_semaphore(%arg42 : memref<!tpu.dma_semaphore, #tpu.memory_space<semaphore_mem>>)
      } else {
      }
      %add3A_390 = arith.constant 3 : i32
      %add3A_391 = arith.addi %add3A_376, %add3A_390 : i32
      %lt3A_392 = arith.constant 80 : i32
      %lt3A_393 = arith.cmpi slt, %add3A_391, %lt3A_392 : i32
      %convert_element_type3A_394 = arith.extui %lt3A_393 : i1 to i32
      %cond3A_395 = arith.constant 0 : i32
      %cond3A_396 = arith.cmpi ne, %convert_element_type3A_394, %cond3A_395 : i32
      scf.if %cond3A_396 {
        %mul3A_421 = arith.constant 32 : i32
        %mul3A_422 = arith.muli %add3A_391, %mul3A_421 : i32
        %add3A_423 = arith.addi %add3A, %mul3A_422 : i32
        %dma_wait3A_424 = arith.constant 0 : i32
        %dma_wait3A_425 = tpu.memref_slice %arg3[%add3A_423, %dma_wait3A_424] : memref<2560x128xi32, #tpu.memory_space<hbm>> -> memref<1x128xi32, #tpu.memory_space<hbm>>
        %dma_wait3A_426 = tpu.memref_squeeze %dma_wait3A_425 : memref<1x128xi32, #tpu.memory_space<hbm>> -> memref<128xi32, #tpu.memory_space<hbm>>
        %dma_wait3A_427 = arith.constant 0 : i32
        %dma_wait3A_428 = tpu.memref_slice %arg3[%add3A_423, %dma_wait3A_427] : memref<2560x128xi32, #tpu.memory_space<hbm>> -> memref<1x128xi32, #tpu.memory_space<hbm>>
        %dma_wait3A_429 = tpu.memref_squeeze %dma_wait3A_428 : memref<1x128xi32, #tpu.memory_space<hbm>> -> memref<128xi32, #tpu.memory_space<hbm>>
        tpu.wait_dma2 semaphore(%arg39 : memref<!tpu.dma_semaphore, #tpu.memory_space<semaphore_mem>>) src(%dma_wait3A_429 : memref<128xi32, #tpu.memory_space<hbm>>) dst(%arg8 : memref<128xi32, #tpu.memory_space<vmem>>)
        %dma_wait3A_430 = arith.constant 0 : i32
        %dma_wait3A_431 = tpu.memref_slice %arg4[%add3A_423, %dma_wait3A_430] : memref<2560x128xi32, #tpu.memory_space<hbm>> -> memref<1x128xi32, #tpu.memory_space<hbm>>
        %dma_wait3A_432 = tpu.memref_squeeze %dma_wait3A_431 : memref<1x128xi32, #tpu.memory_space<hbm>> -> memref<128xi32, #tpu.memory_space<hbm>>
        %dma_wait3A_433 = arith.constant 0 : i32
        %dma_wait3A_434 = tpu.memref_slice %arg4[%add3A_423, %dma_wait3A_433] : memref<2560x128xi32, #tpu.memory_space<hbm>> -> memref<1x128xi32, #tpu.memory_space<hbm>>
        %dma_wait3A_435 = tpu.memref_squeeze %dma_wait3A_434 : memref<1x128xi32, #tpu.memory_space<hbm>> -> memref<128xi32, #tpu.memory_space<hbm>>
        tpu.wait_dma2 semaphore(%arg39 : memref<!tpu.dma_semaphore, #tpu.memory_space<semaphore_mem>>) src(%dma_wait3A_435 : memref<128xi32, #tpu.memory_space<hbm>>) dst(%arg18 : memref<128xi32, #tpu.memory_space<vmem>>)
        %dma_start3A_436 = arith.constant 0 : i32
        %dma_start3A_437 = arith.constant 0 : i32
        %dma_start3A_438 = tpu.memref_slice %arg2[%dma_start3A_436, %dma_start3A_437] : memref<10240x64xf32, #tpu.memory_space<hbm>> -> memref<10240x64xf32, #tpu.memory_space<hbm>>
        tpu.enqueue_indirect_dma source(%dma_start3A_438 : memref<10240x64xf32, #tpu.memory_space<hbm>>) target(%arg28 : memref<128x64xf32, #tpu.memory_space<vmem>>) offsets(%arg8 : memref<128xi32, #tpu.memory_space<vmem>>) semaphore(%arg49 : memref<!tpu.dma_semaphore, #tpu.memory_space<semaphore_mem>>)
      } else {
      }
      %mul3A_397 = arith.constant 10 : i32
      %mul3A_398 = arith.muli %scan3A_183, %mul3A_397 : i32
      %add3A_399 = arith.constant 9 : i32
      %add3A_400 = arith.addi %mul3A_398, %add3A_399 : i32
      %dma_wait3A_401 = arith.constant 0 : i32
      %dma_wait3A_402 = arith.constant 0 : i32
      %dma_wait3A_403 = tpu.memref_slice %arg2[%dma_wait3A_401, %dma_wait3A_402] : memref<10240x64xf32, #tpu.memory_space<hbm>> -> memref<10240x64xf32, #tpu.memory_space<hbm>>
      tpu.wait_indirect_dma semaphore(%arg57 : memref<!tpu.dma_semaphore, #tpu.memory_space<semaphore_mem>>) src(%dma_wait3A_403 : memref<10240x64xf32, #tpu.memory_space<hbm>>) dst(%arg36 : memref<128x64xf32, #tpu.memory_space<vmem>>)
      %dma_start3A_404 = arith.constant 0 : i32
      %dma_start3A_405 = arith.constant 0 : i32
      %dma_start3A_406 = tpu.memref_slice %arg37[%dma_start3A_404, %dma_start3A_405] : memref<10240x64xf32, #tpu.memory_space<vmem_shared>> -> memref<10240x64xf32, #tpu.memory_space<vmem_shared>>
      tpu.enqueue_indirect_dma source(%arg36 : memref<128x64xf32, #tpu.memory_space<vmem>>) target(%dma_start3A_406 : memref<10240x64xf32, #tpu.memory_space<vmem_shared>>) offsets(%arg26 : memref<128xi32, #tpu.memory_space<vmem>>) semaphore(%arg67 : memref<!tpu.dma_semaphore, #tpu.memory_space<semaphore_mem>>) {add = true}
      %add3A_407 = arith.constant 6 : i32
      %add3A_408 = arith.addi %add3A_400, %add3A_407 : i32
      %lt3A_409 = arith.constant 80 : i32
      %lt3A_410 = arith.cmpi slt, %add3A_408, %lt3A_409 : i32
      %convert_element_type3A_411 = arith.extui %lt3A_410 : i1 to i32
      %cond3A_412 = arith.constant 0 : i32
      %cond3A_413 = arith.cmpi ne, %convert_element_type3A_411, %cond3A_412 : i32
      scf.if %cond3A_413 {
        %ge3A = arith.constant 10 : i32
        %ge3A_421 = arith.cmpi sge, %add3A_408, %ge3A : i32
        %convert_element_type3A_422 = arith.extui %ge3A_421 : i1 to i32
        %cond3A_423 = arith.constant 0 : i32
        %cond3A_424 = arith.cmpi ne, %convert_element_type3A_422, %cond3A_423 : i32
        scf.if %cond3A_424 {
          %dma_wait3A_440 = arith.constant 0 : i32
          %dma_wait3A_441 = arith.constant 0 : i32
          %dma_wait3A_442 = tpu.memref_slice %arg37[%dma_wait3A_440, %dma_wait3A_441] : memref<10240x64xf32, #tpu.memory_space<vmem_shared>> -> memref<10240x64xf32, #tpu.memory_space<vmem_shared>>
          tpu.wait_indirect_dma semaphore(%arg63 : memref<!tpu.dma_semaphore, #tpu.memory_space<semaphore_mem>>) src(%arg32 : memref<128x64xf32, #tpu.memory_space<vmem>>) dst(%dma_wait3A_442 : memref<10240x64xf32, #tpu.memory_space<vmem_shared>>)
        } else {
        }
        %mul3A_425 = arith.constant 32 : i32
        %mul3A_426 = arith.muli %add3A_408, %mul3A_425 : i32
        %add3A_427 = arith.addi %add3A, %mul3A_426 : i32
        %dma_start3A_428 = arith.constant 0 : i32
        %dma_start3A_429 = tpu.memref_slice %arg3[%add3A_427, %dma_start3A_428] : memref<2560x128xi32, #tpu.memory_space<hbm>> -> memref<1x128xi32, #tpu.memory_space<hbm>>
        %dma_start3A_430 = tpu.memref_squeeze %dma_start3A_429 : memref<1x128xi32, #tpu.memory_space<hbm>> -> memref<128xi32, #tpu.memory_space<hbm>>
        %dma_start3A_431 = arith.constant 0 : i32
        %dma_start3A_432 = tpu.memref_slice %arg3[%add3A_427, %dma_start3A_431] : memref<2560x128xi32, #tpu.memory_space<hbm>> -> memref<1x128xi32, #tpu.memory_space<hbm>>
        %dma_start3A_433 = tpu.memref_squeeze %dma_start3A_432 : memref<1x128xi32, #tpu.memory_space<hbm>> -> memref<128xi32, #tpu.memory_space<hbm>>
        tpu.enqueue_dma source(%dma_start3A_433 : memref<128xi32, #tpu.memory_space<hbm>>) target(%arg12 : memref<128xi32, #tpu.memory_space<vmem>>) target_semaphore(%arg43 : memref<!tpu.dma_semaphore, #tpu.memory_space<semaphore_mem>>)
        %dma_start3A_434 = arith.constant 0 : i32
        %dma_start3A_435 = tpu.memref_slice %arg4[%add3A_427, %dma_start3A_434] : memref<2560x128xi32, #tpu.memory_space<hbm>> -> memref<1x128xi32, #tpu.memory_space<hbm>>
        %dma_start3A_436 = tpu.memref_squeeze %dma_start3A_435 : memref<1x128xi32, #tpu.memory_space<hbm>> -> memref<128xi32, #tpu.memory_space<hbm>>
        %dma_start3A_437 = arith.constant 0 : i32
        %dma_start3A_438 = tpu.memref_slice %arg4[%add3A_427, %dma_start3A_437] : memref<2560x128xi32, #tpu.memory_space<hbm>> -> memref<1x128xi32, #tpu.memory_space<hbm>>
        %dma_start3A_439 = tpu.memref_squeeze %dma_start3A_438 : memref<1x128xi32, #tpu.memory_space<hbm>> -> memref<128xi32, #tpu.memory_space<hbm>>
        tpu.enqueue_dma source(%dma_start3A_439 : memref<128xi32, #tpu.memory_space<hbm>>) target(%arg22 : memref<128xi32, #tpu.memory_space<vmem>>) target_semaphore(%arg43 : memref<!tpu.dma_semaphore, #tpu.memory_space<semaphore_mem>>)
      } else {
      }
      %add3A_414 = arith.constant 3 : i32
      %add3A_415 = arith.addi %add3A_400, %add3A_414 : i32
      %lt3A_416 = arith.constant 80 : i32
      %lt3A_417 = arith.cmpi slt, %add3A_415, %lt3A_416 : i32
      %convert_element_type3A_418 = arith.extui %lt3A_417 : i1 to i32
      %cond3A_419 = arith.constant 0 : i32
      %cond3A_420 = arith.cmpi ne, %convert_element_type3A_418, %cond3A_419 : i32
      scf.if %cond3A_420 {
        %mul3A_421 = arith.constant 32 : i32
        %mul3A_422 = arith.muli %add3A_415, %mul3A_421 : i32
        %add3A_423 = arith.addi %add3A, %mul3A_422 : i32
        %dma_wait3A_424 = arith.constant 0 : i32
        %dma_wait3A_425 = tpu.memref_slice %arg3[%add3A_423, %dma_wait3A_424] : memref<2560x128xi32, #tpu.memory_space<hbm>> -> memref<1x128xi32, #tpu.memory_space<hbm>>
        %dma_wait3A_426 = tpu.memref_squeeze %dma_wait3A_425 : memref<1x128xi32, #tpu.memory_space<hbm>> -> memref<128xi32, #tpu.memory_space<hbm>>
        %dma_wait3A_427 = arith.constant 0 : i32
        %dma_wait3A_428 = tpu.memref_slice %arg3[%add3A_423, %dma_wait3A_427] : memref<2560x128xi32, #tpu.memory_space<hbm>> -> memref<1x128xi32, #tpu.memory_space<hbm>>
        %dma_wait3A_429 = tpu.memref_squeeze %dma_wait3A_428 : memref<1x128xi32, #tpu.memory_space<hbm>> -> memref<128xi32, #tpu.memory_space<hbm>>
        tpu.wait_dma2 semaphore(%arg40 : memref<!tpu.dma_semaphore, #tpu.memory_space<semaphore_mem>>) src(%dma_wait3A_429 : memref<128xi32, #tpu.memory_space<hbm>>) dst(%arg9 : memref<128xi32, #tpu.memory_space<vmem>>)
        %dma_wait3A_430 = arith.constant 0 : i32
        %dma_wait3A_431 = tpu.memref_slice %arg4[%add3A_423, %dma_wait3A_430] : memref<2560x128xi32, #tpu.memory_space<hbm>> -> memref<1x128xi32, #tpu.memory_space<hbm>>
        %dma_wait3A_432 = tpu.memref_squeeze %dma_wait3A_431 : memref<1x128xi32, #tpu.memory_space<hbm>> -> memref<128xi32, #tpu.memory_space<hbm>>
        %dma_wait3A_433 = arith.constant 0 : i32
        %dma_wait3A_434 = tpu.memref_slice %arg4[%add3A_423, %dma_wait3A_433] : memref<2560x128xi32, #tpu.memory_space<hbm>> -> memref<1x128xi32, #tpu.memory_space<hbm>>
        %dma_wait3A_435 = tpu.memref_squeeze %dma_wait3A_434 : memref<1x128xi32, #tpu.memory_space<hbm>> -> memref<128xi32, #tpu.memory_space<hbm>>
        tpu.wait_dma2 semaphore(%arg40 : memref<!tpu.dma_semaphore, #tpu.memory_space<semaphore_mem>>) src(%dma_wait3A_435 : memref<128xi32, #tpu.memory_space<hbm>>) dst(%arg19 : memref<128xi32, #tpu.memory_space<vmem>>)
        %dma_start3A_436 = arith.constant 0 : i32
        %dma_start3A_437 = arith.constant 0 : i32
        %dma_start3A_438 = tpu.memref_slice %arg2[%dma_start3A_436, %dma_start3A_437] : memref<10240x64xf32, #tpu.memory_space<hbm>> -> memref<10240x64xf32, #tpu.memory_space<hbm>>
        tpu.enqueue_indirect_dma source(%dma_start3A_438 : memref<10240x64xf32, #tpu.memory_space<hbm>>) target(%arg29 : memref<128x64xf32, #tpu.memory_space<vmem>>) offsets(%arg9 : memref<128xi32, #tpu.memory_space<vmem>>) semaphore(%arg50 : memref<!tpu.dma_semaphore, #tpu.memory_space<semaphore_mem>>)
      } else {
      }
    }
    %scan3A_144 = arith.constant 8 : i32
    %dma_wait3A_145 = arith.constant 0 : i32
    %dma_wait3A_146 = arith.constant 0 : i32
    %dma_wait3A_147 = tpu.memref_slice %arg37[%dma_wait3A_145, %dma_wait3A_146] : memref<10240x64xf32, #tpu.memory_space<vmem_shared>> -> memref<10240x64xf32, #tpu.memory_space<vmem_shared>>
    tpu.wait_indirect_dma semaphore(%arg58 : memref<!tpu.dma_semaphore, #tpu.memory_space<semaphore_mem>>) src(%arg27 : memref<128x64xf32, #tpu.memory_space<vmem>>) dst(%dma_wait3A_147 : memref<10240x64xf32, #tpu.memory_space<vmem_shared>>)
    %dma_wait3A_148 = arith.constant 0 : i32
    %dma_wait3A_149 = arith.constant 0 : i32
    %dma_wait3A_150 = tpu.memref_slice %arg37[%dma_wait3A_148, %dma_wait3A_149] : memref<10240x64xf32, #tpu.memory_space<vmem_shared>> -> memref<10240x64xf32, #tpu.memory_space<vmem_shared>>
    tpu.wait_indirect_dma semaphore(%arg59 : memref<!tpu.dma_semaphore, #tpu.memory_space<semaphore_mem>>) src(%arg28 : memref<128x64xf32, #tpu.memory_space<vmem>>) dst(%dma_wait3A_150 : memref<10240x64xf32, #tpu.memory_space<vmem_shared>>)
    %dma_wait3A_151 = arith.constant 0 : i32
    %dma_wait3A_152 = arith.constant 0 : i32
    %dma_wait3A_153 = tpu.memref_slice %arg37[%dma_wait3A_151, %dma_wait3A_152] : memref<10240x64xf32, #tpu.memory_space<vmem_shared>> -> memref<10240x64xf32, #tpu.memory_space<vmem_shared>>
    tpu.wait_indirect_dma semaphore(%arg60 : memref<!tpu.dma_semaphore, #tpu.memory_space<semaphore_mem>>) src(%arg29 : memref<128x64xf32, #tpu.memory_space<vmem>>) dst(%dma_wait3A_153 : memref<10240x64xf32, #tpu.memory_space<vmem_shared>>)
    %dma_wait3A_154 = arith.constant 0 : i32
    %dma_wait3A_155 = arith.constant 0 : i32
    %dma_wait3A_156 = tpu.memref_slice %arg37[%dma_wait3A_154, %dma_wait3A_155] : memref<10240x64xf32, #tpu.memory_space<vmem_shared>> -> memref<10240x64xf32, #tpu.memory_space<vmem_shared>>
    tpu.wait_indirect_dma semaphore(%arg61 : memref<!tpu.dma_semaphore, #tpu.memory_space<semaphore_mem>>) src(%arg30 : memref<128x64xf32, #tpu.memory_space<vmem>>) dst(%dma_wait3A_156 : memref<10240x64xf32, #tpu.memory_space<vmem_shared>>)
    %dma_wait3A_157 = arith.constant 0 : i32
    %dma_wait3A_158 = arith.constant 0 : i32
    %dma_wait3A_159 = tpu.memref_slice %arg37[%dma_wait3A_157, %dma_wait3A_158] : memref<10240x64xf32, #tpu.memory_space<vmem_shared>> -> memref<10240x64xf32, #tpu.memory_space<vmem_shared>>
    tpu.wait_indirect_dma semaphore(%arg62 : memref<!tpu.dma_semaphore, #tpu.memory_space<semaphore_mem>>) src(%arg31 : memref<128x64xf32, #tpu.memory_space<vmem>>) dst(%dma_wait3A_159 : memref<10240x64xf32, #tpu.memory_space<vmem_shared>>)
    %dma_wait3A_160 = arith.constant 0 : i32
    %dma_wait3A_161 = arith.constant 0 : i32
    %dma_wait3A_162 = tpu.memref_slice %arg37[%dma_wait3A_160, %dma_wait3A_161] : memref<10240x64xf32, #tpu.memory_space<vmem_shared>> -> memref<10240x64xf32, #tpu.memory_space<vmem_shared>>
    tpu.wait_indirect_dma semaphore(%arg63 : memref<!tpu.dma_semaphore, #tpu.memory_space<semaphore_mem>>) src(%arg32 : memref<128x64xf32, #tpu.memory_space<vmem>>) dst(%dma_wait3A_162 : memref<10240x64xf32, #tpu.memory_space<vmem_shared>>)
    %dma_wait3A_163 = arith.constant 0 : i32
    %dma_wait3A_164 = arith.constant 0 : i32
    %dma_wait3A_165 = tpu.memref_slice %arg37[%dma_wait3A_163, %dma_wait3A_164] : memref<10240x64xf32, #tpu.memory_space<vmem_shared>> -> memref<10240x64xf32, #tpu.memory_space<vmem_shared>>
    tpu.wait_indirect_dma semaphore(%arg64 : memref<!tpu.dma_semaphore, #tpu.memory_space<semaphore_mem>>) src(%arg33 : memref<128x64xf32, #tpu.memory_space<vmem>>) dst(%dma_wait3A_165 : memref<10240x64xf32, #tpu.memory_space<vmem_shared>>)
    %dma_wait3A_166 = arith.constant 0 : i32
    %dma_wait3A_167 = arith.constant 0 : i32
    %dma_wait3A_168 = tpu.memref_slice %arg37[%dma_wait3A_166, %dma_wait3A_167] : memref<10240x64xf32, #tpu.memory_space<vmem_shared>> -> memref<10240x64xf32, #tpu.memory_space<vmem_shared>>
    tpu.wait_indirect_dma semaphore(%arg65 : memref<!tpu.dma_semaphore, #tpu.memory_space<semaphore_mem>>) src(%arg34 : memref<128x64xf32, #tpu.memory_space<vmem>>) dst(%dma_wait3A_168 : memref<10240x64xf32, #tpu.memory_space<vmem_shared>>)
    %dma_wait3A_169 = arith.constant 0 : i32
    %dma_wait3A_170 = arith.constant 0 : i32
    %dma_wait3A_171 = tpu.memref_slice %arg37[%dma_wait3A_169, %dma_wait3A_170] : memref<10240x64xf32, #tpu.memory_space<vmem_shared>> -> memref<10240x64xf32, #tpu.memory_space<vmem_shared>>
    tpu.wait_indirect_dma semaphore(%arg66 : memref<!tpu.dma_semaphore, #tpu.memory_space<semaphore_mem>>) src(%arg35 : memref<128x64xf32, #tpu.memory_space<vmem>>) dst(%dma_wait3A_171 : memref<10240x64xf32, #tpu.memory_space<vmem_shared>>)
    %dma_wait3A_172 = arith.constant 0 : i32
    %dma_wait3A_173 = arith.constant 0 : i32
    %dma_wait3A_174 = tpu.memref_slice %arg37[%dma_wait3A_172, %dma_wait3A_173] : memref<10240x64xf32, #tpu.memory_space<vmem_shared>> -> memref<10240x64xf32, #tpu.memory_space<vmem_shared>>
    tpu.wait_indirect_dma semaphore(%arg67 : memref<!tpu.dma_semaphore, #tpu.memory_space<semaphore_mem>>) src(%arg36 : memref<128x64xf32, #tpu.memory_space<vmem>>) dst(%dma_wait3A_174 : memref<10240x64xf32, #tpu.memory_space<vmem_shared>>)
    %barrier3A_175 = arith.constant 0 : index
    tpu.barrier barrier_id(%barrier3A_175)
    %mul3A_176 = arith.constant 640 : i32
    %mul3A_177 = arith.muli %arg1, %mul3A_176 : i32
    %mul3A_178 = arith.constant 10240 : i32
    %mul3A_179 = arith.muli %arg0, %mul3A_178 : i32
    %mul3A_180 = arith.constant 640 : i32
    %mul3A_181 = arith.muli %arg1, %mul3A_180 : i32
    %add3A_182 = arith.addi %mul3A_179, %mul3A_181 : i32
    "tpu.region"() ({
      %run_scoped3A = tpu.sem_alloc : memref<!tpu.dma_semaphore, #tpu.memory_space<semaphore_mem>>
      %dma_start3A_183 = arith.constant 0 : i32
      %dma_start3A_184 = tpu.memref_slice %arg6[%add3A_182, %dma_start3A_183] : memref<20480x64xf32, #tpu.memory_space<hbm>> -> memref<640x64xf32, #tpu.memory_space<hbm>>
      %dma_start3A_185 = arith.constant 0 : i32
      %dma_start3A_186 = tpu.memref_slice %arg37[%mul3A_177, %dma_start3A_185] : memref<10240x64xf32, #tpu.memory_space<vmem_shared>> -> memref<640x64xf32, #tpu.memory_space<vmem_shared>>
      tpu.enqueue_dma source(%dma_start3A_186 : memref<640x64xf32, #tpu.memory_space<vmem_shared>>) target(%dma_start3A_184 : memref<640x64xf32, #tpu.memory_space<hbm>>) target_semaphore(%run_scoped3A : memref<!tpu.dma_semaphore, #tpu.memory_space<semaphore_mem>>)
      %dma_wait3A_187 = arith.constant 0 : i32
      %dma_wait3A_188 = tpu.memref_slice %arg6[%add3A_182, %dma_wait3A_187] : memref<20480x64xf32, #tpu.memory_space<hbm>> -> memref<640x64xf32, #tpu.memory_space<hbm>>
      %dma_wait3A_189 = arith.constant 0 : i32
      %dma_wait3A_190 = tpu.memref_slice %arg37[%mul3A_177, %dma_wait3A_189] : memref<10240x64xf32, #tpu.memory_space<vmem_shared>> -> memref<640x64xf32, #tpu.memory_space<vmem_shared>>
      tpu.wait_dma2 semaphore(%run_scoped3A : memref<!tpu.dma_semaphore, #tpu.memory_space<semaphore_mem>>) src(%dma_wait3A_190 : memref<640x64xf32, #tpu.memory_space<vmem_shared>>) dst(%dma_wait3A_188 : memref<640x64xf32, #tpu.memory_space<hbm>>)
      tpu.yield
    }) : () -> ()
    return
  }
}

module attributes {stable_mosaic.version = 14 : i64} {
  func.func @_tc1_body(%arg0: i32, %arg1: memref<1024x128xf32, #tpu.memory_space<vmem>>, %arg2: memref<128x64xf32, #tpu.memory_space<vmem>>, %arg3: memref<1x1x1024xf32, #tpu.memory_space<vmem>>, %arg4: memref<1x1x1024xf32, #tpu.memory_space<vmem>>, %arg5: memref<1024x64xf32, #tpu.memory_space<vmem>>, %arg6: memref<1x1x1024xf32, #tpu.memory_space<vmem>>) attributes {dimension_semantics = [#tpu.dimension_semantics<arbitrary>], iteration_bounds = array<i64: 10>, scalar_prefetch = 0 : i64, scratch_operands = 0 : i64, tpu.core_type = #tpu.core_type<tc>, window_params = [{transform_indices = @transform_0, window_bounds = array<i64: 1024, 128>}, {pipeline_mode = #tpu.pipeline_mode<synchronous>, transform_indices = @transform_1, window_bounds = array<i64: 128, 64>}, {transform_indices = @transform_2, window_bounds = array<i64: 1, 1, 1024>}, {transform_indices = @transform_3, window_bounds = array<i64: 1, 1, 1024>}, {transform_indices = @transform_4, window_bounds = array<i64: 1024, 64>}, {transform_indices = @transform_5, window_bounds = array<i64: 1, 1, 1024>}]} {
    %get3A = arith.constant 0 : index
    %get3A_0 = arith.constant 0 : index
    %get3A_1 = arith.constant 0 : index
    %get3A_2 = vector.load %arg3[%get3A, %get3A_0, %get3A_1] : memref<1x1x1024xf32, #tpu.memory_space<vmem>>, vector<1x1x1024xf32>
    %get3A_3 = arith.constant 0 : index
    %get3A_4 = arith.constant 0 : index
    %get3A_5 = arith.constant 0 : index
    %get3A_6 = vector.load %arg4[%get3A_3, %get3A_4, %get3A_5] : memref<1x1x1024xf32, #tpu.memory_space<vmem>>, vector<1x1x1024xf32>
    %add3A = arith.addf %get3A_2, %get3A_6 : vector<1x1x1024xf32>
    %add3A_7 = arith.constant 1.000000e+00 : f32
    %add3A_8 = vector.broadcast %add3A_7 : f32 to vector<1x1x1024xf32>
    %add3A_9 = arith.addf %add3A, %add3A_8 : vector<1x1x1024xf32>
    %rsqrt3A = math.rsqrt %add3A_9 : vector<1x1x1024xf32>
    %swap3A = arith.constant 0 : index
    %swap3A_10 = arith.constant 0 : index
    %swap3A_11 = arith.constant 0 : index
    %swap3A_12 = vector.load %arg6[%swap3A, %swap3A_10, %swap3A_11] : memref<1x1x1024xf32, #tpu.memory_space<vmem>>, vector<1x1x1024xf32>
    tpu.vector_store %arg6[%swap3A, %swap3A_10, %swap3A_11], %rsqrt3A {strides = array<i32>} : memref<1x1x1024xf32, #tpu.memory_space<vmem>>, vector<1x1x1024xf32>,
    %get3A_13 = arith.constant 0 : index
    %get3A_14 = arith.constant 0 : index
    %get3A_15 = vector.load %arg1[%get3A_13, %get3A_14] : memref<1024x128xf32, #tpu.memory_space<vmem>>, vector<1024x128xf32>
    %get3A_16 = arith.constant 0 : index
    %get3A_17 = arith.constant 0 : index
    %get3A_18 = vector.load %arg2[%get3A_16, %get3A_17] : memref<128x64xf32, #tpu.memory_space<vmem>>, vector<128x64xf32>
    %dot_general3A = arith.constant dense<0.000000e+00> : vector<1024x64xf32>
    %dot_general3A_19 = tpu.matmul %get3A_15, %get3A_18, %dot_general3A {dimension_numbers = #tpu.dot_dimension_numbers<[1], [0], [0], [1], [0, 0, 1, 1], [], []>, precision = #tpu.contract_precision<fp32>, transpose_lhs_hint = false} : vector<1024x128xf32>, vector<128x64xf32>, vector<1024x64xf32> -> vector<1024x64xf32>
    %reshape3A = vector.shape_cast %rsqrt3A : vector<1x1x1024xf32> to vector<1x1024xf32>
    %transpose3A = tpu.transpose %reshape3A, [1, 0] : vector<1x1024xf32> -> vector<1024x1xf32>
    %mul3A = vector.broadcast %transpose3A : vector<1024x1xf32> to vector<1024x64xf32>
    %mul3A_20 = arith.mulf %dot_general3A_19, %mul3A : vector<1024x64xf32>
    %swap3A_21 = arith.constant 0 : index
    %swap3A_22 = arith.constant 0 : index
    %swap3A_23 = vector.load %arg5[%swap3A_21, %swap3A_22] : memref<1024x64xf32, #tpu.memory_space<vmem>>, vector<1024x64xf32>
    tpu.vector_store %arg5[%swap3A_21, %swap3A_22], %mul3A_20 {strides = array<i32>} : memref<1024x64xf32, #tpu.memory_space<vmem>>, vector<1024x64xf32>,
    return
  }
  func.func @transform_0(%arg0: i32) -> (i32, i32) {
    %c0_i32 = arith.constant 0 : i32
    %c0_i32_0 = arith.constant 0 : i32
    return %arg0, %c0_i32 : i32, i32
  }
  func.func @transform_1(%arg0: i32) -> (i32, i32) {
    %c0_i32 = arith.constant 0 : i32
    %c0_i32_0 = arith.constant 0 : i32
    %c0_i32_1 = arith.constant 0 : i32
    return %c0_i32, %c0_i32_0 : i32, i32
  }
  func.func @transform_2(%arg0: i32) -> (i32, i32, i32) {
    %c0_i32 = arith.constant 0 : i32
    %c0_i32_0 = arith.constant 0 : i32
    %c0_i32_1 = arith.constant 0 : i32
    return %arg0, %c0_i32, %c0_i32_0 : i32, i32, i32
  }
  func.func @transform_3(%arg0: i32) -> (i32, i32, i32) {
    %add3A = arith.constant 10 : i32
    %add3A_0 = arith.addi %arg0, %add3A : i32
    %c0_i32 = arith.constant 0 : i32
    %c0_i32_1 = arith.constant 0 : i32
    %c0_i32_2 = arith.constant 0 : i32
    return %add3A_0, %c0_i32, %c0_i32_1 : i32, i32, i32
  }
  func.func @transform_4(%arg0: i32) -> (i32, i32) {
    %c0_i32 = arith.constant 0 : i32
    %c0_i32_0 = arith.constant 0 : i32
    return %arg0, %c0_i32 : i32, i32
  }
  func.func @transform_5(%arg0: i32) -> (i32, i32, i32) {
    %c0_i32 = arith.constant 0 : i32
    %c0_i32_0 = arith.constant 0 : i32
    %c0_i32_1 = arith.constant 0 : i32
    return %arg0, %c0_i32, %c0_i32_0 : i32, i32, i32
  }
}

module attributes {stable_mosaic.version = 14 : i64} {
  func.func @_tc2_body(%arg0: i32, %arg1: memref<1024x64xf32, #tpu.memory_space<vmem>>, %arg2: memref<1024x64xf32, #tpu.memory_space<vmem>>, %arg3: memref<1024x64xf32, #tpu.memory_space<vmem>>, %arg4: memref<1x1x1024xf32, #tpu.memory_space<vmem>>, %arg5: memref<64x64xf32, #tpu.memory_space<vmem>>, %arg6: memref<1x64xf32, #tpu.memory_space<vmem>>, %arg7: memref<1024x64xf32, #tpu.memory_space<vmem>>) attributes {dimension_semantics = [#tpu.dimension_semantics<arbitrary>], iteration_bounds = array<i64: 10>, scalar_prefetch = 0 : i64, scratch_operands = 0 : i64, tpu.core_type = #tpu.core_type<tc>, window_params = [{transform_indices = @transform_0, window_bounds = array<i64: 1024, 64>}, {transform_indices = @transform_1, window_bounds = array<i64: 1024, 64>}, {transform_indices = @transform_2, window_bounds = array<i64: 1024, 64>}, {transform_indices = @transform_3, window_bounds = array<i64: 1, 1, 1024>}, {pipeline_mode = #tpu.pipeline_mode<synchronous>, transform_indices = @transform_4, window_bounds = array<i64: 64, 64>}, {pipeline_mode = #tpu.pipeline_mode<synchronous>, transform_indices = @transform_5, window_bounds = array<i64: 1, 64>}, {transform_indices = @transform_6, window_bounds = array<i64: 1024, 64>}]} {
    %get3A = arith.constant 0 : index
    %get3A_0 = arith.constant 0 : index
    %get3A_1 = arith.constant 0 : index
    %get3A_2 = vector.load %arg4[%get3A, %get3A_0, %get3A_1] : memref<1x1x1024xf32, #tpu.memory_space<vmem>>, vector<1x1x1024xf32>
    %reshape3A = vector.shape_cast %get3A_2 : vector<1x1x1024xf32> to vector<1x1024xf32>
    %transpose3A = tpu.transpose %reshape3A, [1, 0] : vector<1x1024xf32> -> vector<1024x1xf32>
    %get3A_3 = arith.constant 0 : index
    %get3A_4 = arith.constant 0 : index
    %get3A_5 = vector.load %arg1[%get3A_3, %get3A_4] : memref<1024x64xf32, #tpu.memory_space<vmem>>, vector<1024x64xf32>
    %get3A_6 = arith.constant 0 : index
    %get3A_7 = arith.constant 0 : index
    %get3A_8 = vector.load %arg2[%get3A_6, %get3A_7] : memref<1024x64xf32, #tpu.memory_space<vmem>>, vector<1024x64xf32>
    %add3A = arith.addf %get3A_5, %get3A_8 : vector<1024x64xf32>
    %get3A_9 = arith.constant 0 : index
    %get3A_10 = arith.constant 0 : index
    %get3A_11 = vector.load %arg3[%get3A_9, %get3A_10] : memref<1024x64xf32, #tpu.memory_space<vmem>>, vector<1024x64xf32>
    %add3A_12 = arith.addf %add3A, %get3A_11 : vector<1024x64xf32>
    %mul3A = vector.broadcast %transpose3A : vector<1024x1xf32> to vector<1024x64xf32>
    %mul3A_13 = arith.mulf %mul3A, %add3A_12 : vector<1024x64xf32>
    %get3A_14 = arith.constant 0 : index
    %get3A_15 = arith.constant 0 : index
    %get3A_16 = vector.load %arg6[%get3A_14, %get3A_15] : memref<1x64xf32, #tpu.memory_space<vmem>>, vector<1x64xf32>
    %add3A_17 = vector.broadcast %get3A_16 : vector<1x64xf32> to vector<1024x64xf32>
    %add3A_18 = arith.addf %mul3A_13, %add3A_17 : vector<1024x64xf32>
    %get3A_19 = arith.constant 0 : index
    %get3A_20 = arith.constant 0 : index
    %get3A_21 = vector.load %arg5[%get3A_19, %get3A_20] : memref<64x64xf32, #tpu.memory_space<vmem>>, vector<64x64xf32>
    %dot_general3A = arith.constant dense<0.000000e+00> : vector<1024x64xf32>
    %dot_general3A_22 = tpu.matmul %add3A_18, %get3A_21, %dot_general3A {dimension_numbers = #tpu.dot_dimension_numbers<[1], [0], [0], [1], [0, 0, 1, 1], [], []>, precision = #tpu.contract_precision<fp32>, transpose_lhs_hint = false} : vector<1024x64xf32>, vector<64x64xf32>, vector<1024x64xf32> -> vector<1024x64xf32>
    %mul3A_23 = vector.broadcast %transpose3A : vector<1024x1xf32> to vector<1024x64xf32>
    %mul3A_24 = arith.mulf %mul3A_23, %dot_general3A_22 : vector<1024x64xf32>
    %swap3A = arith.constant 0 : index
    %swap3A_25 = arith.constant 0 : index
    %swap3A_26 = vector.load %arg7[%swap3A, %swap3A_25] : memref<1024x64xf32, #tpu.memory_space<vmem>>, vector<1024x64xf32>
    tpu.vector_store %arg7[%swap3A, %swap3A_25], %mul3A_24 {strides = array<i32>} : memref<1024x64xf32, #tpu.memory_space<vmem>>, vector<1024x64xf32>,
    return
  }
  func.func @transform_0(%arg0: i32) -> (i32, i32) {
    %c0_i32 = arith.constant 0 : i32
    %c0_i32_0 = arith.constant 0 : i32
    return %arg0, %c0_i32 : i32, i32
  }
  func.func @transform_1(%arg0: i32) -> (i32, i32) {
    %add3A = arith.constant 10 : i32
    %add3A_0 = arith.addi %arg0, %add3A : i32
    %c0_i32 = arith.constant 0 : i32
    %c0_i32_1 = arith.constant 0 : i32
    return %add3A_0, %c0_i32 : i32, i32
  }
  func.func @transform_2(%arg0: i32) -> (i32, i32) {
    %c0_i32 = arith.constant 0 : i32
    %c0_i32_0 = arith.constant 0 : i32
    return %arg0, %c0_i32 : i32, i32
  }
  func.func @transform_3(%arg0: i32) -> (i32, i32, i32) {
    %c0_i32 = arith.constant 0 : i32
    %c0_i32_0 = arith.constant 0 : i32
    %c0_i32_1 = arith.constant 0 : i32
    return %arg0, %c0_i32, %c0_i32_0 : i32, i32, i32
  }
  func.func @transform_4(%arg0: i32) -> (i32, i32) {
    %c0_i32 = arith.constant 0 : i32
    %c0_i32_0 = arith.constant 0 : i32
    %c0_i32_1 = arith.constant 0 : i32
    return %c0_i32, %c0_i32_0 : i32, i32
  }
  func.func @transform_5(%arg0: i32) -> (i32, i32) {
    %c0_i32 = arith.constant 0 : i32
    %c0_i32_0 = arith.constant 0 : i32
    %c0_i32_1 = arith.constant 0 : i32
    return %c0_i32, %c0_i32_0 : i32, i32
  }
  func.func @transform_6(%arg0: i32) -> (i32, i32) {
    %c0_i32 = arith.constant 0 : i32
    %c0_i32_0 = arith.constant 0 : i32
    return %arg0, %c0_i32 : i32, i32
  }
}

module attributes {stable_mosaic.version = 14 : i64} {
  func.func @_tc3_body(%arg0: i32, %arg1: memref<1024x64xf32, #tpu.memory_space<vmem>>, %arg2: memref<1024x64xf32, #tpu.memory_space<vmem>>, %arg3: memref<1024x64xf32, #tpu.memory_space<vmem>>, %arg4: memref<1x1x1024xf32, #tpu.memory_space<vmem>>, %arg5: memref<1x1x1024xi32, #tpu.memory_space<vmem>>, %arg6: memref<1x64xf32, #tpu.memory_space<vmem>>, %arg7: memref<64x10xf32, #tpu.memory_space<vmem>>, %arg8: memref<1x10xf32, #tpu.memory_space<vmem>>, %arg9: memref<64x10xf32, #tpu.memory_space<vmem>>, %arg10: memref<64x65xf32, #tpu.memory_space<vmem>>) attributes {dimension_semantics = [#tpu.dimension_semantics<arbitrary>], iteration_bounds = array<i64: 10>, scalar_prefetch = 0 : i64, scratch_operands = 1 : i64, tpu.core_type = #tpu.core_type<tc>, window_params = [{transform_indices = @transform_0, window_bounds = array<i64: 1024, 64>}, {transform_indices = @transform_1, window_bounds = array<i64: 1024, 64>}, {transform_indices = @transform_2, window_bounds = array<i64: 1024, 64>}, {transform_indices = @transform_3, window_bounds = array<i64: 1, 1, 1024>}, {transform_indices = @transform_4, window_bounds = array<i64: 1, 1, 1024>}, {pipeline_mode = #tpu.pipeline_mode<synchronous>, transform_indices = @transform_5, window_bounds = array<i64: 1, 64>}, {pipeline_mode = #tpu.pipeline_mode<synchronous>, transform_indices = @transform_6, window_bounds = array<i64: 64, 10>}, {pipeline_mode = #tpu.pipeline_mode<synchronous>, transform_indices = @transform_7, window_bounds = array<i64: 1, 10>}, {pipeline_mode = #tpu.pipeline_mode<synchronous>, transform_indices = @transform_8, window_bounds = array<i64: 64, 10>}]} {
    %eq3A = arith.constant 0 : i32
    %eq3A_0 = arith.cmpi eq, %arg0, %eq3A : i32
    %convert_element_type3A = arith.extui %eq3A_0 : i1 to i32
    %cond3A = arith.constant 0 : i32
    %cond3A_1 = arith.cmpi ne, %convert_element_type3A, %cond3A : i32
    scf.if %cond3A_1 {
      %broadcast_in_dim3A_49 = arith.constant 0.000000e+00 : f32
      %broadcast_in_dim3A_50 = vector.broadcast %broadcast_in_dim3A_49 : f32 to vector<64x65xf32>
      %swap3A_51 = arith.constant 0 : index
      %swap3A_52 = arith.constant 0 : index
      %swap3A_53 = vector.load %arg10[%swap3A_51, %swap3A_52] : memref<64x65xf32, #tpu.memory_space<vmem>>, vector<64x65xf32>
      tpu.vector_store %arg10[%swap3A_51, %swap3A_52], %broadcast_in_dim3A_50 {strides = array<i32>} : memref<64x65xf32, #tpu.memory_space<vmem>>, vector<64x65xf32>,
    } else {
    }
    %get3A = arith.constant 0 : index
    %get3A_2 = arith.constant 0 : index
    %get3A_3 = vector.load %arg1[%get3A, %get3A_2] : memref<1024x64xf32, #tpu.memory_space<vmem>>, vector<1024x64xf32>
    %get3A_4 = arith.constant 0 : index
    %get3A_5 = arith.constant 0 : index
    %get3A_6 = vector.load %arg2[%get3A_4, %get3A_5] : memref<1024x64xf32, #tpu.memory_space<vmem>>, vector<1024x64xf32>
    %add3A = arith.addf %get3A_3, %get3A_6 : vector<1024x64xf32>
    %get3A_7 = arith.constant 0 : index
    %get3A_8 = arith.constant 0 : index
    %get3A_9 = vector.load %arg3[%get3A_7, %get3A_8] : memref<1024x64xf32, #tpu.memory_space<vmem>>, vector<1024x64xf32>
    %add3A_10 = arith.addf %add3A, %get3A_9 : vector<1024x64xf32>
    %get3A_11 = arith.constant 0 : index
    %get3A_12 = arith.constant 0 : index
    %get3A_13 = arith.constant 0 : index
    %get3A_14 = vector.load %arg4[%get3A_11, %get3A_12, %get3A_13] : memref<1x1x1024xf32, #tpu.memory_space<vmem>>, vector<1x1x1024xf32>
    %reshape3A = vector.shape_cast %get3A_14 : vector<1x1x1024xf32> to vector<1x1024xf32>
    %transpose3A = tpu.transpose %reshape3A, [1, 0] : vector<1x1024xf32> -> vector<1024x1xf32>
    %mul3A = vector.broadcast %transpose3A : vector<1024x1xf32> to vector<1024x64xf32>
    %mul3A_15 = arith.mulf %mul3A, %add3A_10 : vector<1024x64xf32>
    %get3A_16 = arith.constant 0 : index
    %get3A_17 = arith.constant 0 : index
    %get3A_18 = vector.load %arg6[%get3A_16, %get3A_17] : memref<1x64xf32, #tpu.memory_space<vmem>>, vector<1x64xf32>
    %add3A_19 = vector.broadcast %get3A_18 : vector<1x64xf32> to vector<1024x64xf32>
    %add3A_20 = arith.addf %mul3A_15, %add3A_19 : vector<1024x64xf32>
    %get3A_21 = arith.constant 0 : index
    %get3A_22 = arith.constant 0 : index
    %get3A_23 = arith.constant 0 : index
    %get3A_24 = vector.load %arg5[%get3A_21, %get3A_22, %get3A_23] : memref<1x1x1024xi32, #tpu.memory_space<vmem>>, vector<1x1x1024xi32>
    %reshape3A_25 = vector.shape_cast %get3A_24 : vector<1x1x1024xi32> to vector<1x1024xi32>
    %transpose3A_26 = tpu.transpose %reshape3A_25, [1, 0] : vector<1x1024xi32> -> vector<1024x1xi32>
    %ge3A = arith.constant 0 : i32
    %ge3A_27 = vector.broadcast %ge3A : i32 to vector<1024x1xi32>
    %ge3A_28 = arith.cmpi sge, %transpose3A_26, %ge3A_27 : vector<1024x1xi32>
    %jit3A = arith.constant 0.000000e+00 : f32
    %broadcast_in_dim3A = vector.shape_cast %ge3A_28 : vector<1024x1xi1> to vector<1024x1xi1>
    %broadcast_in_dim3A_29 = vector.broadcast %broadcast_in_dim3A : vector<1024x1xi1> to vector<1024x64xi1>
    %broadcast_in_dim3A_30 = vector.broadcast %jit3A : f32 to vector<1024x64xf32>
    %select_n3A = arith.select %broadcast_in_dim3A_29, %add3A_20, %broadcast_in_dim3A_30 : vector<1024x64xi1>, vector<1024x64xf32>
    %iota3A = tpu.iota {dimensions = array<i32: 1>} : vector<1024x64xi32>
    %eq3A_31 = vector.broadcast %transpose3A_26 : vector<1024x1xi32> to vector<1024x64xi32>
    %eq3A_32 = arith.cmpi eq, %eq3A_31, %iota3A : vector<1024x64xi32>
    %convert_element_type3A_33 = arith.extui %eq3A_32 : vector<1024x64xi1> to vector<1024x64xi32>
    %convert_element_type3A_34 = arith.sitofp %convert_element_type3A_33 : vector<1024x64xi32> to vector<1024x64xf32>
    %broadcast_in_dim3A_35 = arith.constant 1.000000e+00 : f32
    %broadcast_in_dim3A_36 = vector.broadcast %broadcast_in_dim3A_35 : f32 to vector<1024x1xf32>
    %concatenate3A = tpu.concatenate %select_n3A, %broadcast_in_dim3A_36 in 1 : vector<1024x64xf32>, vector<1024x1xf32> -> vector<1024x65xf32>
    %get3A_37 = arith.constant 0 : index
    %get3A_38 = arith.constant 0 : index
    %get3A_39 = vector.load %arg10[%get3A_37, %get3A_38] : memref<64x65xf32, #tpu.memory_space<vmem>>, vector<64x65xf32>
    %dot_general3A = arith.constant dense<0.000000e+00> : vector<64x65xf32>
    %dot_general3A_40 = tpu.matmul %convert_element_type3A_34, %concatenate3A, %dot_general3A {dimension_numbers = #tpu.dot_dimension_numbers<[0], [0], [1], [1], [0, 1, 1, 1], [], []>, precision = #tpu.contract_precision<fp32>, transpose_lhs_hint = false} : vector<1024x64xf32>, vector<1024x65xf32>, vector<64x65xf32> -> vector<64x65xf32>
    %add3A_41 = arith.addf %get3A_39, %dot_general3A_40 : vector<64x65xf32>
    %swap3A = arith.constant 0 : index
    %swap3A_42 = arith.constant 0 : index
    %swap3A_43 = vector.load %arg10[%swap3A, %swap3A_42] : memref<64x65xf32, #tpu.memory_space<vmem>>, vector<64x65xf32>
    tpu.vector_store %arg10[%swap3A, %swap3A_42], %add3A_41 {strides = array<i32>} : memref<64x65xf32, #tpu.memory_space<vmem>>, vector<64x65xf32>,
    %eq3A_44 = arith.constant 9 : i32
    %eq3A_45 = arith.cmpi eq, %arg0, %eq3A_44 : i32
    %convert_element_type3A_46 = arith.extui %eq3A_45 : i1 to i32
    %cond3A_47 = arith.constant 0 : i32
    %cond3A_48 = arith.cmpi ne, %convert_element_type3A_46, %cond3A_47 : i32
    scf.if %cond3A_48 {
      %get3A_49 = arith.constant 0 : index
      %get3A_50 = arith.constant 0 : index
      %get3A_51 = vector.load %arg10[%get3A_49, %get3A_50] : memref<64x65xf32, #tpu.memory_space<vmem>>, vector<64x65xf32>
      %slice3A = vector.extract_strided_slice %get3A_51 {offsets = [0, 0], sizes = [64, 64], strides = [1, 1]} : vector<64x65xf32> to vector<64x64xf32>
      %slice3A_52 = vector.extract_strided_slice %get3A_51 {offsets = [0, 64], sizes = [64, 1], strides = [1, 1]} : vector<64x65xf32> to vector<64x1xf32>
      %max3A = arith.constant 1.000000e+00 : f32
      %max3A_53 = vector.broadcast %max3A : f32 to vector<64x1xf32>
      %max3A_54 = arith.maximumf %slice3A_52, %max3A_53 : vector<64x1xf32>
      %div3A = vector.broadcast %max3A_54 : vector<64x1xf32> to vector<64x64xf32>
      %div3A_55 = arith.divf %slice3A, %div3A : vector<64x64xf32>
      %get3A_56 = arith.constant 0 : index
      %get3A_57 = arith.constant 0 : index
      %get3A_58 = vector.load %arg7[%get3A_56, %get3A_57] : memref<64x10xf32, #tpu.memory_space<vmem>>, vector<64x10xf32>
      %dot_general3A_59 = arith.constant dense<0.000000e+00> : vector<64x10xf32>
      %dot_general3A_60 = tpu.matmul %div3A_55, %get3A_58, %dot_general3A_59 {dimension_numbers = #tpu.dot_dimension_numbers<[1], [0], [0], [1], [0, 0, 1, 1], [], []>, precision = #tpu.contract_precision<fp32>, transpose_lhs_hint = false} : vector<64x64xf32>, vector<64x10xf32>, vector<64x10xf32> -> vector<64x10xf32>
      %get3A_61 = arith.constant 0 : index
      %get3A_62 = arith.constant 0 : index
      %get3A_63 = vector.load %arg8[%get3A_61, %get3A_62] : memref<1x10xf32, #tpu.memory_space<vmem>>, vector<1x10xf32>
      %add3A_64 = vector.broadcast %get3A_63 : vector<1x10xf32> to vector<64x10xf32>
      %add3A_65 = arith.addf %dot_general3A_60, %add3A_64 : vector<64x10xf32>
      %swap3A_66 = arith.constant 0 : index
      %swap3A_67 = arith.constant 0 : index
      %swap3A_68 = vector.load %arg9[%swap3A_66, %swap3A_67] : memref<64x10xf32, #tpu.memory_space<vmem>>, vector<64x10xf32>
      tpu.vector_store %arg9[%swap3A_66, %swap3A_67], %add3A_65 {strides = array<i32>} : memref<64x10xf32, #tpu.memory_space<vmem>>, vector<64x10xf32>,
    } else {
    }
    return
  }
  func.func @transform_0(%arg0: i32) -> (i32, i32) {
    %c0_i32 = arith.constant 0 : i32
    %c0_i32_0 = arith.constant 0 : i32
    return %arg0, %c0_i32 : i32, i32
  }
  func.func @transform_1(%arg0: i32) -> (i32, i32) {
    %add3A = arith.constant 10 : i32
    %add3A_0 = arith.addi %arg0, %add3A : i32
    %c0_i32 = arith.constant 0 : i32
    %c0_i32_1 = arith.constant 0 : i32
    return %add3A_0, %c0_i32 : i32, i32
  }
  func.func @transform_2(%arg0: i32) -> (i32, i32) {
    %c0_i32 = arith.constant 0 : i32
    %c0_i32_0 = arith.constant 0 : i32
    return %arg0, %c0_i32 : i32, i32
  }
  func.func @transform_3(%arg0: i32) -> (i32, i32, i32) {
    %c0_i32 = arith.constant 0 : i32
    %c0_i32_0 = arith.constant 0 : i32
    %c0_i32_1 = arith.constant 0 : i32
    return %arg0, %c0_i32, %c0_i32_0 : i32, i32, i32
  }
  func.func @transform_4(%arg0: i32) -> (i32, i32, i32) {
    %c0_i32 = arith.constant 0 : i32
    %c0_i32_0 = arith.constant 0 : i32
    %c0_i32_1 = arith.constant 0 : i32
    return %arg0, %c0_i32, %c0_i32_0 : i32, i32, i32
  }
  func.func @transform_5(%arg0: i32) -> (i32, i32) {
    %c0_i32 = arith.constant 0 : i32
    %c0_i32_0 = arith.constant 0 : i32
    %c0_i32_1 = arith.constant 0 : i32
    return %c0_i32, %c0_i32_0 : i32, i32
  }
  func.func @transform_6(%arg0: i32) -> (i32, i32) {
    %c0_i32 = arith.constant 0 : i32
    %c0_i32_0 = arith.constant 0 : i32
    %c0_i32_1 = arith.constant 0 : i32
    return %c0_i32, %c0_i32_0 : i32, i32
  }
  func.func @transform_7(%arg0: i32) -> (i32, i32) {
    %c0_i32 = arith.constant 0 : i32
    %c0_i32_0 = arith.constant 0 : i32
    %c0_i32_1 = arith.constant 0 : i32
    return %c0_i32, %c0_i32_0 : i32, i32
  }
  func.func @transform_8(%arg0: i32) -> (i32, i32) {
    %c0_i32 = arith.constant 0 : i32
    %c0_i32_0 = arith.constant 0 : i32
    %c0_i32_1 = arith.constant 0 : i32
    return %c0_i32, %c0_i32_0 : i32, i32
  }
}

</mosaic_0001>

<sc_bundles>
// kernel: kernel.11.cloned.1.call-start
scs
__scs_entry_jumppad:
0x0: {  	(pc) =	sbr.rel $0x88, $3  }
0x1: {  	(tag) =	ssettag $0x0;
	lr =	simm.s32 $0x1  }
0x2: {  	[smem:$0x3F98] =	sst lr;
	_ =	strace $0xD0000000  }
0x3: {  	_ = 	snop  }
0x4: {  	_ = 	snop  }
0x5: {  	_ = 	snop  }
0x6: {  	_ = 	snop  }
0x7: {  	_ = 	snop  }
__scs_overlays_trampoline_lowered:
0x8: {  	[smem:$0x3FA7] =	sst s0  }
0x9: {  	[smem:$0x3FA8] =	sst s1  }
0xa: {  	[smem:$0x3FA9] =	sst s2  }
0xb: {  	[smem:$0x3FAA] =	sst s3  }
0xc: {  	[smem:$0x3FAB] =	sst s4  }
0xd: {  	[smem:$0x3FAC] =	sst s5  }
0xe: {  	[smem:$0x3FAD] =	sst s6  }
0xf: {  	[smem:$0x3FAE] =	sst s7  }
0x10: {  	[smem:$0x3FAF] =	sst s8  }
0x11: {  	[smem:$0x3FB0] =	sst s9;
	s0 =	simm.s32 @!p0 $0x0  }
0x12: {  	s1 =	sld [smem:$0x3F96];
	s0 =	simm.s32 @p0 $0x1  }
0x13: {  	[smem:$0x3FB1] =	sst s0;
	s0 =	simm.s32 @!p1 $0x0  }
0x14: {  	s2 =	sld [smem:$0x3F95];
	s0 =	simm.s32 @p1 $0x1  }
0x15: {  	[smem:$0x3FB2] =	sst s0;
	s0 =	simm.s32 @!p2 $0x0  }
0x16: {  	s3 =	sld [smem:$0x3FDB];
	s0 =	simm.s32 @p2 $0x1  }
0x17: {  	s4 =	simm.s32 $0x1BF5;
	[smem:$0x3FB4] =	sst s0  }
0x18: {  	s0 =	sld [smem:$0x3F97];
	_ =	swait.ge [sflag:s4], $0x0  }
0x19: {  	s7 =	sld [smem:$0x3F98]  }
0x1a: {  	s8 =	sadd.s32 $0xFFFFE003, lr  }
0x1b: {  	s9 =	sadd.s32 $0xFFFFFEF7, lr;
	s5 =	simm.s32 $0xFFFFFFFF;
	p2 =	slt.u32 s8, $0xFFFFF086  }
0x1c: {  	p1 =	slt.u32 s9, $0xF7A;
	s5 =	simm.s32 @!p2 $0x0  }
0x1d: {  	s5 =	simm.s32 @p1 $0x1;
	p0 =	seq.s32 s7, s2  }
0x1e: {  	s7 =	smul.u32 @!p0 $0xF7A, s2;
	p2 =	seq.s32 @!p0 s5, $0x0  }
0x1f: {  	s9 =	smul.u32 $0xF7A, s1;
	s8 =	simm.s32 @!p0 $0x1BF5;
	p2 =	por !p2, p0  }
0x20: {  	[sflag:s8] =	ssyncset.s32 @!p0 $0xFFFFF086;
	s6 =	sadd.s32 @!p0 s3, s7;
	s7 =	simm.s32 @!p0 $0x108  }
0x21: {  	s3 =	sadd.s32 s3, s9;
	s6 =	sadd.s32 @!p0 $0x88, s6;
	s7 =	simm.s32 @p2 $0x1082  }
0x22: {  	[simem:s7], [sflag:s8] =	dma.local @!p0 [hbm:s6], $0xF7A  }
0x23: {  	s9 =	sor.u32 $0xD0000000, s2;
	s6 =	simm.s32 $0x108;
	_ =	swait.ge @!p0 [sflag:s8], $0x0  }
0x24: {  	s3 =	sadd.s32 $0x88, s3;
	s6 =	simm.s32 @!p1 $0x1082;
	[sflag:s4] =	ssyncset.s32 $0xFFFFF086  }
0x25: {  	[simem:s6], [sflag:s4] =	dma.local [hbm:s3], $0xF7A  }
0x26: {  	[smem:$0x3F98] =	sst s1;
	(tag) =	ssettag s2;
	_ =	strace s9  }
0x27: {  	s1 =	sld [smem:$0x3FA8]  }
0x28: {  	s2 =	sld [smem:$0x3FA9]  }
0x29: {  	s4 =	sld [smem:$0x3FAB]  }
0x2a: {  	p0 =	seq.s32 s5, $0x0;
	s5 =	sld [smem:$0x3FAC]  }
0x2b: {  	s6 =	sld [smem:$0x3FAD]  }
0x2c: {  	s7 =	sld [smem:$0x3FAE]  }
0x2d: {  	s3 =	simm.s32 $0x108;
	s8 =	sld [smem:$0x3FAF]  }
0x2e: {  	s3 =	simm.s32 @!p0 $0x1082;
	s9 =	sld [smem:$0x3FB0]  }
0x2f: {  	lr =	sadd.s32 s0, s3;
	s0 =	sld [smem:$0x3FA7]  }
0x30: {  	s3 =	sld [smem:$0x3FAA]  }
0x31: {  	[smem:$0x3FB3] =	sst s10  }
0x32: {  	s10 =	sld [smem:$0x3FB1];
	_ =	sdelay $0x3  }
0x33: {  	p0 =	seq.s32 s10, $0x1;
	s10 =	sld [smem:$0x3FB3];
	_ =	sdelay $0x3  }
0x34: {  	[smem:$0x3FB3] =	sst s10  }
0x35: {  	s10 =	sld [smem:$0x3FB2];
	_ =	sdelay $0x3  }
0x36: {  	p1 =	seq.s32 s10, $0x1;
	s10 =	sld [smem:$0x3FB3];
	_ =	sdelay $0x3  }
0x37: {  	[smem:$0x3FB3] =	sst s10  }
0x38: {  	s10 =	sld [smem:$0x3FB4]  }
0x39: {  	_ = 	snop;
	(pc) =	sbr.ind lr, $3  }
0x3a: {  	_ = 	snop  }
0x3b: {  	_ = 	snop  }
0x3c: {  	p2 =	seq.s32 s10, $0x1;
	s10 =	sld [smem:$0x3FB3]  }
0x3d: {  	_ =	shalt  }
0x3e: {  	_ =	shalt  }
0x3f: {  	_ =	shalt  }
0x40: {  	_ =	shalt  }
0x41: {  	_ =	shalt  }
0x42: {  	_ =	shalt  }
0x43: {  	_ =	shalt  }
0x44: {  	_ =	shalt  }
0x45: {  	_ =	shalt  }
0x46: {  	_ =	shalt  }
0x47: {  	_ =	shalt  }
0x48: {  	_ =	shalt  }
0x49: {  	_ =	shalt  }
0x4a: {  	_ =	shalt  }
0x4b: {  	_ =	shalt  }
0x4c: {  	_ =	shalt  }
0x4d: {  	_ =	shalt  }
0x4e: {  	_ =	shalt  }
0x4f: {  	_ =	shalt  }
0x50: {  	_ =	shalt  }
0x51: {  	_ =	shalt  }
0x52: {  	_ =	shalt  }
0x53: {  	_ =	shalt  }
0x54: {  	_ =	shalt  }
0x55: {  	_ =	shalt  }
0x56: {  	_ =	shalt  }
0x57: {  	_ =	shalt  }
0x58: {  	_ =	shalt  }
0x59: {  	_ =	shalt  }
0x5a: {  	_ =	shalt  }
0x5b: {  	_ =	shalt  }
0x5c: {  	_ =	shalt  }
0x5d: {  	_ =	shalt  }
0x5e: {  	_ =	shalt  }
0x5f: {  	_ =	shalt  }
0x60: {  	_ =	shalt  }
0x61: {  	_ =	shalt  }
0x62: {  	_ =	shalt  }
0x63: {  	_ =	shalt  }
0x64: {  	_ =	shalt  }
0x65: {  	_ =	shalt  }
0x66: {  	_ =	shalt  }
0x67: {  	_ =	shalt  }
0x68: {  	_ =	shalt  }
0x69: {  	_ =	shalt  }
0x6a: {  	_ =	shalt  }
0x6b: {  	_ =	shalt  }
0x6c: {  	_ =	shalt  }
0x6d: {  	_ =	shalt  }
0x6e: {  	_ =	shalt  }
0x6f: {  	_ =	shalt  }
0x70: {  	_ =	shalt  }
0x71: {  	_ =	shalt  }
0x72: {  	_ =	shalt  }
0x73: {  	_ =	shalt  }
0x74: {  	_ =	shalt  }
0x75: {  	_ =	shalt  }
0x76: {  	_ =	shalt  }
0x77: {  	_ =	shalt  }
0x78: {  	_ =	shalt  }
0x79: {  	_ =	shalt  }
0x7a: {  	_ =	shalt  }
0x7b: {  	_ =	shalt  }
0x7c: {  	_ =	shalt  }
0x7d: {  	_ =	shalt  }
0x7e: {  	_ =	shalt  }
0x7f: {  	_ =	shalt  }
0x80: {  	_ =	shalt  }
0x81: {  	_ =	shalt  }
0x82: {  	_ =	shalt  }
0x83: {  	_ =	shalt  }
0x84: {  	_ =	shalt  }
0x85: {  	_ =	shalt  }
0x86: {  	_ =	shalt  }
0x87: {  	_ =	shalt  }
.Lfunc_end0:
.L_simem_size_0:
called_computation.1_lowered:
.L_overlay_start_0:
0x88: {  	s2 =	sld [smem:$0x3FD9]  }
0x89: {  	s3 =	sld [smem:$0x3FFE];
	_ =	sdelay $0x1  }
0x8a: {  	s1 =	srdreg.scid  }
0x8b: {  	s0 =	sand.u32 $0x1, s1  }
0x8c: {  	s16 =	sshll.u32 s0, $0xA;
	s2 =	sadd.s32 s3, s2  }
0x8d: {  	s2 =	sadd.s32 s2, s16  }
0x8e: {  	[smem:$0x3FBF] =	sst s2  }
0x8f: {  	_ = 	snop  }
0x90: {  	(tm) =	ssettm $0x1  }
0x91: {  	s17 =	sld [smem:$0x3FFB];
	_ =	sdelay $0x3  }
0x92: {  	_ =	strace s17  }
0x93: {  	s2 =	sld [smem:$0x3FFC];
	_ =	sdelay $0x3  }
0x94: {  	_ =	strace s2  }
0x95: {  	s2 =	sld [smem:$0x3FFD];
	_ =	sdelay $0x3  }
0x96: {  	_ =	strace s2  }
0x97: {  	_ =	strace $0x8FFFFFFF  }
0x98: {  	s18 =	sld [smem:$0x3FDB];
	_ =	sdelay $0x1  }
0x99: {  	s19 =	simm.s32 $_scs_section_size  }
0x9a: {  	s4 =	simm.s32 $_size__tile_overlayer_lowered;
	s5 =	simm.s32 $_tile_overlayer_lowered  }
0x9b: {  	s22 =	simm.s32 $0x1BFF;
	s21 =	sshll.u32 s5, $0x1;
	s2 =	sadd.s32 s19, s18  }
0x9c: {  	s6 =	simm.s32 $0x0;
	s20 =	sshll.u32 s4, $0x1;
	s4 =	sadd.s32 s21, s2  }
0x9d: {  	[timem:s6], [sflag:s22] =	dma.local [hbm:s4], s20  }
0x9e: {  	_ =	swait.ge [sflag:s22], s20  }
0x9f: {  	s3 =	ssub.s32 $0x0, s20;
	[sflag:s22] =	ssyncset.done $0x0  }
0xa0: {  	[sflag:s22] =	ssyncadd.s32 s3;
	_ =	sdelay $0x1  }
0xa1: {  	s23 =	simm.s32 $0x1B8B  }
0xa2: {  	_ =	swait.ge [sflag:s23], $0x1  }
0xa3: {  	[sflag:s23] =	ssyncset.done $0x0  }
0xa4: {  	s25 =	simm.s32 $0x1B8E;
	s24 =	sld [smem:$0x3FFE];
	[sflag:s23] =	ssyncadd.s32 $0xFFFFFFFF  }
0xa5: {  	s26 =	simm.s32 $execute0_lowered;
	[smem:$0x3FD2] =	sst s25  }
0xa6: {  	s4 =	sshll.u32 s26, $0x1;
	_ =	strace $0x80000049;
	[dreg:$0x1] =	wrdreg $0xFFFFFFFF  }
0xa7: {  	s28 =	simm.s32 $_size_execute0_lowered;
	s2 =	sadd.s32 s2, s4;
	[dreg:$0x0] =	wrdreg $0x0  }
0xa8: {  	s4 =	sshll.u32 s28, $0x1;
	[dreg:$0x2] =	wrdreg s2  }
0xa9: {  	[dreg:$0x3] =	wrdreg s4  }
0xaa: {  	[dreg:$0x4] =	wrdreg $0xC0  }
0xab: {  	_ =	task [dreg:s6], $0x5FFFF  }
0xac: {  	[dreg:$0x1] =	wrdreg $0xFFFFFFFF  }
0xad: {  	[dreg:$0x0] =	wrdreg $0x60  }
0xae: {  	[dreg:$0x2] =	wrdreg s24  }
0xaf: {  	[dreg:$0x3] =	wrdreg $0x14A000  }
0xb0: {  	[dreg:$0x4] =	wrdreg $0x9  }
0xb1: {  	_ =	task.clear_ibuf [dreg:s6], $0x5FFFF;
	_ =	strace $0x90000049  }
0xb2: {  	s29 =	simm.s32 $0x9;
	_ =	strace $0x8000004B  }
0xb3: {  	_ =	swait.ge [sflag:s29], $0x1  }
0xb4: {  	[sflag:s29] =	ssyncadd.s32 $0xFFFFFFFF  }
0xb5: {  	_ =	strace $0x9000004B  }
0xb6: {  	_ =	sfence  }
0xb7: {  	s30 =	sld [smem:$0x0];
	_ =	sdelay $0x2  }
0xb8: {  	s31 =	sshll.u32 s1, $0xD;
	s1 =	sshrl.u32 s1, $0x2  }
0xb9: {  	s3 =	sand.u32 $0x4000, s31;
	s1 =	sadd.s32 s1, s30  }
0xba: {  	s0 =	sor.u32 s3, s0;
	s1 =	sshll.u32 s1, $0x11  }
0xbb: {  	s0 =	sor.u32 s1, s0  }
0xbc: {  	s0 =	sadd.s32 $0x8F2B, s0  }
0xbd: {  	[sflag:s0] =	ssyncadd.remote.s32 $0x1  }
0xbe: {  	_ =	sfence.sel $0xFFFF  }
0xbf: {  	[dreg:$0x0] =	wrdreg $0xFFFFFFFF;
	(pc) =	sbr.abs _section_cstart, $3  }
0xc0: {  	[dreg:$0x1] =	wrdreg $0xFFFFFFFF  }
0xc1: {  	_ =	task.clear_ibuf [dreg:s6], $0x2FFFF;
	_ =	strace $0x9FFFFFFF  }
0xc2: {  	(tm) =	ssettm $0x7FFFFFFF  }
0xc3: {  	_ =	shalt  }
tec
execute0_lowered:
.L_overlay_start_1:
0x0: {  	(tag) =	ssettag $0x1  }
0x1: {  	s0 =	rddreg [dreg:$0x0]  }
0x2: {  	s2 =	rddreg [dreg:$0x1];
	s10 =	stileid.u32  }
0x3: {  	s3 =	simm.s32 $0x0;
	s4 =	srdreg.scid;
	s31 =	simm.s32 $0x280  }
0x4: {  	s28 =	simm.s32 $0x5;
	s30 =	simm.s32 $0x880;
	s1 =	smul.u32 $0xA000, s10  }
0x5: {  	[smem:$0x7FF] =	sst s3;
	s5 =	sand.u32 $0x1, s4;
	s6 =	smul.u32 $0x1400, s10  }
0x6: {  	s4 =	sadd.s32 $0x16400, s0;
	s11 =	sadd.s32 $0xC400, s0;
	s12 =	sadd.s32 $0x2400, s0  }
0x7: {  	s20 =	sshll.u32 s10, $0x5;
	s23 =	sshll.u32 s10, $0x6;
	s17 =	sshll.u32 s10, $0x8  }
0x8: {  	_ =	strace $0x8000004A;
	s7 =	smul.u32 $0x14000, s5;
	s8 =	ssub.s32 $0x2, s5  }
0x9: {  	s21 =	sshll.u32 s5, $0x4;
	s13 =	sor.u32 $0x1C1F, s23;
	[dreg:$0x4] =	wrdreg s12  }
0xa: {  	s5 =	sshll.u32 s5, $0x7;
	[dreg:$0x3] =	wrdreg s11;
	s9 =	sshrl.u32 s1, $0x3  }
0xb: {  	s19 =	sshrl.u32 s8, $0x1;
	s1 =	sadd.s32 s1, s2;
	s5 =	sor.u32 s5, s17  }
0xc: {  	[dreg:$0x7] =	wrdreg s13;
	s6 =	sadd.s32 s6, s7;
	s9 =	sadd.s32 s9, s0  }
0xd: {  	[dreg:$0x5] =	wrdreg s1;
	s1 =	sor.u32 s21, s20;
	s22 =	sadd.s32 $0x2A400, s9  }
0xe: {  	s20 =	sor.u32 $0xF000, s5;
	s7 =	sadd.s32 s11, s1;
	[dreg:$0x6] =	wrdreg s22  }
0xf: {  	s24 =	sor.u32 $0x200, s1;
	s25 =	sadd.s32 s12, s1;
	[dreg:$0x8] =	wrdreg s7  }
0x10: {  	s0 =	sadd.s32 s6, s0;
	[dreg:$0x9] =	wrdreg s25;
	s26 =	sadd.s32 s11, s24  }
0x11: {  	s29 =	sor.u32 $0x400, s1;
	s7 =	sadd.s32 s12, s24;
	[dreg:$0xa] =	wrdreg s26  }
0x12: {  	s6 =	ssub.s32 s8, s19;
	s9 =	sadd.s32 s11, s29;
	[dreg:$0xb] =	wrdreg s7  }
0x13: {  	s14 =	sor.u32 $0x600, s1;
	s8 =	sadd.s32 s12, s29;
	[dreg:$0xc] =	wrdreg s9  }
0x14: {  	s16 =	sor.u32 $0x800, s1;
	s15 =	sadd.s32 s11, s14;
	[dreg:$0xd] =	wrdreg s8  }
0x15: {  	s1 =	sor.u32 $0xA00, s1;
	s18 =	sadd.s32 s11, s16;
	[dreg:$0xe] =	wrdreg s15  }
0x16: {  	s21 =	sshrl.u32 s20, $0x3;
	s19 =	sadd.s32 s11, s1;
	[dreg:$0x10] =	wrdreg s18  }
0x17: {  	s20 =	sor.u32 $0x7000, s5;
	s1 =	sadd.s32 s12, s1;
	[dreg:$0x12] =	wrdreg s19  }
0x18: {  	s0 =	sadd.s32 $0x3E400, s0;
	s22 =	smax.u32 s6, $0x1;
	[dreg:$0x13] =	wrdreg s1  }
0x19: {  	s23 =	sadd.s32 s21, s12;
	s24 =	sor.u32 $0xE000, s5;
	[dreg:$0x14] =	wrdreg s0  }
0x1a: {  	s6 =	simm.s32 $0x14;
	s7 =	sadd.s32 s12, s14;
	[dreg:$0x15] =	wrdreg s22  }
0x1b: {  	[dreg:$0x16] =	wrdreg s23;
	s0 =	sadd.s32 s21, s11;
	s25 =	sshrl.u32 s24, $0x3  }
0x1c: {  	s26 =	sor.u32 $0xD000, s5;
	s14 =	sor.u32 $0xB000, s5;
	s19 =	sor.u32 $0x8000, s5  }
0x1d: {  	s22 =	sshrl.u32 s20, $0x3;
	s23 =	sor.u32 $0xA000, s5;
	[dreg:$0xf] =	wrdreg s7  }
0x1e: {  	s20 =	simm.s32 $0x80;
	s7 =	sadd.s32 s12, s16;
	[dreg:$0x17] =	wrdreg s0  }
0x1f: {  	s1 =	sshrl.u32 s26, $0x3;
	s29 =	sadd.s32 s25, s12;
	[smem:$0x7F7] =	sst s23  }
0x20: {  	s0 =	sadd.s32 s25, s11;
	s15 =	sshrl.u32 s14, $0x3;
	[dreg:$0x11] =	wrdreg s7  }
0x21: {  	s16 =	sor.u32 $0x9000, s5;
	s21 =	sshrl.u32 s19, $0x3;
	[dreg:$0x18] =	wrdreg s29  }
0x22: {  	s26 =	sadd.s32 s22, s12;
	s14 =	simm.s32 $0xAA00;
	[dreg:$0x19] =	wrdreg s0  }
0x23: {  	s7 =	sor.u32 $0xC000, s5;
	s9 =	sadd.s32 s1, s12;
	[smem:$0x7FA] =	sst s26  }
0x24: {  	s1 =	sadd.s32 s1, s11;
	s17 =	sadd.s32 s15, s12;
	[dreg:$0x1a] =	wrdreg s9  }
0x25: {  	s18 =	sshrl.u32 s16, $0x3;
	s5 =	sor.u32 $0x6000, s5;
	[dreg:$0x1b] =	wrdreg s1  }
0x26: {  	s24 =	sadd.s32 s21, s12;
	s16 =	simm.s32 $0x4A00;
	[dreg:$0x1e] =	wrdreg s17  }
0x27: {  	s8 =	sshrl.u32 s7, $0x3;
	s1 =	sadd.s32 s18, s12;
	[smem:$0x7F8] =	sst s24  }
0x28: {  	s25 =	sshrl.u32 s5, $0x3;
	s9 =	simm.s32 $0x3;
	s5 =	simm.s32 $0x4  }
0x29: {  	s7 =	simm.s32 $0x0;
	s24 =	simm.s32 $0x800;
	s17 =	simm.s32 $0x480  }
0x2a: {  	s10 =	sadd.s32 s8, s12;
	s0 =	sadd.s32 s8, s11;
	[smem:$0x7F5] =	sst s1  }
0x2b: {  	s1 =	sadd.s32 s22, s11;
	s29 =	sadd.s32 s25, s12;
	[dreg:$0x1c] =	wrdreg s10  }
0x2c: {  	s8 =	simm.s32 $0x1F;
	s12 =	simm.s32 $0x7;
	[dreg:$0x1d] =	wrdreg s0  }
0x2d: {  	s22 =	simm.s32 $0x980;
	s0 =	sadd.s32 s15, s11;
	[smem:$0x7FB] =	sst s1  }
.Ltmp0:
0x2e: {  	[smem:$0x7FC] =	sst s29;
	s15 =	simm.s32 $0x8;
	(pc) =	sbr.rel .LBB2_1-.Ltmp0, $4  }
0x2f: {  	[dreg:$0x1f] =	wrdreg s0;
	s0 =	sadd.s32 s18, s11;
	s18 =	simm.s32 $0xA  }
0x30: {  	[smem:$0x7F6] =	sst s0;
	s0 =	sadd.s32 s21, s11;
	s21 =	simm.s32 $0x9  }
0x31: {  	[smem:$0x7F9] =	sst s0;
	s0 =	sadd.s32 s25, s11;
	s25 =	simm.s32 $0x1A  }
0x32: {  	s11 =	simm.s32 $0xCA00;
	[smem:$0x7FD] =	sst s0;
	s0 =	simm.s32 $0x6  }
.LBB2_4:
0x33: {  	s1 =	simm.s32 $0x15  }
0x34: {  	_ =	swait.ge [sflag:s1], $0x2000  }
0x35: {  	[sflag:s1] =	ssyncset.done $0x0  }
0x36: {  	s26 =	simm.s32 $0x16;
	[sflag:s1] =	ssyncadd.s32 $0xFFFFE000  }
0x37: {  	_ =	swait.ge [sflag:s26], $0x2000  }
0x38: {  	[sflag:s26] =	ssyncset.done $0x0  }
0x39: {  	s29 =	simm.s32 $0x17;
	[sflag:s26] =	ssyncadd.s32 $0xFFFFE000  }
0x3a: {  	_ =	swait.ge [sflag:s29], $0x2000  }
0x3b: {  	[sflag:s29] =	ssyncset.done $0x0  }
0x3c: {  	s7 =	simm.s32 $0x18;
	[sflag:s29] =	ssyncadd.s32 $0xFFFFE000  }
0x3d: {  	_ =	swait.ge [sflag:s7], $0x2000  }
0x3e: {  	[sflag:s7] =	ssyncset.done $0x0  }
0x3f: {  	s8 =	simm.s32 $0x19;
	[sflag:s7] =	ssyncadd.s32 $0xFFFFE000  }
0x40: {  	_ =	swait.ge [sflag:s8], $0x2000  }
0x41: {  	[sflag:s8] =	ssyncset.done $0x0  }
0x42: {  	[sflag:s8] =	ssyncadd.s32 $0xFFFFE000  }
0x43: {  	_ =	swait.ge [sflag:s25], $0x2000  }
0x44: {  	[sflag:s25] =	ssyncset.done $0x0  }
0x45: {  	s10 =	simm.s32 $0x1B;
	[sflag:s25] =	ssyncadd.s32 $0xFFFFE000  }
0x46: {  	_ =	swait.ge [sflag:s10], $0x2000  }
0x47: {  	[sflag:s10] =	ssyncset.done $0x0  }
0x48: {  	s13 =	simm.s32 $0x1C;
	[sflag:s10] =	ssyncadd.s32 $0xFFFFE000  }
0x49: {  	_ =	swait.ge [sflag:s13], $0x2000  }
0x4a: {  	[sflag:s13] =	ssyncset.done $0x0  }
0x4b: {  	s16 =	simm.s32 $0x1D;
	[sflag:s13] =	ssyncadd.s32 $0xFFFFE000  }
0x4c: {  	_ =	swait.ge [sflag:s16], $0x2000  }
0x4d: {  	[sflag:s16] =	ssyncset.done $0x0  }
0x4e: {  	s19 =	simm.s32 $0x1E;
	[sflag:s16] =	ssyncadd.s32 $0xFFFFE000  }
0x4f: {  	_ =	swait.ge [sflag:s19], $0x2000  }
0x50: {  	[sflag:s19] =	ssyncset.done $0x0  }
0x51: {  	[sflag:s19] =	ssyncadd.s32 $0xFFFFE000  }
0x52: {  	[bflag:$0x0] =	sbarrier.arrive $0xFFFF  }
0x53: {  	s7 =	sld [smem:$0x7F4]  }
0x54: {  	s13 =	rddreg [dreg:$0x7]  }
0x55: {  	s8 =	simm.s32 $0x1F;
	s23 =	rddreg [dreg:$0x14]  }
0x56: {  	[hbm:s23], [sflag:s13] =	dma.local [spmem:s7], $0x1400  }
0x57: {  	_ =	swait.ge [sflag:s8], $0x1400  }
0x58: {  	s26 =	sld [smem:$0x7F3];
	_ =	sdelay $0x2  }
0x59: {  	s29 =	rddreg [dreg:$0x15];
	s7 =	sadd.s32 $0x1, s26  }
0x5a: {  	p0 =	sne.s32 s7, s29  }
.Ltmp1:
0x5b: {  	_ = 	snop;
	(pc) =	sbr.rel @!p0 .LBB2_5-.Ltmp1, $3  }
0x5c: {  	_ =	sdelay $0x1  }
0x5d: {  	[sflag:s8] =	ssyncset.done $0x0  }
0x5e: {  	s31 =	simm.s32 $0x280;
	s16 =	simm.s32 $0x4A00;
	[sflag:s8] =	ssyncadd.s32 $0xFFFFEC00  }
.LBB2_1:
0x5f: {  	[smem:$0x7F3] =	sst s7  }
0x60: {  	s1 =	rddreg [dreg:$0x5]  }
0x61: {  	s26 =	rddreg [dreg:$0x6];
	s23 =	sshrl.u32 s1, $0x3  }
0x62: {  	[smem:$0x7F4] =	sst s23  }
0x63: {  	[spmem:s23], [sflag:s13] =	dma.local [hbm:s26], $0x1400  }
0x64: {  	_ =	swait.ge [sflag:s8], $0x1400  }
0x65: {  	[sflag:s8] =	ssyncset.done $0x0  }
0x66: {  	[sflag:s8] =	ssyncadd.s32 $0xFFFFEC00  }
0x67: {  	[bflag:$0x0] =	sbarrier.arrive $0xFFFF  }
0x68: {  	s10 =	rddreg [dreg:$0x8]  }
0x69: {  	[tilespmem:s3], [sflag:$0x1] =	stream.linear.gather [hbm4b:s10+s3], $0x80, $0x38;
	[tilespmem:$0x1EA00] =	vst v63  }
0x6a: {  	s19 =	simm.s32 $0x500;
	s13 =	rddreg [dreg:$0x9]  }
0x6b: {  	[tilespmem:s19], [sflag:$0x1] =	stream.linear.gather [hbm4b:s13+s3], $0x80, $0x38;
	[tilespmem:$0x1EA00] =	vst v63  }
0x6c: {  	s23 =	rddreg [dreg:$0xa]  }
0x6d: {  	[tilespmem:s20], [sflag:$0x2] =	stream.linear.gather [hbm4b:s23+s3], $0x80, $0x38;
	[tilespmem:$0x1EA00] =	vst v63  }
0x6e: {  	s7 =	simm.s32 $0x580;
	s26 =	rddreg [dreg:$0xb]  }
0x6f: {  	[tilespmem:s7], [sflag:$0x2] =	stream.linear.gather [hbm4b:s26+s3], $0x80, $0x38;
	[tilespmem:$0x1EA00] =	vst v63  }
0x70: {  	s8 =	simm.s32 $0x100;
	s10 =	rddreg [dreg:$0xc]  }
0x71: {  	[tilespmem:s8], [sflag:$0x3] =	stream.linear.gather [hbm4b:s10+s3], $0x80, $0x38;
	[tilespmem:$0x1EA00] =	vst v63  }
0x72: {  	s13 =	rddreg [dreg:$0xd];
	s10 =	simm.s32 $0x600  }
0x73: {  	[tilespmem:s10], [sflag:$0x3] =	stream.linear.gather [hbm4b:s13+s3], $0x80, $0x38;
	[tilespmem:$0x1EA00] =	vst v63  }
0x74: {  	s19 =	rddreg [dreg:$0xe];
	s23 =	simm.s32 $0x180  }
0x75: {  	[tilespmem:s23], [sflag:$0x4] =	stream.linear.gather [hbm4b:s19+s3], $0x80, $0x38;
	[tilespmem:$0x1EA00] =	vst v63  }
0x76: {  	s26 =	rddreg [dreg:$0xf];
	s7 =	simm.s32 $0x680  }
0x77: {  	[tilespmem:s7], [sflag:$0x4] =	stream.linear.gather [hbm4b:s26+s3], $0x80, $0x38;
	[tilespmem:$0x1EA00] =	vst v63  }
0x78: {  	s10 =	rddreg [dreg:$0x10];
	s13 =	simm.s32 $0x200  }
0x79: {  	[tilespmem:s13], [sflag:$0x5] =	stream.linear.gather [hbm4b:s10+s3], $0x80, $0x38;
	[tilespmem:$0x1EA00] =	vst v63  }
0x7a: {  	s19 =	rddreg [dreg:$0x11];
	s23 =	simm.s32 $0x700  }
0x7b: {  	[tilespmem:s23], [sflag:$0x5] =	stream.linear.gather [hbm4b:s19+s3], $0x80, $0x38;
	[tilespmem:$0x1EA00] =	vst v63  }
0x7c: {  	s26 =	rddreg [dreg:$0x12]  }
0x7d: {  	[tilespmem:s31], [sflag:$0x6] =	stream.linear.gather [hbm4b:s26+s3], $0x80, $0x38;
	[tilespmem:$0x1EA00] =	vst v63  }
0x7e: {  	s7 =	rddreg [dreg:$0x13];
	s10 =	simm.s32 $0x780;
	s13 =	simm.s32 $0x1  }
0x7f: {  	[tilespmem:s10], [sflag:$0x6] =	stream.linear.gather [hbm4b:s7+s3], $0x80, $0x38;
	[tilespmem:$0x1EA00] =	vst v63  }
0x80: {  	_ =	swait.ge [sflag:s13], $0x80  }
0x81: {  	[sflag:s13] =	ssyncset.done $0x0  }
0x82: {  	[sflag:s13] =	ssyncadd.s32 $0xFFFFFF80  }
0x83: {  	_ =	swait.ge [sflag:s13], $0x80  }
0x84: {  	[sflag:s13] =	ssyncset.done $0x0  }
0x85: {  	s19 =	simm.s32 $0xA00;
	s23 =	simm.s32 $0x2;
	[sflag:s13] =	ssyncadd.s32 $0xFFFFFF80  }
0x86: {  	[tilespmem:s19], [sflag:$0xB] =	stream.indirect.gather [hbm4b:s4+s20], $0x40, s3, s20, $0xb8;
	[tilespmem:$0x1EA00] =	vst v63  }
0x87: {  	_ =	swait.ge [sflag:s23], $0x80  }
0x88: {  	[sflag:s23] =	ssyncset.done $0x0  }
0x89: {  	[sflag:s23] =	ssyncadd.s32 $0xFFFFFF80  }
0x8a: {  	_ =	swait.ge [sflag:s23], $0x80  }
0x8b: {  	[sflag:s23] =	ssyncset.done $0x0  }
0x8c: {  	s26 =	simm.s32 $0x2A00;
	[sflag:s23] =	ssyncadd.s32 $0xFFFFFF80  }
0x8d: {  	[tilespmem:s26], [sflag:$0xC] =	stream.indirect.gather [hbm4b:s4+s20], $0x40, s20, s20, $0xb8;
	[tilespmem:$0x1EA00] =	vst v63  }
0x8e: {  	_ =	swait.ge [sflag:s9], $0x80  }
0x8f: {  	[sflag:s9] =	ssyncset.done $0x0  }
0x90: {  	[sflag:s9] =	ssyncadd.s32 $0xFFFFFF80  }
0x91: {  	_ =	swait.ge [sflag:s9], $0x80  }
0x92: {  	[sflag:s9] =	ssyncset.done $0x0  }
0x93: {  	s29 =	simm.s32 $0x0;
	s26 =	sld [smem:$0x7F7];
	[sflag:s9] =	ssyncadd.s32 $0xFFFFFF80  }
0x94: {  	[tilespmem:s16], [sflag:$0xD] =	stream.indirect.gather [hbm4b:s4+s20], $0x40, s8, s20, $0xb8;
	[tilespmem:$0x1EA00] =	vst v63  }
.LBB2_2:
0x95: {  	s1 =	simm.s32 $0xB  }
0x96: {  	_ =	swait.ge [sflag:s1], $0x2000  }
0x97: {  	s7 =	simm.s32 $0x500;
	p0 =	seq.s32 s29, $0x0;
	[sflag:s1] =	ssyncset.done $0x0  }
0x98: {  	s8 =	simm.s32 $0xA00;
	[sflag:s1] =	ssyncadd.s32 $0xFFFFE000;
	s1 =	simm.s32 @!p0 $0x1B  }
0x99: {  	[spmem:s2] =	stream.indirect.scatter.add.f32 [tilespmem:s8], [sflag:$0x15], $0x40, s7, s20, $0xb8;
	[tilespmem:$0x1EA00] =	vst v63  }
0x9a: {  	_ =	swait.ge @!p0 [sflag:s1], $0x2000  }
0x9b: {  	s13 =	sld [smem:$0x7FD];
	_ =	sdelay $0x1  }
0x9c: {  	[sflag:s1] =	ssyncset.done @!p0 $0x0;
	s19 =	sld [smem:$0x7FC]  }
0x9d: {  	[sflag:s1] =	ssyncadd.s32 @!p0 $0xFFFFE000;
	s1 =	sadd.s32 s29, s13;
	s13 =	simm.s32 $0x300  }
0x9e: {  	[tilespmem:s13], [sflag:$0x7] =	stream.linear.gather [hbm4b:s1+s3], $0x80, $0x38;
	[tilespmem:$0x1EA00] =	vst v63  }
0x9f: {  	s1 =	sadd.s32 s29, s19  }
0xa0: {  	[tilespmem:s24], [sflag:$0x7] =	stream.linear.gather [hbm4b:s1+s3], $0x80, $0x38;
	[tilespmem:$0x1EA00] =	vst v63  }
0xa1: {  	_ =	swait.ge [sflag:s5], $0x80  }
0xa2: {  	[sflag:s5] =	ssyncset.done $0x0  }
0xa3: {  	[sflag:s5] =	ssyncadd.s32 $0xFFFFFF80  }
0xa4: {  	_ =	swait.ge [sflag:s5], $0x80  }
0xa5: {  	s23 =	simm.s32 $0x180;
	[sflag:s5] =	ssyncset.done $0x0  }
0xa6: {  	s7 =	simm.s32 $0xC;
	s19 =	simm.s32 $0x6A00;
	[sflag:s5] =	ssyncadd.s32 $0xFFFFFF80  }
0xa7: {  	[tilespmem:s19], [sflag:$0xE] =	stream.indirect.gather [hbm4b:s4+s20], $0x40, s23, s20, $0xb8;
	[tilespmem:$0x1EA00] =	vst v63  }
0xa8: {  	_ =	swait.ge [sflag:s7], $0x2000  }
0xa9: {  	s8 =	simm.s32 $0x580;
	[sflag:s7] =	ssyncset.done $0x0  }
0xaa: {  	s1 =	simm.s32 @!p0 $0x1C;
	s23 =	simm.s32 $0x2A00;
	[sflag:s7] =	ssyncadd.s32 $0xFFFFE000  }
0xab: {  	[spmem:s2] =	stream.indirect.scatter.add.f32 [tilespmem:s23], [sflag:$0x16], $0x40, s8, s20, $0xb8;
	[tilespmem:$0x1EA00] =	vst v63  }
0xac: {  	_ =	swait.ge @!p0 [sflag:s1], $0x2000  }
0xad: {  	s7 =	sld [smem:$0x7FB];
	_ =	sdelay $0x1  }
0xae: {  	[sflag:s1] =	ssyncset.done @!p0 $0x0;
	s8 =	sld [smem:$0x7FA]  }
0xaf: {  	s23 =	simm.s32 $0x380;
	[sflag:s1] =	ssyncadd.s32 @!p0 $0xFFFFE000;
	s1 =	sadd.s32 s29, s7  }
0xb0: {  	[tilespmem:s23], [sflag:$0x8] =	stream.linear.gather [hbm4b:s1+s3], $0x80, $0x38;
	[tilespmem:$0x1EA00] =	vst v63  }
0xb1: {  	s1 =	sadd.s32 s29, s8  }
0xb2: {  	[tilespmem:s30], [sflag:$0x8] =	stream.linear.gather [hbm4b:s1+s3], $0x80, $0x38;
	[tilespmem:$0x1EA00] =	vst v63  }
0xb3: {  	_ =	swait.ge [sflag:s28], $0x80  }
0xb4: {  	[sflag:s28] =	ssyncset.done $0x0  }
0xb5: {  	[sflag:s28] =	ssyncadd.s32 $0xFFFFFF80  }
0xb6: {  	_ =	swait.ge [sflag:s28], $0x80  }
0xb7: {  	[sflag:s28] =	ssyncset.done $0x0  }
0xb8: {  	s7 =	simm.s32 $0x200;
	s8 =	simm.s32 $0x8A00;
	[sflag:s28] =	ssyncadd.s32 $0xFFFFFF80  }
0xb9: {  	[tilespmem:s8], [sflag:$0xF] =	stream.indirect.gather [hbm4b:s4+s20], $0x40, s7, s20, $0xb8;
	[tilespmem:$0x1EA00] =	vst v63  }
0xba: {  	s7 =	simm.s32 $0xD  }
0xbb: {  	_ =	swait.ge [sflag:s7], $0x2000  }
0xbc: {  	[sflag:s7] =	ssyncset.done $0x0  }
0xbd: {  	s1 =	simm.s32 @!p0 $0x1D;
	[sflag:s7] =	ssyncadd.s32 $0xFFFFE000;
	s7 =	simm.s32 $0x600  }
0xbe: {  	[spmem:s2] =	stream.indirect.scatter.add.f32 [tilespmem:s16], [sflag:$0x17], $0x40, s7, s20, $0xb8;
	[tilespmem:$0x1EA00] =	vst v63  }
0xbf: {  	_ =	swait.ge @!p0 [sflag:s1], $0x2000  }
0xc0: {  	s7 =	sld [smem:$0x7F9];
	_ =	sdelay $0x1  }
0xc1: {  	[sflag:s1] =	ssyncset.done @!p0 $0x0;
	s16 =	sld [smem:$0x7F8]  }
0xc2: {  	[sflag:s1] =	ssyncadd.s32 @!p0 $0xFFFFE000;
	s1 =	sadd.s32 s29, s7;
	s7 =	simm.s32 $0x400  }
0xc3: {  	[tilespmem:s7], [sflag:$0x9] =	stream.linear.gather [hbm4b:s1+s3], $0x80, $0x38;
	[tilespmem:$0x1EA00] =	vst v63  }
0xc4: {  	s1 =	sadd.s32 s29, s16;
	s16 =	simm.s32 $0x900  }
0xc5: {  	[tilespmem:s16], [sflag:$0x9] =	stream.linear.gather [hbm4b:s1+s3], $0x80, $0x38;
	[tilespmem:$0x1EA00] =	vst v63  }
0xc6: {  	_ =	swait.ge [sflag:s0], $0x80  }
0xc7: {  	[sflag:s0] =	ssyncset.done $0x0  }
0xc8: {  	[sflag:s0] =	ssyncadd.s32 $0xFFFFFF80  }
0xc9: {  	_ =	swait.ge [sflag:s0], $0x80  }
0xca: {  	[sflag:s0] =	ssyncset.done $0x0  }
0xcb: {  	[sflag:s0] =	ssyncadd.s32 $0xFFFFFF80  }
0xcc: {  	[tilespmem:s14], [sflag:$0x10] =	stream.indirect.gather [hbm4b:s4+s20], $0x40, s31, s20, $0xb8;
	[tilespmem:$0x1EA00] =	vst v63  }
0xcd: {  	s31 =	simm.s32 $0xE  }
0xce: {  	_ =	swait.ge [sflag:s31], $0x2000  }
0xcf: {  	[sflag:s31] =	ssyncset.done $0x0  }
0xd0: {  	s16 =	simm.s32 $0x680;
	s1 =	simm.s32 @!p0 $0x1E;
	[sflag:s31] =	ssyncadd.s32 $0xFFFFE000  }
0xd1: {  	[spmem:s2] =	stream.indirect.scatter.add.f32 [tilespmem:s19], [sflag:$0x18], $0x40, s16, s20, $0xb8;
	[tilespmem:$0x1EA00] =	vst v63  }
0xd2: {  	_ =	swait.ge @!p0 [sflag:s1], $0x2000  }
0xd3: {  	s31 =	sld [smem:$0x7F6];
	_ =	sdelay $0x1  }
0xd4: {  	[sflag:s1] =	ssyncset.done @!p0 $0x0;
	s16 =	sld [smem:$0x7F5]  }
0xd5: {  	[sflag:s1] =	ssyncadd.s32 @!p0 $0xFFFFE000;
	s1 =	sadd.s32 s29, s31  }
0xd6: {  	[tilespmem:s17], [sflag:$0xA] =	stream.linear.gather [hbm4b:s1+s3], $0x80, $0x38;
	[tilespmem:$0x1EA00] =	vst v63  }
0xd7: {  	s1 =	sadd.s32 s29, s16  }
0xd8: {  	[tilespmem:s22], [sflag:$0xA] =	stream.linear.gather [hbm4b:s1+s3], $0x80, $0x38;
	[tilespmem:$0x1EA00] =	vst v63  }
0xd9: {  	_ =	swait.ge [sflag:s12], $0x80  }
0xda: {  	[sflag:s12] =	ssyncset.done $0x0  }
0xdb: {  	[sflag:s12] =	ssyncadd.s32 $0xFFFFFF80  }
0xdc: {  	_ =	swait.ge [sflag:s12], $0x80  }
0xdd: {  	[sflag:s12] =	ssyncset.done $0x0  }
0xde: {  	s19 =	simm.s32 $0xF;
	[sflag:s12] =	ssyncadd.s32 $0xFFFFFF80  }
0xdf: {  	[tilespmem:s11], [sflag:$0x11] =	stream.indirect.gather [hbm4b:s4+s20], $0x40, s13, s20, $0xb8;
	[tilespmem:$0x1EA00] =	vst v63  }
0xe0: {  	_ =	swait.ge [sflag:s19], $0x2000  }
0xe1: {  	p0 =	seq.s32 s29, $0x8C00;
	[sflag:s19] =	ssyncset.done $0x0  }
0xe2: {  	s31 =	simm.s32 $0x700;
	s1 =	simm.s32 @!p0 $0x15;
	[sflag:s19] =	ssyncadd.s32 $0xFFFFE000  }
0xe3: {  	[spmem:s2] =	stream.indirect.scatter.add.f32 [tilespmem:s8], [sflag:$0x19], $0x40, s31, s20, $0xb8;
	[tilespmem:$0x1EA00] =	vst v63  }
0xe4: {  	_ =	swait.ge @!p0 [sflag:s1], $0x2000  }
0xe5: {  	[sflag:s1] =	ssyncset.done @!p0 $0x0  }
0xe6: {  	s8 =	sshrl.u32 @!p0 s26, $0x3;
	[sflag:s1] =	ssyncadd.s32 @!p0 $0xFFFFE000;
	s1 =	rddreg [dreg:$0x3]  }
0xe7: {  	s31 =	simm.s32 @!p0 $0x0;
	s1 =	sadd.s32 @!p0 s1, s8  }
0xe8: {  	[tilespmem:s31], [sflag:$0x1] =	stream.linear.gather @!p0 [hbm4b:s1+s31], $0x80, $0x38;
	[tilespmem:$0x1EA00] =	vst v63  }
0xe9: {  	s1 =	rddreg [dreg:$0x4]  }
0xea: {  	s1 =	sadd.s32 @!p0 s1, s8;
	s8 =	simm.s32 @!p0 $0x500  }
0xeb: {  	[tilespmem:s8], [sflag:$0x1] =	stream.linear.gather @!p0 [hbm4b:s1+s31], $0x80, $0x38;
	[tilespmem:$0x1EA00] =	vst v63  }
0xec: {  	_ =	swait.ge [sflag:s15], $0x80  }
0xed: {  	[sflag:s15] =	ssyncset.done $0x0  }
0xee: {  	[sflag:s15] =	ssyncadd.s32 $0xFFFFFF80  }
0xef: {  	_ =	swait.ge [sflag:s15], $0x80  }
0xf0: {  	[sflag:s15] =	ssyncset.done $0x0  }
0xf1: {  	s13 =	simm.s32 $0xEA00;
	s8 =	simm.s32 $0x10;
	[sflag:s15] =	ssyncadd.s32 $0xFFFFFF80  }
0xf2: {  	[tilespmem:s13], [sflag:$0x12] =	stream.indirect.gather [hbm4b:s4+s20], $0x40, s23, s20, $0xb8;
	[tilespmem:$0x1EA00] =	vst v63  }
0xf3: {  	_ =	swait.ge [sflag:s8], $0x2000  }
0xf4: {  	[sflag:s8] =	ssyncset.done $0x0  }
0xf5: {  	s1 =	simm.s32 @!p0 $0x16;
	[sflag:s8] =	ssyncadd.s32 $0xFFFFE000  }
0xf6: {  	[spmem:s2] =	stream.indirect.scatter.add.f32 [tilespmem:s14], [sflag:$0x1A], $0x40, s10, s20, $0xb8;
	[tilespmem:$0x1EA00] =	vst v63  }
0xf7: {  	_ =	swait.ge @!p0 [sflag:s1], $0x2000  }
0xf8: {  	[sflag:s1] =	ssyncset.done @!p0 $0x0  }
0xf9: {  	[sflag:s1] =	ssyncadd.s32 @!p0 $0xFFFFE000;
	s1 =	rddreg [dreg:$0x1f]  }
0xfa: {  	s8 =	sadd.s32 @!p0 s29, s1;
	s1 =	simm.s32 @!p0 $0x80  }
0xfb: {  	[tilespmem:s1], [sflag:$0x2] =	stream.linear.gather @!p0 [hbm4b:s8+s31], $0x80, $0x38;
	[tilespmem:$0x1EA00] =	vst v63  }
0xfc: {  	s8 =	rddreg [dreg:$0x1e]  }
0xfd: {  	s10 =	simm.s32 @!p0 $0x580;
	s8 =	sadd.s32 @!p0 s29, s8  }
0xfe: {  	[tilespmem:s10], [sflag:$0x2] =	stream.linear.gather @!p0 [hbm4b:s8+s31], $0x80, $0x38;
	[tilespmem:$0x1EA00] =	vst v63  }
0xff: {  	_ =	swait.ge [sflag:s21], $0x80  }
0x100: {  	[sflag:s21] =	ssyncset.done $0x0  }
0x101: {  	[sflag:s21] =	ssyncadd.s32 $0xFFFFFF80  }
0x102: {  	_ =	swait.ge [sflag:s21], $0x80  }
0x103: {  	[sflag:s21] =	ssyncset.done $0x0  }
0x104: {  	s10 =	simm.s32 $0x10A00;
	s8 =	simm.s32 $0x11;
	[sflag:s21] =	ssyncadd.s32 $0xFFFFFF80  }
0x105: {  	[tilespmem:s10], [sflag:$0x13] =	stream.indirect.gather [hbm4b:s4+s20], $0x40, s7, s20, $0xb8;
	[tilespmem:$0x1EA00] =	vst v63  }
0x106: {  	_ =	swait.ge [sflag:s8], $0x2000  }
0x107: {  	[sflag:s8] =	ssyncset.done $0x0  }
0x108: {  	[sflag:s8] =	ssyncadd.s32 $0xFFFFE000;
	s8 =	simm.s32 @!p0 $0x17  }
0x109: {  	[spmem:s2] =	stream.indirect.scatter.add.f32 [tilespmem:s11], [sflag:$0x1B], $0x40, s24, s20, $0xb8;
	[tilespmem:$0x1EA00] =	vst v63  }
0x10a: {  	_ =	swait.ge @!p0 [sflag:s8], $0x2000  }
0x10b: {  	[sflag:s8] =	ssyncset.done @!p0 $0x0  }
0x10c: {  	[sflag:s8] =	ssyncadd.s32 @!p0 $0xFFFFE000;
	s8 =	rddreg [dreg:$0x1d]  }
0x10d: {  	s10 =	simm.s32 @!p0 $0x100;
	s8 =	sadd.s32 @!p0 s29, s8  }
0x10e: {  	[tilespmem:s10], [sflag:$0x3] =	stream.linear.gather @!p0 [hbm4b:s8+s31], $0x80, $0x38;
	[tilespmem:$0x1EA00] =	vst v63  }
0x10f: {  	s8 =	rddreg [dreg:$0x1c]  }
0x110: {  	s10 =	simm.s32 @!p0 $0x600;
	s8 =	sadd.s32 @!p0 s29, s8  }
0x111: {  	[tilespmem:s10], [sflag:$0x3] =	stream.linear.gather @!p0 [hbm4b:s8+s31], $0x80, $0x38;
	[tilespmem:$0x1EA00] =	vst v63  }
0x112: {  	_ =	swait.ge [sflag:s18], $0x80  }
0x113: {  	[sflag:s18] =	ssyncset.done $0x0  }
0x114: {  	[sflag:s18] =	ssyncadd.s32 $0xFFFFFF80  }
0x115: {  	_ =	swait.ge [sflag:s18], $0x80  }
0x116: {  	[sflag:s18] =	ssyncset.done $0x0  }
0x117: {  	s7 =	simm.s32 $0x12A00;
	s10 =	simm.s32 $0x12;
	[sflag:s18] =	ssyncadd.s32 $0xFFFFFF80  }
0x118: {  	[tilespmem:s7], [sflag:$0x14] =	stream.indirect.gather [hbm4b:s4+s20], $0x40, s17, s20, $0xb8;
	[tilespmem:$0x1EA00] =	vst v63  }
0x119: {  	_ =	swait.ge [sflag:s10], $0x2000  }
0x11a: {  	[sflag:s10] =	ssyncset.done $0x0  }
0x11b: {  	s8 =	simm.s32 @p0 $0x13;
	[sflag:s10] =	ssyncadd.s32 $0xFFFFE000  }
0x11c: {  	[spmem:s2] =	stream.indirect.scatter.add.f32 [tilespmem:s13], [sflag:$0x1C], $0x40, s30, s20, $0xb8;
	[tilespmem:$0x1EA00] =	vst v63  }
0x11d: {  	_ =	swait.ge @p0 [sflag:s8], $0x2000  }
0x11e: {  	s10 =	simm.s32 @p0 $0x900;
	[sflag:s8] =	ssyncset.done @p0 $0x0  }
0x11f: {  	s13 =	simm.s32 @p0 $0x10A00;
	[sflag:s8] =	ssyncadd.s32 @p0 $0xFFFFE000;
	s8 =	simm.s32 @p0 $0x80  }
0x120: {  	[spmem:s2] =	stream.indirect.scatter.add.f32 @p0 [tilespmem:s13], [sflag:$0x1D], $0x40, s10, s8, $0xb8;
	[tilespmem:$0x1EA00] =	vst v63  }
0x121: {  	s8 =	simm.s32 @!p0 $0x18  }
0x122: {  	_ =	swait.ge @!p0 [sflag:s8], $0x2000  }
0x123: {  	[sflag:s8] =	ssyncset.done @!p0 $0x0  }
0x124: {  	[sflag:s8] =	ssyncadd.s32 @!p0 $0xFFFFE000;
	s8 =	rddreg [dreg:$0x1b]  }
0x125: {  	s10 =	simm.s32 @!p0 $0x180;
	s8 =	sadd.s32 @!p0 s29, s8  }
0x126: {  	[tilespmem:s10], [sflag:$0x4] =	stream.linear.gather @!p0 [hbm4b:s8+s31], $0x80, $0x38;
	[tilespmem:$0x1EA00] =	vst v63  }
0x127: {  	s8 =	rddreg [dreg:$0x1a]  }
0x128: {  	s10 =	simm.s32 @!p0 $0x680;
	s8 =	sadd.s32 @!p0 s29, s8  }
0x129: {  	[tilespmem:s10], [sflag:$0x4] =	stream.linear.gather @!p0 [hbm4b:s8+s31], $0x80, $0x38;
	[tilespmem:$0x1EA00] =	vst v63  }
0x12a: {  	s8 =	simm.s32 @!p0 $0x1  }
0x12b: {  	_ =	swait.ge @!p0 [sflag:s8], $0x80  }
0x12c: {  	[sflag:s8] =	ssyncset.done @!p0 $0x0  }
0x12d: {  	[sflag:s8] =	ssyncadd.s32 @!p0 $0xFFFFFF80  }
0x12e: {  	_ =	swait.ge @!p0 [sflag:s8], $0x80  }
0x12f: {  	[sflag:s8] =	ssyncset.done @!p0 $0x0  }
0x130: {  	[sflag:s8] =	ssyncadd.s32 @!p0 $0xFFFFFF80;
	s8 =	simm.s32 @!p0 $0xA00  }
0x131: {  	[tilespmem:s8], [sflag:$0xB] =	stream.indirect.gather @!p0 [hbm4b:s4+s1], $0x40, s31, s1, $0xb8;
	[tilespmem:$0x1EA00] =	vst v63  }
0x132: {  	s8 =	simm.s32 @!p0 $0x13  }
0x133: {  	_ =	swait.ge @!p0 [sflag:s8], $0x2000  }
0x134: {  	[sflag:s8] =	ssyncset.done @!p0 $0x0  }
0x135: {  	s10 =	simm.s32 @!p0 $0x10A00;
	[sflag:s8] =	ssyncadd.s32 @!p0 $0xFFFFE000;
	s8 =	simm.s32 @!p0 $0x900  }
0x136: {  	[spmem:s2] =	stream.indirect.scatter.add.f32 @!p0 [tilespmem:s10], [sflag:$0x1D], $0x40, s8, s1, $0xb8;
	[tilespmem:$0x1EA00] =	vst v63  }
0x137: {  	s8 =	simm.s32 @!p0 $0x19  }
0x138: {  	_ =	swait.ge @!p0 [sflag:s8], $0x2000  }
0x139: {  	[sflag:s8] =	ssyncset.done @!p0 $0x0  }
0x13a: {  	[sflag:s8] =	ssyncadd.s32 @!p0 $0xFFFFE000;
	s8 =	rddreg [dreg:$0x19]  }
0x13b: {  	s10 =	simm.s32 @!p0 $0x200;
	s8 =	sadd.s32 @!p0 s29, s8  }
0x13c: {  	[tilespmem:s10], [sflag:$0x5] =	stream.linear.gather @!p0 [hbm4b:s8+s31], $0x80, $0x38;
	[tilespmem:$0x1EA00] =	vst v63  }
0x13d: {  	s8 =	rddreg [dreg:$0x18]  }
0x13e: {  	s10 =	simm.s32 @!p0 $0x700;
	s8 =	sadd.s32 @!p0 s29, s8  }
0x13f: {  	[tilespmem:s10], [sflag:$0x5] =	stream.linear.gather @!p0 [hbm4b:s8+s31], $0x80, $0x38;
	[tilespmem:$0x1EA00] =	vst v63  }
0x140: {  	s8 =	simm.s32 @!p0 $0x2  }
0x141: {  	_ =	swait.ge @!p0 [sflag:s8], $0x80  }
0x142: {  	[sflag:s8] =	ssyncset.done @!p0 $0x0  }
0x143: {  	[sflag:s8] =	ssyncadd.s32 @!p0 $0xFFFFFF80  }
0x144: {  	_ =	swait.ge @!p0 [sflag:s8], $0x80  }
0x145: {  	[sflag:s8] =	ssyncset.done @!p0 $0x0  }
0x146: {  	[sflag:s8] =	ssyncadd.s32 @!p0 $0xFFFFFF80;
	s8 =	simm.s32 @!p0 $0x2A00  }
0x147: {  	[tilespmem:s8], [sflag:$0xC] =	stream.indirect.gather @!p0 [hbm4b:s4+s1], $0x40, s1, s1, $0xb8;
	[tilespmem:$0x1EA00] =	vst v63  }
.Ltmp2:
0x148: {  	_ = 	snop;
	(pc) =	sbr.rel @p0 .LBB2_4-.Ltmp2, $4  }
0x149: {  	_ =	swait.ge [sflag:s6], $0x2000  }
0x14a: {  	s16 =	simm.s32 $0x280;
	[sflag:s6] =	ssyncset.done $0x0  }
0x14b: {  	s19 =	simm.s32 $0x4A00;
	s23 =	simm.s32 $0x780;
	[sflag:s6] =	ssyncadd.s32 $0xFFFFE000  }
0x14c: {  	[spmem:s2] =	stream.indirect.scatter.add.f32 [tilespmem:s7], [sflag:$0x1E], $0x40, s22, s20, $0xb8;
	[tilespmem:$0x1EA00] =	vst v63  }
0x14d: {  	_ =	swait.ge [sflag:s25], $0x2000  }
0x14e: {  	[sflag:s25] =	ssyncset.done $0x0;
	s1 =	rddreg [dreg:$0x17]  }
0x14f: {  	[sflag:s25] =	ssyncadd.s32 $0xFFFFE000;
	s1 =	sadd.s32 s29, s1  }
0x150: {  	[tilespmem:s16], [sflag:$0x6] =	stream.linear.gather [hbm4b:s1+s3], $0x80, $0x38;
	[tilespmem:$0x1EA00] =	vst v63  }
0x151: {  	s16 =	rddreg [dreg:$0x16]  }
0x152: {  	s1 =	sadd.s32 s29, s16  }
0x153: {  	[tilespmem:s23], [sflag:$0x6] =	stream.linear.gather [hbm4b:s1+s3], $0x80, $0x38;
	[tilespmem:$0x1EA00] =	vst v63  }
0x154: {  	_ =	swait.ge [sflag:s9], $0x80  }
0x155: {  	[sflag:s9] =	ssyncset.done $0x0  }
.Ltmp3:
0x156: {  	[sflag:s9] =	ssyncadd.s32 $0xFFFFFF80;
	(pc) =	sbr.rel .LBB2_2-.Ltmp3, $4  }
0x157: {  	s26 =	sadd.s32 $0xA000, s26;
	s31 =	simm.s32 $0x280;
	_ =	swait.ge [sflag:s9], $0x80  }
0x158: {  	s10 =	simm.s32 $0x780;
	s29 =	sadd.s32 $0x1400, s29;
	[sflag:s9] =	ssyncset.done $0x0  }
0x159: {  	s16 =	simm.s32 $0x4A00;
	s23 =	simm.s32 $0x100;
	[sflag:s9] =	ssyncadd.s32 $0xFFFFFF80  }
0x15a: {  	[tilespmem:s19], [sflag:$0xD] =	stream.indirect.gather [hbm4b:s4+s20], $0x40, s23, s20, $0xb8;
	[tilespmem:$0x1EA00] =	vst v63  }
.LBB2_5:
0x15b: {  	_ =	sfence.sel $0x180000  }
0x15c: {  	[bflag:$0x0] =	sbarrier.arrive $0xFFFF  }
0x15d: {  	_ =	strace $0x9000004A  }
0x15e: {  	s0 =	stileid.u32;
	[bflag:$0x2] =	sbarrier.arrive $0xFFFF  }
0x15f: {  	p0 =	sne.s32 s0, $0x0;
	s0 =	rddreg [dreg:$0x2]  }
0x160: {  	s0 =	sadd.s32 @!p0 $0x100000, s0  }
0x161: {  	[sflag:s0] =	ssyncadd.tile.s32 @!p0 $0x1;
	_ =	shalt  }
.Lfunc_end2:
_tile_overlayer_lowered:
.L_overlay_start_2:
0x162: {  	(tag) =	ssettag $0x2  }
0x163: {  	s0 =	rddreg [dreg:$0x0];
	s2 =	stileid.u32  }
0x164: {  	s1 =	rddreg [dreg:$0x1];
	p0 =	sne.s32 s2, $0x0  }
0x165: {  	s3 =	rddreg [dreg:$0x2];
	[bflag:$0x3] =	sbarrier.arrive $0xFFFF;
	s2 =	simm.s32 @!p0 $0x1C1F  }
0x166: {  	[timem:s3], [sflag:s2] =	dma.local @!p0 [hbm:s0], s1  }
0x167: {  	s0 =	simm.s32 @!p0 $0x1F  }
0x168: {  	_ =	swait.ge @!p0 [sflag:s0], s1  }
0x169: {  	s1 =	ssub.s32 @!p0 $0x0, s1;
	[sflag:s0] =	ssyncset.done @!p0 $0x0  }
0x16a: {  	[sflag:s0] =	ssyncadd.s32 @!p0 s1  }
0x16b: {  	[bflag:$0x3] =	sbarrier.arrive $0xFFFF  }
0x16c: {  	_ =	shalt  }

// kernel: kernel.14.cloned.1.call-start
scs
__scs_entry_jumppad:
0x0: {  	(pc) =	sbr.rel $0x88, $3  }
0x1: {  	(tag) =	ssettag $0x0;
	lr =	simm.s32 $0x1  }
0x2: {  	[smem:$0x3F98] =	sst lr;
	_ =	strace $0xD0000000  }
0x3: {  	_ = 	snop  }
0x4: {  	_ = 	snop  }
0x5: {  	_ = 	snop  }
0x6: {  	_ = 	snop  }
0x7: {  	_ = 	snop  }
__scs_overlays_trampoline_lowered:
0x8: {  	[smem:$0x3FA7] =	sst s0  }
0x9: {  	[smem:$0x3FA8] =	sst s1  }
0xa: {  	[smem:$0x3FA9] =	sst s2  }
0xb: {  	[smem:$0x3FAA] =	sst s3  }
0xc: {  	[smem:$0x3FAB] =	sst s4  }
0xd: {  	[smem:$0x3FAC] =	sst s5  }
0xe: {  	[smem:$0x3FAD] =	sst s6  }
0xf: {  	[smem:$0x3FAE] =	sst s7  }
0x10: {  	[smem:$0x3FAF] =	sst s8  }
0x11: {  	[smem:$0x3FB0] =	sst s9;
	s0 =	simm.s32 @!p0 $0x0  }
0x12: {  	s1 =	sld [smem:$0x3F96];
	s0 =	simm.s32 @p0 $0x1  }
0x13: {  	[smem:$0x3FB1] =	sst s0;
	s0 =	simm.s32 @!p1 $0x0  }
0x14: {  	s2 =	sld [smem:$0x3F95];
	s0 =	simm.s32 @p1 $0x1  }
0x15: {  	[smem:$0x3FB2] =	sst s0;
	s0 =	simm.s32 @!p2 $0x0  }
0x16: {  	s3 =	sld [smem:$0x3FDB];
	s0 =	simm.s32 @p2 $0x1  }
0x17: {  	s4 =	simm.s32 $0x1BF5;
	[smem:$0x3FB4] =	sst s0  }
0x18: {  	s0 =	sld [smem:$0x3F97];
	_ =	swait.ge [sflag:s4], $0x0  }
0x19: {  	s7 =	sld [smem:$0x3F98]  }
0x1a: {  	s8 =	sadd.s32 $0xFFFFE003, lr  }
0x1b: {  	s9 =	sadd.s32 $0xFFFFFEF7, lr;
	s5 =	simm.s32 $0xFFFFFFFF;
	p2 =	slt.u32 s8, $0xFFFFF086  }
0x1c: {  	p1 =	slt.u32 s9, $0xF7A;
	s5 =	simm.s32 @!p2 $0x0  }
0x1d: {  	s5 =	simm.s32 @p1 $0x1;
	p0 =	seq.s32 s7, s2  }
0x1e: {  	s7 =	smul.u32 @!p0 $0xF7A, s2;
	p2 =	seq.s32 @!p0 s5, $0x0  }
0x1f: {  	s9 =	smul.u32 $0xF7A, s1;
	s8 =	simm.s32 @!p0 $0x1BF5;
	p2 =	por !p2, p0  }
0x20: {  	[sflag:s8] =	ssyncset.s32 @!p0 $0xFFFFF086;
	s6 =	sadd.s32 @!p0 s3, s7;
	s7 =	simm.s32 @!p0 $0x108  }
0x21: {  	s3 =	sadd.s32 s3, s9;
	s6 =	sadd.s32 @!p0 $0x88, s6;
	s7 =	simm.s32 @p2 $0x1082  }
0x22: {  	[simem:s7], [sflag:s8] =	dma.local @!p0 [hbm:s6], $0xF7A  }
0x23: {  	s9 =	sor.u32 $0xD0000000, s2;
	s6 =	simm.s32 $0x108;
	_ =	swait.ge @!p0 [sflag:s8], $0x0  }
0x24: {  	s3 =	sadd.s32 $0x88, s3;
	s6 =	simm.s32 @!p1 $0x1082;
	[sflag:s4] =	ssyncset.s32 $0xFFFFF086  }
0x25: {  	[simem:s6], [sflag:s4] =	dma.local [hbm:s3], $0xF7A  }
0x26: {  	[smem:$0x3F98] =	sst s1;
	(tag) =	ssettag s2;
	_ =	strace s9  }
0x27: {  	s1 =	sld [smem:$0x3FA8]  }
0x28: {  	s2 =	sld [smem:$0x3FA9]  }
0x29: {  	s4 =	sld [smem:$0x3FAB]  }
0x2a: {  	p0 =	seq.s32 s5, $0x0;
	s5 =	sld [smem:$0x3FAC]  }
0x2b: {  	s6 =	sld [smem:$0x3FAD]  }
0x2c: {  	s7 =	sld [smem:$0x3FAE]  }
0x2d: {  	s3 =	simm.s32 $0x108;
	s8 =	sld [smem:$0x3FAF]  }
0x2e: {  	s3 =	simm.s32 @!p0 $0x1082;
	s9 =	sld [smem:$0x3FB0]  }
0x2f: {  	lr =	sadd.s32 s0, s3;
	s0 =	sld [smem:$0x3FA7]  }
0x30: {  	s3 =	sld [smem:$0x3FAA]  }
0x31: {  	[smem:$0x3FB3] =	sst s10  }
0x32: {  	s10 =	sld [smem:$0x3FB1];
	_ =	sdelay $0x3  }
0x33: {  	p0 =	seq.s32 s10, $0x1;
	s10 =	sld [smem:$0x3FB3];
	_ =	sdelay $0x3  }
0x34: {  	[smem:$0x3FB3] =	sst s10  }
0x35: {  	s10 =	sld [smem:$0x3FB2];
	_ =	sdelay $0x3  }
0x36: {  	p1 =	seq.s32 s10, $0x1;
	s10 =	sld [smem:$0x3FB3];
	_ =	sdelay $0x3  }
0x37: {  	[smem:$0x3FB3] =	sst s10  }
0x38: {  	s10 =	sld [smem:$0x3FB4]  }
0x39: {  	_ = 	snop;
	(pc) =	sbr.ind lr, $3  }
0x3a: {  	_ = 	snop  }
0x3b: {  	_ = 	snop  }
0x3c: {  	p2 =	seq.s32 s10, $0x1;
	s10 =	sld [smem:$0x3FB3]  }
0x3d: {  	_ =	shalt  }
0x3e: {  	_ =	shalt  }
0x3f: {  	_ =	shalt  }
0x40: {  	_ =	shalt  }
0x41: {  	_ =	shalt  }
0x42: {  	_ =	shalt  }
0x43: {  	_ =	shalt  }
0x44: {  	_ =	shalt  }
0x45: {  	_ =	shalt  }
0x46: {  	_ =	shalt  }
0x47: {  	_ =	shalt  }
0x48: {  	_ =	shalt  }
0x49: {  	_ =	shalt  }
0x4a: {  	_ =	shalt  }
0x4b: {  	_ =	shalt  }
0x4c: {  	_ =	shalt  }
0x4d: {  	_ =	shalt  }
0x4e: {  	_ =	shalt  }
0x4f: {  	_ =	shalt  }
0x50: {  	_ =	shalt  }
0x51: {  	_ =	shalt  }
0x52: {  	_ =	shalt  }
0x53: {  	_ =	shalt  }
0x54: {  	_ =	shalt  }
0x55: {  	_ =	shalt  }
0x56: {  	_ =	shalt  }
0x57: {  	_ =	shalt  }
0x58: {  	_ =	shalt  }
0x59: {  	_ =	shalt  }
0x5a: {  	_ =	shalt  }
0x5b: {  	_ =	shalt  }
0x5c: {  	_ =	shalt  }
0x5d: {  	_ =	shalt  }
0x5e: {  	_ =	shalt  }
0x5f: {  	_ =	shalt  }
0x60: {  	_ =	shalt  }
0x61: {  	_ =	shalt  }
0x62: {  	_ =	shalt  }
0x63: {  	_ =	shalt  }
0x64: {  	_ =	shalt  }
0x65: {  	_ =	shalt  }
0x66: {  	_ =	shalt  }
0x67: {  	_ =	shalt  }
0x68: {  	_ =	shalt  }
0x69: {  	_ =	shalt  }
0x6a: {  	_ =	shalt  }
0x6b: {  	_ =	shalt  }
0x6c: {  	_ =	shalt  }
0x6d: {  	_ =	shalt  }
0x6e: {  	_ =	shalt  }
0x6f: {  	_ =	shalt  }
0x70: {  	_ =	shalt  }
0x71: {  	_ =	shalt  }
0x72: {  	_ =	shalt  }
0x73: {  	_ =	shalt  }
0x74: {  	_ =	shalt  }
0x75: {  	_ =	shalt  }
0x76: {  	_ =	shalt  }
0x77: {  	_ =	shalt  }
0x78: {  	_ =	shalt  }
0x79: {  	_ =	shalt  }
0x7a: {  	_ =	shalt  }
0x7b: {  	_ =	shalt  }
0x7c: {  	_ =	shalt  }
0x7d: {  	_ =	shalt  }
0x7e: {  	_ =	shalt  }
0x7f: {  	_ =	shalt  }
0x80: {  	_ =	shalt  }
0x81: {  	_ =	shalt  }
0x82: {  	_ =	shalt  }
0x83: {  	_ =	shalt  }
0x84: {  	_ =	shalt  }
0x85: {  	_ =	shalt  }
0x86: {  	_ =	shalt  }
0x87: {  	_ =	shalt  }
.Lfunc_end0:
.L_simem_size_0:
called_computation.2_lowered:
.L_overlay_start_0:
0x88: {  	s2 =	sld [smem:$0x3FD9]  }
0x89: {  	s3 =	sld [smem:$0x3FFE];
	_ =	sdelay $0x1  }
0x8a: {  	s1 =	srdreg.scid  }
0x8b: {  	s0 =	sand.u32 $0x1, s1  }
0x8c: {  	s16 =	sshll.u32 s0, $0xA;
	s2 =	sadd.s32 s3, s2  }
0x8d: {  	s2 =	sadd.s32 s2, s16  }
0x8e: {  	[smem:$0x3FBF] =	sst s2  }
0x8f: {  	_ = 	snop  }
0x90: {  	(tm) =	ssettm $0x1  }
0x91: {  	s17 =	sld [smem:$0x3FFB];
	_ =	sdelay $0x3  }
0x92: {  	_ =	strace s17  }
0x93: {  	s2 =	sld [smem:$0x3FFC];
	_ =	sdelay $0x3  }
0x94: {  	_ =	strace s2  }
0x95: {  	s2 =	sld [smem:$0x3FFD];
	_ =	sdelay $0x3  }
0x96: {  	_ =	strace s2  }
0x97: {  	_ =	strace $0x8FFFFFFF  }
0x98: {  	s18 =	sld [smem:$0x3FDB];
	_ =	sdelay $0x1  }
0x99: {  	s19 =	simm.s32 $_scs_section_size  }
0x9a: {  	s4 =	simm.s32 $_size__tile_overlayer_lowered;
	s5 =	simm.s32 $_tile_overlayer_lowered  }
0x9b: {  	s22 =	simm.s32 $0x1BFF;
	s21 =	sshll.u32 s5, $0x1;
	s2 =	sadd.s32 s19, s18  }
0x9c: {  	s6 =	simm.s32 $0x0;
	s20 =	sshll.u32 s4, $0x1;
	s4 =	sadd.s32 s21, s2  }
0x9d: {  	[timem:s6], [sflag:s22] =	dma.local [hbm:s4], s20  }
0x9e: {  	_ =	swait.ge [sflag:s22], s20  }
0x9f: {  	s3 =	ssub.s32 $0x0, s20;
	[sflag:s22] =	ssyncset.done $0x0  }
0xa0: {  	[sflag:s22] =	ssyncadd.s32 s3;
	_ =	sdelay $0x1  }
0xa1: {  	s23 =	simm.s32 $0x1B8B  }
0xa2: {  	_ =	swait.ge [sflag:s23], $0x1  }
0xa3: {  	[sflag:s23] =	ssyncset.done $0x0  }
0xa4: {  	s25 =	simm.s32 $0x1B8E;
	s24 =	sld [smem:$0x3FFE];
	[sflag:s23] =	ssyncadd.s32 $0xFFFFFFFF  }
0xa5: {  	s26 =	simm.s32 $execute0_lowered;
	[smem:$0x3FD2] =	sst s25  }
0xa6: {  	s4 =	sshll.u32 s26, $0x1;
	_ =	strace $0x8000004C;
	[dreg:$0x1] =	wrdreg $0xFFFFFFFF  }
0xa7: {  	s28 =	simm.s32 $_size_execute0_lowered;
	s2 =	sadd.s32 s2, s4;
	[dreg:$0x0] =	wrdreg $0x0  }
0xa8: {  	s4 =	sshll.u32 s28, $0x1;
	[dreg:$0x2] =	wrdreg s2  }
0xa9: {  	[dreg:$0x3] =	wrdreg s4  }
0xaa: {  	[dreg:$0x4] =	wrdreg $0xC0  }
0xab: {  	_ =	task [dreg:s6], $0x5FFFF  }
0xac: {  	[dreg:$0x1] =	wrdreg $0xFFFFFFFF  }
0xad: {  	[dreg:$0x0] =	wrdreg $0x60  }
0xae: {  	[dreg:$0x2] =	wrdreg s24  }
0xaf: {  	[dreg:$0x3] =	wrdreg $0x14A000  }
0xb0: {  	[dreg:$0x4] =	wrdreg $0x9  }
0xb1: {  	_ =	task.clear_ibuf [dreg:s6], $0x5FFFF;
	_ =	strace $0x9000004C  }
0xb2: {  	s29 =	simm.s32 $0x9;
	_ =	strace $0x8000004E  }
0xb3: {  	_ =	swait.ge [sflag:s29], $0x1  }
0xb4: {  	[sflag:s29] =	ssyncadd.s32 $0xFFFFFFFF  }
0xb5: {  	_ =	strace $0x9000004E  }
0xb6: {  	_ =	sfence  }
0xb7: {  	s30 =	sld [smem:$0x0];
	_ =	sdelay $0x2  }
0xb8: {  	s31 =	sshll.u32 s1, $0xD;
	s1 =	sshrl.u32 s1, $0x2  }
0xb9: {  	s3 =	sand.u32 $0x4000, s31;
	s1 =	sadd.s32 s1, s30  }
0xba: {  	s0 =	sor.u32 s3, s0;
	s1 =	sshll.u32 s1, $0x11  }
0xbb: {  	s0 =	sor.u32 s1, s0  }
0xbc: {  	s0 =	sadd.s32 $0x8F2B, s0  }
0xbd: {  	[sflag:s0] =	ssyncadd.remote.s32 $0x1  }
0xbe: {  	_ =	sfence.sel $0xFFFF  }
0xbf: {  	[dreg:$0x0] =	wrdreg $0xFFFFFFFF;
	(pc) =	sbr.abs _section_cstart, $3  }
0xc0: {  	[dreg:$0x1] =	wrdreg $0xFFFFFFFF  }
0xc1: {  	_ =	task.clear_ibuf [dreg:s6], $0x2FFFF;
	_ =	strace $0x9FFFFFFF  }
0xc2: {  	(tm) =	ssettm $0x7FFFFFFF  }
0xc3: {  	_ =	shalt  }
tec
execute0_lowered:
.L_overlay_start_1:
0x0: {  	(tag) =	ssettag $0x1  }
0x1: {  	s0 =	rddreg [dreg:$0x0]  }
0x2: {  	s2 =	rddreg [dreg:$0x1];
	s10 =	stileid.u32  }
0x3: {  	s3 =	simm.s32 $0x0;
	s4 =	srdreg.scid;
	s31 =	simm.s32 $0x280  }
0x4: {  	s28 =	simm.s32 $0x5;
	s30 =	simm.s32 $0x880;
	s1 =	smul.u32 $0xA000, s10  }
0x5: {  	[smem:$0x7FF] =	sst s3;
	s5 =	sand.u32 $0x1, s4;
	s6 =	smul.u32 $0x1400, s10  }
0x6: {  	s4 =	sadd.s32 $0x16400, s0;
	s11 =	sadd.s32 $0xC400, s0;
	s12 =	sadd.s32 $0x2400, s0  }
0x7: {  	s20 =	sshll.u32 s10, $0x5;
	s23 =	sshll.u32 s10, $0x6;
	s17 =	sshll.u32 s10, $0x8  }
0x8: {  	_ =	strace $0x8000004D;
	s7 =	smul.u32 $0x14000, s5;
	s8 =	ssub.s32 $0x2, s5  }
0x9: {  	s21 =	sshll.u32 s5, $0x4;
	s13 =	sor.u32 $0x1C1F, s23;
	[dreg:$0x4] =	wrdreg s12  }
0xa: {  	s5 =	sshll.u32 s5, $0x7;
	[dreg:$0x3] =	wrdreg s11;
	s9 =	sshrl.u32 s1, $0x3  }
0xb: {  	s19 =	sshrl.u32 s8, $0x1;
	s1 =	sadd.s32 s1, s2;
	s5 =	sor.u32 s5, s17  }
0xc: {  	[dreg:$0x7] =	wrdreg s13;
	s6 =	sadd.s32 s6, s7;
	s9 =	sadd.s32 s9, s0  }
0xd: {  	[dreg:$0x5] =	wrdreg s1;
	s1 =	sor.u32 s21, s20;
	s22 =	sadd.s32 $0x2A400, s9  }
0xe: {  	s20 =	sor.u32 $0xF000, s5;
	s7 =	sadd.s32 s11, s1;
	[dreg:$0x6] =	wrdreg s22  }
0xf: {  	s24 =	sor.u32 $0x200, s1;
	s25 =	sadd.s32 s12, s1;
	[dreg:$0x8] =	wrdreg s7  }
0x10: {  	s0 =	sadd.s32 s6, s0;
	[dreg:$0x9] =	wrdreg s25;
	s26 =	sadd.s32 s11, s24  }
0x11: {  	s29 =	sor.u32 $0x400, s1;
	s7 =	sadd.s32 s12, s24;
	[dreg:$0xa] =	wrdreg s26  }
0x12: {  	s6 =	ssub.s32 s8, s19;
	s9 =	sadd.s32 s11, s29;
	[dreg:$0xb] =	wrdreg s7  }
0x13: {  	s14 =	sor.u32 $0x600, s1;
	s8 =	sadd.s32 s12, s29;
	[dreg:$0xc] =	wrdreg s9  }
0x14: {  	s16 =	sor.u32 $0x800, s1;
	s15 =	sadd.s32 s11, s14;
	[dreg:$0xd] =	wrdreg s8  }
0x15: {  	s1 =	sor.u32 $0xA00, s1;
	s18 =	sadd.s32 s11, s16;
	[dreg:$0xe] =	wrdreg s15  }
0x16: {  	s21 =	sshrl.u32 s20, $0x3;
	s19 =	sadd.s32 s11, s1;
	[dreg:$0x10] =	wrdreg s18  }
0x17: {  	s20 =	sor.u32 $0x7000, s5;
	s1 =	sadd.s32 s12, s1;
	[dreg:$0x12] =	wrdreg s19  }
0x18: {  	s0 =	sadd.s32 $0x3E400, s0;
	s22 =	smax.u32 s6, $0x1;
	[dreg:$0x13] =	wrdreg s1  }
0x19: {  	s23 =	sadd.s32 s21, s12;
	s24 =	sor.u32 $0xE000, s5;
	[dreg:$0x14] =	wrdreg s0  }
0x1a: {  	s6 =	simm.s32 $0x14;
	s7 =	sadd.s32 s12, s14;
	[dreg:$0x15] =	wrdreg s22  }
0x1b: {  	[dreg:$0x16] =	wrdreg s23;
	s0 =	sadd.s32 s21, s11;
	s25 =	sshrl.u32 s24, $0x3  }
0x1c: {  	s26 =	sor.u32 $0xD000, s5;
	s14 =	sor.u32 $0xB000, s5;
	s19 =	sor.u32 $0x8000, s5  }
0x1d: {  	s22 =	sshrl.u32 s20, $0x3;
	s23 =	sor.u32 $0xA000, s5;
	[dreg:$0xf] =	wrdreg s7  }
0x1e: {  	s20 =	simm.s32 $0x80;
	s7 =	sadd.s32 s12, s16;
	[dreg:$0x17] =	wrdreg s0  }
0x1f: {  	s1 =	sshrl.u32 s26, $0x3;
	s29 =	sadd.s32 s25, s12;
	[smem:$0x7F7] =	sst s23  }
0x20: {  	s0 =	sadd.s32 s25, s11;
	s15 =	sshrl.u32 s14, $0x3;
	[dreg:$0x11] =	wrdreg s7  }
0x21: {  	s16 =	sor.u32 $0x9000, s5;
	s21 =	sshrl.u32 s19, $0x3;
	[dreg:$0x18] =	wrdreg s29  }
0x22: {  	s26 =	sadd.s32 s22, s12;
	s14 =	simm.s32 $0xAA00;
	[dreg:$0x19] =	wrdreg s0  }
0x23: {  	s7 =	sor.u32 $0xC000, s5;
	s9 =	sadd.s32 s1, s12;
	[smem:$0x7FA] =	sst s26  }
0x24: {  	s1 =	sadd.s32 s1, s11;
	s17 =	sadd.s32 s15, s12;
	[dreg:$0x1a] =	wrdreg s9  }
0x25: {  	s18 =	sshrl.u32 s16, $0x3;
	s5 =	sor.u32 $0x6000, s5;
	[dreg:$0x1b] =	wrdreg s1  }
0x26: {  	s24 =	sadd.s32 s21, s12;
	s16 =	simm.s32 $0x4A00;
	[dreg:$0x1e] =	wrdreg s17  }
0x27: {  	s8 =	sshrl.u32 s7, $0x3;
	s1 =	sadd.s32 s18, s12;
	[smem:$0x7F8] =	sst s24  }
0x28: {  	s25 =	sshrl.u32 s5, $0x3;
	s9 =	simm.s32 $0x3;
	s5 =	simm.s32 $0x4  }
0x29: {  	s7 =	simm.s32 $0x0;
	s24 =	simm.s32 $0x800;
	s17 =	simm.s32 $0x480  }
0x2a: {  	s10 =	sadd.s32 s8, s12;
	s0 =	sadd.s32 s8, s11;
	[smem:$0x7F5] =	sst s1  }
0x2b: {  	s1 =	sadd.s32 s22, s11;
	s29 =	sadd.s32 s25, s12;
	[dreg:$0x1c] =	wrdreg s10  }
0x2c: {  	s8 =	simm.s32 $0x1F;
	s12 =	simm.s32 $0x7;
	[dreg:$0x1d] =	wrdreg s0  }
0x2d: {  	s22 =	simm.s32 $0x980;
	s0 =	sadd.s32 s15, s11;
	[smem:$0x7FB] =	sst s1  }
.Ltmp0:
0x2e: {  	[smem:$0x7FC] =	sst s29;
	s15 =	simm.s32 $0x8;
	(pc) =	sbr.rel .LBB2_1-.Ltmp0, $4  }
0x2f: {  	[dreg:$0x1f] =	wrdreg s0;
	s0 =	sadd.s32 s18, s11;
	s18 =	simm.s32 $0xA  }
0x30: {  	[smem:$0x7F6] =	sst s0;
	s0 =	sadd.s32 s21, s11;
	s21 =	simm.s32 $0x9  }
0x31: {  	[smem:$0x7F9] =	sst s0;
	s0 =	sadd.s32 s25, s11;
	s25 =	simm.s32 $0x1A  }
0x32: {  	s11 =	simm.s32 $0xCA00;
	[smem:$0x7FD] =	sst s0;
	s0 =	simm.s32 $0x6  }
.LBB2_4:
0x33: {  	s1 =	simm.s32 $0x15  }
0x34: {  	_ =	swait.ge [sflag:s1], $0x2000  }
0x35: {  	[sflag:s1] =	ssyncset.done $0x0  }
0x36: {  	s26 =	simm.s32 $0x16;
	[sflag:s1] =	ssyncadd.s32 $0xFFFFE000  }
0x37: {  	_ =	swait.ge [sflag:s26], $0x2000  }
0x38: {  	[sflag:s26] =	ssyncset.done $0x0  }
0x39: {  	s29 =	simm.s32 $0x17;
	[sflag:s26] =	ssyncadd.s32 $0xFFFFE000  }
0x3a: {  	_ =	swait.ge [sflag:s29], $0x2000  }
0x3b: {  	[sflag:s29] =	ssyncset.done $0x0  }
0x3c: {  	s7 =	simm.s32 $0x18;
	[sflag:s29] =	ssyncadd.s32 $0xFFFFE000  }
0x3d: {  	_ =	swait.ge [sflag:s7], $0x2000  }
0x3e: {  	[sflag:s7] =	ssyncset.done $0x0  }
0x3f: {  	s8 =	simm.s32 $0x19;
	[sflag:s7] =	ssyncadd.s32 $0xFFFFE000  }
0x40: {  	_ =	swait.ge [sflag:s8], $0x2000  }
0x41: {  	[sflag:s8] =	ssyncset.done $0x0  }
0x42: {  	[sflag:s8] =	ssyncadd.s32 $0xFFFFE000  }
0x43: {  	_ =	swait.ge [sflag:s25], $0x2000  }
0x44: {  	[sflag:s25] =	ssyncset.done $0x0  }
0x45: {  	s10 =	simm.s32 $0x1B;
	[sflag:s25] =	ssyncadd.s32 $0xFFFFE000  }
0x46: {  	_ =	swait.ge [sflag:s10], $0x2000  }
0x47: {  	[sflag:s10] =	ssyncset.done $0x0  }
0x48: {  	s13 =	simm.s32 $0x1C;
	[sflag:s10] =	ssyncadd.s32 $0xFFFFE000  }
0x49: {  	_ =	swait.ge [sflag:s13], $0x2000  }
0x4a: {  	[sflag:s13] =	ssyncset.done $0x0  }
0x4b: {  	s16 =	simm.s32 $0x1D;
	[sflag:s13] =	ssyncadd.s32 $0xFFFFE000  }
0x4c: {  	_ =	swait.ge [sflag:s16], $0x2000  }
0x4d: {  	[sflag:s16] =	ssyncset.done $0x0  }
0x4e: {  	s19 =	simm.s32 $0x1E;
	[sflag:s16] =	ssyncadd.s32 $0xFFFFE000  }
0x4f: {  	_ =	swait.ge [sflag:s19], $0x2000  }
0x50: {  	[sflag:s19] =	ssyncset.done $0x0  }
0x51: {  	[sflag:s19] =	ssyncadd.s32 $0xFFFFE000  }
0x52: {  	[bflag:$0x0] =	sbarrier.arrive $0xFFFF  }
0x53: {  	s7 =	sld [smem:$0x7F4]  }
0x54: {  	s13 =	rddreg [dreg:$0x7]  }
0x55: {  	s8 =	simm.s32 $0x1F;
	s23 =	rddreg [dreg:$0x14]  }
0x56: {  	[hbm:s23], [sflag:s13] =	dma.local [spmem:s7], $0x1400  }
0x57: {  	_ =	swait.ge [sflag:s8], $0x1400  }
0x58: {  	s26 =	sld [smem:$0x7F3];
	_ =	sdelay $0x2  }
0x59: {  	s29 =	rddreg [dreg:$0x15];
	s7 =	sadd.s32 $0x1, s26  }
0x5a: {  	p0 =	sne.s32 s7, s29  }
.Ltmp1:
0x5b: {  	_ = 	snop;
	(pc) =	sbr.rel @!p0 .LBB2_5-.Ltmp1, $3  }
0x5c: {  	_ =	sdelay $0x1  }
0x5d: {  	[sflag:s8] =	ssyncset.done $0x0  }
0x5e: {  	s31 =	simm.s32 $0x280;
	s16 =	simm.s32 $0x4A00;
	[sflag:s8] =	ssyncadd.s32 $0xFFFFEC00  }
.LBB2_1:
0x5f: {  	[smem:$0x7F3] =	sst s7  }
0x60: {  	s1 =	rddreg [dreg:$0x5]  }
0x61: {  	s26 =	rddreg [dreg:$0x6];
	s23 =	sshrl.u32 s1, $0x3  }
0x62: {  	[smem:$0x7F4] =	sst s23  }
0x63: {  	[spmem:s23], [sflag:s13] =	dma.local [hbm:s26], $0x1400  }
0x64: {  	_ =	swait.ge [sflag:s8], $0x1400  }
0x65: {  	[sflag:s8] =	ssyncset.done $0x0  }
0x66: {  	[sflag:s8] =	ssyncadd.s32 $0xFFFFEC00  }
0x67: {  	[bflag:$0x0] =	sbarrier.arrive $0xFFFF  }
0x68: {  	s10 =	rddreg [dreg:$0x8]  }
0x69: {  	[tilespmem:s3], [sflag:$0x1] =	stream.linear.gather [hbm4b:s10+s3], $0x80, $0x38;
	[tilespmem:$0x1EA00] =	vst v63  }
0x6a: {  	s19 =	simm.s32 $0x500;
	s13 =	rddreg [dreg:$0x9]  }
0x6b: {  	[tilespmem:s19], [sflag:$0x1] =	stream.linear.gather [hbm4b:s13+s3], $0x80, $0x38;
	[tilespmem:$0x1EA00] =	vst v63  }
0x6c: {  	s23 =	rddreg [dreg:$0xa]  }
0x6d: {  	[tilespmem:s20], [sflag:$0x2] =	stream.linear.gather [hbm4b:s23+s3], $0x80, $0x38;
	[tilespmem:$0x1EA00] =	vst v63  }
0x6e: {  	s7 =	simm.s32 $0x580;
	s26 =	rddreg [dreg:$0xb]  }
0x6f: {  	[tilespmem:s7], [sflag:$0x2] =	stream.linear.gather [hbm4b:s26+s3], $0x80, $0x38;
	[tilespmem:$0x1EA00] =	vst v63  }
0x70: {  	s8 =	simm.s32 $0x100;
	s10 =	rddreg [dreg:$0xc]  }
0x71: {  	[tilespmem:s8], [sflag:$0x3] =	stream.linear.gather [hbm4b:s10+s3], $0x80, $0x38;
	[tilespmem:$0x1EA00] =	vst v63  }
0x72: {  	s13 =	rddreg [dreg:$0xd];
	s10 =	simm.s32 $0x600  }
0x73: {  	[tilespmem:s10], [sflag:$0x3] =	stream.linear.gather [hbm4b:s13+s3], $0x80, $0x38;
	[tilespmem:$0x1EA00] =	vst v63  }
0x74: {  	s19 =	rddreg [dreg:$0xe];
	s23 =	simm.s32 $0x180  }
0x75: {  	[tilespmem:s23], [sflag:$0x4] =	stream.linear.gather [hbm4b:s19+s3], $0x80, $0x38;
	[tilespmem:$0x1EA00] =	vst v63  }
0x76: {  	s26 =	rddreg [dreg:$0xf];
	s7 =	simm.s32 $0x680  }
0x77: {  	[tilespmem:s7], [sflag:$0x4] =	stream.linear.gather [hbm4b:s26+s3], $0x80, $0x38;
	[tilespmem:$0x1EA00] =	vst v63  }
0x78: {  	s10 =	rddreg [dreg:$0x10];
	s13 =	simm.s32 $0x200  }
0x79: {  	[tilespmem:s13], [sflag:$0x5] =	stream.linear.gather [hbm4b:s10+s3], $0x80, $0x38;
	[tilespmem:$0x1EA00] =	vst v63  }
0x7a: {  	s19 =	rddreg [dreg:$0x11];
	s23 =	simm.s32 $0x700  }
0x7b: {  	[tilespmem:s23], [sflag:$0x5] =	stream.linear.gather [hbm4b:s19+s3], $0x80, $0x38;
	[tilespmem:$0x1EA00] =	vst v63  }
0x7c: {  	s26 =	rddreg [dreg:$0x12]  }
0x7d: {  	[tilespmem:s31], [sflag:$0x6] =	stream.linear.gather [hbm4b:s26+s3], $0x80, $0x38;
	[tilespmem:$0x1EA00] =	vst v63  }
0x7e: {  	s7 =	rddreg [dreg:$0x13];
	s10 =	simm.s32 $0x780;
	s13 =	simm.s32 $0x1  }
0x7f: {  	[tilespmem:s10], [sflag:$0x6] =	stream.linear.gather [hbm4b:s7+s3], $0x80, $0x38;
	[tilespmem:$0x1EA00] =	vst v63  }
0x80: {  	_ =	swait.ge [sflag:s13], $0x80  }
0x81: {  	[sflag:s13] =	ssyncset.done $0x0  }
0x82: {  	[sflag:s13] =	ssyncadd.s32 $0xFFFFFF80  }
0x83: {  	_ =	swait.ge [sflag:s13], $0x80  }
0x84: {  	[sflag:s13] =	ssyncset.done $0x0  }
0x85: {  	s19 =	simm.s32 $0xA00;
	s23 =	simm.s32 $0x2;
	[sflag:s13] =	ssyncadd.s32 $0xFFFFFF80  }
0x86: {  	[tilespmem:s19], [sflag:$0xB] =	stream.indirect.gather [hbm4b:s4+s20], $0x40, s3, s20, $0xb8;
	[tilespmem:$0x1EA00] =	vst v63  }
0x87: {  	_ =	swait.ge [sflag:s23], $0x80  }
0x88: {  	[sflag:s23] =	ssyncset.done $0x0  }
0x89: {  	[sflag:s23] =	ssyncadd.s32 $0xFFFFFF80  }
0x8a: {  	_ =	swait.ge [sflag:s23], $0x80  }
0x8b: {  	[sflag:s23] =	ssyncset.done $0x0  }
0x8c: {  	s26 =	simm.s32 $0x2A00;
	[sflag:s23] =	ssyncadd.s32 $0xFFFFFF80  }
0x8d: {  	[tilespmem:s26], [sflag:$0xC] =	stream.indirect.gather [hbm4b:s4+s20], $0x40, s20, s20, $0xb8;
	[tilespmem:$0x1EA00] =	vst v63  }
0x8e: {  	_ =	swait.ge [sflag:s9], $0x80  }
0x8f: {  	[sflag:s9] =	ssyncset.done $0x0  }
0x90: {  	[sflag:s9] =	ssyncadd.s32 $0xFFFFFF80  }
0x91: {  	_ =	swait.ge [sflag:s9], $0x80  }
0x92: {  	[sflag:s9] =	ssyncset.done $0x0  }
0x93: {  	s29 =	simm.s32 $0x0;
	s26 =	sld [smem:$0x7F7];
	[sflag:s9] =	ssyncadd.s32 $0xFFFFFF80  }
0x94: {  	[tilespmem:s16], [sflag:$0xD] =	stream.indirect.gather [hbm4b:s4+s20], $0x40, s8, s20, $0xb8;
	[tilespmem:$0x1EA00] =	vst v63  }
.LBB2_2:
0x95: {  	s1 =	simm.s32 $0xB  }
0x96: {  	_ =	swait.ge [sflag:s1], $0x2000  }
0x97: {  	s7 =	simm.s32 $0x500;
	p0 =	seq.s32 s29, $0x0;
	[sflag:s1] =	ssyncset.done $0x0  }
0x98: {  	s8 =	simm.s32 $0xA00;
	[sflag:s1] =	ssyncadd.s32 $0xFFFFE000;
	s1 =	simm.s32 @!p0 $0x1B  }
0x99: {  	[spmem:s2] =	stream.indirect.scatter.add.f32 [tilespmem:s8], [sflag:$0x15], $0x40, s7, s20, $0xb8;
	[tilespmem:$0x1EA00] =	vst v63  }
0x9a: {  	_ =	swait.ge @!p0 [sflag:s1], $0x2000  }
0x9b: {  	s13 =	sld [smem:$0x7FD];
	_ =	sdelay $0x1  }
0x9c: {  	[sflag:s1] =	ssyncset.done @!p0 $0x0;
	s19 =	sld [smem:$0x7FC]  }
0x9d: {  	[sflag:s1] =	ssyncadd.s32 @!p0 $0xFFFFE000;
	s1 =	sadd.s32 s29, s13;
	s13 =	simm.s32 $0x300  }
0x9e: {  	[tilespmem:s13], [sflag:$0x7] =	stream.linear.gather [hbm4b:s1+s3], $0x80, $0x38;
	[tilespmem:$0x1EA00] =	vst v63  }
0x9f: {  	s1 =	sadd.s32 s29, s19  }
0xa0: {  	[tilespmem:s24], [sflag:$0x7] =	stream.linear.gather [hbm4b:s1+s3], $0x80, $0x38;
	[tilespmem:$0x1EA00] =	vst v63  }
0xa1: {  	_ =	swait.ge [sflag:s5], $0x80  }
0xa2: {  	[sflag:s5] =	ssyncset.done $0x0  }
0xa3: {  	[sflag:s5] =	ssyncadd.s32 $0xFFFFFF80  }
0xa4: {  	_ =	swait.ge [sflag:s5], $0x80  }
0xa5: {  	s23 =	simm.s32 $0x180;
	[sflag:s5] =	ssyncset.done $0x0  }
0xa6: {  	s7 =	simm.s32 $0xC;
	s19 =	simm.s32 $0x6A00;
	[sflag:s5] =	ssyncadd.s32 $0xFFFFFF80  }
0xa7: {  	[tilespmem:s19], [sflag:$0xE] =	stream.indirect.gather [hbm4b:s4+s20], $0x40, s23, s20, $0xb8;
	[tilespmem:$0x1EA00] =	vst v63  }
0xa8: {  	_ =	swait.ge [sflag:s7], $0x2000  }
0xa9: {  	s8 =	simm.s32 $0x580;
	[sflag:s7] =	ssyncset.done $0x0  }
0xaa: {  	s1 =	simm.s32 @!p0 $0x1C;
	s23 =	simm.s32 $0x2A00;
	[sflag:s7] =	ssyncadd.s32 $0xFFFFE000  }
0xab: {  	[spmem:s2] =	stream.indirect.scatter.add.f32 [tilespmem:s23], [sflag:$0x16], $0x40, s8, s20, $0xb8;
	[tilespmem:$0x1EA00] =	vst v63  }
0xac: {  	_ =	swait.ge @!p0 [sflag:s1], $0x2000  }
0xad: {  	s7 =	sld [smem:$0x7FB];
	_ =	sdelay $0x1  }
0xae: {  	[sflag:s1] =	ssyncset.done @!p0 $0x0;
	s8 =	sld [smem:$0x7FA]  }
0xaf: {  	s23 =	simm.s32 $0x380;
	[sflag:s1] =	ssyncadd.s32 @!p0 $0xFFFFE000;
	s1 =	sadd.s32 s29, s7  }
0xb0: {  	[tilespmem:s23], [sflag:$0x8] =	stream.linear.gather [hbm4b:s1+s3], $0x80, $0x38;
	[tilespmem:$0x1EA00] =	vst v63  }
0xb1: {  	s1 =	sadd.s32 s29, s8  }
0xb2: {  	[tilespmem:s30], [sflag:$0x8] =	stream.linear.gather [hbm4b:s1+s3], $0x80, $0x38;
	[tilespmem:$0x1EA00] =	vst v63  }
0xb3: {  	_ =	swait.ge [sflag:s28], $0x80  }
0xb4: {  	[sflag:s28] =	ssyncset.done $0x0  }
0xb5: {  	[sflag:s28] =	ssyncadd.s32 $0xFFFFFF80  }
0xb6: {  	_ =	swait.ge [sflag:s28], $0x80  }
0xb7: {  	[sflag:s28] =	ssyncset.done $0x0  }
0xb8: {  	s7 =	simm.s32 $0x200;
	s8 =	simm.s32 $0x8A00;
	[sflag:s28] =	ssyncadd.s32 $0xFFFFFF80  }
0xb9: {  	[tilespmem:s8], [sflag:$0xF] =	stream.indirect.gather [hbm4b:s4+s20], $0x40, s7, s20, $0xb8;
	[tilespmem:$0x1EA00] =	vst v63  }
0xba: {  	s7 =	simm.s32 $0xD  }
0xbb: {  	_ =	swait.ge [sflag:s7], $0x2000  }
0xbc: {  	[sflag:s7] =	ssyncset.done $0x0  }
0xbd: {  	s1 =	simm.s32 @!p0 $0x1D;
	[sflag:s7] =	ssyncadd.s32 $0xFFFFE000;
	s7 =	simm.s32 $0x600  }
0xbe: {  	[spmem:s2] =	stream.indirect.scatter.add.f32 [tilespmem:s16], [sflag:$0x17], $0x40, s7, s20, $0xb8;
	[tilespmem:$0x1EA00] =	vst v63  }
0xbf: {  	_ =	swait.ge @!p0 [sflag:s1], $0x2000  }
0xc0: {  	s7 =	sld [smem:$0x7F9];
	_ =	sdelay $0x1  }
0xc1: {  	[sflag:s1] =	ssyncset.done @!p0 $0x0;
	s16 =	sld [smem:$0x7F8]  }
0xc2: {  	[sflag:s1] =	ssyncadd.s32 @!p0 $0xFFFFE000;
	s1 =	sadd.s32 s29, s7;
	s7 =	simm.s32 $0x400  }
0xc3: {  	[tilespmem:s7], [sflag:$0x9] =	stream.linear.gather [hbm4b:s1+s3], $0x80, $0x38;
	[tilespmem:$0x1EA00] =	vst v63  }
0xc4: {  	s1 =	sadd.s32 s29, s16;
	s16 =	simm.s32 $0x900  }
0xc5: {  	[tilespmem:s16], [sflag:$0x9] =	stream.linear.gather [hbm4b:s1+s3], $0x80, $0x38;
	[tilespmem:$0x1EA00] =	vst v63  }
0xc6: {  	_ =	swait.ge [sflag:s0], $0x80  }
0xc7: {  	[sflag:s0] =	ssyncset.done $0x0  }
0xc8: {  	[sflag:s0] =	ssyncadd.s32 $0xFFFFFF80  }
0xc9: {  	_ =	swait.ge [sflag:s0], $0x80  }
0xca: {  	[sflag:s0] =	ssyncset.done $0x0  }
0xcb: {  	[sflag:s0] =	ssyncadd.s32 $0xFFFFFF80  }
0xcc: {  	[tilespmem:s14], [sflag:$0x10] =	stream.indirect.gather [hbm4b:s4+s20], $0x40, s31, s20, $0xb8;
	[tilespmem:$0x1EA00] =	vst v63  }
0xcd: {  	s31 =	simm.s32 $0xE  }
0xce: {  	_ =	swait.ge [sflag:s31], $0x2000  }
0xcf: {  	[sflag:s31] =	ssyncset.done $0x0  }
0xd0: {  	s16 =	simm.s32 $0x680;
	s1 =	simm.s32 @!p0 $0x1E;
	[sflag:s31] =	ssyncadd.s32 $0xFFFFE000  }
0xd1: {  	[spmem:s2] =	stream.indirect.scatter.add.f32 [tilespmem:s19], [sflag:$0x18], $0x40, s16, s20, $0xb8;
	[tilespmem:$0x1EA00] =	vst v63  }
0xd2: {  	_ =	swait.ge @!p0 [sflag:s1], $0x2000  }
0xd3: {  	s31 =	sld [smem:$0x7F6];
	_ =	sdelay $0x1  }
0xd4: {  	[sflag:s1] =	ssyncset.done @!p0 $0x0;
	s16 =	sld [smem:$0x7F5]  }
0xd5: {  	[sflag:s1] =	ssyncadd.s32 @!p0 $0xFFFFE000;
	s1 =	sadd.s32 s29, s31  }
0xd6: {  	[tilespmem:s17], [sflag:$0xA] =	stream.linear.gather [hbm4b:s1+s3], $0x80, $0x38;
	[tilespmem:$0x1EA00] =	vst v63  }
0xd7: {  	s1 =	sadd.s32 s29, s16  }
0xd8: {  	[tilespmem:s22], [sflag:$0xA] =	stream.linear.gather [hbm4b:s1+s3], $0x80, $0x38;
	[tilespmem:$0x1EA00] =	vst v63  }
0xd9: {  	_ =	swait.ge [sflag:s12], $0x80  }
0xda: {  	[sflag:s12] =	ssyncset.done $0x0  }
0xdb: {  	[sflag:s12] =	ssyncadd.s32 $0xFFFFFF80  }
0xdc: {  	_ =	swait.ge [sflag:s12], $0x80  }
0xdd: {  	[sflag:s12] =	ssyncset.done $0x0  }
0xde: {  	s19 =	simm.s32 $0xF;
	[sflag:s12] =	ssyncadd.s32 $0xFFFFFF80  }
0xdf: {  	[tilespmem:s11], [sflag:$0x11] =	stream.indirect.gather [hbm4b:s4+s20], $0x40, s13, s20, $0xb8;
	[tilespmem:$0x1EA00] =	vst v63  }
0xe0: {  	_ =	swait.ge [sflag:s19], $0x2000  }
0xe1: {  	p0 =	seq.s32 s29, $0x8C00;
	[sflag:s19] =	ssyncset.done $0x0  }
0xe2: {  	s31 =	simm.s32 $0x700;
	s1 =	simm.s32 @!p0 $0x15;
	[sflag:s19] =	ssyncadd.s32 $0xFFFFE000  }
0xe3: {  	[spmem:s2] =	stream.indirect.scatter.add.f32 [tilespmem:s8], [sflag:$0x19], $0x40, s31, s20, $0xb8;
	[tilespmem:$0x1EA00] =	vst v63  }
0xe4: {  	_ =	swait.ge @!p0 [sflag:s1], $0x2000  }
0xe5: {  	[sflag:s1] =	ssyncset.done @!p0 $0x0  }
0xe6: {  	s8 =	sshrl.u32 @!p0 s26, $0x3;
	[sflag:s1] =	ssyncadd.s32 @!p0 $0xFFFFE000;
	s1 =	rddreg [dreg:$0x3]  }
0xe7: {  	s31 =	simm.s32 @!p0 $0x0;
	s1 =	sadd.s32 @!p0 s1, s8  }
0xe8: {  	[tilespmem:s31], [sflag:$0x1] =	stream.linear.gather @!p0 [hbm4b:s1+s31], $0x80, $0x38;
	[tilespmem:$0x1EA00] =	vst v63  }
0xe9: {  	s1 =	rddreg [dreg:$0x4]  }
0xea: {  	s1 =	sadd.s32 @!p0 s1, s8;
	s8 =	simm.s32 @!p0 $0x500  }
0xeb: {  	[tilespmem:s8], [sflag:$0x1] =	stream.linear.gather @!p0 [hbm4b:s1+s31], $0x80, $0x38;
	[tilespmem:$0x1EA00] =	vst v63  }
0xec: {  	_ =	swait.ge [sflag:s15], $0x80  }
0xed: {  	[sflag:s15] =	ssyncset.done $0x0  }
0xee: {  	[sflag:s15] =	ssyncadd.s32 $0xFFFFFF80  }
0xef: {  	_ =	swait.ge [sflag:s15], $0x80  }
0xf0: {  	[sflag:s15] =	ssyncset.done $0x0  }
0xf1: {  	s13 =	simm.s32 $0xEA00;
	s8 =	simm.s32 $0x10;
	[sflag:s15] =	ssyncadd.s32 $0xFFFFFF80  }
0xf2: {  	[tilespmem:s13], [sflag:$0x12] =	stream.indirect.gather [hbm4b:s4+s20], $0x40, s23, s20, $0xb8;
	[tilespmem:$0x1EA00] =	vst v63  }
0xf3: {  	_ =	swait.ge [sflag:s8], $0x2000  }
0xf4: {  	[sflag:s8] =	ssyncset.done $0x0  }
0xf5: {  	s1 =	simm.s32 @!p0 $0x16;
	[sflag:s8] =	ssyncadd.s32 $0xFFFFE000  }
0xf6: {  	[spmem:s2] =	stream.indirect.scatter.add.f32 [tilespmem:s14], [sflag:$0x1A], $0x40, s10, s20, $0xb8;
	[tilespmem:$0x1EA00] =	vst v63  }
0xf7: {  	_ =	swait.ge @!p0 [sflag:s1], $0x2000  }
0xf8: {  	[sflag:s1] =	ssyncset.done @!p0 $0x0  }
0xf9: {  	[sflag:s1] =	ssyncadd.s32 @!p0 $0xFFFFE000;
	s1 =	rddreg [dreg:$0x1f]  }
0xfa: {  	s8 =	sadd.s32 @!p0 s29, s1;
	s1 =	simm.s32 @!p0 $0x80  }
0xfb: {  	[tilespmem:s1], [sflag:$0x2] =	stream.linear.gather @!p0 [hbm4b:s8+s31], $0x80, $0x38;
	[tilespmem:$0x1EA00] =	vst v63  }
0xfc: {  	s8 =	rddreg [dreg:$0x1e]  }
0xfd: {  	s10 =	simm.s32 @!p0 $0x580;
	s8 =	sadd.s32 @!p0 s29, s8  }
0xfe: {  	[tilespmem:s10], [sflag:$0x2] =	stream.linear.gather @!p0 [hbm4b:s8+s31], $0x80, $0x38;
	[tilespmem:$0x1EA00] =	vst v63  }
0xff: {  	_ =	swait.ge [sflag:s21], $0x80  }
0x100: {  	[sflag:s21] =	ssyncset.done $0x0  }
0x101: {  	[sflag:s21] =	ssyncadd.s32 $0xFFFFFF80  }
0x102: {  	_ =	swait.ge [sflag:s21], $0x80  }
0x103: {  	[sflag:s21] =	ssyncset.done $0x0  }
0x104: {  	s10 =	simm.s32 $0x10A00;
	s8 =	simm.s32 $0x11;
	[sflag:s21] =	ssyncadd.s32 $0xFFFFFF80  }
0x105: {  	[tilespmem:s10], [sflag:$0x13] =	stream.indirect.gather [hbm4b:s4+s20], $0x40, s7, s20, $0xb8;
	[tilespmem:$0x1EA00] =	vst v63  }
0x106: {  	_ =	swait.ge [sflag:s8], $0x2000  }
0x107: {  	[sflag:s8] =	ssyncset.done $0x0  }
0x108: {  	[sflag:s8] =	ssyncadd.s32 $0xFFFFE000;
	s8 =	simm.s32 @!p0 $0x17  }
0x109: {  	[spmem:s2] =	stream.indirect.scatter.add.f32 [tilespmem:s11], [sflag:$0x1B], $0x40, s24, s20, $0xb8;
	[tilespmem:$0x1EA00] =	vst v63  }
0x10a: {  	_ =	swait.ge @!p0 [sflag:s8], $0x2000  }
0x10b: {  	[sflag:s8] =	ssyncset.done @!p0 $0x0  }
0x10c: {  	[sflag:s8] =	ssyncadd.s32 @!p0 $0xFFFFE000;
	s8 =	rddreg [dreg:$0x1d]  }
0x10d: {  	s10 =	simm.s32 @!p0 $0x100;
	s8 =	sadd.s32 @!p0 s29, s8  }
0x10e: {  	[tilespmem:s10], [sflag:$0x3] =	stream.linear.gather @!p0 [hbm4b:s8+s31], $0x80, $0x38;
	[tilespmem:$0x1EA00] =	vst v63  }
0x10f: {  	s8 =	rddreg [dreg:$0x1c]  }
0x110: {  	s10 =	simm.s32 @!p0 $0x600;
	s8 =	sadd.s32 @!p0 s29, s8  }
0x111: {  	[tilespmem:s10], [sflag:$0x3] =	stream.linear.gather @!p0 [hbm4b:s8+s31], $0x80, $0x38;
	[tilespmem:$0x1EA00] =	vst v63  }
0x112: {  	_ =	swait.ge [sflag:s18], $0x80  }
0x113: {  	[sflag:s18] =	ssyncset.done $0x0  }
0x114: {  	[sflag:s18] =	ssyncadd.s32 $0xFFFFFF80  }
0x115: {  	_ =	swait.ge [sflag:s18], $0x80  }
0x116: {  	[sflag:s18] =	ssyncset.done $0x0  }
0x117: {  	s7 =	simm.s32 $0x12A00;
	s10 =	simm.s32 $0x12;
	[sflag:s18] =	ssyncadd.s32 $0xFFFFFF80  }
0x118: {  	[tilespmem:s7], [sflag:$0x14] =	stream.indirect.gather [hbm4b:s4+s20], $0x40, s17, s20, $0xb8;
	[tilespmem:$0x1EA00] =	vst v63  }
0x119: {  	_ =	swait.ge [sflag:s10], $0x2000  }
0x11a: {  	[sflag:s10] =	ssyncset.done $0x0  }
0x11b: {  	s8 =	simm.s32 @p0 $0x13;
	[sflag:s10] =	ssyncadd.s32 $0xFFFFE000  }
0x11c: {  	[spmem:s2] =	stream.indirect.scatter.add.f32 [tilespmem:s13], [sflag:$0x1C], $0x40, s30, s20, $0xb8;
	[tilespmem:$0x1EA00] =	vst v63  }
0x11d: {  	_ =	swait.ge @p0 [sflag:s8], $0x2000  }
0x11e: {  	s10 =	simm.s32 @p0 $0x900;
	[sflag:s8] =	ssyncset.done @p0 $0x0  }
0x11f: {  	s13 =	simm.s32 @p0 $0x10A00;
	[sflag:s8] =	ssyncadd.s32 @p0 $0xFFFFE000;
	s8 =	simm.s32 @p0 $0x80  }
0x120: {  	[spmem:s2] =	stream.indirect.scatter.add.f32 @p0 [tilespmem:s13], [sflag:$0x1D], $0x40, s10, s8, $0xb8;
	[tilespmem:$0x1EA00] =	vst v63  }
0x121: {  	s8 =	simm.s32 @!p0 $0x18  }
0x122: {  	_ =	swait.ge @!p0 [sflag:s8], $0x2000  }
0x123: {  	[sflag:s8] =	ssyncset.done @!p0 $0x0  }
0x124: {  	[sflag:s8] =	ssyncadd.s32 @!p0 $0xFFFFE000;
	s8 =	rddreg [dreg:$0x1b]  }
0x125: {  	s10 =	simm.s32 @!p0 $0x180;
	s8 =	sadd.s32 @!p0 s29, s8  }
0x126: {  	[tilespmem:s10], [sflag:$0x4] =	stream.linear.gather @!p0 [hbm4b:s8+s31], $0x80, $0x38;
	[tilespmem:$0x1EA00] =	vst v63  }
0x127: {  	s8 =	rddreg [dreg:$0x1a]  }
0x128: {  	s10 =	simm.s32 @!p0 $0x680;
	s8 =	sadd.s32 @!p0 s29, s8  }
0x129: {  	[tilespmem:s10], [sflag:$0x4] =	stream.linear.gather @!p0 [hbm4b:s8+s31], $0x80, $0x38;
	[tilespmem:$0x1EA00] =	vst v63  }
0x12a: {  	s8 =	simm.s32 @!p0 $0x1  }
0x12b: {  	_ =	swait.ge @!p0 [sflag:s8], $0x80  }
0x12c: {  	[sflag:s8] =	ssyncset.done @!p0 $0x0  }
0x12d: {  	[sflag:s8] =	ssyncadd.s32 @!p0 $0xFFFFFF80  }
0x12e: {  	_ =	swait.ge @!p0 [sflag:s8], $0x80  }
0x12f: {  	[sflag:s8] =	ssyncset.done @!p0 $0x0  }
0x130: {  	[sflag:s8] =	ssyncadd.s32 @!p0 $0xFFFFFF80;
	s8 =	simm.s32 @!p0 $0xA00  }
0x131: {  	[tilespmem:s8], [sflag:$0xB] =	stream.indirect.gather @!p0 [hbm4b:s4+s1], $0x40, s31, s1, $0xb8;
	[tilespmem:$0x1EA00] =	vst v63  }
0x132: {  	s8 =	simm.s32 @!p0 $0x13  }
0x133: {  	_ =	swait.ge @!p0 [sflag:s8], $0x2000  }
0x134: {  	[sflag:s8] =	ssyncset.done @!p0 $0x0  }
0x135: {  	s10 =	simm.s32 @!p0 $0x10A00;
	[sflag:s8] =	ssyncadd.s32 @!p0 $0xFFFFE000;
	s8 =	simm.s32 @!p0 $0x900  }
0x136: {  	[spmem:s2] =	stream.indirect.scatter.add.f32 @!p0 [tilespmem:s10], [sflag:$0x1D], $0x40, s8, s1, $0xb8;
	[tilespmem:$0x1EA00] =	vst v63  }
0x137: {  	s8 =	simm.s32 @!p0 $0x19  }
0x138: {  	_ =	swait.ge @!p0 [sflag:s8], $0x2000  }
0x139: {  	[sflag:s8] =	ssyncset.done @!p0 $0x0  }
0x13a: {  	[sflag:s8] =	ssyncadd.s32 @!p0 $0xFFFFE000;
	s8 =	rddreg [dreg:$0x19]  }
0x13b: {  	s10 =	simm.s32 @!p0 $0x200;
	s8 =	sadd.s32 @!p0 s29, s8  }
0x13c: {  	[tilespmem:s10], [sflag:$0x5] =	stream.linear.gather @!p0 [hbm4b:s8+s31], $0x80, $0x38;
	[tilespmem:$0x1EA00] =	vst v63  }
0x13d: {  	s8 =	rddreg [dreg:$0x18]  }
0x13e: {  	s10 =	simm.s32 @!p0 $0x700;
	s8 =	sadd.s32 @!p0 s29, s8  }
0x13f: {  	[tilespmem:s10], [sflag:$0x5] =	stream.linear.gather @!p0 [hbm4b:s8+s31], $0x80, $0x38;
	[tilespmem:$0x1EA00] =	vst v63  }
0x140: {  	s8 =	simm.s32 @!p0 $0x2  }
0x141: {  	_ =	swait.ge @!p0 [sflag:s8], $0x80  }
0x142: {  	[sflag:s8] =	ssyncset.done @!p0 $0x0  }
0x143: {  	[sflag:s8] =	ssyncadd.s32 @!p0 $0xFFFFFF80  }
0x144: {  	_ =	swait.ge @!p0 [sflag:s8], $0x80  }
0x145: {  	[sflag:s8] =	ssyncset.done @!p0 $0x0  }
0x146: {  	[sflag:s8] =	ssyncadd.s32 @!p0 $0xFFFFFF80;
	s8 =	simm.s32 @!p0 $0x2A00  }
0x147: {  	[tilespmem:s8], [sflag:$0xC] =	stream.indirect.gather @!p0 [hbm4b:s4+s1], $0x40, s1, s1, $0xb8;
	[tilespmem:$0x1EA00] =	vst v63  }
.Ltmp2:
0x148: {  	_ = 	snop;
	(pc) =	sbr.rel @p0 .LBB2_4-.Ltmp2, $4  }
0x149: {  	_ =	swait.ge [sflag:s6], $0x2000  }
0x14a: {  	s16 =	simm.s32 $0x280;
	[sflag:s6] =	ssyncset.done $0x0  }
0x14b: {  	s19 =	simm.s32 $0x4A00;
	s23 =	simm.s32 $0x780;
	[sflag:s6] =	ssyncadd.s32 $0xFFFFE000  }
0x14c: {  	[spmem:s2] =	stream.indirect.scatter.add.f32 [tilespmem:s7], [sflag:$0x1E], $0x40, s22, s20, $0xb8;
	[tilespmem:$0x1EA00] =	vst v63  }
0x14d: {  	_ =	swait.ge [sflag:s25], $0x2000  }
0x14e: {  	[sflag:s25] =	ssyncset.done $0x0;
	s1 =	rddreg [dreg:$0x17]  }
0x14f: {  	[sflag:s25] =	ssyncadd.s32 $0xFFFFE000;
	s1 =	sadd.s32 s29, s1  }
0x150: {  	[tilespmem:s16], [sflag:$0x6] =	stream.linear.gather [hbm4b:s1+s3], $0x80, $0x38;
	[tilespmem:$0x1EA00] =	vst v63  }
0x151: {  	s16 =	rddreg [dreg:$0x16]  }
0x152: {  	s1 =	sadd.s32 s29, s16  }
0x153: {  	[tilespmem:s23], [sflag:$0x6] =	stream.linear.gather [hbm4b:s1+s3], $0x80, $0x38;
	[tilespmem:$0x1EA00] =	vst v63  }
0x154: {  	_ =	swait.ge [sflag:s9], $0x80  }
0x155: {  	[sflag:s9] =	ssyncset.done $0x0  }
.Ltmp3:
0x156: {  	[sflag:s9] =	ssyncadd.s32 $0xFFFFFF80;
	(pc) =	sbr.rel .LBB2_2-.Ltmp3, $4  }
0x157: {  	s26 =	sadd.s32 $0xA000, s26;
	s31 =	simm.s32 $0x280;
	_ =	swait.ge [sflag:s9], $0x80  }
0x158: {  	s10 =	simm.s32 $0x780;
	s29 =	sadd.s32 $0x1400, s29;
	[sflag:s9] =	ssyncset.done $0x0  }
0x159: {  	s16 =	simm.s32 $0x4A00;
	s23 =	simm.s32 $0x100;
	[sflag:s9] =	ssyncadd.s32 $0xFFFFFF80  }
0x15a: {  	[tilespmem:s19], [sflag:$0xD] =	stream.indirect.gather [hbm4b:s4+s20], $0x40, s23, s20, $0xb8;
	[tilespmem:$0x1EA00] =	vst v63  }
.LBB2_5:
0x15b: {  	_ =	sfence.sel $0x180000  }
0x15c: {  	[bflag:$0x0] =	sbarrier.arrive $0xFFFF  }
0x15d: {  	_ =	strace $0x9000004D  }
0x15e: {  	s0 =	stileid.u32;
	[bflag:$0x2] =	sbarrier.arrive $0xFFFF  }
0x15f: {  	p0 =	sne.s32 s0, $0x0;
	s0 =	rddreg [dreg:$0x2]  }
0x160: {  	s0 =	sadd.s32 @!p0 $0x100000, s0  }
0x161: {  	[sflag:s0] =	ssyncadd.tile.s32 @!p0 $0x1;
	_ =	shalt  }
.Lfunc_end2:
_tile_overlayer_lowered:
.L_overlay_start_2:
0x162: {  	(tag) =	ssettag $0x2  }
0x163: {  	s0 =	rddreg [dreg:$0x0];
	s2 =	stileid.u32  }
0x164: {  	s1 =	rddreg [dreg:$0x1];
	p0 =	sne.s32 s2, $0x0  }
0x165: {  	s3 =	rddreg [dreg:$0x2];
	[bflag:$0x3] =	sbarrier.arrive $0xFFFF;
	s2 =	simm.s32 @!p0 $0x1C1F  }
0x166: {  	[timem:s3], [sflag:s2] =	dma.local @!p0 [hbm:s0], s1  }
0x167: {  	s0 =	simm.s32 @!p0 $0x1F  }
0x168: {  	_ =	swait.ge @!p0 [sflag:s0], s1  }
0x169: {  	s1 =	ssub.s32 @!p0 $0x0, s1;
	[sflag:s0] =	ssyncset.done @!p0 $0x0  }
0x16a: {  	[sflag:s0] =	ssyncadd.s32 @!p0 s1  }
0x16b: {  	[bflag:$0x3] =	sbarrier.arrive $0xFFFF  }
0x16c: {  	_ =	shalt  }

// kernel: kernel.8.cloned.1.call-start
scs
__scs_entry_jumppad:
0x0: {  	(pc) =	sbr.rel $0x88, $3  }
0x1: {  	(tag) =	ssettag $0x0;
	lr =	simm.s32 $0x1  }
0x2: {  	[smem:$0x3F98] =	sst lr;
	_ =	strace $0xD0000000  }
0x3: {  	_ = 	snop  }
0x4: {  	_ = 	snop  }
0x5: {  	_ = 	snop  }
0x6: {  	_ = 	snop  }
0x7: {  	_ = 	snop  }
__scs_overlays_trampoline_lowered:
0x8: {  	[smem:$0x3FA7] =	sst s0  }
0x9: {  	[smem:$0x3FA8] =	sst s1  }
0xa: {  	[smem:$0x3FA9] =	sst s2  }
0xb: {  	[smem:$0x3FAA] =	sst s3  }
0xc: {  	[smem:$0x3FAB] =	sst s4  }
0xd: {  	[smem:$0x3FAC] =	sst s5  }
0xe: {  	[smem:$0x3FAD] =	sst s6  }
0xf: {  	[smem:$0x3FAE] =	sst s7  }
0x10: {  	[smem:$0x3FAF] =	sst s8  }
0x11: {  	[smem:$0x3FB0] =	sst s9;
	s0 =	simm.s32 @!p0 $0x0  }
0x12: {  	s1 =	sld [smem:$0x3F96];
	s0 =	simm.s32 @p0 $0x1  }
0x13: {  	[smem:$0x3FB1] =	sst s0;
	s0 =	simm.s32 @!p1 $0x0  }
0x14: {  	s2 =	sld [smem:$0x3F95];
	s0 =	simm.s32 @p1 $0x1  }
0x15: {  	[smem:$0x3FB2] =	sst s0;
	s0 =	simm.s32 @!p2 $0x0  }
0x16: {  	s3 =	sld [smem:$0x3FDB];
	s0 =	simm.s32 @p2 $0x1  }
0x17: {  	s4 =	simm.s32 $0x1BF5;
	[smem:$0x3FB4] =	sst s0  }
0x18: {  	s0 =	sld [smem:$0x3F97];
	_ =	swait.ge [sflag:s4], $0x0  }
0x19: {  	s7 =	sld [smem:$0x3F98]  }
0x1a: {  	s8 =	sadd.s32 $0xFFFFE003, lr  }
0x1b: {  	s9 =	sadd.s32 $0xFFFFFEF7, lr;
	s5 =	simm.s32 $0xFFFFFFFF;
	p2 =	slt.u32 s8, $0xFFFFF086  }
0x1c: {  	p1 =	slt.u32 s9, $0xF7A;
	s5 =	simm.s32 @!p2 $0x0  }
0x1d: {  	s5 =	simm.s32 @p1 $0x1;
	p0 =	seq.s32 s7, s2  }
0x1e: {  	s7 =	smul.u32 @!p0 $0xF7A, s2;
	p2 =	seq.s32 @!p0 s5, $0x0  }
0x1f: {  	s9 =	smul.u32 $0xF7A, s1;
	s8 =	simm.s32 @!p0 $0x1BF5;
	p2 =	por !p2, p0  }
0x20: {  	[sflag:s8] =	ssyncset.s32 @!p0 $0xFFFFF086;
	s6 =	sadd.s32 @!p0 s3, s7;
	s7 =	simm.s32 @!p0 $0x108  }
0x21: {  	s3 =	sadd.s32 s3, s9;
	s6 =	sadd.s32 @!p0 $0x88, s6;
	s7 =	simm.s32 @p2 $0x1082  }
0x22: {  	[simem:s7], [sflag:s8] =	dma.local @!p0 [hbm:s6], $0xF7A  }
0x23: {  	s9 =	sor.u32 $0xD0000000, s2;
	s6 =	simm.s32 $0x108;
	_ =	swait.ge @!p0 [sflag:s8], $0x0  }
0x24: {  	s3 =	sadd.s32 $0x88, s3;
	s6 =	simm.s32 @!p1 $0x1082;
	[sflag:s4] =	ssyncset.s32 $0xFFFFF086  }
0x25: {  	[simem:s6], [sflag:s4] =	dma.local [hbm:s3], $0xF7A  }
0x26: {  	[smem:$0x3F98] =	sst s1;
	(tag) =	ssettag s2;
	_ =	strace s9  }
0x27: {  	s1 =	sld [smem:$0x3FA8]  }
0x28: {  	s2 =	sld [smem:$0x3FA9]  }
0x29: {  	s4 =	sld [smem:$0x3FAB]  }
0x2a: {  	p0 =	seq.s32 s5, $0x0;
	s5 =	sld [smem:$0x3FAC]  }
0x2b: {  	s6 =	sld [smem:$0x3FAD]  }
0x2c: {  	s7 =	sld [smem:$0x3FAE]  }
0x2d: {  	s3 =	simm.s32 $0x108;
	s8 =	sld [smem:$0x3FAF]  }
0x2e: {  	s3 =	simm.s32 @!p0 $0x1082;
	s9 =	sld [smem:$0x3FB0]  }
0x2f: {  	lr =	sadd.s32 s0, s3;
	s0 =	sld [smem:$0x3FA7]  }
0x30: {  	s3 =	sld [smem:$0x3FAA]  }
0x31: {  	[smem:$0x3FB3] =	sst s10  }
0x32: {  	s10 =	sld [smem:$0x3FB1];
	_ =	sdelay $0x3  }
0x33: {  	p0 =	seq.s32 s10, $0x1;
	s10 =	sld [smem:$0x3FB3];
	_ =	sdelay $0x3  }
0x34: {  	[smem:$0x3FB3] =	sst s10  }
0x35: {  	s10 =	sld [smem:$0x3FB2];
	_ =	sdelay $0x3  }
0x36: {  	p1 =	seq.s32 s10, $0x1;
	s10 =	sld [smem:$0x3FB3];
	_ =	sdelay $0x3  }
0x37: {  	[smem:$0x3FB3] =	sst s10  }
0x38: {  	s10 =	sld [smem:$0x3FB4]  }
0x39: {  	_ = 	snop;
	(pc) =	sbr.ind lr, $3  }
0x3a: {  	_ = 	snop  }
0x3b: {  	_ = 	snop  }
0x3c: {  	p2 =	seq.s32 s10, $0x1;
	s10 =	sld [smem:$0x3FB3]  }
0x3d: {  	_ =	shalt  }
0x3e: {  	_ =	shalt  }
0x3f: {  	_ =	shalt  }
0x40: {  	_ =	shalt  }
0x41: {  	_ =	shalt  }
0x42: {  	_ =	shalt  }
0x43: {  	_ =	shalt  }
0x44: {  	_ =	shalt  }
0x45: {  	_ =	shalt  }
0x46: {  	_ =	shalt  }
0x47: {  	_ =	shalt  }
0x48: {  	_ =	shalt  }
0x49: {  	_ =	shalt  }
0x4a: {  	_ =	shalt  }
0x4b: {  	_ =	shalt  }
0x4c: {  	_ =	shalt  }
0x4d: {  	_ =	shalt  }
0x4e: {  	_ =	shalt  }
0x4f: {  	_ =	shalt  }
0x50: {  	_ =	shalt  }
0x51: {  	_ =	shalt  }
0x52: {  	_ =	shalt  }
0x53: {  	_ =	shalt  }
0x54: {  	_ =	shalt  }
0x55: {  	_ =	shalt  }
0x56: {  	_ =	shalt  }
0x57: {  	_ =	shalt  }
0x58: {  	_ =	shalt  }
0x59: {  	_ =	shalt  }
0x5a: {  	_ =	shalt  }
0x5b: {  	_ =	shalt  }
0x5c: {  	_ =	shalt  }
0x5d: {  	_ =	shalt  }
0x5e: {  	_ =	shalt  }
0x5f: {  	_ =	shalt  }
0x60: {  	_ =	shalt  }
0x61: {  	_ =	shalt  }
0x62: {  	_ =	shalt  }
0x63: {  	_ =	shalt  }
0x64: {  	_ =	shalt  }
0x65: {  	_ =	shalt  }
0x66: {  	_ =	shalt  }
0x67: {  	_ =	shalt  }
0x68: {  	_ =	shalt  }
0x69: {  	_ =	shalt  }
0x6a: {  	_ =	shalt  }
0x6b: {  	_ =	shalt  }
0x6c: {  	_ =	shalt  }
0x6d: {  	_ =	shalt  }
0x6e: {  	_ =	shalt  }
0x6f: {  	_ =	shalt  }
0x70: {  	_ =	shalt  }
0x71: {  	_ =	shalt  }
0x72: {  	_ =	shalt  }
0x73: {  	_ =	shalt  }
0x74: {  	_ =	shalt  }
0x75: {  	_ =	shalt  }
0x76: {  	_ =	shalt  }
0x77: {  	_ =	shalt  }
0x78: {  	_ =	shalt  }
0x79: {  	_ =	shalt  }
0x7a: {  	_ =	shalt  }
0x7b: {  	_ =	shalt  }
0x7c: {  	_ =	shalt  }
0x7d: {  	_ =	shalt  }
0x7e: {  	_ =	shalt  }
0x7f: {  	_ =	shalt  }
0x80: {  	_ =	shalt  }
0x81: {  	_ =	shalt  }
0x82: {  	_ =	shalt  }
0x83: {  	_ =	shalt  }
0x84: {  	_ =	shalt  }
0x85: {  	_ =	shalt  }
0x86: {  	_ =	shalt  }
0x87: {  	_ =	shalt  }
.Lfunc_end0:
.L_simem_size_0:
called_computation_lowered:
.L_overlay_start_0:
0x88: {  	s2 =	sld [smem:$0x3FD9]  }
0x89: {  	s3 =	sld [smem:$0x3FFE];
	_ =	sdelay $0x1  }
0x8a: {  	s1 =	srdreg.scid  }
0x8b: {  	s0 =	sand.u32 $0x1, s1  }
0x8c: {  	s16 =	sshll.u32 s0, $0xA;
	s2 =	sadd.s32 s3, s2  }
0x8d: {  	s2 =	sadd.s32 s2, s16  }
0x8e: {  	[smem:$0x3FBF] =	sst s2  }
0x8f: {  	_ = 	snop  }
0x90: {  	(tm) =	ssettm $0x1  }
0x91: {  	s17 =	sld [smem:$0x3FFB];
	_ =	sdelay $0x3  }
0x92: {  	_ =	strace s17  }
0x93: {  	s2 =	sld [smem:$0x3FFC];
	_ =	sdelay $0x3  }
0x94: {  	_ =	strace s2  }
0x95: {  	s2 =	sld [smem:$0x3FFD];
	_ =	sdelay $0x3  }
0x96: {  	_ =	strace s2  }
0x97: {  	_ =	strace $0x8FFFFFFF  }
0x98: {  	s18 =	sld [smem:$0x3FDB];
	_ =	sdelay $0x1  }
0x99: {  	s19 =	simm.s32 $_scs_section_size  }
0x9a: {  	s4 =	simm.s32 $_size__tile_overlayer_lowered;
	s5 =	simm.s32 $_tile_overlayer_lowered  }
0x9b: {  	s22 =	simm.s32 $0x1BFF;
	s21 =	sshll.u32 s5, $0x1;
	s2 =	sadd.s32 s19, s18  }
0x9c: {  	s6 =	simm.s32 $0x0;
	s20 =	sshll.u32 s4, $0x1;
	s4 =	sadd.s32 s21, s2  }
0x9d: {  	[timem:s6], [sflag:s22] =	dma.local [hbm:s4], s20  }
0x9e: {  	_ =	swait.ge [sflag:s22], s20  }
0x9f: {  	s3 =	ssub.s32 $0x0, s20;
	[sflag:s22] =	ssyncset.done $0x0  }
0xa0: {  	[sflag:s22] =	ssyncadd.s32 s3;
	_ =	sdelay $0x1  }
0xa1: {  	s23 =	simm.s32 $0x1B8B  }
0xa2: {  	_ =	swait.ge [sflag:s23], $0x1  }
0xa3: {  	[sflag:s23] =	ssyncset.done $0x0  }
0xa4: {  	s25 =	simm.s32 $0x1B8E;
	s24 =	sld [smem:$0x3FFE];
	[sflag:s23] =	ssyncadd.s32 $0xFFFFFFFF  }
0xa5: {  	s26 =	simm.s32 $execute0_lowered;
	[smem:$0x3FD2] =	sst s25  }
0xa6: {  	s4 =	sshll.u32 s26, $0x1;
	_ =	strace $0x80000046;
	[dreg:$0x1] =	wrdreg $0xFFFFFFFF  }
0xa7: {  	s28 =	simm.s32 $_size_execute0_lowered;
	s2 =	sadd.s32 s2, s4;
	[dreg:$0x0] =	wrdreg $0x0  }
0xa8: {  	s4 =	sshll.u32 s28, $0x1;
	[dreg:$0x2] =	wrdreg s2  }
0xa9: {  	[dreg:$0x3] =	wrdreg s4  }
0xaa: {  	[dreg:$0x4] =	wrdreg $0xC0  }
0xab: {  	_ =	task [dreg:s6], $0x5FFFF  }
0xac: {  	[dreg:$0x1] =	wrdreg $0xFFFFFFFF  }
0xad: {  	[dreg:$0x0] =	wrdreg $0x60  }
0xae: {  	[dreg:$0x2] =	wrdreg s24  }
0xaf: {  	[dreg:$0x3] =	wrdreg $0x2B000  }
0xb0: {  	[dreg:$0x4] =	wrdreg $0x9  }
0xb1: {  	_ =	task.clear_ibuf [dreg:s6], $0x5FFFF;
	_ =	strace $0x90000046  }
0xb2: {  	s29 =	simm.s32 $0x9;
	_ =	strace $0x80000048  }
0xb3: {  	_ =	swait.ge [sflag:s29], $0x1  }
0xb4: {  	[sflag:s29] =	ssyncadd.s32 $0xFFFFFFFF  }
0xb5: {  	_ =	strace $0x90000048  }
0xb6: {  	_ =	sfence  }
0xb7: {  	s30 =	sld [smem:$0x0];
	_ =	sdelay $0x2  }
0xb8: {  	s31 =	sshll.u32 s1, $0xD;
	s1 =	sshrl.u32 s1, $0x2  }
0xb9: {  	s3 =	sand.u32 $0x4000, s31;
	s1 =	sadd.s32 s1, s30  }
0xba: {  	s0 =	sor.u32 s3, s0;
	s1 =	sshll.u32 s1, $0x11  }
0xbb: {  	s0 =	sor.u32 s1, s0  }
0xbc: {  	s0 =	sadd.s32 $0x8F2B, s0  }
0xbd: {  	[sflag:s0] =	ssyncadd.remote.s32 $0x1  }
0xbe: {  	_ =	sfence.sel $0xFFFF  }
0xbf: {  	[dreg:$0x0] =	wrdreg $0xFFFFFFFF;
	(pc) =	sbr.abs _section_cstart, $3  }
0xc0: {  	[dreg:$0x1] =	wrdreg $0xFFFFFFFF  }
0xc1: {  	_ =	task.clear_ibuf [dreg:s6], $0x2FFFF;
	_ =	strace $0x9FFFFFFF  }
0xc2: {  	(tm) =	ssettm $0x7FFFFFFF  }
0xc3: {  	_ =	shalt  }
tec
execute0_lowered:
.L_overlay_start_1:
0x0: {  	(tag) =	ssettag $0x1  }
0x1: {  	s4 =	rddreg [dreg:$0x0]  }
0x2: {  	s2 =	rddreg [dreg:$0x1]  }
0x3: {  	s0 =	rddreg [dreg:$0x2];
	s3 =	srdreg.scid  }
0x4: {  	s1 =	stileid.u32;
	s10 =	simm.s32 $0x80;
	s11 =	simm.s32 $0x2800  }
0x5: {  	s12 =	simm.s32 $0x1;
	s15 =	simm.s32 $0x0;
	s5 =	sand.u32 $0x1, s3  }
0x6: {  	s6 =	sshll.u32 s1, $0x1;
	s7 =	smul.u32 $0x280, s1;
	s3 =	simm.s32 $0x0  }
0x7: {  	s13 =	sshll.u32 s1, $0x6;
	s6 =	sor.u32 s5, s6;
	s8 =	smul.u32 $0x2800, s5  }
0x8: {  	[smem:$0x7FF] =	sst s3;
	s5 =	ssub.s32 $0x2, s5;
	s13 =	sor.u32 $0x1C02, s13  }
0x9: {  	s6 =	smul.u32 $0x500, s6;
	_ =	strace $0x80000047;
	s9 =	sshrl.u32 s5, $0x1  }
0xa: {  	s8 =	sadd.s32 s7, s8;
	s9 =	ssub.s32 s5, s9;
	s5 =	sadd.s32 s7, s2  }
0xb: {  	s6 =	sadd.s32 s6, s4;
	s8 =	sshrl.u32 s8, $0x3;
	s7 =	smax.u32 s9, $0x1  }
0xc: {  	s9 =	simm.s32 $0x2880;
	s14 =	sshrl.u32 s5, $0x3;
	s8 =	sadd.s32 s8, s4  }
0xd: {  	v0 =	vimm.f32 $1.000000000e+00;
	v1 =	vimm.f32 $0.0e+00;
	s4 =	sadd.s32 $0x2400, s6;
	s6 =	sadd.s32 $0x16400, s8;
	s8 =	simm.s32 $0x2  }
.LBB2_1:
0xe: {  	[tilespmem:s3], [sflag:$0x2] =	stream.linear.gather [hbm4b:s4+s3], $0x2800, $0x38;
	[tilespmem:$0x2D80] =	vst v63  }
0xf: {  	_ =	swait.ge [sflag:s8], $0x2800  }
0x10: {  	[sflag:s8] =	ssyncset.done $0x0  }
0x11: {  	[sflag:s8] =	ssyncadd.s32 $0xFFFFD800  }
0x12: {  	[tilespmem:$0x2800] =	vst v0  }
0x13: {  	[tilespmem:$0x2810] =	vst v0  }
0x14: {  	[tilespmem:$0x2820] =	vst v0  }
0x15: {  	[tilespmem:$0x2830] =	vst v0  }
0x16: {  	[tilespmem:$0x2840] =	vst v0  }
0x17: {  	[tilespmem:$0x2850] =	vst v0  }
0x18: {  	[tilespmem:$0x2860] =	vst v0  }
0x19: {  	[tilespmem:$0x2870] =	vst v0  }
0x1a: {  	[tilespmem:$0x2880] =	vst v1  }
0x1b: {  	[tilespmem:$0x2890] =	vst v1  }
0x1c: {  	[tilespmem:$0x28A0] =	vst v1  }
0x1d: {  	[tilespmem:$0x28B0] =	vst v1  }
0x1e: {  	[tilespmem:$0x28C0] =	vst v1  }
0x1f: {  	[tilespmem:$0x28D0] =	vst v1  }
0x20: {  	[tilespmem:$0x28E0] =	vst v1  }
0x21: {  	[tilespmem:$0x28F0] =	vst v1  }
0x22: {  	[tilespmem:$0x2900] =	vst v1  }
0x23: {  	[tilespmem:$0x2910] =	vst v1  }
0x24: {  	[tilespmem:$0x2920] =	vst v1  }
0x25: {  	[tilespmem:$0x2930] =	vst v1  }
0x26: {  	[tilespmem:$0x2940] =	vst v1  }
0x27: {  	[tilespmem:$0x2950] =	vst v1  }
0x28: {  	[tilespmem:$0x2960] =	vst v1  }
0x29: {  	[tilespmem:$0x2970] =	vst v1  }
0x2a: {  	[tilespmem:$0x2980] =	vst v1  }
0x2b: {  	[tilespmem:$0x2990] =	vst v1  }
0x2c: {  	[tilespmem:$0x29A0] =	vst v1  }
0x2d: {  	[tilespmem:$0x29B0] =	vst v1  }
0x2e: {  	[tilespmem:$0x29C0] =	vst v1  }
0x2f: {  	[tilespmem:$0x29D0] =	vst v1  }
0x30: {  	[tilespmem:$0x29E0] =	vst v1  }
0x31: {  	[tilespmem:$0x29F0] =	vst v1  }
0x32: {  	[tilespmem:$0x2A00] =	vst v1  }
0x33: {  	[tilespmem:$0x2A10] =	vst v1  }
0x34: {  	[tilespmem:$0x2A20] =	vst v1  }
0x35: {  	[tilespmem:$0x2A30] =	vst v1  }
0x36: {  	[tilespmem:$0x2A40] =	vst v1  }
0x37: {  	[tilespmem:$0x2A50] =	vst v1  }
0x38: {  	[tilespmem:$0x2A60] =	vst v1  }
0x39: {  	[tilespmem:$0x2A70] =	vst v1  }
0x3a: {  	[tilespmem:$0x2A80] =	vst v1  }
0x3b: {  	[tilespmem:$0x2A90] =	vst v1  }
0x3c: {  	[tilespmem:$0x2AA0] =	vst v1  }
0x3d: {  	[tilespmem:$0x2AB0] =	vst v1  }
0x3e: {  	[tilespmem:$0x2AC0] =	vst v1  }
0x3f: {  	[tilespmem:$0x2AD0] =	vst v1  }
0x40: {  	[tilespmem:$0x2AE0] =	vst v1  }
0x41: {  	[tilespmem:$0x2AF0] =	vst v1  }
0x42: {  	[spmem:s5] =	stream.linear.scatter [tilespmem:s9], [sflag:$0x2], $0x280, $0x38;
	[tilespmem:$0x2D80] =	vst v63  }
0x43: {  	_ =	swait.ge [sflag:s8], $0x280  }
0x44: {  	[sflag:s8] =	ssyncset.done $0x0  }
0x45: {  	[sflag:s8] =	ssyncadd.s32 $0xFFFFFD80  }
0x46: {  	s16 =	simm.s32 $0x0;
	[bflag:$0x0] =	sbarrier.arrive $0xFFFF  }
0x47: {  	[spmem:s2] =	stream.indirect.scatter.add.f32 [tilespmem:s11], [sflag:$0x1], $0x1, s16, s10, $0xb8;
	[tilespmem:$0x2D80] =	vst v63  }
0x48: {  	s26 =	simm.s32 $0x80  }
0x49: {  	[spmem:s2] =	stream.indirect.scatter.add.f32 [tilespmem:s11], [sflag:$0x1], $0x1, s26, s10, $0xb8;
	[tilespmem:$0x2D80] =	vst v63  }
0x4a: {  	s28 =	simm.s32 $0x100  }
0x4b: {  	[spmem:s2] =	stream.indirect.scatter.add.f32 [tilespmem:s11], [sflag:$0x1], $0x1, s28, s10, $0xb8;
	[tilespmem:$0x2D80] =	vst v63  }
0x4c: {  	s29 =	simm.s32 $0x180  }
0x4d: {  	[spmem:s2] =	stream.indirect.scatter.add.f32 [tilespmem:s11], [sflag:$0x1], $0x1, s29, s10, $0xb8;
	[tilespmem:$0x2D80] =	vst v63  }
0x4e: {  	s30 =	simm.s32 $0x200  }
0x4f: {  	[spmem:s2] =	stream.indirect.scatter.add.f32 [tilespmem:s11], [sflag:$0x1], $0x1, s30, s10, $0xb8;
	[tilespmem:$0x2D80] =	vst v63  }
0x50: {  	s31 =	simm.s32 $0x280  }
0x51: {  	[spmem:s2] =	stream.indirect.scatter.add.f32 [tilespmem:s11], [sflag:$0x1], $0x1, s31, s10, $0xb8;
	[tilespmem:$0x2D80] =	vst v63  }
0x52: {  	s17 =	simm.s32 $0x300  }
0x53: {  	[spmem:s2] =	stream.indirect.scatter.add.f32 [tilespmem:s11], [sflag:$0x1], $0x1, s17, s10, $0xb8;
	[tilespmem:$0x2D80] =	vst v63  }
0x54: {  	s18 =	simm.s32 $0x380  }
0x55: {  	[spmem:s2] =	stream.indirect.scatter.add.f32 [tilespmem:s11], [sflag:$0x1], $0x1, s18, s10, $0xb8;
	[tilespmem:$0x2D80] =	vst v63  }
0x56: {  	s19 =	simm.s32 $0x400  }
0x57: {  	[spmem:s2] =	stream.indirect.scatter.add.f32 [tilespmem:s11], [sflag:$0x1], $0x1, s19, s10, $0xb8;
	[tilespmem:$0x2D80] =	vst v63  }
0x58: {  	s20 =	simm.s32 $0x480  }
0x59: {  	[spmem:s2] =	stream.indirect.scatter.add.f32 [tilespmem:s11], [sflag:$0x1], $0x1, s20, s10, $0xb8;
	[tilespmem:$0x2D80] =	vst v63  }
0x5a: {  	s21 =	simm.s32 $0x500  }
0x5b: {  	[spmem:s2] =	stream.indirect.scatter.add.f32 [tilespmem:s11], [sflag:$0x1], $0x1, s21, s10, $0xb8;
	[tilespmem:$0x2D80] =	vst v63  }
0x5c: {  	s22 =	simm.s32 $0x580  }
0x5d: {  	[spmem:s2] =	stream.indirect.scatter.add.f32 [tilespmem:s11], [sflag:$0x1], $0x1, s22, s10, $0xb8;
	[tilespmem:$0x2D80] =	vst v63  }
0x5e: {  	s23 =	simm.s32 $0x600  }
0x5f: {  	[spmem:s2] =	stream.indirect.scatter.add.f32 [tilespmem:s11], [sflag:$0x1], $0x1, s23, s10, $0xb8;
	[tilespmem:$0x2D80] =	vst v63  }
0x60: {  	s24 =	simm.s32 $0x680  }
0x61: {  	[spmem:s2] =	stream.indirect.scatter.add.f32 [tilespmem:s11], [sflag:$0x1], $0x1, s24, s10, $0xb8;
	[tilespmem:$0x2D80] =	vst v63  }
0x62: {  	s25 =	simm.s32 $0x700  }
0x63: {  	[spmem:s2] =	stream.indirect.scatter.add.f32 [tilespmem:s11], [sflag:$0x1], $0x1, s25, s10, $0xb8;
	[tilespmem:$0x2D80] =	vst v63  }
0x64: {  	s26 =	simm.s32 $0x780  }
0x65: {  	[spmem:s2] =	stream.indirect.scatter.add.f32 [tilespmem:s11], [sflag:$0x1], $0x1, s26, s10, $0xb8;
	[tilespmem:$0x2D80] =	vst v63  }
0x66: {  	s28 =	simm.s32 $0x800  }
0x67: {  	[spmem:s2] =	stream.indirect.scatter.add.f32 [tilespmem:s11], [sflag:$0x1], $0x1, s28, s10, $0xb8;
	[tilespmem:$0x2D80] =	vst v63  }
0x68: {  	s29 =	simm.s32 $0x880  }
0x69: {  	[spmem:s2] =	stream.indirect.scatter.add.f32 [tilespmem:s11], [sflag:$0x1], $0x1, s29, s10, $0xb8;
	[tilespmem:$0x2D80] =	vst v63  }
0x6a: {  	s30 =	simm.s32 $0x900  }
0x6b: {  	[spmem:s2] =	stream.indirect.scatter.add.f32 [tilespmem:s11], [sflag:$0x1], $0x1, s30, s10, $0xb8;
	[tilespmem:$0x2D80] =	vst v63  }
0x6c: {  	s31 =	simm.s32 $0x980  }
0x6d: {  	[spmem:s2] =	stream.indirect.scatter.add.f32 [tilespmem:s11], [sflag:$0x1], $0x1, s31, s10, $0xb8;
	[tilespmem:$0x2D80] =	vst v63  }
0x6e: {  	_ =	swait.ge [sflag:s12], $0x80  }
0x6f: {  	[sflag:s12] =	ssyncset.done $0x0  }
0x70: {  	[sflag:s12] =	ssyncadd.s32 $0xFFFFFF80  }
0x71: {  	_ =	swait.ge [sflag:s12], $0x80  }
0x72: {  	[sflag:s12] =	ssyncset.done $0x0  }
0x73: {  	[sflag:s12] =	ssyncadd.s32 $0xFFFFFF80  }
0x74: {  	_ =	swait.ge [sflag:s12], $0x80  }
0x75: {  	[sflag:s12] =	ssyncset.done $0x0  }
0x76: {  	[sflag:s12] =	ssyncadd.s32 $0xFFFFFF80  }
0x77: {  	_ =	swait.ge [sflag:s12], $0x80  }
0x78: {  	[sflag:s12] =	ssyncset.done $0x0  }
0x79: {  	[sflag:s12] =	ssyncadd.s32 $0xFFFFFF80  }
0x7a: {  	_ =	swait.ge [sflag:s12], $0x80  }
0x7b: {  	[sflag:s12] =	ssyncset.done $0x0  }
0x7c: {  	[sflag:s12] =	ssyncadd.s32 $0xFFFFFF80  }
0x7d: {  	_ =	swait.ge [sflag:s12], $0x80  }
0x7e: {  	[sflag:s12] =	ssyncset.done $0x0  }
0x7f: {  	[sflag:s12] =	ssyncadd.s32 $0xFFFFFF80  }
0x80: {  	_ =	swait.ge [sflag:s12], $0x80  }
0x81: {  	[sflag:s12] =	ssyncset.done $0x0  }
0x82: {  	[sflag:s12] =	ssyncadd.s32 $0xFFFFFF80  }
0x83: {  	_ =	swait.ge [sflag:s12], $0x80  }
0x84: {  	[sflag:s12] =	ssyncset.done $0x0  }
0x85: {  	[sflag:s12] =	ssyncadd.s32 $0xFFFFFF80  }
0x86: {  	_ =	swait.ge [sflag:s12], $0x80  }
0x87: {  	[sflag:s12] =	ssyncset.done $0x0  }
0x88: {  	[sflag:s12] =	ssyncadd.s32 $0xFFFFFF80  }
0x89: {  	_ =	swait.ge [sflag:s12], $0x80  }
0x8a: {  	[sflag:s12] =	ssyncset.done $0x0  }
0x8b: {  	[sflag:s12] =	ssyncadd.s32 $0xFFFFFF80  }
0x8c: {  	_ =	swait.ge [sflag:s12], $0x80  }
0x8d: {  	[sflag:s12] =	ssyncset.done $0x0  }
0x8e: {  	[sflag:s12] =	ssyncadd.s32 $0xFFFFFF80  }
0x8f: {  	_ =	swait.ge [sflag:s12], $0x80  }
0x90: {  	[sflag:s12] =	ssyncset.done $0x0  }
0x91: {  	[sflag:s12] =	ssyncadd.s32 $0xFFFFFF80  }
0x92: {  	_ =	swait.ge [sflag:s12], $0x80  }
0x93: {  	[sflag:s12] =	ssyncset.done $0x0  }
0x94: {  	[sflag:s12] =	ssyncadd.s32 $0xFFFFFF80  }
0x95: {  	_ =	swait.ge [sflag:s12], $0x80  }
0x96: {  	[sflag:s12] =	ssyncset.done $0x0  }
0x97: {  	[sflag:s12] =	ssyncadd.s32 $0xFFFFFF80  }
0x98: {  	_ =	swait.ge [sflag:s12], $0x80  }
0x99: {  	[sflag:s12] =	ssyncset.done $0x0  }
0x9a: {  	[sflag:s12] =	ssyncadd.s32 $0xFFFFFF80  }
0x9b: {  	_ =	swait.ge [sflag:s12], $0x80  }
0x9c: {  	[sflag:s12] =	ssyncset.done $0x0  }
0x9d: {  	[sflag:s12] =	ssyncadd.s32 $0xFFFFFF80  }
0x9e: {  	_ =	swait.ge [sflag:s12], $0x80  }
0x9f: {  	[sflag:s12] =	ssyncset.done $0x0  }
0xa0: {  	[sflag:s12] =	ssyncadd.s32 $0xFFFFFF80  }
0xa1: {  	_ =	swait.ge [sflag:s12], $0x80  }
0xa2: {  	[sflag:s12] =	ssyncset.done $0x0  }
0xa3: {  	[sflag:s12] =	ssyncadd.s32 $0xFFFFFF80  }
0xa4: {  	_ =	swait.ge [sflag:s12], $0x80  }
0xa5: {  	[sflag:s12] =	ssyncset.done $0x0  }
0xa6: {  	[sflag:s12] =	ssyncadd.s32 $0xFFFFFF80  }
0xa7: {  	_ =	swait.ge [sflag:s12], $0x80  }
0xa8: {  	s16 =	simm.s32 $0x2800;
	s19 =	simm.s32 $0x5000;
	[sflag:s12] =	ssyncset.done $0x0  }
.LBB2_2:
0xa9: {  	s18 =	sshra.s32 s16, $0x2  }
0xaa: {  	[sflag:s12] =	ssyncadd.s32 $0xFFFFFF80;
	s16 =	smov.u32 s19;
	s17 =	sadd.s32 $0x2800, s19  }
0xab: {  	[spmem:s2] =	stream.indirect.scatter.add.f32 [tilespmem:s11], [sflag:$0x1], $0x1, s18, s10, $0xb8;
	[tilespmem:$0x2D80] =	vst v63  }
0xac: {  	p0 =	sne.s32 s19, $0x7800;
	s19 =	sadd.s32 $0x80, s18  }
0xad: {  	[spmem:s2] =	stream.indirect.scatter.add.f32 [tilespmem:s11], [sflag:$0x1], $0x1, s19, s10, $0xb8;
	[tilespmem:$0x2D80] =	vst v63  }
0xae: {  	s19 =	sadd.s32 $0x100, s18  }
0xaf: {  	[spmem:s2] =	stream.indirect.scatter.add.f32 [tilespmem:s11], [sflag:$0x1], $0x1, s19, s10, $0xb8;
	[tilespmem:$0x2D80] =	vst v63  }
0xb0: {  	s19 =	sadd.s32 $0x180, s18  }
0xb1: {  	[spmem:s2] =	stream.indirect.scatter.add.f32 [tilespmem:s11], [sflag:$0x1], $0x1, s19, s10, $0xb8;
	[tilespmem:$0x2D80] =	vst v63  }
0xb2: {  	s19 =	sadd.s32 $0x200, s18  }
0xb3: {  	[spmem:s2] =	stream.indirect.scatter.add.f32 [tilespmem:s11], [sflag:$0x1], $0x1, s19, s10, $0xb8;
	[tilespmem:$0x2D80] =	vst v63  }
0xb4: {  	s19 =	sadd.s32 $0x280, s18  }
0xb5: {  	[spmem:s2] =	stream.indirect.scatter.add.f32 [tilespmem:s11], [sflag:$0x1], $0x1, s19, s10, $0xb8;
	[tilespmem:$0x2D80] =	vst v63  }
0xb6: {  	s19 =	sadd.s32 $0x300, s18  }
0xb7: {  	[spmem:s2] =	stream.indirect.scatter.add.f32 [tilespmem:s11], [sflag:$0x1], $0x1, s19, s10, $0xb8;
	[tilespmem:$0x2D80] =	vst v63  }
0xb8: {  	s19 =	sadd.s32 $0x380, s18  }
0xb9: {  	[spmem:s2] =	stream.indirect.scatter.add.f32 [tilespmem:s11], [sflag:$0x1], $0x1, s19, s10, $0xb8;
	[tilespmem:$0x2D80] =	vst v63  }
0xba: {  	s19 =	sadd.s32 $0x400, s18  }
0xbb: {  	[spmem:s2] =	stream.indirect.scatter.add.f32 [tilespmem:s11], [sflag:$0x1], $0x1, s19, s10, $0xb8;
	[tilespmem:$0x2D80] =	vst v63  }
0xbc: {  	s19 =	sadd.s32 $0x480, s18  }
0xbd: {  	[spmem:s2] =	stream.indirect.scatter.add.f32 [tilespmem:s11], [sflag:$0x1], $0x1, s19, s10, $0xb8;
	[tilespmem:$0x2D80] =	vst v63  }
0xbe: {  	s19 =	sadd.s32 $0x500, s18  }
0xbf: {  	[spmem:s2] =	stream.indirect.scatter.add.f32 [tilespmem:s11], [sflag:$0x1], $0x1, s19, s10, $0xb8;
	[tilespmem:$0x2D80] =	vst v63  }
0xc0: {  	s19 =	sadd.s32 $0x580, s18  }
0xc1: {  	[spmem:s2] =	stream.indirect.scatter.add.f32 [tilespmem:s11], [sflag:$0x1], $0x1, s19, s10, $0xb8;
	[tilespmem:$0x2D80] =	vst v63  }
0xc2: {  	s19 =	sadd.s32 $0x600, s18  }
0xc3: {  	[spmem:s2] =	stream.indirect.scatter.add.f32 [tilespmem:s11], [sflag:$0x1], $0x1, s19, s10, $0xb8;
	[tilespmem:$0x2D80] =	vst v63  }
0xc4: {  	s19 =	sadd.s32 $0x680, s18  }
0xc5: {  	[spmem:s2] =	stream.indirect.scatter.add.f32 [tilespmem:s11], [sflag:$0x1], $0x1, s19, s10, $0xb8;
	[tilespmem:$0x2D80] =	vst v63  }
0xc6: {  	s19 =	sadd.s32 $0x700, s18  }
0xc7: {  	[spmem:s2] =	stream.indirect.scatter.add.f32 [tilespmem:s11], [sflag:$0x1], $0x1, s19, s10, $0xb8;
	[tilespmem:$0x2D80] =	vst v63  }
0xc8: {  	s19 =	sadd.s32 $0x780, s18  }
0xc9: {  	[spmem:s2] =	stream.indirect.scatter.add.f32 [tilespmem:s11], [sflag:$0x1], $0x1, s19, s10, $0xb8;
	[tilespmem:$0x2D80] =	vst v63  }
0xca: {  	s19 =	sadd.s32 $0x800, s18  }
0xcb: {  	[spmem:s2] =	stream.indirect.scatter.add.f32 [tilespmem:s11], [sflag:$0x1], $0x1, s19, s10, $0xb8;
	[tilespmem:$0x2D80] =	vst v63  }
0xcc: {  	s19 =	sadd.s32 $0x880, s18  }
0xcd: {  	[spmem:s2] =	stream.indirect.scatter.add.f32 [tilespmem:s11], [sflag:$0x1], $0x1, s19, s10, $0xb8;
	[tilespmem:$0x2D80] =	vst v63  }
0xce: {  	s19 =	sadd.s32 $0x900, s18  }
0xcf: {  	[spmem:s2] =	stream.indirect.scatter.add.f32 [tilespmem:s11], [sflag:$0x1], $0x1, s19, s10, $0xb8;
	[tilespmem:$0x2D80] =	vst v63  }
0xd0: {  	s18 =	sadd.s32 $0x980, s18  }
0xd1: {  	[spmem:s2] =	stream.indirect.scatter.add.f32 [tilespmem:s11], [sflag:$0x1], $0x1, s18, s10, $0xb8;
	[tilespmem:$0x2D80] =	vst v63  }
0xd2: {  	_ =	swait.ge [sflag:s12], $0x80  }
0xd3: {  	[sflag:s12] =	ssyncset.done $0x0  }
0xd4: {  	[sflag:s12] =	ssyncadd.s32 $0xFFFFFF80  }
0xd5: {  	_ =	swait.ge [sflag:s12], $0x80  }
0xd6: {  	[sflag:s12] =	ssyncset.done $0x0  }
0xd7: {  	[sflag:s12] =	ssyncadd.s32 $0xFFFFFF80  }
0xd8: {  	_ =	swait.ge [sflag:s12], $0x80  }
0xd9: {  	[sflag:s12] =	ssyncset.done $0x0  }
0xda: {  	[sflag:s12] =	ssyncadd.s32 $0xFFFFFF80  }
0xdb: {  	_ =	swait.ge [sflag:s12], $0x80  }
0xdc: {  	[sflag:s12] =	ssyncset.done $0x0  }
0xdd: {  	[sflag:s12] =	ssyncadd.s32 $0xFFFFFF80  }
0xde: {  	_ =	swait.ge [sflag:s12], $0x80  }
0xdf: {  	[sflag:s12] =	ssyncset.done $0x0  }
0xe0: {  	[sflag:s12] =	ssyncadd.s32 $0xFFFFFF80  }
0xe1: {  	_ =	swait.ge [sflag:s12], $0x80  }
0xe2: {  	[sflag:s12] =	ssyncset.done $0x0  }
0xe3: {  	[sflag:s12] =	ssyncadd.s32 $0xFFFFFF80  }
0xe4: {  	_ =	swait.ge [sflag:s12], $0x80  }
0xe5: {  	[sflag:s12] =	ssyncset.done $0x0  }
0xe6: {  	[sflag:s12] =	ssyncadd.s32 $0xFFFFFF80  }
0xe7: {  	_ =	swait.ge [sflag:s12], $0x80  }
0xe8: {  	[sflag:s12] =	ssyncset.done $0x0  }
0xe9: {  	[sflag:s12] =	ssyncadd.s32 $0xFFFFFF80  }
0xea: {  	_ =	swait.ge [sflag:s12], $0x80  }
0xeb: {  	[sflag:s12] =	ssyncset.done $0x0  }
0xec: {  	[sflag:s12] =	ssyncadd.s32 $0xFFFFFF80  }
0xed: {  	_ =	swait.ge [sflag:s12], $0x80  }
0xee: {  	[sflag:s12] =	ssyncset.done $0x0  }
0xef: {  	[sflag:s12] =	ssyncadd.s32 $0xFFFFFF80  }
0xf0: {  	_ =	swait.ge [sflag:s12], $0x80  }
0xf1: {  	[sflag:s12] =	ssyncset.done $0x0  }
0xf2: {  	[sflag:s12] =	ssyncadd.s32 $0xFFFFFF80  }
0xf3: {  	_ =	swait.ge [sflag:s12], $0x80  }
0xf4: {  	[sflag:s12] =	ssyncset.done $0x0  }
0xf5: {  	[sflag:s12] =	ssyncadd.s32 $0xFFFFFF80  }
0xf6: {  	_ =	swait.ge [sflag:s12], $0x80  }
0xf7: {  	[sflag:s12] =	ssyncset.done $0x0  }
0xf8: {  	[sflag:s12] =	ssyncadd.s32 $0xFFFFFF80  }
0xf9: {  	_ =	swait.ge [sflag:s12], $0x80  }
0xfa: {  	[sflag:s12] =	ssyncset.done $0x0  }
0xfb: {  	[sflag:s12] =	ssyncadd.s32 $0xFFFFFF80  }
0xfc: {  	_ =	swait.ge [sflag:s12], $0x80  }
0xfd: {  	[sflag:s12] =	ssyncset.done $0x0  }
0xfe: {  	[sflag:s12] =	ssyncadd.s32 $0xFFFFFF80  }
0xff: {  	_ =	swait.ge [sflag:s12], $0x80  }
0x100: {  	[sflag:s12] =	ssyncset.done $0x0  }
0x101: {  	[sflag:s12] =	ssyncadd.s32 $0xFFFFFF80  }
0x102: {  	_ =	swait.ge [sflag:s12], $0x80  }
0x103: {  	[sflag:s12] =	ssyncset.done $0x0  }
0x104: {  	[sflag:s12] =	ssyncadd.s32 $0xFFFFFF80  }
0x105: {  	_ =	swait.ge [sflag:s12], $0x80  }
0x106: {  	[sflag:s12] =	ssyncset.done $0x0  }
0x107: {  	[sflag:s12] =	ssyncadd.s32 $0xFFFFFF80  }
.Ltmp0:
0x108: {  	_ =	swait.ge [sflag:s12], $0x80;
	(pc) =	sbr.rel @p0 .LBB2_2-.Ltmp0, $4  }
0x109: {  	[sflag:s12] =	ssyncset.done $0x0  }
0x10a: {  	[sflag:s12] =	ssyncadd.s32 $0xFFFFFF80  }
0x10b: {  	_ =	swait.ge [sflag:s12], $0x80  }
0x10c: {  	s19 =	smov.u32 s17;
	[sflag:s12] =	ssyncset.done $0x0  }
0x10d: {  	s16 =	sshra.s32 s16, $0x2;
	[sflag:s12] =	ssyncadd.s32 $0xFFFFFF80  }
0x10e: {  	[spmem:s2] =	stream.indirect.scatter.add.f32 [tilespmem:s11], [sflag:$0x1], $0x1, s16, s10, $0xb8;
	[tilespmem:$0x2D80] =	vst v63  }
0x10f: {  	s17 =	sadd.s32 $0x80, s16  }
0x110: {  	[spmem:s2] =	stream.indirect.scatter.add.f32 [tilespmem:s11], [sflag:$0x1], $0x1, s17, s10, $0xb8;
	[tilespmem:$0x2D80] =	vst v63  }
0x111: {  	s28 =	sadd.s32 $0x100, s16  }
0x112: {  	[spmem:s2] =	stream.indirect.scatter.add.f32 [tilespmem:s11], [sflag:$0x1], $0x1, s28, s10, $0xb8;
	[tilespmem:$0x2D80] =	vst v63  }
0x113: {  	s29 =	sadd.s32 $0x180, s16  }
0x114: {  	[spmem:s2] =	stream.indirect.scatter.add.f32 [tilespmem:s11], [sflag:$0x1], $0x1, s29, s10, $0xb8;
	[tilespmem:$0x2D80] =	vst v63  }
0x115: {  	s30 =	sadd.s32 $0x200, s16  }
0x116: {  	[spmem:s2] =	stream.indirect.scatter.add.f32 [tilespmem:s11], [sflag:$0x1], $0x1, s30, s10, $0xb8;
	[tilespmem:$0x2D80] =	vst v63  }
0x117: {  	s31 =	sadd.s32 $0x280, s16  }
0x118: {  	[spmem:s2] =	stream.indirect.scatter.add.f32 [tilespmem:s11], [sflag:$0x1], $0x1, s31, s10, $0xb8;
	[tilespmem:$0x2D80] =	vst v63  }
0x119: {  	s18 =	sadd.s32 $0x300, s16  }
0x11a: {  	[spmem:s2] =	stream.indirect.scatter.add.f32 [tilespmem:s11], [sflag:$0x1], $0x1, s18, s10, $0xb8;
	[tilespmem:$0x2D80] =	vst v63  }
0x11b: {  	s19 =	sadd.s32 $0x380, s16  }
0x11c: {  	[spmem:s2] =	stream.indirect.scatter.add.f32 [tilespmem:s11], [sflag:$0x1], $0x1, s19, s10, $0xb8;
	[tilespmem:$0x2D80] =	vst v63  }
0x11d: {  	s20 =	sadd.s32 $0x400, s16  }
0x11e: {  	[spmem:s2] =	stream.indirect.scatter.add.f32 [tilespmem:s11], [sflag:$0x1], $0x1, s20, s10, $0xb8;
	[tilespmem:$0x2D80] =	vst v63  }
0x11f: {  	s21 =	sadd.s32 $0x480, s16  }
0x120: {  	[spmem:s2] =	stream.indirect.scatter.add.f32 [tilespmem:s11], [sflag:$0x1], $0x1, s21, s10, $0xb8;
	[tilespmem:$0x2D80] =	vst v63  }
0x121: {  	s22 =	sadd.s32 $0x500, s16  }
0x122: {  	[spmem:s2] =	stream.indirect.scatter.add.f32 [tilespmem:s11], [sflag:$0x1], $0x1, s22, s10, $0xb8;
	[tilespmem:$0x2D80] =	vst v63  }
0x123: {  	s23 =	sadd.s32 $0x580, s16  }
0x124: {  	[spmem:s2] =	stream.indirect.scatter.add.f32 [tilespmem:s11], [sflag:$0x1], $0x1, s23, s10, $0xb8;
	[tilespmem:$0x2D80] =	vst v63  }
0x125: {  	s24 =	sadd.s32 $0x600, s16  }
0x126: {  	[spmem:s2] =	stream.indirect.scatter.add.f32 [tilespmem:s11], [sflag:$0x1], $0x1, s24, s10, $0xb8;
	[tilespmem:$0x2D80] =	vst v63  }
0x127: {  	s25 =	sadd.s32 $0x680, s16  }
0x128: {  	[spmem:s2] =	stream.indirect.scatter.add.f32 [tilespmem:s11], [sflag:$0x1], $0x1, s25, s10, $0xb8;
	[tilespmem:$0x2D80] =	vst v63  }
0x129: {  	s26 =	sadd.s32 $0x700, s16  }
0x12a: {  	[spmem:s2] =	stream.indirect.scatter.add.f32 [tilespmem:s11], [sflag:$0x1], $0x1, s26, s10, $0xb8;
	[tilespmem:$0x2D80] =	vst v63  }
0x12b: {  	s28 =	sadd.s32 $0x780, s16  }
0x12c: {  	[spmem:s2] =	stream.indirect.scatter.add.f32 [tilespmem:s11], [sflag:$0x1], $0x1, s28, s10, $0xb8;
	[tilespmem:$0x2D80] =	vst v63  }
0x12d: {  	s29 =	sadd.s32 $0x800, s16  }
0x12e: {  	[spmem:s2] =	stream.indirect.scatter.add.f32 [tilespmem:s11], [sflag:$0x1], $0x1, s29, s10, $0xb8;
	[tilespmem:$0x2D80] =	vst v63  }
0x12f: {  	s30 =	sadd.s32 $0x880, s16  }
0x130: {  	[spmem:s2] =	stream.indirect.scatter.add.f32 [tilespmem:s11], [sflag:$0x1], $0x1, s30, s10, $0xb8;
	[tilespmem:$0x2D80] =	vst v63  }
0x131: {  	s31 =	sadd.s32 $0x900, s16  }
0x132: {  	[spmem:s2] =	stream.indirect.scatter.add.f32 [tilespmem:s11], [sflag:$0x1], $0x1, s31, s10, $0xb8;
	[tilespmem:$0x2D80] =	vst v63  }
0x133: {  	s16 =	sadd.s32 $0x980, s16  }
0x134: {  	[spmem:s2] =	stream.indirect.scatter.add.f32 [tilespmem:s11], [sflag:$0x1], $0x1, s16, s10, $0xb8;
	[tilespmem:$0x2D80] =	vst v63  }
0x135: {  	_ =	swait.ge [sflag:s12], $0x80  }
0x136: {  	[sflag:s12] =	ssyncset.done $0x0  }
0x137: {  	[sflag:s12] =	ssyncadd.s32 $0xFFFFFF80  }
0x138: {  	_ =	swait.ge [sflag:s12], $0x80  }
0x139: {  	[sflag:s12] =	ssyncset.done $0x0  }
0x13a: {  	[sflag:s12] =	ssyncadd.s32 $0xFFFFFF80  }
0x13b: {  	_ =	swait.ge [sflag:s12], $0x80  }
0x13c: {  	[sflag:s12] =	ssyncset.done $0x0  }
0x13d: {  	[sflag:s12] =	ssyncadd.s32 $0xFFFFFF80  }
0x13e: {  	_ =	swait.ge [sflag:s12], $0x80  }
0x13f: {  	[sflag:s12] =	ssyncset.done $0x0  }
0x140: {  	[sflag:s12] =	ssyncadd.s32 $0xFFFFFF80  }
0x141: {  	_ =	swait.ge [sflag:s12], $0x80  }
0x142: {  	[sflag:s12] =	ssyncset.done $0x0  }
0x143: {  	[sflag:s12] =	ssyncadd.s32 $0xFFFFFF80  }
0x144: {  	_ =	swait.ge [sflag:s12], $0x80  }
0x145: {  	[sflag:s12] =	ssyncset.done $0x0  }
0x146: {  	[sflag:s12] =	ssyncadd.s32 $0xFFFFFF80  }
0x147: {  	_ =	swait.ge [sflag:s12], $0x80  }
0x148: {  	[sflag:s12] =	ssyncset.done $0x0  }
0x149: {  	[sflag:s12] =	ssyncadd.s32 $0xFFFFFF80  }
0x14a: {  	_ =	swait.ge [sflag:s12], $0x80  }
0x14b: {  	[sflag:s12] =	ssyncset.done $0x0  }
0x14c: {  	[sflag:s12] =	ssyncadd.s32 $0xFFFFFF80  }
0x14d: {  	_ =	swait.ge [sflag:s12], $0x80  }
0x14e: {  	[sflag:s12] =	ssyncset.done $0x0  }
0x14f: {  	[sflag:s12] =	ssyncadd.s32 $0xFFFFFF80  }
0x150: {  	_ =	swait.ge [sflag:s12], $0x80  }
0x151: {  	[sflag:s12] =	ssyncset.done $0x0  }
0x152: {  	[sflag:s12] =	ssyncadd.s32 $0xFFFFFF80  }
0x153: {  	_ =	swait.ge [sflag:s12], $0x80  }
0x154: {  	[sflag:s12] =	ssyncset.done $0x0  }
0x155: {  	[sflag:s12] =	ssyncadd.s32 $0xFFFFFF80  }
0x156: {  	_ =	swait.ge [sflag:s12], $0x80  }
0x157: {  	[sflag:s12] =	ssyncset.done $0x0  }
0x158: {  	[sflag:s12] =	ssyncadd.s32 $0xFFFFFF80  }
0x159: {  	_ =	swait.ge [sflag:s12], $0x80  }
0x15a: {  	[sflag:s12] =	ssyncset.done $0x0  }
0x15b: {  	[sflag:s12] =	ssyncadd.s32 $0xFFFFFF80  }
0x15c: {  	_ =	swait.ge [sflag:s12], $0x80  }
0x15d: {  	[sflag:s12] =	ssyncset.done $0x0  }
0x15e: {  	[sflag:s12] =	ssyncadd.s32 $0xFFFFFF80  }
0x15f: {  	_ =	swait.ge [sflag:s12], $0x80  }
0x160: {  	[sflag:s12] =	ssyncset.done $0x0  }
0x161: {  	[sflag:s12] =	ssyncadd.s32 $0xFFFFFF80  }
0x162: {  	_ =	swait.ge [sflag:s12], $0x80  }
0x163: {  	[sflag:s12] =	ssyncset.done $0x0  }
0x164: {  	[sflag:s12] =	ssyncadd.s32 $0xFFFFFF80  }
0x165: {  	_ =	swait.ge [sflag:s12], $0x80  }
0x166: {  	[sflag:s12] =	ssyncset.done $0x0  }
0x167: {  	[sflag:s12] =	ssyncadd.s32 $0xFFFFFF80  }
0x168: {  	_ =	swait.ge [sflag:s12], $0x80  }
0x169: {  	[sflag:s12] =	ssyncset.done $0x0  }
0x16a: {  	[sflag:s12] =	ssyncadd.s32 $0xFFFFFF80  }
0x16b: {  	_ =	swait.ge [sflag:s12], $0x80  }
0x16c: {  	[sflag:s12] =	ssyncset.done $0x0  }
0x16d: {  	[sflag:s12] =	ssyncadd.s32 $0xFFFFFF80  }
0x16e: {  	_ =	swait.ge [sflag:s12], $0x80  }
0x16f: {  	s15 =	sadd.s32 $0x1, s15;
	[sflag:s12] =	ssyncset.done $0x0  }
0x170: {  	p0 =	sne.s32 s15, s7;
	[sflag:s12] =	ssyncadd.s32 $0xFFFFFF80  }
.Ltmp1:
0x171: {  	[bflag:$0x0] =	sbarrier.arrive $0xFFFF;
	(pc) =	sbr.rel @p0 .LBB2_1-.Ltmp1, $4  }
0x172: {  	[hbm:s6], [sflag:s13] =	dma.local [spmem:s14], $0x50  }
0x173: {  	_ =	swait.ge [sflag:s8], $0x50  }
0x174: {  	[sflag:s8] =	ssyncset.done $0x0  }
0x175: {  	[sflag:s8] =	ssyncadd.s32 $0xFFFFFFB0  }
0x176: {  	_ =	sfence.sel $0x180000  }
0x177: {  	[bflag:$0x0] =	sbarrier.arrive $0xFFFF  }
0x178: {  	p0 =	sne.s32 s1, $0x0;
	_ =	strace $0x90000047  }
0x179: {  	s0 =	sadd.s32 @!p0 $0x100000, s0;
	[bflag:$0x2] =	sbarrier.arrive $0xFFFF  }
0x17a: {  	[sflag:s0] =	ssyncadd.tile.s32 @!p0 $0x1;
	_ =	shalt  }
.Lfunc_end2:
_tile_overlayer_lowered:
.L_overlay_start_2:
0x17b: {  	(tag) =	ssettag $0x2  }
0x17c: {  	s0 =	rddreg [dreg:$0x0];
	s2 =	stileid.u32  }
0x17d: {  	s1 =	rddreg [dreg:$0x1];
	p0 =	sne.s32 s2, $0x0  }
0x17e: {  	s3 =	rddreg [dreg:$0x2];
	[bflag:$0x3] =	sbarrier.arrive $0xFFFF;
	s2 =	simm.s32 @!p0 $0x1C02  }
0x17f: {  	[timem:s3], [sflag:s2] =	dma.local @!p0 [hbm:s0], s1  }
0x180: {  	s0 =	simm.s32 @!p0 $0x2  }
0x181: {  	_ =	swait.ge @!p0 [sflag:s0], s1  }
0x182: {  	s1 =	ssub.s32 @!p0 $0x0, s1;
	[sflag:s0] =	ssyncset.done @!p0 $0x0  }
0x183: {  	[sflag:s0] =	ssyncadd.s32 @!p0 s1  }
0x184: {  	[bflag:$0x3] =	sbarrier.arrive $0xFFFF  }
0x185: {  	_ =	shalt  }

</sc_bundles>
